<compile_context>
chip_gen: v7x
topology: tpu7x:2x2x1
jax: 0.10.2.dev20260603
libtpu: 0.0.44.dev20260713+nightly
codegen_flags: <defaults>
</compile_context>

<pallas_src>
import functools

import jax
import jax.numpy as jnp
from jax import lax
from jax.experimental import pallas as pl
from jax.experimental.pallas import tpu as pltpu
from jax.experimental.pallas import tpu_sc as plsc

N = 10000
E = 320000
NC, NS = 2, 16
NW = NC * NS
C = 128
NCH = 80
ISB = 8
EPW_PAD = NCH * C
E_PAD = EPW_PAD * NW
N_ACC = 10112
STRIPE = N_ACC // NS
LSTR = 624

_MESH = functools.partial(
    plsc.VectorSubcoreMesh,
    core_axis_name="c", subcore_axis_name="s", num_cores=NC, num_subcores=NS,
)


def _zero_vmem(buf, rows, f):

    @pl.loop(0, rows)
    def _(r):
        @pl.loop(0, f // 16)
        def _(k):
            buf[r, pl.ds(k * 16, 16)] = jnp.zeros((16,), jnp.float32)


def _zero_stripe(acc_sh, zbuf, base):
    nfull = STRIPE // C
    tail = STRIPE - nfull * C
    for t in range(nfull):
        pltpu.sync_copy(zbuf, acc_sh.at[pl.ds(base + t * C, C)])
    if tail:
        pltpu.sync_copy(zbuf.at[pl.ds(0, tail)],
                        acc_sh.at[pl.ds(base + nfull * C, tail)])


def _copy_out(acc_sh, out_hbm, c, s):
    pltpu.sync_copy(acc_sh.at[pl.ds(s * LSTR, LSTR)],
                    out_hbm.at[c, pl.ds(s * LSTR, LSTR)])

    @pl.when(s == 0)
    def _():
        pltpu.sync_copy(acc_sh.at[pl.ds(NS * LSTR, N - NS * LSTR)],
                        out_hbm.at[c, pl.ds(NS * LSTR, N - NS * LSTR)])


def _sc_degree():

    @functools.partial(
        pl.kernel,
        out_type=jax.ShapeDtypeStruct((NC, N, 128), jnp.float32),
        mesh=_MESH(),
        scratch_types=[
            pltpu.VMEM((NCH, C), jnp.int32),
            pltpu.VMEM((C, 128), jnp.float32),
            pltpu.VMEM_SHARED((N_ACC, 128), jnp.float32),
            pltpu.SemaphoreType.DMA,
            pltpu.SemaphoreType.DMA,
        ],
    )
    def k(dstr_hbm, out_hbm, idv, ones_v, acc_sh, semA, semB):
        c = lax.axis_index("c")
        s = lax.axis_index("s")
        wid = s * NC + c
        pltpu.sync_copy(dstr_hbm.at[wid], idv)
        _zero_vmem(ones_v, C, 128)
        _zero_stripe(acc_sh, ones_v, s * STRIPE)

        @pl.loop(0, C)
        def _(r):
            @pl.loop(0, 8)
            def _(k2):
                ones_v[r, pl.ds(k2 * 16, 16)] = jnp.ones((16,), jnp.float32)

        plsc.subcore_barrier()

        @pl.loop(0, NCH // 2)
        def _(g):
            cpA = pltpu.async_copy(ones_v, acc_sh.at[idv.at[g * 2]], semA,
                                   add=True)
            cpB = pltpu.async_copy(ones_v, acc_sh.at[idv.at[g * 2 + 1]], semB,
                                   add=True)
            cpA.wait()
            cpB.wait()

        plsc.subcore_barrier()
        _copy_out(acc_sh, out_hbm, c, s)

    return k


def _sc_edge_sum128():

    @functools.partial(
        pl.kernel,
        out_type=jax.ShapeDtypeStruct((NC, N, 128), jnp.float32),
        mesh=_MESH(),
        scratch_types=[
            pltpu.VMEM((ISB, C), jnp.int32),
            pltpu.VMEM((ISB, C), jnp.int32),
            pltpu.VMEM((C, 128), jnp.float32),
            pltpu.VMEM_SHARED((N_ACC, 128), jnp.float32),
            pltpu.SemaphoreType.DMA,
        ],
    )
    def k(tab_hbm, srcr_hbm, dstr_hbm, out_hbm,
          isv, idv, rows0, acc_sh, sem0):
        c = lax.axis_index("c")
        s = lax.axis_index("s")
        wid = s * NC + c
        _zero_vmem(rows0, C, 128)
        _zero_stripe(acc_sh, rows0, s * STRIPE)
        plsc.subcore_barrier()

        @pl.loop(0, NCH // ISB)
        def _(g):
            pltpu.sync_copy(srcr_hbm.at[wid, pl.ds(g * ISB, ISB)], isv)
            pltpu.sync_copy(dstr_hbm.at[wid, pl.ds(g * ISB, ISB)], idv)
            for jj in range(ISB):
                pltpu.async_copy(tab_hbm.at[isv.at[jj]], rows0, sem0).wait()
                pltpu.sync_copy(rows0, acc_sh.at[idv.at[jj]], add=True)

        plsc.subcore_barrier()
        _copy_out(acc_sh, out_hbm, c, s)

    return k


def _dot(a, b):
    return jnp.dot(a, b)


def _pad128(v):
    return jnp.pad(v, ((0, 0), (0, 128 - v.shape[1])))


def _l1_body(deg_ref, x_ref, w1_ref, dis_ref, o_ref):
    d = deg_ref[0, :, 0:1] + deg_ref[1, :, 0:1] + 1.0
    dis = lax.rsqrt(d)
    dis_ref[...] = dis
    o_ref[...] = _pad128(dis * _dot(x_ref[...], w1_ref[...]))


def _l2_body(acc_ref, hp_ref, dis_ref, b_ref, w_ref, o_ref):
    dis = dis_ref[...]
    t = acc_ref[0, :, :64] + acc_ref[1, :, :64] + hp_ref[:, :64]
    h = jnp.maximum(dis * t + b_ref[...][None, :], 0.0)
    o_ref[...] = _pad128(dis * _dot(h, w_ref[...]))


def _l3_body(acc_ref, hp_ref, dis_ref, b_ref, w_ref, o_ref):
    dis = dis_ref[...]
    t = acc_ref[0, :, :32] + acc_ref[1, :, :32] + hp_ref[:, :32]
    h = jnp.maximum(dis * t + b_ref[...][None, :], 0.0)
    o_ref[...] = _pad128(dis * _dot(h, w_ref[...]))


def _fin_body(acc_ref, hp_ref, dis_ref, b_ref, o_ref):
    dis = dis_ref[...]
    t = dis * (acc_ref[0, :, :2] + acc_ref[1, :, :2] + hp_ref[:, :2])
    o_ref[...] = _pad128(t + b_ref[...][None, :])


def _tc(body, out_shape, *args):
    return pl.pallas_call(
        body, out_shape=jax.ShapeDtypeStruct(out_shape, jnp.float32))(*args)


def kernel(x, edge_index, W1, b1, W2, b2, W3, b3):
    src = edge_index[0].astype(jnp.int32)
    dst = edge_index[1].astype(jnp.int32)
    pad = E_PAD - E
    pad_src = (jnp.arange(pad, dtype=jnp.int32) * 97) % N
    pad_dst = N + (jnp.arange(pad, dtype=jnp.int32) % (N_ACC - N))
    src_r = jnp.concatenate([src, pad_src]).reshape(NW, NCH, C)
    dst_r = jnp.concatenate([dst, pad_dst]).reshape(NW, NCH, C)

    deg2 = _sc_degree()(dst_r)
    dis, t1 = pl.pallas_call(
        _l1_body,
        out_shape=(jax.ShapeDtypeStruct((N, 1), jnp.float32),
                   jax.ShapeDtypeStruct((N, 128), jnp.float32)),
    )(deg2, x, W1)

    seg = _sc_edge_sum128()
    acc1 = seg(t1, src_r, dst_r)
    t2 = _tc(_l2_body, (N, 128), acc1, t1, dis, b1, W2)
    acc2 = seg(t2, src_r, dst_r)
    t3 = _tc(_l3_body, (N, 128), acc2, t2, dis, b2, W3)
    acc3 = seg(t3, src_r, dst_r)
    outp = _tc(_fin_body, (N, 128), acc3, t3, dis, b3)
    return outp[:, :2]

# --- scband reference (transcript-rebuilt; emitter-appended) ---
"""Pipeline reference for scband-gnn-19585050869931 (READ-ONLY COPY).

The authoritative reference and input builder live on the scoring server;
editing this copy changes nothing except your own understanding.
"""

import jax, jax.numpy as jnp
import numpy as np

N_NODES = 10000
N_EDGES = 320000
D_IN = 128


def _glorot(key, shape):
    fan_in, fan_out = shape[0], shape[1]
    limit = jnp.sqrt(6.0 / (fan_in + fan_out))
    return jax.random.uniform(key, shape, minval=-limit, maxval=limit, dtype=jnp.float32)


def setup_inputs(seed: int = 0) -> dict:
    key = jax.random.key(seed)
    ks = jax.random.split(key, 8)
    x = jax.random.normal(ks[0], (N_NODES, D_IN), dtype=jnp.float32)
    edge_index = jax.random.randint(ks[1], (2, N_EDGES), 0, N_NODES, dtype=jnp.int64 if jax.config.jax_enable_x64 else jnp.int32).astype(jnp.int32)
    W1 = _glorot(ks[2], (D_IN, 64))
    b1 = jnp.zeros((64,), dtype=jnp.float32)
    W2 = _glorot(ks[3], (64, 32))
    b2 = jnp.zeros((32,), dtype=jnp.float32)
    W3 = _glorot(ks[4], (32, 2))
    b3 = jnp.zeros((2,), dtype=jnp.float32)
    return {"x": x, "edge_index": edge_index, "W1": W1, "b1": b1, "W2": W2, "b2": b2, "W3": W3, "b3": b3}


def gcn_conv(x, src, dst, W, b):
    # PyG GCNConv: x' = D^{-1/2} (A+I) D^{-1/2} X W + b
    n = x.shape[0]
    deg = jnp.zeros((n,), dtype=jnp.float32).at[dst].add(1.0)
    deg_inv_sqrt = jnp.where(deg > 0, 1.0 / jnp.sqrt(deg), 0.0)
    norm = deg_inv_sqrt[src] * deg_inv_sqrt[dst]
    h = x @ W
    msg = h[src] * norm[:, None]
    out = jax.ops.segment_sum(msg, dst, num_segments=n)
    return out + b


def reference(x, edge_index, W1, b1, W2, b2, W3, b3):
    n = x.shape[0]
    loops = jnp.arange(n, dtype=edge_index.dtype)
    src = jnp.concatenate([edge_index[0], loops])
    dst = jnp.concatenate([edge_index[1], loops])
    h = jax.nn.relu(gcn_conv(x, src, dst, W1, b1))
    h = jax.nn.relu(gcn_conv(h, src, dst, W2, b2))
    out = gcn_conv(h, src, dst, W3, b3)
    return out

if __name__ == "__main__":
    import jax
    _d = setup_inputs()
    print(jax.jit(kernel)(*tuple(_d.values())))

</pallas_src>

<mosaic_0001>
#map = affine_map<(d0, d1) -> (0, 0)>
#map1 = affine_map<(d0, d1) -> (0, 0, 0)>
module attributes {stable_mosaic.version = 14 : i64} {
  func.func @k(%arg0: i32, %arg1: i32, %arg2: memref<10000x128xf32, #tpu.memory_space<hbm>>, %arg3: memref<32x80x128xi32, #tpu.memory_space<hbm>>, %arg4: memref<32x80x128xi32, #tpu.memory_space<hbm>>, %arg5: memref<2x10000x128xf32, #tpu.memory_space<hbm>>, %arg6: memref<8x128xi32, #tpu.memory_space<vmem>>, %arg7: memref<8x128xi32, #tpu.memory_space<vmem>>, %arg8: memref<128x128xf32, #tpu.memory_space<vmem>>, %arg9: memref<10112x128xf32, #tpu.memory_space<vmem_shared>>, %arg10: memref<!tpu.dma_semaphore, #tpu.memory_space<semaphore_mem>>) attributes {dimension_semantics = [#tpu.dimension_semantics<core_parallel>, #tpu.dimension_semantics<subcore_parallel>], iteration_bounds = array<i64: 2, 16>, scalar_prefetch = 0 : i64, scratch_operands = 5 : i64, tpu.core_type = #tpu.core_type<sc_vector_subcore>, window_params = [{transform_indices = #map}, {transform_indices = #map1}, {transform_indices = #map1}, {transform_indices = #map1}]} {
    %mul3A = arith.constant 2 : i32
    %mul3A_0 = arith.muli %arg1, %mul3A : i32
    %add3A = arith.addi %mul3A_0, %arg0 : i32
    %scan3A = arith.constant 0 : i32
    %scan3A_1 = arith.constant 128 : i32
    %scan3A_2 = arith.addi %scan3A, %scan3A_1 : i32
    %scan3A_3 = arith.constant 1 : i32
    scf.for %scan3A_29 = %scan3A to %scan3A_2 step %scan3A_3  : i32 {
      %mul3A_30 = arith.constant 1 : i32
      %mul3A_31 = arith.muli %scan3A_29, %mul3A_30 : i32
      %add3A_32 = arith.constant 0 : i32
      %add3A_33 = arith.addi %add3A_32, %mul3A_31 : i32
      %scan3A_34 = arith.constant 0 : i32
      %scan3A_35 = arith.constant 8 : i32
      %scan3A_36 = arith.addi %scan3A_34, %scan3A_35 : i32
      %scan3A_37 = arith.constant 1 : i32
      scf.for %scan3A_39 = %scan3A_34 to %scan3A_36 step %scan3A_37  : i32 {
        %mul3A_40 = arith.constant 1 : i32
        %mul3A_41 = arith.muli %scan3A_39, %mul3A_40 : i32
        %add3A_42 = arith.constant 0 : i32
        %add3A_43 = arith.addi %add3A_42, %mul3A_41 : i32
        %broadcast_in_dim3A = arith.constant 0.000000e+00 : f32
        %broadcast_in_dim3A_44 = vector.broadcast %broadcast_in_dim3A : f32 to vector<16xf32>
        %mul3A_45 = arith.constant 16 : i32
        %mul3A_46 = arith.muli %add3A_43, %mul3A_45 : i32
        %swap3A = arith.index_cast %add3A_33 : i32 to index
        %swap3A_47 = arith.index_cast %mul3A_46 : i32 to index
        %swap3A_48 = tpu.vector_load %arg8[%swap3A, %swap3A_47] {strides = array<i32>} : memref<128x128xf32, #tpu.memory_space<vmem>>, vector<1x16xf32>,
        %swap3A_49 = vector.shape_cast %swap3A_48 : vector<1x16xf32> to vector<16xf32>
        %swap3A_50 = vector.shape_cast %broadcast_in_dim3A_44 : vector<16xf32> to vector<1x16xf32>
        tpu.vector_store %arg8[%swap3A, %swap3A_47], %swap3A_50 {strides = array<i32>} : memref<128x128xf32, #tpu.memory_space<vmem>>, vector<1x16xf32>,
      }
      %scan3A_38 = arith.constant 8 : i32
    }
    %scan3A_4 = arith.constant 128 : i32
    %mul3A_5 = arith.constant 632 : i32
    %mul3A_6 = arith.muli %arg1, %mul3A_5 : i32
    %add3A_7 = arith.constant 0 : i32
    %add3A_8 = arith.addi %mul3A_6, %add3A_7 : i32
    "tpu.region"() ({
      %run_scoped3A = tpu.sem_alloc : memref<!tpu.dma_semaphore, #tpu.memory_space<semaphore_mem>>
      %dma_start3A = arith.constant 0 : i32
      %dma_start3A_29 = tpu.memref_slice %arg9[%add3A_8, %dma_start3A] : memref<10112x128xf32, #tpu.memory_space<vmem_shared>> -> memref<128x128xf32, #tpu.memory_space<vmem_shared>>
      %dma_start3A_30 = arith.constant 0 : i32
      %dma_start3A_31 = tpu.memref_slice %arg9[%add3A_8, %dma_start3A_30] : memref<10112x128xf32, #tpu.memory_space<vmem_shared>> -> memref<128x128xf32, #tpu.memory_space<vmem_shared>>
      tpu.enqueue_dma source(%arg8 : memref<128x128xf32, #tpu.memory_space<vmem>>) target(%dma_start3A_31 : memref<128x128xf32, #tpu.memory_space<vmem_shared>>) target_semaphore(%run_scoped3A : memref<!tpu.dma_semaphore, #tpu.memory_space<semaphore_mem>>)
      %dma_wait3A = arith.constant 0 : i32
      %dma_wait3A_32 = tpu.memref_slice %arg9[%add3A_8, %dma_wait3A] : memref<10112x128xf32, #tpu.memory_space<vmem_shared>> -> memref<128x128xf32, #tpu.memory_space<vmem_shared>>
      %dma_wait3A_33 = arith.constant 0 : i32
      %dma_wait3A_34 = tpu.memref_slice %arg9[%add3A_8, %dma_wait3A_33] : memref<10112x128xf32, #tpu.memory_space<vmem_shared>> -> memref<128x128xf32, #tpu.memory_space<vmem_shared>>
      tpu.wait_dma2 semaphore(%run_scoped3A : memref<!tpu.dma_semaphore, #tpu.memory_space<semaphore_mem>>) src(%arg8 : memref<128x128xf32, #tpu.memory_space<vmem>>) dst(%dma_wait3A_34 : memref<128x128xf32, #tpu.memory_space<vmem_shared>>)
      tpu.yield
    }) : () -> ()
    %add3A_9 = arith.constant 128 : i32
    %add3A_10 = arith.addi %mul3A_6, %add3A_9 : i32
    "tpu.region"() ({
      %run_scoped3A = tpu.sem_alloc : memref<!tpu.dma_semaphore, #tpu.memory_space<semaphore_mem>>
      %dma_start3A = arith.constant 0 : i32
      %dma_start3A_29 = tpu.memref_slice %arg9[%add3A_10, %dma_start3A] : memref<10112x128xf32, #tpu.memory_space<vmem_shared>> -> memref<128x128xf32, #tpu.memory_space<vmem_shared>>
      %dma_start3A_30 = arith.constant 0 : i32
      %dma_start3A_31 = tpu.memref_slice %arg9[%add3A_10, %dma_start3A_30] : memref<10112x128xf32, #tpu.memory_space<vmem_shared>> -> memref<128x128xf32, #tpu.memory_space<vmem_shared>>
      tpu.enqueue_dma source(%arg8 : memref<128x128xf32, #tpu.memory_space<vmem>>) target(%dma_start3A_31 : memref<128x128xf32, #tpu.memory_space<vmem_shared>>) target_semaphore(%run_scoped3A : memref<!tpu.dma_semaphore, #tpu.memory_space<semaphore_mem>>)
      %dma_wait3A = arith.constant 0 : i32
      %dma_wait3A_32 = tpu.memref_slice %arg9[%add3A_10, %dma_wait3A] : memref<10112x128xf32, #tpu.memory_space<vmem_shared>> -> memref<128x128xf32, #tpu.memory_space<vmem_shared>>
      %dma_wait3A_33 = arith.constant 0 : i32
      %dma_wait3A_34 = tpu.memref_slice %arg9[%add3A_10, %dma_wait3A_33] : memref<10112x128xf32, #tpu.memory_space<vmem_shared>> -> memref<128x128xf32, #tpu.memory_space<vmem_shared>>
      tpu.wait_dma2 semaphore(%run_scoped3A : memref<!tpu.dma_semaphore, #tpu.memory_space<semaphore_mem>>) src(%arg8 : memref<128x128xf32, #tpu.memory_space<vmem>>) dst(%dma_wait3A_34 : memref<128x128xf32, #tpu.memory_space<vmem_shared>>)
      tpu.yield
    }) : () -> ()
    %add3A_11 = arith.constant 256 : i32
    %add3A_12 = arith.addi %mul3A_6, %add3A_11 : i32
    "tpu.region"() ({
      %run_scoped3A = tpu.sem_alloc : memref<!tpu.dma_semaphore, #tpu.memory_space<semaphore_mem>>
      %dma_start3A = arith.constant 0 : i32
      %dma_start3A_29 = tpu.memref_slice %arg9[%add3A_12, %dma_start3A] : memref<10112x128xf32, #tpu.memory_space<vmem_shared>> -> memref<128x128xf32, #tpu.memory_space<vmem_shared>>
      %dma_start3A_30 = arith.constant 0 : i32
      %dma_start3A_31 = tpu.memref_slice %arg9[%add3A_12, %dma_start3A_30] : memref<10112x128xf32, #tpu.memory_space<vmem_shared>> -> memref<128x128xf32, #tpu.memory_space<vmem_shared>>
      tpu.enqueue_dma source(%arg8 : memref<128x128xf32, #tpu.memory_space<vmem>>) target(%dma_start3A_31 : memref<128x128xf32, #tpu.memory_space<vmem_shared>>) target_semaphore(%run_scoped3A : memref<!tpu.dma_semaphore, #tpu.memory_space<semaphore_mem>>)
      %dma_wait3A = arith.constant 0 : i32
      %dma_wait3A_32 = tpu.memref_slice %arg9[%add3A_12, %dma_wait3A] : memref<10112x128xf32, #tpu.memory_space<vmem_shared>> -> memref<128x128xf32, #tpu.memory_space<vmem_shared>>
      %dma_wait3A_33 = arith.constant 0 : i32
      %dma_wait3A_34 = tpu.memref_slice %arg9[%add3A_12, %dma_wait3A_33] : memref<10112x128xf32, #tpu.memory_space<vmem_shared>> -> memref<128x128xf32, #tpu.memory_space<vmem_shared>>
      tpu.wait_dma2 semaphore(%run_scoped3A : memref<!tpu.dma_semaphore, #tpu.memory_space<semaphore_mem>>) src(%arg8 : memref<128x128xf32, #tpu.memory_space<vmem>>) dst(%dma_wait3A_34 : memref<128x128xf32, #tpu.memory_space<vmem_shared>>)
      tpu.yield
    }) : () -> ()
    %add3A_13 = arith.constant 384 : i32
    %add3A_14 = arith.addi %mul3A_6, %add3A_13 : i32
    "tpu.region"() ({
      %run_scoped3A = tpu.sem_alloc : memref<!tpu.dma_semaphore, #tpu.memory_space<semaphore_mem>>
      %dma_start3A = arith.constant 0 : i32
      %dma_start3A_29 = tpu.memref_slice %arg9[%add3A_14, %dma_start3A] : memref<10112x128xf32, #tpu.memory_space<vmem_shared>> -> memref<128x128xf32, #tpu.memory_space<vmem_shared>>
      %dma_start3A_30 = arith.constant 0 : i32
      %dma_start3A_31 = tpu.memref_slice %arg9[%add3A_14, %dma_start3A_30] : memref<10112x128xf32, #tpu.memory_space<vmem_shared>> -> memref<128x128xf32, #tpu.memory_space<vmem_shared>>
      tpu.enqueue_dma source(%arg8 : memref<128x128xf32, #tpu.memory_space<vmem>>) target(%dma_start3A_31 : memref<128x128xf32, #tpu.memory_space<vmem_shared>>) target_semaphore(%run_scoped3A : memref<!tpu.dma_semaphore, #tpu.memory_space<semaphore_mem>>)
      %dma_wait3A = arith.constant 0 : i32
      %dma_wait3A_32 = tpu.memref_slice %arg9[%add3A_14, %dma_wait3A] : memref<10112x128xf32, #tpu.memory_space<vmem_shared>> -> memref<128x128xf32, #tpu.memory_space<vmem_shared>>
      %dma_wait3A_33 = arith.constant 0 : i32
      %dma_wait3A_34 = tpu.memref_slice %arg9[%add3A_14, %dma_wait3A_33] : memref<10112x128xf32, #tpu.memory_space<vmem_shared>> -> memref<128x128xf32, #tpu.memory_space<vmem_shared>>
      tpu.wait_dma2 semaphore(%run_scoped3A : memref<!tpu.dma_semaphore, #tpu.memory_space<semaphore_mem>>) src(%arg8 : memref<128x128xf32, #tpu.memory_space<vmem>>) dst(%dma_wait3A_34 : memref<128x128xf32, #tpu.memory_space<vmem_shared>>)
      tpu.yield
    }) : () -> ()
    %add3A_15 = arith.constant 512 : i32
    %add3A_16 = arith.addi %mul3A_6, %add3A_15 : i32
    "tpu.region"() ({
      %run_scoped3A = tpu.sem_alloc : memref<!tpu.dma_semaphore, #tpu.memory_space<semaphore_mem>>
      %dma_start3A = arith.constant 0 : i32
      %dma_start3A_29 = arith.constant 0 : i32
      %dma_start3A_30 = tpu.memref_slice %arg8[%dma_start3A, %dma_start3A_29] : memref<128x128xf32, #tpu.memory_space<vmem>> -> memref<120x128xf32, #tpu.memory_space<vmem>>
      %dma_start3A_31 = arith.constant 0 : i32
      %dma_start3A_32 = tpu.memref_slice %arg9[%add3A_16, %dma_start3A_31] : memref<10112x128xf32, #tpu.memory_space<vmem_shared>> -> memref<120x128xf32, #tpu.memory_space<vmem_shared>>
      %dma_start3A_33 = arith.constant 0 : i32
      %dma_start3A_34 = tpu.memref_slice %arg9[%add3A_16, %dma_start3A_33] : memref<10112x128xf32, #tpu.memory_space<vmem_shared>> -> memref<120x128xf32, #tpu.memory_space<vmem_shared>>
      %dma_start3A_35 = arith.constant 0 : i32
      %dma_start3A_36 = arith.constant 0 : i32
      %dma_start3A_37 = tpu.memref_slice %arg8[%dma_start3A_35, %dma_start3A_36] : memref<128x128xf32, #tpu.memory_space<vmem>> -> memref<120x128xf32, #tpu.memory_space<vmem>>
      tpu.enqueue_dma source(%dma_start3A_37 : memref<120x128xf32, #tpu.memory_space<vmem>>) target(%dma_start3A_34 : memref<120x128xf32, #tpu.memory_space<vmem_shared>>) target_semaphore(%run_scoped3A : memref<!tpu.dma_semaphore, #tpu.memory_space<semaphore_mem>>)
      %dma_wait3A = arith.constant 0 : i32
      %dma_wait3A_38 = arith.constant 0 : i32
      %dma_wait3A_39 = tpu.memref_slice %arg8[%dma_wait3A, %dma_wait3A_38] : memref<128x128xf32, #tpu.memory_space<vmem>> -> memref<120x128xf32, #tpu.memory_space<vmem>>
      %dma_wait3A_40 = arith.constant 0 : i32
      %dma_wait3A_41 = tpu.memref_slice %arg9[%add3A_16, %dma_wait3A_40] : memref<10112x128xf32, #tpu.memory_space<vmem_shared>> -> memref<120x128xf32, #tpu.memory_space<vmem_shared>>
      %dma_wait3A_42 = arith.constant 0 : i32
      %dma_wait3A_43 = tpu.memref_slice %arg9[%add3A_16, %dma_wait3A_42] : memref<10112x128xf32, #tpu.memory_space<vmem_shared>> -> memref<120x128xf32, #tpu.memory_space<vmem_shared>>
      %dma_wait3A_44 = arith.constant 0 : i32
      %dma_wait3A_45 = arith.constant 0 : i32
      %dma_wait3A_46 = tpu.memref_slice %arg8[%dma_wait3A_44, %dma_wait3A_45] : memref<128x128xf32, #tpu.memory_space<vmem>> -> memref<120x128xf32, #tpu.memory_space<vmem>>
      tpu.wait_dma2 semaphore(%run_scoped3A : memref<!tpu.dma_semaphore, #tpu.memory_space<semaphore_mem>>) src(%dma_wait3A_46 : memref<120x128xf32, #tpu.memory_space<vmem>>) dst(%dma_wait3A_43 : memref<120x128xf32, #tpu.memory_space<vmem_shared>>)
      tpu.yield
    }) : () -> ()
    %barrier3A = arith.constant 0 : index
    tpu.barrier barrier_id(%barrier3A)
    %scan3A_17 = arith.constant 0 : i32
    %scan3A_18 = arith.constant 10 : i32
    %scan3A_19 = arith.addi %scan3A_17, %scan3A_18 : i32
    %scan3A_20 = arith.constant 1 : i32
    scf.for %scan3A_29 = %scan3A_17 to %scan3A_19 step %scan3A_20  : i32 {
      %mul3A_30 = arith.constant 1 : i32
      %mul3A_31 = arith.muli %scan3A_29, %mul3A_30 : i32
      %add3A_32 = arith.constant 0 : i32
      %add3A_33 = arith.addi %add3A_32, %mul3A_31 : i32
      %mul3A_34 = arith.constant 8 : i32
      %mul3A_35 = arith.muli %add3A_33, %mul3A_34 : i32
      "tpu.region"() ({
        %run_scoped3A_155 = tpu.sem_alloc : memref<!tpu.dma_semaphore, #tpu.memory_space<semaphore_mem>>
        %dma_start3A_156 = arith.constant 0 : i32
        %dma_start3A_157 = tpu.memref_slice %arg3[%add3A, %mul3A_35, %dma_start3A_156] : memref<32x80x128xi32, #tpu.memory_space<hbm>> -> memref<1x8x128xi32, #tpu.memory_space<hbm>>
        %dma_start3A_158 = tpu.memref_squeeze %dma_start3A_157 : memref<1x8x128xi32, #tpu.memory_space<hbm>> -> memref<8x128xi32, #tpu.memory_space<hbm>>
        %dma_start3A_159 = arith.constant 0 : i32
        %dma_start3A_160 = tpu.memref_slice %arg3[%add3A, %mul3A_35, %dma_start3A_159] : memref<32x80x128xi32, #tpu.memory_space<hbm>> -> memref<1x8x128xi32, #tpu.memory_space<hbm>>
        %dma_start3A_161 = tpu.memref_squeeze %dma_start3A_160 : memref<1x8x128xi32, #tpu.memory_space<hbm>> -> memref<8x128xi32, #tpu.memory_space<hbm>>
        tpu.enqueue_dma source(%dma_start3A_161 : memref<8x128xi32, #tpu.memory_space<hbm>>) target(%arg6 : memref<8x128xi32, #tpu.memory_space<vmem>>) target_semaphore(%run_scoped3A_155 : memref<!tpu.dma_semaphore, #tpu.memory_space<semaphore_mem>>)
        %dma_wait3A_162 = arith.constant 0 : i32
        %dma_wait3A_163 = tpu.memref_slice %arg3[%add3A, %mul3A_35, %dma_wait3A_162] : memref<32x80x128xi32, #tpu.memory_space<hbm>> -> memref<1x8x128xi32, #tpu.memory_space<hbm>>
        %dma_wait3A_164 = tpu.memref_squeeze %dma_wait3A_163 : memref<1x8x128xi32, #tpu.memory_space<hbm>> -> memref<8x128xi32, #tpu.memory_space<hbm>>
        %dma_wait3A_165 = arith.constant 0 : i32
        %dma_wait3A_166 = tpu.memref_slice %arg3[%add3A, %mul3A_35, %dma_wait3A_165] : memref<32x80x128xi32, #tpu.memory_space<hbm>> -> memref<1x8x128xi32, #tpu.memory_space<hbm>>
        %dma_wait3A_167 = tpu.memref_squeeze %dma_wait3A_166 : memref<1x8x128xi32, #tpu.memory_space<hbm>> -> memref<8x128xi32, #tpu.memory_space<hbm>>
        tpu.wait_dma2 semaphore(%run_scoped3A_155 : memref<!tpu.dma_semaphore, #tpu.memory_space<semaphore_mem>>) src(%dma_wait3A_167 : memref<8x128xi32, #tpu.memory_space<hbm>>) dst(%arg6 : memref<8x128xi32, #tpu.memory_space<vmem>>)
        tpu.yield
      }) : () -> ()
      %mul3A_36 = arith.constant 8 : i32
      %mul3A_37 = arith.muli %add3A_33, %mul3A_36 : i32
      "tpu.region"() ({
        %run_scoped3A_155 = tpu.sem_alloc : memref<!tpu.dma_semaphore, #tpu.memory_space<semaphore_mem>>
        %dma_start3A_156 = arith.constant 0 : i32
        %dma_start3A_157 = tpu.memref_slice %arg4[%add3A, %mul3A_37, %dma_start3A_156] : memref<32x80x128xi32, #tpu.memory_space<hbm>> -> memref<1x8x128xi32, #tpu.memory_space<hbm>>
        %dma_start3A_158 = tpu.memref_squeeze %dma_start3A_157 : memref<1x8x128xi32, #tpu.memory_space<hbm>> -> memref<8x128xi32, #tpu.memory_space<hbm>>
        %dma_start3A_159 = arith.constant 0 : i32
        %dma_start3A_160 = tpu.memref_slice %arg4[%add3A, %mul3A_37, %dma_start3A_159] : memref<32x80x128xi32, #tpu.memory_space<hbm>> -> memref<1x8x128xi32, #tpu.memory_space<hbm>>
        %dma_start3A_161 = tpu.memref_squeeze %dma_start3A_160 : memref<1x8x128xi32, #tpu.memory_space<hbm>> -> memref<8x128xi32, #tpu.memory_space<hbm>>
        tpu.enqueue_dma source(%dma_start3A_161 : memref<8x128xi32, #tpu.memory_space<hbm>>) target(%arg7 : memref<8x128xi32, #tpu.memory_space<vmem>>) target_semaphore(%run_scoped3A_155 : memref<!tpu.dma_semaphore, #tpu.memory_space<semaphore_mem>>)
        %dma_wait3A_162 = arith.constant 0 : i32
        %dma_wait3A_163 = tpu.memref_slice %arg4[%add3A, %mul3A_37, %dma_wait3A_162] : memref<32x80x128xi32, #tpu.memory_space<hbm>> -> memref<1x8x128xi32, #tpu.memory_space<hbm>>
        %dma_wait3A_164 = tpu.memref_squeeze %dma_wait3A_163 : memref<1x8x128xi32, #tpu.memory_space<hbm>> -> memref<8x128xi32, #tpu.memory_space<hbm>>
        %dma_wait3A_165 = arith.constant 0 : i32
        %dma_wait3A_166 = tpu.memref_slice %arg4[%add3A, %mul3A_37, %dma_wait3A_165] : memref<32x80x128xi32, #tpu.memory_space<hbm>> -> memref<1x8x128xi32, #tpu.memory_space<hbm>>
        %dma_wait3A_167 = tpu.memref_squeeze %dma_wait3A_166 : memref<1x8x128xi32, #tpu.memory_space<hbm>> -> memref<8x128xi32, #tpu.memory_space<hbm>>
        tpu.wait_dma2 semaphore(%run_scoped3A_155 : memref<!tpu.dma_semaphore, #tpu.memory_space<semaphore_mem>>) src(%dma_wait3A_167 : memref<8x128xi32, #tpu.memory_space<hbm>>) dst(%arg7 : memref<8x128xi32, #tpu.memory_space<vmem>>)
        tpu.yield
      }) : () -> ()
      %dma_start3A = arith.constant 0 : i32
      %dma_start3A_38 = arith.constant 0 : i32
      %dma_start3A_39 = tpu.memref_slice %arg6[%dma_start3A, %dma_start3A_38] : memref<8x128xi32, #tpu.memory_space<vmem>> -> memref<1x128xi32, #tpu.memory_space<vmem>>
      %dma_start3A_40 = tpu.memref_squeeze %dma_start3A_39 : memref<1x128xi32, #tpu.memory_space<vmem>> -> memref<128xi32, #tpu.memory_space<vmem>>
      %dma_start3A_41 = arith.constant 0 : i32
      %dma_start3A_42 = arith.constant 0 : i32
      %dma_start3A_43 = tpu.memref_slice %arg2[%dma_start3A_41, %dma_start3A_42] : memref<10000x128xf32, #tpu.memory_space<hbm>> -> memref<10000x128xf32, #tpu.memory_space<hbm>>
      tpu.enqueue_indirect_dma source(%dma_start3A_43 : memref<10000x128xf32, #tpu.memory_space<hbm>>) target(%arg8 : memref<128x128xf32, #tpu.memory_space<vmem>>) offsets(%dma_start3A_40 : memref<128xi32, #tpu.memory_space<vmem>>) semaphore(%arg10 : memref<!tpu.dma_semaphore, #tpu.memory_space<semaphore_mem>>)
      %dma_wait3A = arith.constant 0 : i32
      %dma_wait3A_44 = arith.constant 0 : i32
      %dma_wait3A_45 = tpu.memref_slice %arg6[%dma_wait3A, %dma_wait3A_44] : memref<8x128xi32, #tpu.memory_space<vmem>> -> memref<1x128xi32, #tpu.memory_space<vmem>>
      %dma_wait3A_46 = tpu.memref_squeeze %dma_wait3A_45 : memref<1x128xi32, #tpu.memory_space<vmem>> -> memref<128xi32, #tpu.memory_space<vmem>>
      %dma_wait3A_47 = arith.constant 0 : i32
      %dma_wait3A_48 = arith.constant 0 : i32
      %dma_wait3A_49 = tpu.memref_slice %arg2[%dma_wait3A_47, %dma_wait3A_48] : memref<10000x128xf32, #tpu.memory_space<hbm>> -> memref<10000x128xf32, #tpu.memory_space<hbm>>
      tpu.wait_indirect_dma semaphore(%arg10 : memref<!tpu.dma_semaphore, #tpu.memory_space<semaphore_mem>>) src(%dma_wait3A_49 : memref<10000x128xf32, #tpu.memory_space<hbm>>) dst(%arg8 : memref<128x128xf32, #tpu.memory_space<vmem>>)
      %run_scoped3A = arith.constant 0 : i32
      "tpu.region"() ({
        %run_scoped3A_155 = tpu.sem_alloc : memref<!tpu.dma_semaphore, #tpu.memory_space<semaphore_mem>>
        %dma_start3A_156 = arith.constant 0 : i32
        %dma_start3A_157 = tpu.memref_slice %arg7[%run_scoped3A, %dma_start3A_156] : memref<8x128xi32, #tpu.memory_space<vmem>> -> memref<1x128xi32, #tpu.memory_space<vmem>>
        %dma_start3A_158 = tpu.memref_squeeze %dma_start3A_157 : memref<1x128xi32, #tpu.memory_space<vmem>> -> memref<128xi32, #tpu.memory_space<vmem>>
        %dma_start3A_159 = arith.constant 0 : i32
        %dma_start3A_160 = arith.constant 0 : i32
        %dma_start3A_161 = tpu.memref_slice %arg9[%dma_start3A_159, %dma_start3A_160] : memref<10112x128xf32, #tpu.memory_space<vmem_shared>> -> memref<10112x128xf32, #tpu.memory_space<vmem_shared>>
        tpu.enqueue_indirect_dma source(%arg8 : memref<128x128xf32, #tpu.memory_space<vmem>>) target(%dma_start3A_161 : memref<10112x128xf32, #tpu.memory_space<vmem_shared>>) offsets(%dma_start3A_158 : memref<128xi32, #tpu.memory_space<vmem>>) semaphore(%run_scoped3A_155 : memref<!tpu.dma_semaphore, #tpu.memory_space<semaphore_mem>>) {add = true}
        %dma_wait3A_162 = arith.constant 0 : i32
        %dma_wait3A_163 = tpu.memref_slice %arg7[%run_scoped3A, %dma_wait3A_162] : memref<8x128xi32, #tpu.memory_space<vmem>> -> memref<1x128xi32, #tpu.memory_space<vmem>>
        %dma_wait3A_164 = tpu.memref_squeeze %dma_wait3A_163 : memref<1x128xi32, #tpu.memory_space<vmem>> -> memref<128xi32, #tpu.memory_space<vmem>>
        %dma_wait3A_165 = arith.constant 0 : i32
        %dma_wait3A_166 = arith.constant 0 : i32
        %dma_wait3A_167 = tpu.memref_slice %arg9[%dma_wait3A_165, %dma_wait3A_166] : memref<10112x128xf32, #tpu.memory_space<vmem_shared>> -> memref<10112x128xf32, #tpu.memory_space<vmem_shared>>
        tpu.wait_indirect_dma semaphore(%run_scoped3A_155 : memref<!tpu.dma_semaphore, #tpu.memory_space<semaphore_mem>>) src(%arg8 : memref<128x128xf32, #tpu.memory_space<vmem>>) dst(%dma_wait3A_167 : memref<10112x128xf32, #tpu.memory_space<vmem_shared>>)
        tpu.yield
      }) : () -> ()
      %dma_start3A_50 = arith.constant 1 : i32
      %dma_start3A_51 = arith.constant 0 : i32
      %dma_start3A_52 = tpu.memref_slice %arg6[%dma_start3A_50, %dma_start3A_51] : memref<8x128xi32, #tpu.memory_space<vmem>> -> memref<1x128xi32, #tpu.memory_space<vmem>>
      %dma_start3A_53 = tpu.memref_squeeze %dma_start3A_52 : memref<1x128xi32, #tpu.memory_space<vmem>> -> memref<128xi32, #tpu.memory_space<vmem>>
      %dma_start3A_54 = arith.constant 0 : i32
      %dma_start3A_55 = arith.constant 0 : i32
      %dma_start3A_56 = tpu.memref_slice %arg2[%dma_start3A_54, %dma_start3A_55] : memref<10000x128xf32, #tpu.memory_space<hbm>> -> memref<10000x128xf32, #tpu.memory_space<hbm>>
      tpu.enqueue_indirect_dma source(%dma_start3A_56 : memref<10000x128xf32, #tpu.memory_space<hbm>>) target(%arg8 : memref<128x128xf32, #tpu.memory_space<vmem>>) offsets(%dma_start3A_53 : memref<128xi32, #tpu.memory_space<vmem>>) semaphore(%arg10 : memref<!tpu.dma_semaphore, #tpu.memory_space<semaphore_mem>>)
      %dma_wait3A_57 = arith.constant 1 : i32
      %dma_wait3A_58 = arith.constant 0 : i32
      %dma_wait3A_59 = tpu.memref_slice %arg6[%dma_wait3A_57, %dma_wait3A_58] : memref<8x128xi32, #tpu.memory_space<vmem>> -> memref<1x128xi32, #tpu.memory_space<vmem>>
      %dma_wait3A_60 = tpu.memref_squeeze %dma_wait3A_59 : memref<1x128xi32, #tpu.memory_space<vmem>> -> memref<128xi32, #tpu.memory_space<vmem>>
      %dma_wait3A_61 = arith.constant 0 : i32
      %dma_wait3A_62 = arith.constant 0 : i32
      %dma_wait3A_63 = tpu.memref_slice %arg2[%dma_wait3A_61, %dma_wait3A_62] : memref<10000x128xf32, #tpu.memory_space<hbm>> -> memref<10000x128xf32, #tpu.memory_space<hbm>>
      tpu.wait_indirect_dma semaphore(%arg10 : memref<!tpu.dma_semaphore, #tpu.memory_space<semaphore_mem>>) src(%dma_wait3A_63 : memref<10000x128xf32, #tpu.memory_space<hbm>>) dst(%arg8 : memref<128x128xf32, #tpu.memory_space<vmem>>)
      %run_scoped3A_64 = arith.constant 1 : i32
      "tpu.region"() ({
        %run_scoped3A_155 = tpu.sem_alloc : memref<!tpu.dma_semaphore, #tpu.memory_space<semaphore_mem>>
        %dma_start3A_156 = arith.constant 0 : i32
        %dma_start3A_157 = tpu.memref_slice %arg7[%run_scoped3A_64, %dma_start3A_156] : memref<8x128xi32, #tpu.memory_space<vmem>> -> memref<1x128xi32, #tpu.memory_space<vmem>>
        %dma_start3A_158 = tpu.memref_squeeze %dma_start3A_157 : memref<1x128xi32, #tpu.memory_space<vmem>> -> memref<128xi32, #tpu.memory_space<vmem>>
        %dma_start3A_159 = arith.constant 0 : i32
        %dma_start3A_160 = arith.constant 0 : i32
        %dma_start3A_161 = tpu.memref_slice %arg9[%dma_start3A_159, %dma_start3A_160] : memref<10112x128xf32, #tpu.memory_space<vmem_shared>> -> memref<10112x128xf32, #tpu.memory_space<vmem_shared>>
        tpu.enqueue_indirect_dma source(%arg8 : memref<128x128xf32, #tpu.memory_space<vmem>>) target(%dma_start3A_161 : memref<10112x128xf32, #tpu.memory_space<vmem_shared>>) offsets(%dma_start3A_158 : memref<128xi32, #tpu.memory_space<vmem>>) semaphore(%run_scoped3A_155 : memref<!tpu.dma_semaphore, #tpu.memory_space<semaphore_mem>>) {add = true}
        %dma_wait3A_162 = arith.constant 0 : i32
        %dma_wait3A_163 = tpu.memref_slice %arg7[%run_scoped3A_64, %dma_wait3A_162] : memref<8x128xi32, #tpu.memory_space<vmem>> -> memref<1x128xi32, #tpu.memory_space<vmem>>
        %dma_wait3A_164 = tpu.memref_squeeze %dma_wait3A_163 : memref<1x128xi32, #tpu.memory_space<vmem>> -> memref<128xi32, #tpu.memory_space<vmem>>
        %dma_wait3A_165 = arith.constant 0 : i32
        %dma_wait3A_166 = arith.constant 0 : i32
        %dma_wait3A_167 = tpu.memref_slice %arg9[%dma_wait3A_165, %dma_wait3A_166] : memref<10112x128xf32, #tpu.memory_space<vmem_shared>> -> memref<10112x128xf32, #tpu.memory_space<vmem_shared>>
        tpu.wait_indirect_dma semaphore(%run_scoped3A_155 : memref<!tpu.dma_semaphore, #tpu.memory_space<semaphore_mem>>) src(%arg8 : memref<128x128xf32, #tpu.memory_space<vmem>>) dst(%dma_wait3A_167 : memref<10112x128xf32, #tpu.memory_space<vmem_shared>>)
        tpu.yield
      }) : () -> ()
      %dma_start3A_65 = arith.constant 2 : i32
      %dma_start3A_66 = arith.constant 0 : i32
      %dma_start3A_67 = tpu.memref_slice %arg6[%dma_start3A_65, %dma_start3A_66] : memref<8x128xi32, #tpu.memory_space<vmem>> -> memref<1x128xi32, #tpu.memory_space<vmem>>
      %dma_start3A_68 = tpu.memref_squeeze %dma_start3A_67 : memref<1x128xi32, #tpu.memory_space<vmem>> -> memref<128xi32, #tpu.memory_space<vmem>>
      %dma_start3A_69 = arith.constant 0 : i32
      %dma_start3A_70 = arith.constant 0 : i32
      %dma_start3A_71 = tpu.memref_slice %arg2[%dma_start3A_69, %dma_start3A_70] : memref<10000x128xf32, #tpu.memory_space<hbm>> -> memref<10000x128xf32, #tpu.memory_space<hbm>>
      tpu.enqueue_indirect_dma source(%dma_start3A_71 : memref<10000x128xf32, #tpu.memory_space<hbm>>) target(%arg8 : memref<128x128xf32, #tpu.memory_space<vmem>>) offsets(%dma_start3A_68 : memref<128xi32, #tpu.memory_space<vmem>>) semaphore(%arg10 : memref<!tpu.dma_semaphore, #tpu.memory_space<semaphore_mem>>)
      %dma_wait3A_72 = arith.constant 2 : i32
      %dma_wait3A_73 = arith.constant 0 : i32
      %dma_wait3A_74 = tpu.memref_slice %arg6[%dma_wait3A_72, %dma_wait3A_73] : memref<8x128xi32, #tpu.memory_space<vmem>> -> memref<1x128xi32, #tpu.memory_space<vmem>>
      %dma_wait3A_75 = tpu.memref_squeeze %dma_wait3A_74 : memref<1x128xi32, #tpu.memory_space<vmem>> -> memref<128xi32, #tpu.memory_space<vmem>>
      %dma_wait3A_76 = arith.constant 0 : i32
      %dma_wait3A_77 = arith.constant 0 : i32
      %dma_wait3A_78 = tpu.memref_slice %arg2[%dma_wait3A_76, %dma_wait3A_77] : memref<10000x128xf32, #tpu.memory_space<hbm>> -> memref<10000x128xf32, #tpu.memory_space<hbm>>
      tpu.wait_indirect_dma semaphore(%arg10 : memref<!tpu.dma_semaphore, #tpu.memory_space<semaphore_mem>>) src(%dma_wait3A_78 : memref<10000x128xf32, #tpu.memory_space<hbm>>) dst(%arg8 : memref<128x128xf32, #tpu.memory_space<vmem>>)
      %run_scoped3A_79 = arith.constant 2 : i32
      "tpu.region"() ({
        %run_scoped3A_155 = tpu.sem_alloc : memref<!tpu.dma_semaphore, #tpu.memory_space<semaphore_mem>>
        %dma_start3A_156 = arith.constant 0 : i32
        %dma_start3A_157 = tpu.memref_slice %arg7[%run_scoped3A_79, %dma_start3A_156] : memref<8x128xi32, #tpu.memory_space<vmem>> -> memref<1x128xi32, #tpu.memory_space<vmem>>
        %dma_start3A_158 = tpu.memref_squeeze %dma_start3A_157 : memref<1x128xi32, #tpu.memory_space<vmem>> -> memref<128xi32, #tpu.memory_space<vmem>>
        %dma_start3A_159 = arith.constant 0 : i32
        %dma_start3A_160 = arith.constant 0 : i32
        %dma_start3A_161 = tpu.memref_slice %arg9[%dma_start3A_159, %dma_start3A_160] : memref<10112x128xf32, #tpu.memory_space<vmem_shared>> -> memref<10112x128xf32, #tpu.memory_space<vmem_shared>>
        tpu.enqueue_indirect_dma source(%arg8 : memref<128x128xf32, #tpu.memory_space<vmem>>) target(%dma_start3A_161 : memref<10112x128xf32, #tpu.memory_space<vmem_shared>>) offsets(%dma_start3A_158 : memref<128xi32, #tpu.memory_space<vmem>>) semaphore(%run_scoped3A_155 : memref<!tpu.dma_semaphore, #tpu.memory_space<semaphore_mem>>) {add = true}
        %dma_wait3A_162 = arith.constant 0 : i32
        %dma_wait3A_163 = tpu.memref_slice %arg7[%run_scoped3A_79, %dma_wait3A_162] : memref<8x128xi32, #tpu.memory_space<vmem>> -> memref<1x128xi32, #tpu.memory_space<vmem>>
        %dma_wait3A_164 = tpu.memref_squeeze %dma_wait3A_163 : memref<1x128xi32, #tpu.memory_space<vmem>> -> memref<128xi32, #tpu.memory_space<vmem>>
        %dma_wait3A_165 = arith.constant 0 : i32
        %dma_wait3A_166 = arith.constant 0 : i32
        %dma_wait3A_167 = tpu.memref_slice %arg9[%dma_wait3A_165, %dma_wait3A_166] : memref<10112x128xf32, #tpu.memory_space<vmem_shared>> -> memref<10112x128xf32, #tpu.memory_space<vmem_shared>>
        tpu.wait_indirect_dma semaphore(%run_scoped3A_155 : memref<!tpu.dma_semaphore, #tpu.memory_space<semaphore_mem>>) src(%arg8 : memref<128x128xf32, #tpu.memory_space<vmem>>) dst(%dma_wait3A_167 : memref<10112x128xf32, #tpu.memory_space<vmem_shared>>)
        tpu.yield
      }) : () -> ()
      %dma_start3A_80 = arith.constant 3 : i32
      %dma_start3A_81 = arith.constant 0 : i32
      %dma_start3A_82 = tpu.memref_slice %arg6[%dma_start3A_80, %dma_start3A_81] : memref<8x128xi32, #tpu.memory_space<vmem>> -> memref<1x128xi32, #tpu.memory_space<vmem>>
      %dma_start3A_83 = tpu.memref_squeeze %dma_start3A_82 : memref<1x128xi32, #tpu.memory_space<vmem>> -> memref<128xi32, #tpu.memory_space<vmem>>
      %dma_start3A_84 = arith.constant 0 : i32
      %dma_start3A_85 = arith.constant 0 : i32
      %dma_start3A_86 = tpu.memref_slice %arg2[%dma_start3A_84, %dma_start3A_85] : memref<10000x128xf32, #tpu.memory_space<hbm>> -> memref<10000x128xf32, #tpu.memory_space<hbm>>
      tpu.enqueue_indirect_dma source(%dma_start3A_86 : memref<10000x128xf32, #tpu.memory_space<hbm>>) target(%arg8 : memref<128x128xf32, #tpu.memory_space<vmem>>) offsets(%dma_start3A_83 : memref<128xi32, #tpu.memory_space<vmem>>) semaphore(%arg10 : memref<!tpu.dma_semaphore, #tpu.memory_space<semaphore_mem>>)
      %dma_wait3A_87 = arith.constant 3 : i32
      %dma_wait3A_88 = arith.constant 0 : i32
      %dma_wait3A_89 = tpu.memref_slice %arg6[%dma_wait3A_87, %dma_wait3A_88] : memref<8x128xi32, #tpu.memory_space<vmem>> -> memref<1x128xi32, #tpu.memory_space<vmem>>
      %dma_wait3A_90 = tpu.memref_squeeze %dma_wait3A_89 : memref<1x128xi32, #tpu.memory_space<vmem>> -> memref<128xi32, #tpu.memory_space<vmem>>
      %dma_wait3A_91 = arith.constant 0 : i32
      %dma_wait3A_92 = arith.constant 0 : i32
      %dma_wait3A_93 = tpu.memref_slice %arg2[%dma_wait3A_91, %dma_wait3A_92] : memref<10000x128xf32, #tpu.memory_space<hbm>> -> memref<10000x128xf32, #tpu.memory_space<hbm>>
      tpu.wait_indirect_dma semaphore(%arg10 : memref<!tpu.dma_semaphore, #tpu.memory_space<semaphore_mem>>) src(%dma_wait3A_93 : memref<10000x128xf32, #tpu.memory_space<hbm>>) dst(%arg8 : memref<128x128xf32, #tpu.memory_space<vmem>>)
      %run_scoped3A_94 = arith.constant 3 : i32
      "tpu.region"() ({
        %run_scoped3A_155 = tpu.sem_alloc : memref<!tpu.dma_semaphore, #tpu.memory_space<semaphore_mem>>
        %dma_start3A_156 = arith.constant 0 : i32
        %dma_start3A_157 = tpu.memref_slice %arg7[%run_scoped3A_94, %dma_start3A_156] : memref<8x128xi32, #tpu.memory_space<vmem>> -> memref<1x128xi32, #tpu.memory_space<vmem>>
        %dma_start3A_158 = tpu.memref_squeeze %dma_start3A_157 : memref<1x128xi32, #tpu.memory_space<vmem>> -> memref<128xi32, #tpu.memory_space<vmem>>
        %dma_start3A_159 = arith.constant 0 : i32
        %dma_start3A_160 = arith.constant 0 : i32
        %dma_start3A_161 = tpu.memref_slice %arg9[%dma_start3A_159, %dma_start3A_160] : memref<10112x128xf32, #tpu.memory_space<vmem_shared>> -> memref<10112x128xf32, #tpu.memory_space<vmem_shared>>
        tpu.enqueue_indirect_dma source(%arg8 : memref<128x128xf32, #tpu.memory_space<vmem>>) target(%dma_start3A_161 : memref<10112x128xf32, #tpu.memory_space<vmem_shared>>) offsets(%dma_start3A_158 : memref<128xi32, #tpu.memory_space<vmem>>) semaphore(%run_scoped3A_155 : memref<!tpu.dma_semaphore, #tpu.memory_space<semaphore_mem>>) {add = true}
        %dma_wait3A_162 = arith.constant 0 : i32
        %dma_wait3A_163 = tpu.memref_slice %arg7[%run_scoped3A_94, %dma_wait3A_162] : memref<8x128xi32, #tpu.memory_space<vmem>> -> memref<1x128xi32, #tpu.memory_space<vmem>>
        %dma_wait3A_164 = tpu.memref_squeeze %dma_wait3A_163 : memref<1x128xi32, #tpu.memory_space<vmem>> -> memref<128xi32, #tpu.memory_space<vmem>>
        %dma_wait3A_165 = arith.constant 0 : i32
        %dma_wait3A_166 = arith.constant 0 : i32
        %dma_wait3A_167 = tpu.memref_slice %arg9[%dma_wait3A_165, %dma_wait3A_166] : memref<10112x128xf32, #tpu.memory_space<vmem_shared>> -> memref<10112x128xf32, #tpu.memory_space<vmem_shared>>
        tpu.wait_indirect_dma semaphore(%run_scoped3A_155 : memref<!tpu.dma_semaphore, #tpu.memory_space<semaphore_mem>>) src(%arg8 : memref<128x128xf32, #tpu.memory_space<vmem>>) dst(%dma_wait3A_167 : memref<10112x128xf32, #tpu.memory_space<vmem_shared>>)
        tpu.yield
      }) : () -> ()
      %dma_start3A_95 = arith.constant 4 : i32
      %dma_start3A_96 = arith.constant 0 : i32
      %dma_start3A_97 = tpu.memref_slice %arg6[%dma_start3A_95, %dma_start3A_96] : memref<8x128xi32, #tpu.memory_space<vmem>> -> memref<1x128xi32, #tpu.memory_space<vmem>>
      %dma_start3A_98 = tpu.memref_squeeze %dma_start3A_97 : memref<1x128xi32, #tpu.memory_space<vmem>> -> memref<128xi32, #tpu.memory_space<vmem>>
      %dma_start3A_99 = arith.constant 0 : i32
      %dma_start3A_100 = arith.constant 0 : i32
      %dma_start3A_101 = tpu.memref_slice %arg2[%dma_start3A_99, %dma_start3A_100] : memref<10000x128xf32, #tpu.memory_space<hbm>> -> memref<10000x128xf32, #tpu.memory_space<hbm>>
      tpu.enqueue_indirect_dma source(%dma_start3A_101 : memref<10000x128xf32, #tpu.memory_space<hbm>>) target(%arg8 : memref<128x128xf32, #tpu.memory_space<vmem>>) offsets(%dma_start3A_98 : memref<128xi32, #tpu.memory_space<vmem>>) semaphore(%arg10 : memref<!tpu.dma_semaphore, #tpu.memory_space<semaphore_mem>>)
      %dma_wait3A_102 = arith.constant 4 : i32
      %dma_wait3A_103 = arith.constant 0 : i32
      %dma_wait3A_104 = tpu.memref_slice %arg6[%dma_wait3A_102, %dma_wait3A_103] : memref<8x128xi32, #tpu.memory_space<vmem>> -> memref<1x128xi32, #tpu.memory_space<vmem>>
      %dma_wait3A_105 = tpu.memref_squeeze %dma_wait3A_104 : memref<1x128xi32, #tpu.memory_space<vmem>> -> memref<128xi32, #tpu.memory_space<vmem>>
      %dma_wait3A_106 = arith.constant 0 : i32
      %dma_wait3A_107 = arith.constant 0 : i32
      %dma_wait3A_108 = tpu.memref_slice %arg2[%dma_wait3A_106, %dma_wait3A_107] : memref<10000x128xf32, #tpu.memory_space<hbm>> -> memref<10000x128xf32, #tpu.memory_space<hbm>>
      tpu.wait_indirect_dma semaphore(%arg10 : memref<!tpu.dma_semaphore, #tpu.memory_space<semaphore_mem>>) src(%dma_wait3A_108 : memref<10000x128xf32, #tpu.memory_space<hbm>>) dst(%arg8 : memref<128x128xf32, #tpu.memory_space<vmem>>)
      %run_scoped3A_109 = arith.constant 4 : i32
      "tpu.region"() ({
        %run_scoped3A_155 = tpu.sem_alloc : memref<!tpu.dma_semaphore, #tpu.memory_space<semaphore_mem>>
        %dma_start3A_156 = arith.constant 0 : i32
        %dma_start3A_157 = tpu.memref_slice %arg7[%run_scoped3A_109, %dma_start3A_156] : memref<8x128xi32, #tpu.memory_space<vmem>> -> memref<1x128xi32, #tpu.memory_space<vmem>>
        %dma_start3A_158 = tpu.memref_squeeze %dma_start3A_157 : memref<1x128xi32, #tpu.memory_space<vmem>> -> memref<128xi32, #tpu.memory_space<vmem>>
        %dma_start3A_159 = arith.constant 0 : i32
        %dma_start3A_160 = arith.constant 0 : i32
        %dma_start3A_161 = tpu.memref_slice %arg9[%dma_start3A_159, %dma_start3A_160] : memref<10112x128xf32, #tpu.memory_space<vmem_shared>> -> memref<10112x128xf32, #tpu.memory_space<vmem_shared>>
        tpu.enqueue_indirect_dma source(%arg8 : memref<128x128xf32, #tpu.memory_space<vmem>>) target(%dma_start3A_161 : memref<10112x128xf32, #tpu.memory_space<vmem_shared>>) offsets(%dma_start3A_158 : memref<128xi32, #tpu.memory_space<vmem>>) semaphore(%run_scoped3A_155 : memref<!tpu.dma_semaphore, #tpu.memory_space<semaphore_mem>>) {add = true}
        %dma_wait3A_162 = arith.constant 0 : i32
        %dma_wait3A_163 = tpu.memref_slice %arg7[%run_scoped3A_109, %dma_wait3A_162] : memref<8x128xi32, #tpu.memory_space<vmem>> -> memref<1x128xi32, #tpu.memory_space<vmem>>
        %dma_wait3A_164 = tpu.memref_squeeze %dma_wait3A_163 : memref<1x128xi32, #tpu.memory_space<vmem>> -> memref<128xi32, #tpu.memory_space<vmem>>
        %dma_wait3A_165 = arith.constant 0 : i32
        %dma_wait3A_166 = arith.constant 0 : i32
        %dma_wait3A_167 = tpu.memref_slice %arg9[%dma_wait3A_165, %dma_wait3A_166] : memref<10112x128xf32, #tpu.memory_space<vmem_shared>> -> memref<10112x128xf32, #tpu.memory_space<vmem_shared>>
        tpu.wait_indirect_dma semaphore(%run_scoped3A_155 : memref<!tpu.dma_semaphore, #tpu.memory_space<semaphore_mem>>) src(%arg8 : memref<128x128xf32, #tpu.memory_space<vmem>>) dst(%dma_wait3A_167 : memref<10112x128xf32, #tpu.memory_space<vmem_shared>>)
        tpu.yield
      }) : () -> ()
      %dma_start3A_110 = arith.constant 5 : i32
      %dma_start3A_111 = arith.constant 0 : i32
      %dma_start3A_112 = tpu.memref_slice %arg6[%dma_start3A_110, %dma_start3A_111] : memref<8x128xi32, #tpu.memory_space<vmem>> -> memref<1x128xi32, #tpu.memory_space<vmem>>
      %dma_start3A_113 = tpu.memref_squeeze %dma_start3A_112 : memref<1x128xi32, #tpu.memory_space<vmem>> -> memref<128xi32, #tpu.memory_space<vmem>>
      %dma_start3A_114 = arith.constant 0 : i32
      %dma_start3A_115 = arith.constant 0 : i32
      %dma_start3A_116 = tpu.memref_slice %arg2[%dma_start3A_114, %dma_start3A_115] : memref<10000x128xf32, #tpu.memory_space<hbm>> -> memref<10000x128xf32, #tpu.memory_space<hbm>>
      tpu.enqueue_indirect_dma source(%dma_start3A_116 : memref<10000x128xf32, #tpu.memory_space<hbm>>) target(%arg8 : memref<128x128xf32, #tpu.memory_space<vmem>>) offsets(%dma_start3A_113 : memref<128xi32, #tpu.memory_space<vmem>>) semaphore(%arg10 : memref<!tpu.dma_semaphore, #tpu.memory_space<semaphore_mem>>)
      %dma_wait3A_117 = arith.constant 5 : i32
      %dma_wait3A_118 = arith.constant 0 : i32
      %dma_wait3A_119 = tpu.memref_slice %arg6[%dma_wait3A_117, %dma_wait3A_118] : memref<8x128xi32, #tpu.memory_space<vmem>> -> memref<1x128xi32, #tpu.memory_space<vmem>>
      %dma_wait3A_120 = tpu.memref_squeeze %dma_wait3A_119 : memref<1x128xi32, #tpu.memory_space<vmem>> -> memref<128xi32, #tpu.memory_space<vmem>>
      %dma_wait3A_121 = arith.constant 0 : i32
      %dma_wait3A_122 = arith.constant 0 : i32
      %dma_wait3A_123 = tpu.memref_slice %arg2[%dma_wait3A_121, %dma_wait3A_122] : memref<10000x128xf32, #tpu.memory_space<hbm>> -> memref<10000x128xf32, #tpu.memory_space<hbm>>
      tpu.wait_indirect_dma semaphore(%arg10 : memref<!tpu.dma_semaphore, #tpu.memory_space<semaphore_mem>>) src(%dma_wait3A_123 : memref<10000x128xf32, #tpu.memory_space<hbm>>) dst(%arg8 : memref<128x128xf32, #tpu.memory_space<vmem>>)
      %run_scoped3A_124 = arith.constant 5 : i32
      "tpu.region"() ({
        %run_scoped3A_155 = tpu.sem_alloc : memref<!tpu.dma_semaphore, #tpu.memory_space<semaphore_mem>>
        %dma_start3A_156 = arith.constant 0 : i32
        %dma_start3A_157 = tpu.memref_slice %arg7[%run_scoped3A_124, %dma_start3A_156] : memref<8x128xi32, #tpu.memory_space<vmem>> -> memref<1x128xi32, #tpu.memory_space<vmem>>
        %dma_start3A_158 = tpu.memref_squeeze %dma_start3A_157 : memref<1x128xi32, #tpu.memory_space<vmem>> -> memref<128xi32, #tpu.memory_space<vmem>>
        %dma_start3A_159 = arith.constant 0 : i32
        %dma_start3A_160 = arith.constant 0 : i32
        %dma_start3A_161 = tpu.memref_slice %arg9[%dma_start3A_159, %dma_start3A_160] : memref<10112x128xf32, #tpu.memory_space<vmem_shared>> -> memref<10112x128xf32, #tpu.memory_space<vmem_shared>>
        tpu.enqueue_indirect_dma source(%arg8 : memref<128x128xf32, #tpu.memory_space<vmem>>) target(%dma_start3A_161 : memref<10112x128xf32, #tpu.memory_space<vmem_shared>>) offsets(%dma_start3A_158 : memref<128xi32, #tpu.memory_space<vmem>>) semaphore(%run_scoped3A_155 : memref<!tpu.dma_semaphore, #tpu.memory_space<semaphore_mem>>) {add = true}
        %dma_wait3A_162 = arith.constant 0 : i32
        %dma_wait3A_163 = tpu.memref_slice %arg7[%run_scoped3A_124, %dma_wait3A_162] : memref<8x128xi32, #tpu.memory_space<vmem>> -> memref<1x128xi32, #tpu.memory_space<vmem>>
        %dma_wait3A_164 = tpu.memref_squeeze %dma_wait3A_163 : memref<1x128xi32, #tpu.memory_space<vmem>> -> memref<128xi32, #tpu.memory_space<vmem>>
        %dma_wait3A_165 = arith.constant 0 : i32
        %dma_wait3A_166 = arith.constant 0 : i32
        %dma_wait3A_167 = tpu.memref_slice %arg9[%dma_wait3A_165, %dma_wait3A_166] : memref<10112x128xf32, #tpu.memory_space<vmem_shared>> -> memref<10112x128xf32, #tpu.memory_space<vmem_shared>>
        tpu.wait_indirect_dma semaphore(%run_scoped3A_155 : memref<!tpu.dma_semaphore, #tpu.memory_space<semaphore_mem>>) src(%arg8 : memref<128x128xf32, #tpu.memory_space<vmem>>) dst(%dma_wait3A_167 : memref<10112x128xf32, #tpu.memory_space<vmem_shared>>)
        tpu.yield
      }) : () -> ()
      %dma_start3A_125 = arith.constant 6 : i32
      %dma_start3A_126 = arith.constant 0 : i32
      %dma_start3A_127 = tpu.memref_slice %arg6[%dma_start3A_125, %dma_start3A_126] : memref<8x128xi32, #tpu.memory_space<vmem>> -> memref<1x128xi32, #tpu.memory_space<vmem>>
      %dma_start3A_128 = tpu.memref_squeeze %dma_start3A_127 : memref<1x128xi32, #tpu.memory_space<vmem>> -> memref<128xi32, #tpu.memory_space<vmem>>
      %dma_start3A_129 = arith.constant 0 : i32
      %dma_start3A_130 = arith.constant 0 : i32
      %dma_start3A_131 = tpu.memref_slice %arg2[%dma_start3A_129, %dma_start3A_130] : memref<10000x128xf32, #tpu.memory_space<hbm>> -> memref<10000x128xf32, #tpu.memory_space<hbm>>
      tpu.enqueue_indirect_dma source(%dma_start3A_131 : memref<10000x128xf32, #tpu.memory_space<hbm>>) target(%arg8 : memref<128x128xf32, #tpu.memory_space<vmem>>) offsets(%dma_start3A_128 : memref<128xi32, #tpu.memory_space<vmem>>) semaphore(%arg10 : memref<!tpu.dma_semaphore, #tpu.memory_space<semaphore_mem>>)
      %dma_wait3A_132 = arith.constant 6 : i32
      %dma_wait3A_133 = arith.constant 0 : i32
      %dma_wait3A_134 = tpu.memref_slice %arg6[%dma_wait3A_132, %dma_wait3A_133] : memref<8x128xi32, #tpu.memory_space<vmem>> -> memref<1x128xi32, #tpu.memory_space<vmem>>
      %dma_wait3A_135 = tpu.memref_squeeze %dma_wait3A_134 : memref<1x128xi32, #tpu.memory_space<vmem>> -> memref<128xi32, #tpu.memory_space<vmem>>
      %dma_wait3A_136 = arith.constant 0 : i32
      %dma_wait3A_137 = arith.constant 0 : i32
      %dma_wait3A_138 = tpu.memref_slice %arg2[%dma_wait3A_136, %dma_wait3A_137] : memref<10000x128xf32, #tpu.memory_space<hbm>> -> memref<10000x128xf32, #tpu.memory_space<hbm>>
      tpu.wait_indirect_dma semaphore(%arg10 : memref<!tpu.dma_semaphore, #tpu.memory_space<semaphore_mem>>) src(%dma_wait3A_138 : memref<10000x128xf32, #tpu.memory_space<hbm>>) dst(%arg8 : memref<128x128xf32, #tpu.memory_space<vmem>>)
      %run_scoped3A_139 = arith.constant 6 : i32
      "tpu.region"() ({
        %run_scoped3A_155 = tpu.sem_alloc : memref<!tpu.dma_semaphore, #tpu.memory_space<semaphore_mem>>
        %dma_start3A_156 = arith.constant 0 : i32
        %dma_start3A_157 = tpu.memref_slice %arg7[%run_scoped3A_139, %dma_start3A_156] : memref<8x128xi32, #tpu.memory_space<vmem>> -> memref<1x128xi32, #tpu.memory_space<vmem>>
        %dma_start3A_158 = tpu.memref_squeeze %dma_start3A_157 : memref<1x128xi32, #tpu.memory_space<vmem>> -> memref<128xi32, #tpu.memory_space<vmem>>
        %dma_start3A_159 = arith.constant 0 : i32
        %dma_start3A_160 = arith.constant 0 : i32
        %dma_start3A_161 = tpu.memref_slice %arg9[%dma_start3A_159, %dma_start3A_160] : memref<10112x128xf32, #tpu.memory_space<vmem_shared>> -> memref<10112x128xf32, #tpu.memory_space<vmem_shared>>
        tpu.enqueue_indirect_dma source(%arg8 : memref<128x128xf32, #tpu.memory_space<vmem>>) target(%dma_start3A_161 : memref<10112x128xf32, #tpu.memory_space<vmem_shared>>) offsets(%dma_start3A_158 : memref<128xi32, #tpu.memory_space<vmem>>) semaphore(%run_scoped3A_155 : memref<!tpu.dma_semaphore, #tpu.memory_space<semaphore_mem>>) {add = true}
        %dma_wait3A_162 = arith.constant 0 : i32
        %dma_wait3A_163 = tpu.memref_slice %arg7[%run_scoped3A_139, %dma_wait3A_162] : memref<8x128xi32, #tpu.memory_space<vmem>> -> memref<1x128xi32, #tpu.memory_space<vmem>>
        %dma_wait3A_164 = tpu.memref_squeeze %dma_wait3A_163 : memref<1x128xi32, #tpu.memory_space<vmem>> -> memref<128xi32, #tpu.memory_space<vmem>>
        %dma_wait3A_165 = arith.constant 0 : i32
        %dma_wait3A_166 = arith.constant 0 : i32
        %dma_wait3A_167 = tpu.memref_slice %arg9[%dma_wait3A_165, %dma_wait3A_166] : memref<10112x128xf32, #tpu.memory_space<vmem_shared>> -> memref<10112x128xf32, #tpu.memory_space<vmem_shared>>
        tpu.wait_indirect_dma semaphore(%run_scoped3A_155 : memref<!tpu.dma_semaphore, #tpu.memory_space<semaphore_mem>>) src(%arg8 : memref<128x128xf32, #tpu.memory_space<vmem>>) dst(%dma_wait3A_167 : memref<10112x128xf32, #tpu.memory_space<vmem_shared>>)
        tpu.yield
      }) : () -> ()
      %dma_start3A_140 = arith.constant 7 : i32
      %dma_start3A_141 = arith.constant 0 : i32
      %dma_start3A_142 = tpu.memref_slice %arg6[%dma_start3A_140, %dma_start3A_141] : memref<8x128xi32, #tpu.memory_space<vmem>> -> memref<1x128xi32, #tpu.memory_space<vmem>>
      %dma_start3A_143 = tpu.memref_squeeze %dma_start3A_142 : memref<1x128xi32, #tpu.memory_space<vmem>> -> memref<128xi32, #tpu.memory_space<vmem>>
      %dma_start3A_144 = arith.constant 0 : i32
      %dma_start3A_145 = arith.constant 0 : i32
      %dma_start3A_146 = tpu.memref_slice %arg2[%dma_start3A_144, %dma_start3A_145] : memref<10000x128xf32, #tpu.memory_space<hbm>> -> memref<10000x128xf32, #tpu.memory_space<hbm>>
      tpu.enqueue_indirect_dma source(%dma_start3A_146 : memref<10000x128xf32, #tpu.memory_space<hbm>>) target(%arg8 : memref<128x128xf32, #tpu.memory_space<vmem>>) offsets(%dma_start3A_143 : memref<128xi32, #tpu.memory_space<vmem>>) semaphore(%arg10 : memref<!tpu.dma_semaphore, #tpu.memory_space<semaphore_mem>>)
      %dma_wait3A_147 = arith.constant 7 : i32
      %dma_wait3A_148 = arith.constant 0 : i32
      %dma_wait3A_149 = tpu.memref_slice %arg6[%dma_wait3A_147, %dma_wait3A_148] : memref<8x128xi32, #tpu.memory_space<vmem>> -> memref<1x128xi32, #tpu.memory_space<vmem>>
      %dma_wait3A_150 = tpu.memref_squeeze %dma_wait3A_149 : memref<1x128xi32, #tpu.memory_space<vmem>> -> memref<128xi32, #tpu.memory_space<vmem>>
      %dma_wait3A_151 = arith.constant 0 : i32
      %dma_wait3A_152 = arith.constant 0 : i32
      %dma_wait3A_153 = tpu.memref_slice %arg2[%dma_wait3A_151, %dma_wait3A_152] : memref<10000x128xf32, #tpu.memory_space<hbm>> -> memref<10000x128xf32, #tpu.memory_space<hbm>>
      tpu.wait_indirect_dma semaphore(%arg10 : memref<!tpu.dma_semaphore, #tpu.memory_space<semaphore_mem>>) src(%dma_wait3A_153 : memref<10000x128xf32, #tpu.memory_space<hbm>>) dst(%arg8 : memref<128x128xf32, #tpu.memory_space<vmem>>)
      %run_scoped3A_154 = arith.constant 7 : i32
      "tpu.region"() ({
        %run_scoped3A_155 = tpu.sem_alloc : memref<!tpu.dma_semaphore, #tpu.memory_space<semaphore_mem>>
        %dma_start3A_156 = arith.constant 0 : i32
        %dma_start3A_157 = tpu.memref_slice %arg7[%run_scoped3A_154, %dma_start3A_156] : memref<8x128xi32, #tpu.memory_space<vmem>> -> memref<1x128xi32, #tpu.memory_space<vmem>>
        %dma_start3A_158 = tpu.memref_squeeze %dma_start3A_157 : memref<1x128xi32, #tpu.memory_space<vmem>> -> memref<128xi32, #tpu.memory_space<vmem>>
        %dma_start3A_159 = arith.constant 0 : i32
        %dma_start3A_160 = arith.constant 0 : i32
        %dma_start3A_161 = tpu.memref_slice %arg9[%dma_start3A_159, %dma_start3A_160] : memref<10112x128xf32, #tpu.memory_space<vmem_shared>> -> memref<10112x128xf32, #tpu.memory_space<vmem_shared>>
        tpu.enqueue_indirect_dma source(%arg8 : memref<128x128xf32, #tpu.memory_space<vmem>>) target(%dma_start3A_161 : memref<10112x128xf32, #tpu.memory_space<vmem_shared>>) offsets(%dma_start3A_158 : memref<128xi32, #tpu.memory_space<vmem>>) semaphore(%run_scoped3A_155 : memref<!tpu.dma_semaphore, #tpu.memory_space<semaphore_mem>>) {add = true}
        %dma_wait3A_162 = arith.constant 0 : i32
        %dma_wait3A_163 = tpu.memref_slice %arg7[%run_scoped3A_154, %dma_wait3A_162] : memref<8x128xi32, #tpu.memory_space<vmem>> -> memref<1x128xi32, #tpu.memory_space<vmem>>
        %dma_wait3A_164 = tpu.memref_squeeze %dma_wait3A_163 : memref<1x128xi32, #tpu.memory_space<vmem>> -> memref<128xi32, #tpu.memory_space<vmem>>
        %dma_wait3A_165 = arith.constant 0 : i32
        %dma_wait3A_166 = arith.constant 0 : i32
        %dma_wait3A_167 = tpu.memref_slice %arg9[%dma_wait3A_165, %dma_wait3A_166] : memref<10112x128xf32, #tpu.memory_space<vmem_shared>> -> memref<10112x128xf32, #tpu.memory_space<vmem_shared>>
        tpu.wait_indirect_dma semaphore(%run_scoped3A_155 : memref<!tpu.dma_semaphore, #tpu.memory_space<semaphore_mem>>) src(%arg8 : memref<128x128xf32, #tpu.memory_space<vmem>>) dst(%dma_wait3A_167 : memref<10112x128xf32, #tpu.memory_space<vmem_shared>>)
        tpu.yield
      }) : () -> ()
    }
    %scan3A_21 = arith.constant 10 : i32
    %barrier3A_22 = arith.constant 0 : index
    tpu.barrier barrier_id(%barrier3A_22)
    %mul3A_23 = arith.constant 624 : i32
    %mul3A_24 = arith.muli %arg1, %mul3A_23 : i32
    %mul3A_25 = arith.constant 624 : i32
    %mul3A_26 = arith.muli %arg1, %mul3A_25 : i32
    "tpu.region"() ({
      %run_scoped3A = tpu.sem_alloc : memref<!tpu.dma_semaphore, #tpu.memory_space<semaphore_mem>>
      %dma_start3A = arith.constant 0 : i32
      %dma_start3A_29 = tpu.memref_slice %arg5[%arg0, %mul3A_26, %dma_start3A] : memref<2x10000x128xf32, #tpu.memory_space<hbm>> -> memref<1x624x128xf32, #tpu.memory_space<hbm>>
      %dma_start3A_30 = tpu.memref_squeeze %dma_start3A_29 : memref<1x624x128xf32, #tpu.memory_space<hbm>> -> memref<624x128xf32, #tpu.memory_space<hbm>>
      %dma_start3A_31 = arith.constant 0 : i32
      %dma_start3A_32 = tpu.memref_slice %arg9[%mul3A_24, %dma_start3A_31] : memref<10112x128xf32, #tpu.memory_space<vmem_shared>> -> memref<624x128xf32, #tpu.memory_space<vmem_shared>>
      tpu.enqueue_dma source(%dma_start3A_32 : memref<624x128xf32, #tpu.memory_space<vmem_shared>>) target(%dma_start3A_30 : memref<624x128xf32, #tpu.memory_space<hbm>>) target_semaphore(%run_scoped3A : memref<!tpu.dma_semaphore, #tpu.memory_space<semaphore_mem>>)
      %dma_wait3A = arith.constant 0 : i32
      %dma_wait3A_33 = tpu.memref_slice %arg5[%arg0, %mul3A_26, %dma_wait3A] : memref<2x10000x128xf32, #tpu.memory_space<hbm>> -> memref<1x624x128xf32, #tpu.memory_space<hbm>>
      %dma_wait3A_34 = tpu.memref_squeeze %dma_wait3A_33 : memref<1x624x128xf32, #tpu.memory_space<hbm>> -> memref<624x128xf32, #tpu.memory_space<hbm>>
      %dma_wait3A_35 = arith.constant 0 : i32
      %dma_wait3A_36 = tpu.memref_slice %arg9[%mul3A_24, %dma_wait3A_35] : memref<10112x128xf32, #tpu.memory_space<vmem_shared>> -> memref<624x128xf32, #tpu.memory_space<vmem_shared>>
      tpu.wait_dma2 semaphore(%run_scoped3A : memref<!tpu.dma_semaphore, #tpu.memory_space<semaphore_mem>>) src(%dma_wait3A_36 : memref<624x128xf32, #tpu.memory_space<vmem_shared>>) dst(%dma_wait3A_34 : memref<624x128xf32, #tpu.memory_space<hbm>>)
      tpu.yield
    }) : () -> ()
    %eq3A = arith.constant 0 : i32
    %eq3A_27 = arith.cmpi eq, %arg1, %eq3A : i32
    %convert_element_type3A = arith.extui %eq3A_27 : i1 to i32
    %cond3A = arith.constant 0 : i32
    %cond3A_28 = arith.cmpi ne, %convert_element_type3A, %cond3A : i32
    scf.if %cond3A_28 {
      "tpu.region"() ({
        %run_scoped3A = tpu.sem_alloc : memref<!tpu.dma_semaphore, #tpu.memory_space<semaphore_mem>>
        %dma_start3A = arith.constant 9984 : i32
        %dma_start3A_29 = arith.constant 0 : i32
        %dma_start3A_30 = tpu.memref_slice %arg5[%arg0, %dma_start3A, %dma_start3A_29] : memref<2x10000x128xf32, #tpu.memory_space<hbm>> -> memref<1x16x128xf32, #tpu.memory_space<hbm>>
        %dma_start3A_31 = tpu.memref_squeeze %dma_start3A_30 : memref<1x16x128xf32, #tpu.memory_space<hbm>> -> memref<16x128xf32, #tpu.memory_space<hbm>>
        %dma_start3A_32 = arith.constant 9984 : i32
        %dma_start3A_33 = arith.constant 0 : i32
        %dma_start3A_34 = tpu.memref_slice %arg9[%dma_start3A_32, %dma_start3A_33] : memref<10112x128xf32, #tpu.memory_space<vmem_shared>> -> memref<16x128xf32, #tpu.memory_space<vmem_shared>>
        tpu.enqueue_dma source(%dma_start3A_34 : memref<16x128xf32, #tpu.memory_space<vmem_shared>>) target(%dma_start3A_31 : memref<16x128xf32, #tpu.memory_space<hbm>>) target_semaphore(%run_scoped3A : memref<!tpu.dma_semaphore, #tpu.memory_space<semaphore_mem>>)
        %dma_wait3A = arith.constant 9984 : i32
        %dma_wait3A_35 = arith.constant 0 : i32
        %dma_wait3A_36 = tpu.memref_slice %arg5[%arg0, %dma_wait3A, %dma_wait3A_35] : memref<2x10000x128xf32, #tpu.memory_space<hbm>> -> memref<1x16x128xf32, #tpu.memory_space<hbm>>
        %dma_wait3A_37 = tpu.memref_squeeze %dma_wait3A_36 : memref<1x16x128xf32, #tpu.memory_space<hbm>> -> memref<16x128xf32, #tpu.memory_space<hbm>>
        %dma_wait3A_38 = arith.constant 9984 : i32
        %dma_wait3A_39 = arith.constant 0 : i32
        %dma_wait3A_40 = tpu.memref_slice %arg9[%dma_wait3A_38, %dma_wait3A_39] : memref<10112x128xf32, #tpu.memory_space<vmem_shared>> -> memref<16x128xf32, #tpu.memory_space<vmem_shared>>
        tpu.wait_dma2 semaphore(%run_scoped3A : memref<!tpu.dma_semaphore, #tpu.memory_space<semaphore_mem>>) src(%dma_wait3A_40 : memref<16x128xf32, #tpu.memory_space<vmem_shared>>) dst(%dma_wait3A_37 : memref<16x128xf32, #tpu.memory_space<hbm>>)
        tpu.yield
      }) : () -> ()
    } else {
    }
    return
  }
}

#map = affine_map<(d0, d1) -> (0, 0, 0)>
module attributes {stable_mosaic.version = 14 : i64} {
  func.func @k(%arg0: i32, %arg1: i32, %arg2: memref<32x80x128xi32, #tpu.memory_space<hbm>>, %arg3: memref<2x10000x128xf32, #tpu.memory_space<hbm>>, %arg4: memref<80x128xi32, #tpu.memory_space<vmem>>, %arg5: memref<128x128xf32, #tpu.memory_space<vmem>>, %arg6: memref<10112x128xf32, #tpu.memory_space<vmem_shared>>, %arg7: memref<!tpu.dma_semaphore, #tpu.memory_space<semaphore_mem>>, %arg8: memref<!tpu.dma_semaphore, #tpu.memory_space<semaphore_mem>>) attributes {dimension_semantics = [#tpu.dimension_semantics<core_parallel>, #tpu.dimension_semantics<subcore_parallel>], iteration_bounds = array<i64: 2, 16>, scalar_prefetch = 0 : i64, scratch_operands = 5 : i64, tpu.core_type = #tpu.core_type<sc_vector_subcore>, window_params = [{transform_indices = #map}, {transform_indices = #map}]} {
    %mul3A = arith.constant 2 : i32
    %mul3A_0 = arith.muli %arg1, %mul3A : i32
    %add3A = arith.addi %mul3A_0, %arg0 : i32
    "tpu.region"() ({
      %run_scoped3A = tpu.sem_alloc : memref<!tpu.dma_semaphore, #tpu.memory_space<semaphore_mem>>
      %dma_start3A = arith.constant 0 : i32
      %dma_start3A_34 = arith.constant 0 : i32
      %dma_start3A_35 = tpu.memref_slice %arg2[%add3A, %dma_start3A, %dma_start3A_34] : memref<32x80x128xi32, #tpu.memory_space<hbm>> -> memref<1x80x128xi32, #tpu.memory_space<hbm>>
      %dma_start3A_36 = tpu.memref_squeeze %dma_start3A_35 : memref<1x80x128xi32, #tpu.memory_space<hbm>> -> memref<80x128xi32, #tpu.memory_space<hbm>>
      %dma_start3A_37 = arith.constant 0 : i32
      %dma_start3A_38 = arith.constant 0 : i32
      %dma_start3A_39 = tpu.memref_slice %arg2[%add3A, %dma_start3A_37, %dma_start3A_38] : memref<32x80x128xi32, #tpu.memory_space<hbm>> -> memref<1x80x128xi32, #tpu.memory_space<hbm>>
      %dma_start3A_40 = tpu.memref_squeeze %dma_start3A_39 : memref<1x80x128xi32, #tpu.memory_space<hbm>> -> memref<80x128xi32, #tpu.memory_space<hbm>>
      tpu.enqueue_dma source(%dma_start3A_40 : memref<80x128xi32, #tpu.memory_space<hbm>>) target(%arg4 : memref<80x128xi32, #tpu.memory_space<vmem>>) target_semaphore(%run_scoped3A : memref<!tpu.dma_semaphore, #tpu.memory_space<semaphore_mem>>)
      %dma_wait3A = arith.constant 0 : i32
      %dma_wait3A_41 = arith.constant 0 : i32
      %dma_wait3A_42 = tpu.memref_slice %arg2[%add3A, %dma_wait3A, %dma_wait3A_41] : memref<32x80x128xi32, #tpu.memory_space<hbm>> -> memref<1x80x128xi32, #tpu.memory_space<hbm>>
      %dma_wait3A_43 = tpu.memref_squeeze %dma_wait3A_42 : memref<1x80x128xi32, #tpu.memory_space<hbm>> -> memref<80x128xi32, #tpu.memory_space<hbm>>
      %dma_wait3A_44 = arith.constant 0 : i32
      %dma_wait3A_45 = arith.constant 0 : i32
      %dma_wait3A_46 = tpu.memref_slice %arg2[%add3A, %dma_wait3A_44, %dma_wait3A_45] : memref<32x80x128xi32, #tpu.memory_space<hbm>> -> memref<1x80x128xi32, #tpu.memory_space<hbm>>
      %dma_wait3A_47 = tpu.memref_squeeze %dma_wait3A_46 : memref<1x80x128xi32, #tpu.memory_space<hbm>> -> memref<80x128xi32, #tpu.memory_space<hbm>>
      tpu.wait_dma2 semaphore(%run_scoped3A : memref<!tpu.dma_semaphore, #tpu.memory_space<semaphore_mem>>) src(%dma_wait3A_47 : memref<80x128xi32, #tpu.memory_space<hbm>>) dst(%arg4 : memref<80x128xi32, #tpu.memory_space<vmem>>)
      tpu.yield
    }) : () -> ()
    %scan3A = arith.constant 0 : i32
    %scan3A_1 = arith.constant 128 : i32
    %scan3A_2 = arith.addi %scan3A, %scan3A_1 : i32
    %scan3A_3 = arith.constant 1 : i32
    scf.for %scan3A_34 = %scan3A to %scan3A_2 step %scan3A_3  : i32 {
      %mul3A_35 = arith.constant 1 : i32
      %mul3A_36 = arith.muli %scan3A_34, %mul3A_35 : i32
      %add3A_37 = arith.constant 0 : i32
      %add3A_38 = arith.addi %add3A_37, %mul3A_36 : i32
      %scan3A_39 = arith.constant 0 : i32
      %scan3A_40 = arith.constant 8 : i32
      %scan3A_41 = arith.addi %scan3A_39, %scan3A_40 : i32
      %scan3A_42 = arith.constant 1 : i32
      scf.for %scan3A_44 = %scan3A_39 to %scan3A_41 step %scan3A_42  : i32 {
        %mul3A_45 = arith.constant 1 : i32
        %mul3A_46 = arith.muli %scan3A_44, %mul3A_45 : i32
        %add3A_47 = arith.constant 0 : i32
        %add3A_48 = arith.addi %add3A_47, %mul3A_46 : i32
        %broadcast_in_dim3A = arith.constant 0.000000e+00 : f32
        %broadcast_in_dim3A_49 = vector.broadcast %broadcast_in_dim3A : f32 to vector<16xf32>
        %mul3A_50 = arith.constant 16 : i32
        %mul3A_51 = arith.muli %add3A_48, %mul3A_50 : i32
        %swap3A = arith.index_cast %add3A_38 : i32 to index
        %swap3A_52 = arith.index_cast %mul3A_51 : i32 to index
        %swap3A_53 = tpu.vector_load %arg5[%swap3A, %swap3A_52] {strides = array<i32>} : memref<128x128xf32, #tpu.memory_space<vmem>>, vector<1x16xf32>,
        %swap3A_54 = vector.shape_cast %swap3A_53 : vector<1x16xf32> to vector<16xf32>
        %swap3A_55 = vector.shape_cast %broadcast_in_dim3A_49 : vector<16xf32> to vector<1x16xf32>
        tpu.vector_store %arg5[%swap3A, %swap3A_52], %swap3A_55 {strides = array<i32>} : memref<128x128xf32, #tpu.memory_space<vmem>>, vector<1x16xf32>,
      }
      %scan3A_43 = arith.constant 8 : i32
    }
    %scan3A_4 = arith.constant 128 : i32
    %mul3A_5 = arith.constant 632 : i32
    %mul3A_6 = arith.muli %arg1, %mul3A_5 : i32
    %add3A_7 = arith.constant 0 : i32
    %add3A_8 = arith.addi %mul3A_6, %add3A_7 : i32
    "tpu.region"() ({
      %run_scoped3A = tpu.sem_alloc : memref<!tpu.dma_semaphore, #tpu.memory_space<semaphore_mem>>
      %dma_start3A = arith.constant 0 : i32
      %dma_start3A_34 = tpu.memref_slice %arg6[%add3A_8, %dma_start3A] : memref<10112x128xf32, #tpu.memory_space<vmem_shared>> -> memref<128x128xf32, #tpu.memory_space<vmem_shared>>
      %dma_start3A_35 = arith.constant 0 : i32
      %dma_start3A_36 = tpu.memref_slice %arg6[%add3A_8, %dma_start3A_35] : memref<10112x128xf32, #tpu.memory_space<vmem_shared>> -> memref<128x128xf32, #tpu.memory_space<vmem_shared>>
      tpu.enqueue_dma source(%arg5 : memref<128x128xf32, #tpu.memory_space<vmem>>) target(%dma_start3A_36 : memref<128x128xf32, #tpu.memory_space<vmem_shared>>) target_semaphore(%run_scoped3A : memref<!tpu.dma_semaphore, #tpu.memory_space<semaphore_mem>>)
      %dma_wait3A = arith.constant 0 : i32
      %dma_wait3A_37 = tpu.memref_slice %arg6[%add3A_8, %dma_wait3A] : memref<10112x128xf32, #tpu.memory_space<vmem_shared>> -> memref<128x128xf32, #tpu.memory_space<vmem_shared>>
      %dma_wait3A_38 = arith.constant 0 : i32
      %dma_wait3A_39 = tpu.memref_slice %arg6[%add3A_8, %dma_wait3A_38] : memref<10112x128xf32, #tpu.memory_space<vmem_shared>> -> memref<128x128xf32, #tpu.memory_space<vmem_shared>>
      tpu.wait_dma2 semaphore(%run_scoped3A : memref<!tpu.dma_semaphore, #tpu.memory_space<semaphore_mem>>) src(%arg5 : memref<128x128xf32, #tpu.memory_space<vmem>>) dst(%dma_wait3A_39 : memref<128x128xf32, #tpu.memory_space<vmem_shared>>)
      tpu.yield
    }) : () -> ()
    %add3A_9 = arith.constant 128 : i32
    %add3A_10 = arith.addi %mul3A_6, %add3A_9 : i32
    "tpu.region"() ({
      %run_scoped3A = tpu.sem_alloc : memref<!tpu.dma_semaphore, #tpu.memory_space<semaphore_mem>>
      %dma_start3A = arith.constant 0 : i32
      %dma_start3A_34 = tpu.memref_slice %arg6[%add3A_10, %dma_start3A] : memref<10112x128xf32, #tpu.memory_space<vmem_shared>> -> memref<128x128xf32, #tpu.memory_space<vmem_shared>>
      %dma_start3A_35 = arith.constant 0 : i32
      %dma_start3A_36 = tpu.memref_slice %arg6[%add3A_10, %dma_start3A_35] : memref<10112x128xf32, #tpu.memory_space<vmem_shared>> -> memref<128x128xf32, #tpu.memory_space<vmem_shared>>
      tpu.enqueue_dma source(%arg5 : memref<128x128xf32, #tpu.memory_space<vmem>>) target(%dma_start3A_36 : memref<128x128xf32, #tpu.memory_space<vmem_shared>>) target_semaphore(%run_scoped3A : memref<!tpu.dma_semaphore, #tpu.memory_space<semaphore_mem>>)
      %dma_wait3A = arith.constant 0 : i32
      %dma_wait3A_37 = tpu.memref_slice %arg6[%add3A_10, %dma_wait3A] : memref<10112x128xf32, #tpu.memory_space<vmem_shared>> -> memref<128x128xf32, #tpu.memory_space<vmem_shared>>
      %dma_wait3A_38 = arith.constant 0 : i32
      %dma_wait3A_39 = tpu.memref_slice %arg6[%add3A_10, %dma_wait3A_38] : memref<10112x128xf32, #tpu.memory_space<vmem_shared>> -> memref<128x128xf32, #tpu.memory_space<vmem_shared>>
      tpu.wait_dma2 semaphore(%run_scoped3A : memref<!tpu.dma_semaphore, #tpu.memory_space<semaphore_mem>>) src(%arg5 : memref<128x128xf32, #tpu.memory_space<vmem>>) dst(%dma_wait3A_39 : memref<128x128xf32, #tpu.memory_space<vmem_shared>>)
      tpu.yield
    }) : () -> ()
    %add3A_11 = arith.constant 256 : i32
    %add3A_12 = arith.addi %mul3A_6, %add3A_11 : i32
    "tpu.region"() ({
      %run_scoped3A = tpu.sem_alloc : memref<!tpu.dma_semaphore, #tpu.memory_space<semaphore_mem>>
      %dma_start3A = arith.constant 0 : i32
      %dma_start3A_34 = tpu.memref_slice %arg6[%add3A_12, %dma_start3A] : memref<10112x128xf32, #tpu.memory_space<vmem_shared>> -> memref<128x128xf32, #tpu.memory_space<vmem_shared>>
      %dma_start3A_35 = arith.constant 0 : i32
      %dma_start3A_36 = tpu.memref_slice %arg6[%add3A_12, %dma_start3A_35] : memref<10112x128xf32, #tpu.memory_space<vmem_shared>> -> memref<128x128xf32, #tpu.memory_space<vmem_shared>>
      tpu.enqueue_dma source(%arg5 : memref<128x128xf32, #tpu.memory_space<vmem>>) target(%dma_start3A_36 : memref<128x128xf32, #tpu.memory_space<vmem_shared>>) target_semaphore(%run_scoped3A : memref<!tpu.dma_semaphore, #tpu.memory_space<semaphore_mem>>)
      %dma_wait3A = arith.constant 0 : i32
      %dma_wait3A_37 = tpu.memref_slice %arg6[%add3A_12, %dma_wait3A] : memref<10112x128xf32, #tpu.memory_space<vmem_shared>> -> memref<128x128xf32, #tpu.memory_space<vmem_shared>>
      %dma_wait3A_38 = arith.constant 0 : i32
      %dma_wait3A_39 = tpu.memref_slice %arg6[%add3A_12, %dma_wait3A_38] : memref<10112x128xf32, #tpu.memory_space<vmem_shared>> -> memref<128x128xf32, #tpu.memory_space<vmem_shared>>
      tpu.wait_dma2 semaphore(%run_scoped3A : memref<!tpu.dma_semaphore, #tpu.memory_space<semaphore_mem>>) src(%arg5 : memref<128x128xf32, #tpu.memory_space<vmem>>) dst(%dma_wait3A_39 : memref<128x128xf32, #tpu.memory_space<vmem_shared>>)
      tpu.yield
    }) : () -> ()
    %add3A_13 = arith.constant 384 : i32
    %add3A_14 = arith.addi %mul3A_6, %add3A_13 : i32
    "tpu.region"() ({
      %run_scoped3A = tpu.sem_alloc : memref<!tpu.dma_semaphore, #tpu.memory_space<semaphore_mem>>
      %dma_start3A = arith.constant 0 : i32
      %dma_start3A_34 = tpu.memref_slice %arg6[%add3A_14, %dma_start3A] : memref<10112x128xf32, #tpu.memory_space<vmem_shared>> -> memref<128x128xf32, #tpu.memory_space<vmem_shared>>
      %dma_start3A_35 = arith.constant 0 : i32
      %dma_start3A_36 = tpu.memref_slice %arg6[%add3A_14, %dma_start3A_35] : memref<10112x128xf32, #tpu.memory_space<vmem_shared>> -> memref<128x128xf32, #tpu.memory_space<vmem_shared>>
      tpu.enqueue_dma source(%arg5 : memref<128x128xf32, #tpu.memory_space<vmem>>) target(%dma_start3A_36 : memref<128x128xf32, #tpu.memory_space<vmem_shared>>) target_semaphore(%run_scoped3A : memref<!tpu.dma_semaphore, #tpu.memory_space<semaphore_mem>>)
      %dma_wait3A = arith.constant 0 : i32
      %dma_wait3A_37 = tpu.memref_slice %arg6[%add3A_14, %dma_wait3A] : memref<10112x128xf32, #tpu.memory_space<vmem_shared>> -> memref<128x128xf32, #tpu.memory_space<vmem_shared>>
      %dma_wait3A_38 = arith.constant 0 : i32
      %dma_wait3A_39 = tpu.memref_slice %arg6[%add3A_14, %dma_wait3A_38] : memref<10112x128xf32, #tpu.memory_space<vmem_shared>> -> memref<128x128xf32, #tpu.memory_space<vmem_shared>>
      tpu.wait_dma2 semaphore(%run_scoped3A : memref<!tpu.dma_semaphore, #tpu.memory_space<semaphore_mem>>) src(%arg5 : memref<128x128xf32, #tpu.memory_space<vmem>>) dst(%dma_wait3A_39 : memref<128x128xf32, #tpu.memory_space<vmem_shared>>)
      tpu.yield
    }) : () -> ()
    %add3A_15 = arith.constant 512 : i32
    %add3A_16 = arith.addi %mul3A_6, %add3A_15 : i32
    "tpu.region"() ({
      %run_scoped3A = tpu.sem_alloc : memref<!tpu.dma_semaphore, #tpu.memory_space<semaphore_mem>>
      %dma_start3A = arith.constant 0 : i32
      %dma_start3A_34 = arith.constant 0 : i32
      %dma_start3A_35 = tpu.memref_slice %arg5[%dma_start3A, %dma_start3A_34] : memref<128x128xf32, #tpu.memory_space<vmem>> -> memref<120x128xf32, #tpu.memory_space<vmem>>
      %dma_start3A_36 = arith.constant 0 : i32
      %dma_start3A_37 = tpu.memref_slice %arg6[%add3A_16, %dma_start3A_36] : memref<10112x128xf32, #tpu.memory_space<vmem_shared>> -> memref<120x128xf32, #tpu.memory_space<vmem_shared>>
      %dma_start3A_38 = arith.constant 0 : i32
      %dma_start3A_39 = tpu.memref_slice %arg6[%add3A_16, %dma_start3A_38] : memref<10112x128xf32, #tpu.memory_space<vmem_shared>> -> memref<120x128xf32, #tpu.memory_space<vmem_shared>>
      %dma_start3A_40 = arith.constant 0 : i32
      %dma_start3A_41 = arith.constant 0 : i32
      %dma_start3A_42 = tpu.memref_slice %arg5[%dma_start3A_40, %dma_start3A_41] : memref<128x128xf32, #tpu.memory_space<vmem>> -> memref<120x128xf32, #tpu.memory_space<vmem>>
      tpu.enqueue_dma source(%dma_start3A_42 : memref<120x128xf32, #tpu.memory_space<vmem>>) target(%dma_start3A_39 : memref<120x128xf32, #tpu.memory_space<vmem_shared>>) target_semaphore(%run_scoped3A : memref<!tpu.dma_semaphore, #tpu.memory_space<semaphore_mem>>)
      %dma_wait3A = arith.constant 0 : i32
      %dma_wait3A_43 = arith.constant 0 : i32
      %dma_wait3A_44 = tpu.memref_slice %arg5[%dma_wait3A, %dma_wait3A_43] : memref<128x128xf32, #tpu.memory_space<vmem>> -> memref<120x128xf32, #tpu.memory_space<vmem>>
      %dma_wait3A_45 = arith.constant 0 : i32
      %dma_wait3A_46 = tpu.memref_slice %arg6[%add3A_16, %dma_wait3A_45] : memref<10112x128xf32, #tpu.memory_space<vmem_shared>> -> memref<120x128xf32, #tpu.memory_space<vmem_shared>>
      %dma_wait3A_47 = arith.constant 0 : i32
      %dma_wait3A_48 = tpu.memref_slice %arg6[%add3A_16, %dma_wait3A_47] : memref<10112x128xf32, #tpu.memory_space<vmem_shared>> -> memref<120x128xf32, #tpu.memory_space<vmem_shared>>
      %dma_wait3A_49 = arith.constant 0 : i32
      %dma_wait3A_50 = arith.constant 0 : i32
      %dma_wait3A_51 = tpu.memref_slice %arg5[%dma_wait3A_49, %dma_wait3A_50] : memref<128x128xf32, #tpu.memory_space<vmem>> -> memref<120x128xf32, #tpu.memory_space<vmem>>
      tpu.wait_dma2 semaphore(%run_scoped3A : memref<!tpu.dma_semaphore, #tpu.memory_space<semaphore_mem>>) src(%dma_wait3A_51 : memref<120x128xf32, #tpu.memory_space<vmem>>) dst(%dma_wait3A_48 : memref<120x128xf32, #tpu.memory_space<vmem_shared>>)
      tpu.yield
    }) : () -> ()
    %scan3A_17 = arith.constant 0 : i32
    %scan3A_18 = arith.constant 128 : i32
    %scan3A_19 = arith.addi %scan3A_17, %scan3A_18 : i32
    %scan3A_20 = arith.constant 1 : i32
    scf.for %scan3A_34 = %scan3A_17 to %scan3A_19 step %scan3A_20  : i32 {
      %mul3A_35 = arith.constant 1 : i32
      %mul3A_36 = arith.muli %scan3A_34, %mul3A_35 : i32
      %add3A_37 = arith.constant 0 : i32
      %add3A_38 = arith.addi %add3A_37, %mul3A_36 : i32
      %scan3A_39 = arith.constant 0 : i32
      %scan3A_40 = arith.constant 8 : i32
      %scan3A_41 = arith.addi %scan3A_39, %scan3A_40 : i32
      %scan3A_42 = arith.constant 1 : i32
      scf.for %scan3A_44 = %scan3A_39 to %scan3A_41 step %scan3A_42  : i32 {
        %mul3A_45 = arith.constant 1 : i32
        %mul3A_46 = arith.muli %scan3A_44, %mul3A_45 : i32
        %add3A_47 = arith.constant 0 : i32
        %add3A_48 = arith.addi %add3A_47, %mul3A_46 : i32
        %broadcast_in_dim3A = arith.constant 1.000000e+00 : f32
        %broadcast_in_dim3A_49 = vector.broadcast %broadcast_in_dim3A : f32 to vector<16xf32>
        %mul3A_50 = arith.constant 16 : i32
        %mul3A_51 = arith.muli %add3A_48, %mul3A_50 : i32
        %swap3A = arith.index_cast %add3A_38 : i32 to index
        %swap3A_52 = arith.index_cast %mul3A_51 : i32 to index
        %swap3A_53 = tpu.vector_load %arg5[%swap3A, %swap3A_52] {strides = array<i32>} : memref<128x128xf32, #tpu.memory_space<vmem>>, vector<1x16xf32>,
        %swap3A_54 = vector.shape_cast %swap3A_53 : vector<1x16xf32> to vector<16xf32>
        %swap3A_55 = vector.shape_cast %broadcast_in_dim3A_49 : vector<16xf32> to vector<1x16xf32>
        tpu.vector_store %arg5[%swap3A, %swap3A_52], %swap3A_55 {strides = array<i32>} : memref<128x128xf32, #tpu.memory_space<vmem>>, vector<1x16xf32>,
      }
      %scan3A_43 = arith.constant 8 : i32
    }
    %scan3A_21 = arith.constant 128 : i32
    %barrier3A = arith.constant 0 : index
    tpu.barrier barrier_id(%barrier3A)
    %scan3A_22 = arith.constant 0 : i32
    %scan3A_23 = arith.constant 40 : i32
    %scan3A_24 = arith.addi %scan3A_22, %scan3A_23 : i32
    %scan3A_25 = arith.constant 1 : i32
    scf.for %scan3A_34 = %scan3A_22 to %scan3A_24 step %scan3A_25  : i32 {
      %mul3A_35 = arith.constant 1 : i32
      %mul3A_36 = arith.muli %scan3A_34, %mul3A_35 : i32
      %add3A_37 = arith.constant 0 : i32
      %add3A_38 = arith.addi %add3A_37, %mul3A_36 : i32
      %mul3A_39 = arith.constant 2 : i32
      %mul3A_40 = arith.muli %add3A_38, %mul3A_39 : i32
      %dma_start3A = arith.constant 0 : i32
      %dma_start3A_41 = tpu.memref_slice %arg4[%mul3A_40, %dma_start3A] : memref<80x128xi32, #tpu.memory_space<vmem>> -> memref<1x128xi32, #tpu.memory_space<vmem>>
      %dma_start3A_42 = tpu.memref_squeeze %dma_start3A_41 : memref<1x128xi32, #tpu.memory_space<vmem>> -> memref<128xi32, #tpu.memory_space<vmem>>
      %dma_start3A_43 = arith.constant 0 : i32
      %dma_start3A_44 = arith.constant 0 : i32
      %dma_start3A_45 = tpu.memref_slice %arg6[%dma_start3A_43, %dma_start3A_44] : memref<10112x128xf32, #tpu.memory_space<vmem_shared>> -> memref<10112x128xf32, #tpu.memory_space<vmem_shared>>
      tpu.enqueue_indirect_dma source(%arg5 : memref<128x128xf32, #tpu.memory_space<vmem>>) target(%dma_start3A_45 : memref<10112x128xf32, #tpu.memory_space<vmem_shared>>) offsets(%dma_start3A_42 : memref<128xi32, #tpu.memory_space<vmem>>) semaphore(%arg7 : memref<!tpu.dma_semaphore, #tpu.memory_space<semaphore_mem>>) {add = true}
      %mul3A_46 = arith.constant 2 : i32
      %mul3A_47 = arith.muli %add3A_38, %mul3A_46 : i32
      %add3A_48 = arith.constant 1 : i32
      %add3A_49 = arith.addi %mul3A_47, %add3A_48 : i32
      %dma_start3A_50 = arith.constant 0 : i32
      %dma_start3A_51 = tpu.memref_slice %arg4[%add3A_49, %dma_start3A_50] : memref<80x128xi32, #tpu.memory_space<vmem>> -> memref<1x128xi32, #tpu.memory_space<vmem>>
      %dma_start3A_52 = tpu.memref_squeeze %dma_start3A_51 : memref<1x128xi32, #tpu.memory_space<vmem>> -> memref<128xi32, #tpu.memory_space<vmem>>
      %dma_start3A_53 = arith.constant 0 : i32
      %dma_start3A_54 = arith.constant 0 : i32
      %dma_start3A_55 = tpu.memref_slice %arg6[%dma_start3A_53, %dma_start3A_54] : memref<10112x128xf32, #tpu.memory_space<vmem_shared>> -> memref<10112x128xf32, #tpu.memory_space<vmem_shared>>
      tpu.enqueue_indirect_dma source(%arg5 : memref<128x128xf32, #tpu.memory_space<vmem>>) target(%dma_start3A_55 : memref<10112x128xf32, #tpu.memory_space<vmem_shared>>) offsets(%dma_start3A_52 : memref<128xi32, #tpu.memory_space<vmem>>) semaphore(%arg8 : memref<!tpu.dma_semaphore, #tpu.memory_space<semaphore_mem>>) {add = true}
      %dma_wait3A = arith.constant 0 : i32
      %dma_wait3A_56 = tpu.memref_slice %arg4[%mul3A_40, %dma_wait3A] : memref<80x128xi32, #tpu.memory_space<vmem>> -> memref<1x128xi32, #tpu.memory_space<vmem>>
      %dma_wait3A_57 = tpu.memref_squeeze %dma_wait3A_56 : memref<1x128xi32, #tpu.memory_space<vmem>> -> memref<128xi32, #tpu.memory_space<vmem>>
      %dma_wait3A_58 = arith.constant 0 : i32
      %dma_wait3A_59 = arith.constant 0 : i32
      %dma_wait3A_60 = tpu.memref_slice %arg6[%dma_wait3A_58, %dma_wait3A_59] : memref<10112x128xf32, #tpu.memory_space<vmem_shared>> -> memref<10112x128xf32, #tpu.memory_space<vmem_shared>>
      tpu.wait_indirect_dma semaphore(%arg7 : memref<!tpu.dma_semaphore, #tpu.memory_space<semaphore_mem>>) src(%arg5 : memref<128x128xf32, #tpu.memory_space<vmem>>) dst(%dma_wait3A_60 : memref<10112x128xf32, #tpu.memory_space<vmem_shared>>)
      %dma_wait3A_61 = arith.constant 0 : i32
      %dma_wait3A_62 = tpu.memref_slice %arg4[%add3A_49, %dma_wait3A_61] : memref<80x128xi32, #tpu.memory_space<vmem>> -> memref<1x128xi32, #tpu.memory_space<vmem>>
      %dma_wait3A_63 = tpu.memref_squeeze %dma_wait3A_62 : memref<1x128xi32, #tpu.memory_space<vmem>> -> memref<128xi32, #tpu.memory_space<vmem>>
      %dma_wait3A_64 = arith.constant 0 : i32
      %dma_wait3A_65 = arith.constant 0 : i32
      %dma_wait3A_66 = tpu.memref_slice %arg6[%dma_wait3A_64, %dma_wait3A_65] : memref<10112x128xf32, #tpu.memory_space<vmem_shared>> -> memref<10112x128xf32, #tpu.memory_space<vmem_shared>>
      tpu.wait_indirect_dma semaphore(%arg8 : memref<!tpu.dma_semaphore, #tpu.memory_space<semaphore_mem>>) src(%arg5 : memref<128x128xf32, #tpu.memory_space<vmem>>) dst(%dma_wait3A_66 : memref<10112x128xf32, #tpu.memory_space<vmem_shared>>)
    }
    %scan3A_26 = arith.constant 40 : i32
    %barrier3A_27 = arith.constant 0 : index
    tpu.barrier barrier_id(%barrier3A_27)
    %mul3A_28 = arith.constant 624 : i32
    %mul3A_29 = arith.muli %arg1, %mul3A_28 : i32
    %mul3A_30 = arith.constant 624 : i32
    %mul3A_31 = arith.muli %arg1, %mul3A_30 : i32
    "tpu.region"() ({
      %run_scoped3A = tpu.sem_alloc : memref<!tpu.dma_semaphore, #tpu.memory_space<semaphore_mem>>
      %dma_start3A = arith.constant 0 : i32
      %dma_start3A_34 = tpu.memref_slice %arg3[%arg0, %mul3A_31, %dma_start3A] : memref<2x10000x128xf32, #tpu.memory_space<hbm>> -> memref<1x624x128xf32, #tpu.memory_space<hbm>>
      %dma_start3A_35 = tpu.memref_squeeze %dma_start3A_34 : memref<1x624x128xf32, #tpu.memory_space<hbm>> -> memref<624x128xf32, #tpu.memory_space<hbm>>
      %dma_start3A_36 = arith.constant 0 : i32
      %dma_start3A_37 = tpu.memref_slice %arg6[%mul3A_29, %dma_start3A_36] : memref<10112x128xf32, #tpu.memory_space<vmem_shared>> -> memref<624x128xf32, #tpu.memory_space<vmem_shared>>
      tpu.enqueue_dma source(%dma_start3A_37 : memref<624x128xf32, #tpu.memory_space<vmem_shared>>) target(%dma_start3A_35 : memref<624x128xf32, #tpu.memory_space<hbm>>) target_semaphore(%run_scoped3A : memref<!tpu.dma_semaphore, #tpu.memory_space<semaphore_mem>>)
      %dma_wait3A = arith.constant 0 : i32
      %dma_wait3A_38 = tpu.memref_slice %arg3[%arg0, %mul3A_31, %dma_wait3A] : memref<2x10000x128xf32, #tpu.memory_space<hbm>> -> memref<1x624x128xf32, #tpu.memory_space<hbm>>
      %dma_wait3A_39 = tpu.memref_squeeze %dma_wait3A_38 : memref<1x624x128xf32, #tpu.memory_space<hbm>> -> memref<624x128xf32, #tpu.memory_space<hbm>>
      %dma_wait3A_40 = arith.constant 0 : i32
      %dma_wait3A_41 = tpu.memref_slice %arg6[%mul3A_29, %dma_wait3A_40] : memref<10112x128xf32, #tpu.memory_space<vmem_shared>> -> memref<624x128xf32, #tpu.memory_space<vmem_shared>>
      tpu.wait_dma2 semaphore(%run_scoped3A : memref<!tpu.dma_semaphore, #tpu.memory_space<semaphore_mem>>) src(%dma_wait3A_41 : memref<624x128xf32, #tpu.memory_space<vmem_shared>>) dst(%dma_wait3A_39 : memref<624x128xf32, #tpu.memory_space<hbm>>)
      tpu.yield
    }) : () -> ()
    %eq3A = arith.constant 0 : i32
    %eq3A_32 = arith.cmpi eq, %arg1, %eq3A : i32
    %convert_element_type3A = arith.extui %eq3A_32 : i1 to i32
    %cond3A = arith.constant 0 : i32
    %cond3A_33 = arith.cmpi ne, %convert_element_type3A, %cond3A : i32
    scf.if %cond3A_33 {
      "tpu.region"() ({
        %run_scoped3A = tpu.sem_alloc : memref<!tpu.dma_semaphore, #tpu.memory_space<semaphore_mem>>
        %dma_start3A = arith.constant 9984 : i32
        %dma_start3A_34 = arith.constant 0 : i32
        %dma_start3A_35 = tpu.memref_slice %arg3[%arg0, %dma_start3A, %dma_start3A_34] : memref<2x10000x128xf32, #tpu.memory_space<hbm>> -> memref<1x16x128xf32, #tpu.memory_space<hbm>>
        %dma_start3A_36 = tpu.memref_squeeze %dma_start3A_35 : memref<1x16x128xf32, #tpu.memory_space<hbm>> -> memref<16x128xf32, #tpu.memory_space<hbm>>
        %dma_start3A_37 = arith.constant 9984 : i32
        %dma_start3A_38 = arith.constant 0 : i32
        %dma_start3A_39 = tpu.memref_slice %arg6[%dma_start3A_37, %dma_start3A_38] : memref<10112x128xf32, #tpu.memory_space<vmem_shared>> -> memref<16x128xf32, #tpu.memory_space<vmem_shared>>
        tpu.enqueue_dma source(%dma_start3A_39 : memref<16x128xf32, #tpu.memory_space<vmem_shared>>) target(%dma_start3A_36 : memref<16x128xf32, #tpu.memory_space<hbm>>) target_semaphore(%run_scoped3A : memref<!tpu.dma_semaphore, #tpu.memory_space<semaphore_mem>>)
        %dma_wait3A = arith.constant 9984 : i32
        %dma_wait3A_40 = arith.constant 0 : i32
        %dma_wait3A_41 = tpu.memref_slice %arg3[%arg0, %dma_wait3A, %dma_wait3A_40] : memref<2x10000x128xf32, #tpu.memory_space<hbm>> -> memref<1x16x128xf32, #tpu.memory_space<hbm>>
        %dma_wait3A_42 = tpu.memref_squeeze %dma_wait3A_41 : memref<1x16x128xf32, #tpu.memory_space<hbm>> -> memref<16x128xf32, #tpu.memory_space<hbm>>
        %dma_wait3A_43 = arith.constant 9984 : i32
        %dma_wait3A_44 = arith.constant 0 : i32
        %dma_wait3A_45 = tpu.memref_slice %arg6[%dma_wait3A_43, %dma_wait3A_44] : memref<10112x128xf32, #tpu.memory_space<vmem_shared>> -> memref<16x128xf32, #tpu.memory_space<vmem_shared>>
        tpu.wait_dma2 semaphore(%run_scoped3A : memref<!tpu.dma_semaphore, #tpu.memory_space<semaphore_mem>>) src(%dma_wait3A_45 : memref<16x128xf32, #tpu.memory_space<vmem_shared>>) dst(%dma_wait3A_42 : memref<16x128xf32, #tpu.memory_space<hbm>>)
        tpu.yield
      }) : () -> ()
    } else {
    }
    return
  }
}

#map = affine_map<(d0, d1) -> (0, 0)>
#map1 = affine_map<(d0, d1) -> (0, 0, 0)>
module attributes {stable_mosaic.version = 14 : i64} {
  func.func @k(%arg0: i32, %arg1: i32, %arg2: memref<10000x128xf32, #tpu.memory_space<hbm>>, %arg3: memref<32x80x128xi32, #tpu.memory_space<hbm>>, %arg4: memref<32x80x128xi32, #tpu.memory_space<hbm>>, %arg5: memref<2x10000x128xf32, #tpu.memory_space<hbm>>, %arg6: memref<8x128xi32, #tpu.memory_space<vmem>>, %arg7: memref<8x128xi32, #tpu.memory_space<vmem>>, %arg8: memref<128x128xf32, #tpu.memory_space<vmem>>, %arg9: memref<10112x128xf32, #tpu.memory_space<vmem_shared>>, %arg10: memref<!tpu.dma_semaphore, #tpu.memory_space<semaphore_mem>>) attributes {dimension_semantics = [#tpu.dimension_semantics<core_parallel>, #tpu.dimension_semantics<subcore_parallel>], iteration_bounds = array<i64: 2, 16>, scalar_prefetch = 0 : i64, scratch_operands = 5 : i64, tpu.core_type = #tpu.core_type<sc_vector_subcore>, window_params = [{transform_indices = #map}, {transform_indices = #map1}, {transform_indices = #map1}, {transform_indices = #map1}]} {
    %mul3A = arith.constant 2 : i32
    %mul3A_0 = arith.muli %arg1, %mul3A : i32
    %add3A = arith.addi %mul3A_0, %arg0 : i32
    %scan3A = arith.constant 0 : i32
    %scan3A_1 = arith.constant 128 : i32
    %scan3A_2 = arith.addi %scan3A, %scan3A_1 : i32
    %scan3A_3 = arith.constant 1 : i32
    scf.for %scan3A_29 = %scan3A to %scan3A_2 step %scan3A_3  : i32 {
      %mul3A_30 = arith.constant 1 : i32
      %mul3A_31 = arith.muli %scan3A_29, %mul3A_30 : i32
      %add3A_32 = arith.constant 0 : i32
      %add3A_33 = arith.addi %add3A_32, %mul3A_31 : i32
      %scan3A_34 = arith.constant 0 : i32
      %scan3A_35 = arith.constant 8 : i32
      %scan3A_36 = arith.addi %scan3A_34, %scan3A_35 : i32
      %scan3A_37 = arith.constant 1 : i32
      scf.for %scan3A_39 = %scan3A_34 to %scan3A_36 step %scan3A_37  : i32 {
        %mul3A_40 = arith.constant 1 : i32
        %mul3A_41 = arith.muli %scan3A_39, %mul3A_40 : i32
        %add3A_42 = arith.constant 0 : i32
        %add3A_43 = arith.addi %add3A_42, %mul3A_41 : i32
        %broadcast_in_dim3A = arith.constant 0.000000e+00 : f32
        %broadcast_in_dim3A_44 = vector.broadcast %broadcast_in_dim3A : f32 to vector<16xf32>
        %mul3A_45 = arith.constant 16 : i32
        %mul3A_46 = arith.muli %add3A_43, %mul3A_45 : i32
        %swap3A = arith.index_cast %add3A_33 : i32 to index
        %swap3A_47 = arith.index_cast %mul3A_46 : i32 to index
        %swap3A_48 = tpu.vector_load %arg8[%swap3A, %swap3A_47] {strides = array<i32>} : memref<128x128xf32, #tpu.memory_space<vmem>>, vector<1x16xf32>,
        %swap3A_49 = vector.shape_cast %swap3A_48 : vector<1x16xf32> to vector<16xf32>
        %swap3A_50 = vector.shape_cast %broadcast_in_dim3A_44 : vector<16xf32> to vector<1x16xf32>
        tpu.vector_store %arg8[%swap3A, %swap3A_47], %swap3A_50 {strides = array<i32>} : memref<128x128xf32, #tpu.memory_space<vmem>>, vector<1x16xf32>,
      }
      %scan3A_38 = arith.constant 8 : i32
    }
    %scan3A_4 = arith.constant 128 : i32
    %mul3A_5 = arith.constant 632 : i32
    %mul3A_6 = arith.muli %arg1, %mul3A_5 : i32
    %add3A_7 = arith.constant 0 : i32
    %add3A_8 = arith.addi %mul3A_6, %add3A_7 : i32
    "tpu.region"() ({
      %run_scoped3A = tpu.sem_alloc : memref<!tpu.dma_semaphore, #tpu.memory_space<semaphore_mem>>
      %dma_start3A = arith.constant 0 : i32
      %dma_start3A_29 = tpu.memref_slice %arg9[%add3A_8, %dma_start3A] : memref<10112x128xf32, #tpu.memory_space<vmem_shared>> -> memref<128x128xf32, #tpu.memory_space<vmem_shared>>
      %dma_start3A_30 = arith.constant 0 : i32
      %dma_start3A_31 = tpu.memref_slice %arg9[%add3A_8, %dma_start3A_30] : memref<10112x128xf32, #tpu.memory_space<vmem_shared>> -> memref<128x128xf32, #tpu.memory_space<vmem_shared>>
      tpu.enqueue_dma source(%arg8 : memref<128x128xf32, #tpu.memory_space<vmem>>) target(%dma_start3A_31 : memref<128x128xf32, #tpu.memory_space<vmem_shared>>) target_semaphore(%run_scoped3A : memref<!tpu.dma_semaphore, #tpu.memory_space<semaphore_mem>>)
      %dma_wait3A = arith.constant 0 : i32
      %dma_wait3A_32 = tpu.memref_slice %arg9[%add3A_8, %dma_wait3A] : memref<10112x128xf32, #tpu.memory_space<vmem_shared>> -> memref<128x128xf32, #tpu.memory_space<vmem_shared>>
      %dma_wait3A_33 = arith.constant 0 : i32
      %dma_wait3A_34 = tpu.memref_slice %arg9[%add3A_8, %dma_wait3A_33] : memref<10112x128xf32, #tpu.memory_space<vmem_shared>> -> memref<128x128xf32, #tpu.memory_space<vmem_shared>>
      tpu.wait_dma2 semaphore(%run_scoped3A : memref<!tpu.dma_semaphore, #tpu.memory_space<semaphore_mem>>) src(%arg8 : memref<128x128xf32, #tpu.memory_space<vmem>>) dst(%dma_wait3A_34 : memref<128x128xf32, #tpu.memory_space<vmem_shared>>)
      tpu.yield
    }) : () -> ()
    %add3A_9 = arith.constant 128 : i32
    %add3A_10 = arith.addi %mul3A_6, %add3A_9 : i32
    "tpu.region"() ({
      %run_scoped3A = tpu.sem_alloc : memref<!tpu.dma_semaphore, #tpu.memory_space<semaphore_mem>>
      %dma_start3A = arith.constant 0 : i32
      %dma_start3A_29 = tpu.memref_slice %arg9[%add3A_10, %dma_start3A] : memref<10112x128xf32, #tpu.memory_space<vmem_shared>> -> memref<128x128xf32, #tpu.memory_space<vmem_shared>>
      %dma_start3A_30 = arith.constant 0 : i32
      %dma_start3A_31 = tpu.memref_slice %arg9[%add3A_10, %dma_start3A_30] : memref<10112x128xf32, #tpu.memory_space<vmem_shared>> -> memref<128x128xf32, #tpu.memory_space<vmem_shared>>
      tpu.enqueue_dma source(%arg8 : memref<128x128xf32, #tpu.memory_space<vmem>>) target(%dma_start3A_31 : memref<128x128xf32, #tpu.memory_space<vmem_shared>>) target_semaphore(%run_scoped3A : memref<!tpu.dma_semaphore, #tpu.memory_space<semaphore_mem>>)
      %dma_wait3A = arith.constant 0 : i32
      %dma_wait3A_32 = tpu.memref_slice %arg9[%add3A_10, %dma_wait3A] : memref<10112x128xf32, #tpu.memory_space<vmem_shared>> -> memref<128x128xf32, #tpu.memory_space<vmem_shared>>
      %dma_wait3A_33 = arith.constant 0 : i32
      %dma_wait3A_34 = tpu.memref_slice %arg9[%add3A_10, %dma_wait3A_33] : memref<10112x128xf32, #tpu.memory_space<vmem_shared>> -> memref<128x128xf32, #tpu.memory_space<vmem_shared>>
      tpu.wait_dma2 semaphore(%run_scoped3A : memref<!tpu.dma_semaphore, #tpu.memory_space<semaphore_mem>>) src(%arg8 : memref<128x128xf32, #tpu.memory_space<vmem>>) dst(%dma_wait3A_34 : memref<128x128xf32, #tpu.memory_space<vmem_shared>>)
      tpu.yield
    }) : () -> ()
    %add3A_11 = arith.constant 256 : i32
    %add3A_12 = arith.addi %mul3A_6, %add3A_11 : i32
    "tpu.region"() ({
      %run_scoped3A = tpu.sem_alloc : memref<!tpu.dma_semaphore, #tpu.memory_space<semaphore_mem>>
      %dma_start3A = arith.constant 0 : i32
      %dma_start3A_29 = tpu.memref_slice %arg9[%add3A_12, %dma_start3A] : memref<10112x128xf32, #tpu.memory_space<vmem_shared>> -> memref<128x128xf32, #tpu.memory_space<vmem_shared>>
      %dma_start3A_30 = arith.constant 0 : i32
      %dma_start3A_31 = tpu.memref_slice %arg9[%add3A_12, %dma_start3A_30] : memref<10112x128xf32, #tpu.memory_space<vmem_shared>> -> memref<128x128xf32, #tpu.memory_space<vmem_shared>>
      tpu.enqueue_dma source(%arg8 : memref<128x128xf32, #tpu.memory_space<vmem>>) target(%dma_start3A_31 : memref<128x128xf32, #tpu.memory_space<vmem_shared>>) target_semaphore(%run_scoped3A : memref<!tpu.dma_semaphore, #tpu.memory_space<semaphore_mem>>)
      %dma_wait3A = arith.constant 0 : i32
      %dma_wait3A_32 = tpu.memref_slice %arg9[%add3A_12, %dma_wait3A] : memref<10112x128xf32, #tpu.memory_space<vmem_shared>> -> memref<128x128xf32, #tpu.memory_space<vmem_shared>>
      %dma_wait3A_33 = arith.constant 0 : i32
      %dma_wait3A_34 = tpu.memref_slice %arg9[%add3A_12, %dma_wait3A_33] : memref<10112x128xf32, #tpu.memory_space<vmem_shared>> -> memref<128x128xf32, #tpu.memory_space<vmem_shared>>
      tpu.wait_dma2 semaphore(%run_scoped3A : memref<!tpu.dma_semaphore, #tpu.memory_space<semaphore_mem>>) src(%arg8 : memref<128x128xf32, #tpu.memory_space<vmem>>) dst(%dma_wait3A_34 : memref<128x128xf32, #tpu.memory_space<vmem_shared>>)
      tpu.yield
    }) : () -> ()
    %add3A_13 = arith.constant 384 : i32
    %add3A_14 = arith.addi %mul3A_6, %add3A_13 : i32
    "tpu.region"() ({
      %run_scoped3A = tpu.sem_alloc : memref<!tpu.dma_semaphore, #tpu.memory_space<semaphore_mem>>
      %dma_start3A = arith.constant 0 : i32
      %dma_start3A_29 = tpu.memref_slice %arg9[%add3A_14, %dma_start3A] : memref<10112x128xf32, #tpu.memory_space<vmem_shared>> -> memref<128x128xf32, #tpu.memory_space<vmem_shared>>
      %dma_start3A_30 = arith.constant 0 : i32
      %dma_start3A_31 = tpu.memref_slice %arg9[%add3A_14, %dma_start3A_30] : memref<10112x128xf32, #tpu.memory_space<vmem_shared>> -> memref<128x128xf32, #tpu.memory_space<vmem_shared>>
      tpu.enqueue_dma source(%arg8 : memref<128x128xf32, #tpu.memory_space<vmem>>) target(%dma_start3A_31 : memref<128x128xf32, #tpu.memory_space<vmem_shared>>) target_semaphore(%run_scoped3A : memref<!tpu.dma_semaphore, #tpu.memory_space<semaphore_mem>>)
      %dma_wait3A = arith.constant 0 : i32
      %dma_wait3A_32 = tpu.memref_slice %arg9[%add3A_14, %dma_wait3A] : memref<10112x128xf32, #tpu.memory_space<vmem_shared>> -> memref<128x128xf32, #tpu.memory_space<vmem_shared>>
      %dma_wait3A_33 = arith.constant 0 : i32
      %dma_wait3A_34 = tpu.memref_slice %arg9[%add3A_14, %dma_wait3A_33] : memref<10112x128xf32, #tpu.memory_space<vmem_shared>> -> memref<128x128xf32, #tpu.memory_space<vmem_shared>>
      tpu.wait_dma2 semaphore(%run_scoped3A : memref<!tpu.dma_semaphore, #tpu.memory_space<semaphore_mem>>) src(%arg8 : memref<128x128xf32, #tpu.memory_space<vmem>>) dst(%dma_wait3A_34 : memref<128x128xf32, #tpu.memory_space<vmem_shared>>)
      tpu.yield
    }) : () -> ()
    %add3A_15 = arith.constant 512 : i32
    %add3A_16 = arith.addi %mul3A_6, %add3A_15 : i32
    "tpu.region"() ({
      %run_scoped3A = tpu.sem_alloc : memref<!tpu.dma_semaphore, #tpu.memory_space<semaphore_mem>>
      %dma_start3A = arith.constant 0 : i32
      %dma_start3A_29 = arith.constant 0 : i32
      %dma_start3A_30 = tpu.memref_slice %arg8[%dma_start3A, %dma_start3A_29] : memref<128x128xf32, #tpu.memory_space<vmem>> -> memref<120x128xf32, #tpu.memory_space<vmem>>
      %dma_start3A_31 = arith.constant 0 : i32
      %dma_start3A_32 = tpu.memref_slice %arg9[%add3A_16, %dma_start3A_31] : memref<10112x128xf32, #tpu.memory_space<vmem_shared>> -> memref<120x128xf32, #tpu.memory_space<vmem_shared>>
      %dma_start3A_33 = arith.constant 0 : i32
      %dma_start3A_34 = tpu.memref_slice %arg9[%add3A_16, %dma_start3A_33] : memref<10112x128xf32, #tpu.memory_space<vmem_shared>> -> memref<120x128xf32, #tpu.memory_space<vmem_shared>>
      %dma_start3A_35 = arith.constant 0 : i32
      %dma_start3A_36 = arith.constant 0 : i32
      %dma_start3A_37 = tpu.memref_slice %arg8[%dma_start3A_35, %dma_start3A_36] : memref<128x128xf32, #tpu.memory_space<vmem>> -> memref<120x128xf32, #tpu.memory_space<vmem>>
      tpu.enqueue_dma source(%dma_start3A_37 : memref<120x128xf32, #tpu.memory_space<vmem>>) target(%dma_start3A_34 : memref<120x128xf32, #tpu.memory_space<vmem_shared>>) target_semaphore(%run_scoped3A : memref<!tpu.dma_semaphore, #tpu.memory_space<semaphore_mem>>)
      %dma_wait3A = arith.constant 0 : i32
      %dma_wait3A_38 = arith.constant 0 : i32
      %dma_wait3A_39 = tpu.memref_slice %arg8[%dma_wait3A, %dma_wait3A_38] : memref<128x128xf32, #tpu.memory_space<vmem>> -> memref<120x128xf32, #tpu.memory_space<vmem>>
      %dma_wait3A_40 = arith.constant 0 : i32
      %dma_wait3A_41 = tpu.memref_slice %arg9[%add3A_16, %dma_wait3A_40] : memref<10112x128xf32, #tpu.memory_space<vmem_shared>> -> memref<120x128xf32, #tpu.memory_space<vmem_shared>>
      %dma_wait3A_42 = arith.constant 0 : i32
      %dma_wait3A_43 = tpu.memref_slice %arg9[%add3A_16, %dma_wait3A_42] : memref<10112x128xf32, #tpu.memory_space<vmem_shared>> -> memref<120x128xf32, #tpu.memory_space<vmem_shared>>
      %dma_wait3A_44 = arith.constant 0 : i32
      %dma_wait3A_45 = arith.constant 0 : i32
      %dma_wait3A_46 = tpu.memref_slice %arg8[%dma_wait3A_44, %dma_wait3A_45] : memref<128x128xf32, #tpu.memory_space<vmem>> -> memref<120x128xf32, #tpu.memory_space<vmem>>
      tpu.wait_dma2 semaphore(%run_scoped3A : memref<!tpu.dma_semaphore, #tpu.memory_space<semaphore_mem>>) src(%dma_wait3A_46 : memref<120x128xf32, #tpu.memory_space<vmem>>) dst(%dma_wait3A_43 : memref<120x128xf32, #tpu.memory_space<vmem_shared>>)
      tpu.yield
    }) : () -> ()
    %barrier3A = arith.constant 0 : index
    tpu.barrier barrier_id(%barrier3A)
    %scan3A_17 = arith.constant 0 : i32
    %scan3A_18 = arith.constant 10 : i32
    %scan3A_19 = arith.addi %scan3A_17, %scan3A_18 : i32
    %scan3A_20 = arith.constant 1 : i32
    scf.for %scan3A_29 = %scan3A_17 to %scan3A_19 step %scan3A_20  : i32 {
      %mul3A_30 = arith.constant 1 : i32
      %mul3A_31 = arith.muli %scan3A_29, %mul3A_30 : i32
      %add3A_32 = arith.constant 0 : i32
      %add3A_33 = arith.addi %add3A_32, %mul3A_31 : i32
      %mul3A_34 = arith.constant 8 : i32
      %mul3A_35 = arith.muli %add3A_33, %mul3A_34 : i32
      "tpu.region"() ({
        %run_scoped3A_155 = tpu.sem_alloc : memref<!tpu.dma_semaphore, #tpu.memory_space<semaphore_mem>>
        %dma_start3A_156 = arith.constant 0 : i32
        %dma_start3A_157 = tpu.memref_slice %arg3[%add3A, %mul3A_35, %dma_start3A_156] : memref<32x80x128xi32, #tpu.memory_space<hbm>> -> memref<1x8x128xi32, #tpu.memory_space<hbm>>
        %dma_start3A_158 = tpu.memref_squeeze %dma_start3A_157 : memref<1x8x128xi32, #tpu.memory_space<hbm>> -> memref<8x128xi32, #tpu.memory_space<hbm>>
        %dma_start3A_159 = arith.constant 0 : i32
        %dma_start3A_160 = tpu.memref_slice %arg3[%add3A, %mul3A_35, %dma_start3A_159] : memref<32x80x128xi32, #tpu.memory_space<hbm>> -> memref<1x8x128xi32, #tpu.memory_space<hbm>>
        %dma_start3A_161 = tpu.memref_squeeze %dma_start3A_160 : memref<1x8x128xi32, #tpu.memory_space<hbm>> -> memref<8x128xi32, #tpu.memory_space<hbm>>
        tpu.enqueue_dma source(%dma_start3A_161 : memref<8x128xi32, #tpu.memory_space<hbm>>) target(%arg6 : memref<8x128xi32, #tpu.memory_space<vmem>>) target_semaphore(%run_scoped3A_155 : memref<!tpu.dma_semaphore, #tpu.memory_space<semaphore_mem>>)
        %dma_wait3A_162 = arith.constant 0 : i32
        %dma_wait3A_163 = tpu.memref_slice %arg3[%add3A, %mul3A_35, %dma_wait3A_162] : memref<32x80x128xi32, #tpu.memory_space<hbm>> -> memref<1x8x128xi32, #tpu.memory_space<hbm>>
        %dma_wait3A_164 = tpu.memref_squeeze %dma_wait3A_163 : memref<1x8x128xi32, #tpu.memory_space<hbm>> -> memref<8x128xi32, #tpu.memory_space<hbm>>
        %dma_wait3A_165 = arith.constant 0 : i32
        %dma_wait3A_166 = tpu.memref_slice %arg3[%add3A, %mul3A_35, %dma_wait3A_165] : memref<32x80x128xi32, #tpu.memory_space<hbm>> -> memref<1x8x128xi32, #tpu.memory_space<hbm>>
        %dma_wait3A_167 = tpu.memref_squeeze %dma_wait3A_166 : memref<1x8x128xi32, #tpu.memory_space<hbm>> -> memref<8x128xi32, #tpu.memory_space<hbm>>
        tpu.wait_dma2 semaphore(%run_scoped3A_155 : memref<!tpu.dma_semaphore, #tpu.memory_space<semaphore_mem>>) src(%dma_wait3A_167 : memref<8x128xi32, #tpu.memory_space<hbm>>) dst(%arg6 : memref<8x128xi32, #tpu.memory_space<vmem>>)
        tpu.yield
      }) : () -> ()
      %mul3A_36 = arith.constant 8 : i32
      %mul3A_37 = arith.muli %add3A_33, %mul3A_36 : i32
      "tpu.region"() ({
        %run_scoped3A_155 = tpu.sem_alloc : memref<!tpu.dma_semaphore, #tpu.memory_space<semaphore_mem>>
        %dma_start3A_156 = arith.constant 0 : i32
        %dma_start3A_157 = tpu.memref_slice %arg4[%add3A, %mul3A_37, %dma_start3A_156] : memref<32x80x128xi32, #tpu.memory_space<hbm>> -> memref<1x8x128xi32, #tpu.memory_space<hbm>>
        %dma_start3A_158 = tpu.memref_squeeze %dma_start3A_157 : memref<1x8x128xi32, #tpu.memory_space<hbm>> -> memref<8x128xi32, #tpu.memory_space<hbm>>
        %dma_start3A_159 = arith.constant 0 : i32
        %dma_start3A_160 = tpu.memref_slice %arg4[%add3A, %mul3A_37, %dma_start3A_159] : memref<32x80x128xi32, #tpu.memory_space<hbm>> -> memref<1x8x128xi32, #tpu.memory_space<hbm>>
        %dma_start3A_161 = tpu.memref_squeeze %dma_start3A_160 : memref<1x8x128xi32, #tpu.memory_space<hbm>> -> memref<8x128xi32, #tpu.memory_space<hbm>>
        tpu.enqueue_dma source(%dma_start3A_161 : memref<8x128xi32, #tpu.memory_space<hbm>>) target(%arg7 : memref<8x128xi32, #tpu.memory_space<vmem>>) target_semaphore(%run_scoped3A_155 : memref<!tpu.dma_semaphore, #tpu.memory_space<semaphore_mem>>)
        %dma_wait3A_162 = arith.constant 0 : i32
        %dma_wait3A_163 = tpu.memref_slice %arg4[%add3A, %mul3A_37, %dma_wait3A_162] : memref<32x80x128xi32, #tpu.memory_space<hbm>> -> memref<1x8x128xi32, #tpu.memory_space<hbm>>
        %dma_wait3A_164 = tpu.memref_squeeze %dma_wait3A_163 : memref<1x8x128xi32, #tpu.memory_space<hbm>> -> memref<8x128xi32, #tpu.memory_space<hbm>>
        %dma_wait3A_165 = arith.constant 0 : i32
        %dma_wait3A_166 = tpu.memref_slice %arg4[%add3A, %mul3A_37, %dma_wait3A_165] : memref<32x80x128xi32, #tpu.memory_space<hbm>> -> memref<1x8x128xi32, #tpu.memory_space<hbm>>
        %dma_wait3A_167 = tpu.memref_squeeze %dma_wait3A_166 : memref<1x8x128xi32, #tpu.memory_space<hbm>> -> memref<8x128xi32, #tpu.memory_space<hbm>>
        tpu.wait_dma2 semaphore(%run_scoped3A_155 : memref<!tpu.dma_semaphore, #tpu.memory_space<semaphore_mem>>) src(%dma_wait3A_167 : memref<8x128xi32, #tpu.memory_space<hbm>>) dst(%arg7 : memref<8x128xi32, #tpu.memory_space<vmem>>)
        tpu.yield
      }) : () -> ()
      %dma_start3A = arith.constant 0 : i32
      %dma_start3A_38 = arith.constant 0 : i32
      %dma_start3A_39 = tpu.memref_slice %arg6[%dma_start3A, %dma_start3A_38] : memref<8x128xi32, #tpu.memory_space<vmem>> -> memref<1x128xi32, #tpu.memory_space<vmem>>
      %dma_start3A_40 = tpu.memref_squeeze %dma_start3A_39 : memref<1x128xi32, #tpu.memory_space<vmem>> -> memref<128xi32, #tpu.memory_space<vmem>>
      %dma_start3A_41 = arith.constant 0 : i32
      %dma_start3A_42 = arith.constant 0 : i32
      %dma_start3A_43 = tpu.memref_slice %arg2[%dma_start3A_41, %dma_start3A_42] : memref<10000x128xf32, #tpu.memory_space<hbm>> -> memref<10000x128xf32, #tpu.memory_space<hbm>>
      tpu.enqueue_indirect_dma source(%dma_start3A_43 : memref<10000x128xf32, #tpu.memory_space<hbm>>) target(%arg8 : memref<128x128xf32, #tpu.memory_space<vmem>>) offsets(%dma_start3A_40 : memref<128xi32, #tpu.memory_space<vmem>>) semaphore(%arg10 : memref<!tpu.dma_semaphore, #tpu.memory_space<semaphore_mem>>)
      %dma_wait3A = arith.constant 0 : i32
      %dma_wait3A_44 = arith.constant 0 : i32
      %dma_wait3A_45 = tpu.memref_slice %arg6[%dma_wait3A, %dma_wait3A_44] : memref<8x128xi32, #tpu.memory_space<vmem>> -> memref<1x128xi32, #tpu.memory_space<vmem>>
      %dma_wait3A_46 = tpu.memref_squeeze %dma_wait3A_45 : memref<1x128xi32, #tpu.memory_space<vmem>> -> memref<128xi32, #tpu.memory_space<vmem>>
      %dma_wait3A_47 = arith.constant 0 : i32
      %dma_wait3A_48 = arith.constant 0 : i32
      %dma_wait3A_49 = tpu.memref_slice %arg2[%dma_wait3A_47, %dma_wait3A_48] : memref<10000x128xf32, #tpu.memory_space<hbm>> -> memref<10000x128xf32, #tpu.memory_space<hbm>>
      tpu.wait_indirect_dma semaphore(%arg10 : memref<!tpu.dma_semaphore, #tpu.memory_space<semaphore_mem>>) src(%dma_wait3A_49 : memref<10000x128xf32, #tpu.memory_space<hbm>>) dst(%arg8 : memref<128x128xf32, #tpu.memory_space<vmem>>)
      %run_scoped3A = arith.constant 0 : i32
      "tpu.region"() ({
        %run_scoped3A_155 = tpu.sem_alloc : memref<!tpu.dma_semaphore, #tpu.memory_space<semaphore_mem>>
        %dma_start3A_156 = arith.constant 0 : i32
        %dma_start3A_157 = tpu.memref_slice %arg7[%run_scoped3A, %dma_start3A_156] : memref<8x128xi32, #tpu.memory_space<vmem>> -> memref<1x128xi32, #tpu.memory_space<vmem>>
        %dma_start3A_158 = tpu.memref_squeeze %dma_start3A_157 : memref<1x128xi32, #tpu.memory_space<vmem>> -> memref<128xi32, #tpu.memory_space<vmem>>
        %dma_start3A_159 = arith.constant 0 : i32
        %dma_start3A_160 = arith.constant 0 : i32
        %dma_start3A_161 = tpu.memref_slice %arg9[%dma_start3A_159, %dma_start3A_160] : memref<10112x128xf32, #tpu.memory_space<vmem_shared>> -> memref<10112x128xf32, #tpu.memory_space<vmem_shared>>
        tpu.enqueue_indirect_dma source(%arg8 : memref<128x128xf32, #tpu.memory_space<vmem>>) target(%dma_start3A_161 : memref<10112x128xf32, #tpu.memory_space<vmem_shared>>) offsets(%dma_start3A_158 : memref<128xi32, #tpu.memory_space<vmem>>) semaphore(%run_scoped3A_155 : memref<!tpu.dma_semaphore, #tpu.memory_space<semaphore_mem>>) {add = true}
        %dma_wait3A_162 = arith.constant 0 : i32
        %dma_wait3A_163 = tpu.memref_slice %arg7[%run_scoped3A, %dma_wait3A_162] : memref<8x128xi32, #tpu.memory_space<vmem>> -> memref<1x128xi32, #tpu.memory_space<vmem>>
        %dma_wait3A_164 = tpu.memref_squeeze %dma_wait3A_163 : memref<1x128xi32, #tpu.memory_space<vmem>> -> memref<128xi32, #tpu.memory_space<vmem>>
        %dma_wait3A_165 = arith.constant 0 : i32
        %dma_wait3A_166 = arith.constant 0 : i32
        %dma_wait3A_167 = tpu.memref_slice %arg9[%dma_wait3A_165, %dma_wait3A_166] : memref<10112x128xf32, #tpu.memory_space<vmem_shared>> -> memref<10112x128xf32, #tpu.memory_space<vmem_shared>>
        tpu.wait_indirect_dma semaphore(%run_scoped3A_155 : memref<!tpu.dma_semaphore, #tpu.memory_space<semaphore_mem>>) src(%arg8 : memref<128x128xf32, #tpu.memory_space<vmem>>) dst(%dma_wait3A_167 : memref<10112x128xf32, #tpu.memory_space<vmem_shared>>)
        tpu.yield
      }) : () -> ()
      %dma_start3A_50 = arith.constant 1 : i32
      %dma_start3A_51 = arith.constant 0 : i32
      %dma_start3A_52 = tpu.memref_slice %arg6[%dma_start3A_50, %dma_start3A_51] : memref<8x128xi32, #tpu.memory_space<vmem>> -> memref<1x128xi32, #tpu.memory_space<vmem>>
      %dma_start3A_53 = tpu.memref_squeeze %dma_start3A_52 : memref<1x128xi32, #tpu.memory_space<vmem>> -> memref<128xi32, #tpu.memory_space<vmem>>
      %dma_start3A_54 = arith.constant 0 : i32
      %dma_start3A_55 = arith.constant 0 : i32
      %dma_start3A_56 = tpu.memref_slice %arg2[%dma_start3A_54, %dma_start3A_55] : memref<10000x128xf32, #tpu.memory_space<hbm>> -> memref<10000x128xf32, #tpu.memory_space<hbm>>
      tpu.enqueue_indirect_dma source(%dma_start3A_56 : memref<10000x128xf32, #tpu.memory_space<hbm>>) target(%arg8 : memref<128x128xf32, #tpu.memory_space<vmem>>) offsets(%dma_start3A_53 : memref<128xi32, #tpu.memory_space<vmem>>) semaphore(%arg10 : memref<!tpu.dma_semaphore, #tpu.memory_space<semaphore_mem>>)
      %dma_wait3A_57 = arith.constant 1 : i32
      %dma_wait3A_58 = arith.constant 0 : i32
      %dma_wait3A_59 = tpu.memref_slice %arg6[%dma_wait3A_57, %dma_wait3A_58] : memref<8x128xi32, #tpu.memory_space<vmem>> -> memref<1x128xi32, #tpu.memory_space<vmem>>
      %dma_wait3A_60 = tpu.memref_squeeze %dma_wait3A_59 : memref<1x128xi32, #tpu.memory_space<vmem>> -> memref<128xi32, #tpu.memory_space<vmem>>
      %dma_wait3A_61 = arith.constant 0 : i32
      %dma_wait3A_62 = arith.constant 0 : i32
      %dma_wait3A_63 = tpu.memref_slice %arg2[%dma_wait3A_61, %dma_wait3A_62] : memref<10000x128xf32, #tpu.memory_space<hbm>> -> memref<10000x128xf32, #tpu.memory_space<hbm>>
      tpu.wait_indirect_dma semaphore(%arg10 : memref<!tpu.dma_semaphore, #tpu.memory_space<semaphore_mem>>) src(%dma_wait3A_63 : memref<10000x128xf32, #tpu.memory_space<hbm>>) dst(%arg8 : memref<128x128xf32, #tpu.memory_space<vmem>>)
      %run_scoped3A_64 = arith.constant 1 : i32
      "tpu.region"() ({
        %run_scoped3A_155 = tpu.sem_alloc : memref<!tpu.dma_semaphore, #tpu.memory_space<semaphore_mem>>
        %dma_start3A_156 = arith.constant 0 : i32
        %dma_start3A_157 = tpu.memref_slice %arg7[%run_scoped3A_64, %dma_start3A_156] : memref<8x128xi32, #tpu.memory_space<vmem>> -> memref<1x128xi32, #tpu.memory_space<vmem>>
        %dma_start3A_158 = tpu.memref_squeeze %dma_start3A_157 : memref<1x128xi32, #tpu.memory_space<vmem>> -> memref<128xi32, #tpu.memory_space<vmem>>
        %dma_start3A_159 = arith.constant 0 : i32
        %dma_start3A_160 = arith.constant 0 : i32
        %dma_start3A_161 = tpu.memref_slice %arg9[%dma_start3A_159, %dma_start3A_160] : memref<10112x128xf32, #tpu.memory_space<vmem_shared>> -> memref<10112x128xf32, #tpu.memory_space<vmem_shared>>
        tpu.enqueue_indirect_dma source(%arg8 : memref<128x128xf32, #tpu.memory_space<vmem>>) target(%dma_start3A_161 : memref<10112x128xf32, #tpu.memory_space<vmem_shared>>) offsets(%dma_start3A_158 : memref<128xi32, #tpu.memory_space<vmem>>) semaphore(%run_scoped3A_155 : memref<!tpu.dma_semaphore, #tpu.memory_space<semaphore_mem>>) {add = true}
        %dma_wait3A_162 = arith.constant 0 : i32
        %dma_wait3A_163 = tpu.memref_slice %arg7[%run_scoped3A_64, %dma_wait3A_162] : memref<8x128xi32, #tpu.memory_space<vmem>> -> memref<1x128xi32, #tpu.memory_space<vmem>>
        %dma_wait3A_164 = tpu.memref_squeeze %dma_wait3A_163 : memref<1x128xi32, #tpu.memory_space<vmem>> -> memref<128xi32, #tpu.memory_space<vmem>>
        %dma_wait3A_165 = arith.constant 0 : i32
        %dma_wait3A_166 = arith.constant 0 : i32
        %dma_wait3A_167 = tpu.memref_slice %arg9[%dma_wait3A_165, %dma_wait3A_166] : memref<10112x128xf32, #tpu.memory_space<vmem_shared>> -> memref<10112x128xf32, #tpu.memory_space<vmem_shared>>
        tpu.wait_indirect_dma semaphore(%run_scoped3A_155 : memref<!tpu.dma_semaphore, #tpu.memory_space<semaphore_mem>>) src(%arg8 : memref<128x128xf32, #tpu.memory_space<vmem>>) dst(%dma_wait3A_167 : memref<10112x128xf32, #tpu.memory_space<vmem_shared>>)
        tpu.yield
      }) : () -> ()
      %dma_start3A_65 = arith.constant 2 : i32
      %dma_start3A_66 = arith.constant 0 : i32
      %dma_start3A_67 = tpu.memref_slice %arg6[%dma_start3A_65, %dma_start3A_66] : memref<8x128xi32, #tpu.memory_space<vmem>> -> memref<1x128xi32, #tpu.memory_space<vmem>>
      %dma_start3A_68 = tpu.memref_squeeze %dma_start3A_67 : memref<1x128xi32, #tpu.memory_space<vmem>> -> memref<128xi32, #tpu.memory_space<vmem>>
      %dma_start3A_69 = arith.constant 0 : i32
      %dma_start3A_70 = arith.constant 0 : i32
      %dma_start3A_71 = tpu.memref_slice %arg2[%dma_start3A_69, %dma_start3A_70] : memref<10000x128xf32, #tpu.memory_space<hbm>> -> memref<10000x128xf32, #tpu.memory_space<hbm>>
      tpu.enqueue_indirect_dma source(%dma_start3A_71 : memref<10000x128xf32, #tpu.memory_space<hbm>>) target(%arg8 : memref<128x128xf32, #tpu.memory_space<vmem>>) offsets(%dma_start3A_68 : memref<128xi32, #tpu.memory_space<vmem>>) semaphore(%arg10 : memref<!tpu.dma_semaphore, #tpu.memory_space<semaphore_mem>>)
      %dma_wait3A_72 = arith.constant 2 : i32
      %dma_wait3A_73 = arith.constant 0 : i32
      %dma_wait3A_74 = tpu.memref_slice %arg6[%dma_wait3A_72, %dma_wait3A_73] : memref<8x128xi32, #tpu.memory_space<vmem>> -> memref<1x128xi32, #tpu.memory_space<vmem>>
      %dma_wait3A_75 = tpu.memref_squeeze %dma_wait3A_74 : memref<1x128xi32, #tpu.memory_space<vmem>> -> memref<128xi32, #tpu.memory_space<vmem>>
      %dma_wait3A_76 = arith.constant 0 : i32
      %dma_wait3A_77 = arith.constant 0 : i32
      %dma_wait3A_78 = tpu.memref_slice %arg2[%dma_wait3A_76, %dma_wait3A_77] : memref<10000x128xf32, #tpu.memory_space<hbm>> -> memref<10000x128xf32, #tpu.memory_space<hbm>>
      tpu.wait_indirect_dma semaphore(%arg10 : memref<!tpu.dma_semaphore, #tpu.memory_space<semaphore_mem>>) src(%dma_wait3A_78 : memref<10000x128xf32, #tpu.memory_space<hbm>>) dst(%arg8 : memref<128x128xf32, #tpu.memory_space<vmem>>)
      %run_scoped3A_79 = arith.constant 2 : i32
      "tpu.region"() ({
        %run_scoped3A_155 = tpu.sem_alloc : memref<!tpu.dma_semaphore, #tpu.memory_space<semaphore_mem>>
        %dma_start3A_156 = arith.constant 0 : i32
        %dma_start3A_157 = tpu.memref_slice %arg7[%run_scoped3A_79, %dma_start3A_156] : memref<8x128xi32, #tpu.memory_space<vmem>> -> memref<1x128xi32, #tpu.memory_space<vmem>>
        %dma_start3A_158 = tpu.memref_squeeze %dma_start3A_157 : memref<1x128xi32, #tpu.memory_space<vmem>> -> memref<128xi32, #tpu.memory_space<vmem>>
        %dma_start3A_159 = arith.constant 0 : i32
        %dma_start3A_160 = arith.constant 0 : i32
        %dma_start3A_161 = tpu.memref_slice %arg9[%dma_start3A_159, %dma_start3A_160] : memref<10112x128xf32, #tpu.memory_space<vmem_shared>> -> memref<10112x128xf32, #tpu.memory_space<vmem_shared>>
        tpu.enqueue_indirect_dma source(%arg8 : memref<128x128xf32, #tpu.memory_space<vmem>>) target(%dma_start3A_161 : memref<10112x128xf32, #tpu.memory_space<vmem_shared>>) offsets(%dma_start3A_158 : memref<128xi32, #tpu.memory_space<vmem>>) semaphore(%run_scoped3A_155 : memref<!tpu.dma_semaphore, #tpu.memory_space<semaphore_mem>>) {add = true}
        %dma_wait3A_162 = arith.constant 0 : i32
        %dma_wait3A_163 = tpu.memref_slice %arg7[%run_scoped3A_79, %dma_wait3A_162] : memref<8x128xi32, #tpu.memory_space<vmem>> -> memref<1x128xi32, #tpu.memory_space<vmem>>
        %dma_wait3A_164 = tpu.memref_squeeze %dma_wait3A_163 : memref<1x128xi32, #tpu.memory_space<vmem>> -> memref<128xi32, #tpu.memory_space<vmem>>
        %dma_wait3A_165 = arith.constant 0 : i32
        %dma_wait3A_166 = arith.constant 0 : i32
        %dma_wait3A_167 = tpu.memref_slice %arg9[%dma_wait3A_165, %dma_wait3A_166] : memref<10112x128xf32, #tpu.memory_space<vmem_shared>> -> memref<10112x128xf32, #tpu.memory_space<vmem_shared>>
        tpu.wait_indirect_dma semaphore(%run_scoped3A_155 : memref<!tpu.dma_semaphore, #tpu.memory_space<semaphore_mem>>) src(%arg8 : memref<128x128xf32, #tpu.memory_space<vmem>>) dst(%dma_wait3A_167 : memref<10112x128xf32, #tpu.memory_space<vmem_shared>>)
        tpu.yield
      }) : () -> ()
      %dma_start3A_80 = arith.constant 3 : i32
      %dma_start3A_81 = arith.constant 0 : i32
      %dma_start3A_82 = tpu.memref_slice %arg6[%dma_start3A_80, %dma_start3A_81] : memref<8x128xi32, #tpu.memory_space<vmem>> -> memref<1x128xi32, #tpu.memory_space<vmem>>
      %dma_start3A_83 = tpu.memref_squeeze %dma_start3A_82 : memref<1x128xi32, #tpu.memory_space<vmem>> -> memref<128xi32, #tpu.memory_space<vmem>>
      %dma_start3A_84 = arith.constant 0 : i32
      %dma_start3A_85 = arith.constant 0 : i32
      %dma_start3A_86 = tpu.memref_slice %arg2[%dma_start3A_84, %dma_start3A_85] : memref<10000x128xf32, #tpu.memory_space<hbm>> -> memref<10000x128xf32, #tpu.memory_space<hbm>>
      tpu.enqueue_indirect_dma source(%dma_start3A_86 : memref<10000x128xf32, #tpu.memory_space<hbm>>) target(%arg8 : memref<128x128xf32, #tpu.memory_space<vmem>>) offsets(%dma_start3A_83 : memref<128xi32, #tpu.memory_space<vmem>>) semaphore(%arg10 : memref<!tpu.dma_semaphore, #tpu.memory_space<semaphore_mem>>)
      %dma_wait3A_87 = arith.constant 3 : i32
      %dma_wait3A_88 = arith.constant 0 : i32
      %dma_wait3A_89 = tpu.memref_slice %arg6[%dma_wait3A_87, %dma_wait3A_88] : memref<8x128xi32, #tpu.memory_space<vmem>> -> memref<1x128xi32, #tpu.memory_space<vmem>>
      %dma_wait3A_90 = tpu.memref_squeeze %dma_wait3A_89 : memref<1x128xi32, #tpu.memory_space<vmem>> -> memref<128xi32, #tpu.memory_space<vmem>>
      %dma_wait3A_91 = arith.constant 0 : i32
      %dma_wait3A_92 = arith.constant 0 : i32
      %dma_wait3A_93 = tpu.memref_slice %arg2[%dma_wait3A_91, %dma_wait3A_92] : memref<10000x128xf32, #tpu.memory_space<hbm>> -> memref<10000x128xf32, #tpu.memory_space<hbm>>
      tpu.wait_indirect_dma semaphore(%arg10 : memref<!tpu.dma_semaphore, #tpu.memory_space<semaphore_mem>>) src(%dma_wait3A_93 : memref<10000x128xf32, #tpu.memory_space<hbm>>) dst(%arg8 : memref<128x128xf32, #tpu.memory_space<vmem>>)
      %run_scoped3A_94 = arith.constant 3 : i32
      "tpu.region"() ({
        %run_scoped3A_155 = tpu.sem_alloc : memref<!tpu.dma_semaphore, #tpu.memory_space<semaphore_mem>>
        %dma_start3A_156 = arith.constant 0 : i32
        %dma_start3A_157 = tpu.memref_slice %arg7[%run_scoped3A_94, %dma_start3A_156] : memref<8x128xi32, #tpu.memory_space<vmem>> -> memref<1x128xi32, #tpu.memory_space<vmem>>
        %dma_start3A_158 = tpu.memref_squeeze %dma_start3A_157 : memref<1x128xi32, #tpu.memory_space<vmem>> -> memref<128xi32, #tpu.memory_space<vmem>>
        %dma_start3A_159 = arith.constant 0 : i32
        %dma_start3A_160 = arith.constant 0 : i32
        %dma_start3A_161 = tpu.memref_slice %arg9[%dma_start3A_159, %dma_start3A_160] : memref<10112x128xf32, #tpu.memory_space<vmem_shared>> -> memref<10112x128xf32, #tpu.memory_space<vmem_shared>>
        tpu.enqueue_indirect_dma source(%arg8 : memref<128x128xf32, #tpu.memory_space<vmem>>) target(%dma_start3A_161 : memref<10112x128xf32, #tpu.memory_space<vmem_shared>>) offsets(%dma_start3A_158 : memref<128xi32, #tpu.memory_space<vmem>>) semaphore(%run_scoped3A_155 : memref<!tpu.dma_semaphore, #tpu.memory_space<semaphore_mem>>) {add = true}
        %dma_wait3A_162 = arith.constant 0 : i32
        %dma_wait3A_163 = tpu.memref_slice %arg7[%run_scoped3A_94, %dma_wait3A_162] : memref<8x128xi32, #tpu.memory_space<vmem>> -> memref<1x128xi32, #tpu.memory_space<vmem>>
        %dma_wait3A_164 = tpu.memref_squeeze %dma_wait3A_163 : memref<1x128xi32, #tpu.memory_space<vmem>> -> memref<128xi32, #tpu.memory_space<vmem>>
        %dma_wait3A_165 = arith.constant 0 : i32
        %dma_wait3A_166 = arith.constant 0 : i32
        %dma_wait3A_167 = tpu.memref_slice %arg9[%dma_wait3A_165, %dma_wait3A_166] : memref<10112x128xf32, #tpu.memory_space<vmem_shared>> -> memref<10112x128xf32, #tpu.memory_space<vmem_shared>>
        tpu.wait_indirect_dma semaphore(%run_scoped3A_155 : memref<!tpu.dma_semaphore, #tpu.memory_space<semaphore_mem>>) src(%arg8 : memref<128x128xf32, #tpu.memory_space<vmem>>) dst(%dma_wait3A_167 : memref<10112x128xf32, #tpu.memory_space<vmem_shared>>)
        tpu.yield
      }) : () -> ()
      %dma_start3A_95 = arith.constant 4 : i32
      %dma_start3A_96 = arith.constant 0 : i32
      %dma_start3A_97 = tpu.memref_slice %arg6[%dma_start3A_95, %dma_start3A_96] : memref<8x128xi32, #tpu.memory_space<vmem>> -> memref<1x128xi32, #tpu.memory_space<vmem>>
      %dma_start3A_98 = tpu.memref_squeeze %dma_start3A_97 : memref<1x128xi32, #tpu.memory_space<vmem>> -> memref<128xi32, #tpu.memory_space<vmem>>
      %dma_start3A_99 = arith.constant 0 : i32
      %dma_start3A_100 = arith.constant 0 : i32
      %dma_start3A_101 = tpu.memref_slice %arg2[%dma_start3A_99, %dma_start3A_100] : memref<10000x128xf32, #tpu.memory_space<hbm>> -> memref<10000x128xf32, #tpu.memory_space<hbm>>
      tpu.enqueue_indirect_dma source(%dma_start3A_101 : memref<10000x128xf32, #tpu.memory_space<hbm>>) target(%arg8 : memref<128x128xf32, #tpu.memory_space<vmem>>) offsets(%dma_start3A_98 : memref<128xi32, #tpu.memory_space<vmem>>) semaphore(%arg10 : memref<!tpu.dma_semaphore, #tpu.memory_space<semaphore_mem>>)
      %dma_wait3A_102 = arith.constant 4 : i32
      %dma_wait3A_103 = arith.constant 0 : i32
      %dma_wait3A_104 = tpu.memref_slice %arg6[%dma_wait3A_102, %dma_wait3A_103] : memref<8x128xi32, #tpu.memory_space<vmem>> -> memref<1x128xi32, #tpu.memory_space<vmem>>
      %dma_wait3A_105 = tpu.memref_squeeze %dma_wait3A_104 : memref<1x128xi32, #tpu.memory_space<vmem>> -> memref<128xi32, #tpu.memory_space<vmem>>
      %dma_wait3A_106 = arith.constant 0 : i32
      %dma_wait3A_107 = arith.constant 0 : i32
      %dma_wait3A_108 = tpu.memref_slice %arg2[%dma_wait3A_106, %dma_wait3A_107] : memref<10000x128xf32, #tpu.memory_space<hbm>> -> memref<10000x128xf32, #tpu.memory_space<hbm>>
      tpu.wait_indirect_dma semaphore(%arg10 : memref<!tpu.dma_semaphore, #tpu.memory_space<semaphore_mem>>) src(%dma_wait3A_108 : memref<10000x128xf32, #tpu.memory_space<hbm>>) dst(%arg8 : memref<128x128xf32, #tpu.memory_space<vmem>>)
      %run_scoped3A_109 = arith.constant 4 : i32
      "tpu.region"() ({
        %run_scoped3A_155 = tpu.sem_alloc : memref<!tpu.dma_semaphore, #tpu.memory_space<semaphore_mem>>
        %dma_start3A_156 = arith.constant 0 : i32
        %dma_start3A_157 = tpu.memref_slice %arg7[%run_scoped3A_109, %dma_start3A_156] : memref<8x128xi32, #tpu.memory_space<vmem>> -> memref<1x128xi32, #tpu.memory_space<vmem>>
        %dma_start3A_158 = tpu.memref_squeeze %dma_start3A_157 : memref<1x128xi32, #tpu.memory_space<vmem>> -> memref<128xi32, #tpu.memory_space<vmem>>
        %dma_start3A_159 = arith.constant 0 : i32
        %dma_start3A_160 = arith.constant 0 : i32
        %dma_start3A_161 = tpu.memref_slice %arg9[%dma_start3A_159, %dma_start3A_160] : memref<10112x128xf32, #tpu.memory_space<vmem_shared>> -> memref<10112x128xf32, #tpu.memory_space<vmem_shared>>
        tpu.enqueue_indirect_dma source(%arg8 : memref<128x128xf32, #tpu.memory_space<vmem>>) target(%dma_start3A_161 : memref<10112x128xf32, #tpu.memory_space<vmem_shared>>) offsets(%dma_start3A_158 : memref<128xi32, #tpu.memory_space<vmem>>) semaphore(%run_scoped3A_155 : memref<!tpu.dma_semaphore, #tpu.memory_space<semaphore_mem>>) {add = true}
        %dma_wait3A_162 = arith.constant 0 : i32
        %dma_wait3A_163 = tpu.memref_slice %arg7[%run_scoped3A_109, %dma_wait3A_162] : memref<8x128xi32, #tpu.memory_space<vmem>> -> memref<1x128xi32, #tpu.memory_space<vmem>>
        %dma_wait3A_164 = tpu.memref_squeeze %dma_wait3A_163 : memref<1x128xi32, #tpu.memory_space<vmem>> -> memref<128xi32, #tpu.memory_space<vmem>>
        %dma_wait3A_165 = arith.constant 0 : i32
        %dma_wait3A_166 = arith.constant 0 : i32
        %dma_wait3A_167 = tpu.memref_slice %arg9[%dma_wait3A_165, %dma_wait3A_166] : memref<10112x128xf32, #tpu.memory_space<vmem_shared>> -> memref<10112x128xf32, #tpu.memory_space<vmem_shared>>
        tpu.wait_indirect_dma semaphore(%run_scoped3A_155 : memref<!tpu.dma_semaphore, #tpu.memory_space<semaphore_mem>>) src(%arg8 : memref<128x128xf32, #tpu.memory_space<vmem>>) dst(%dma_wait3A_167 : memref<10112x128xf32, #tpu.memory_space<vmem_shared>>)
        tpu.yield
      }) : () -> ()
      %dma_start3A_110 = arith.constant 5 : i32
      %dma_start3A_111 = arith.constant 0 : i32
      %dma_start3A_112 = tpu.memref_slice %arg6[%dma_start3A_110, %dma_start3A_111] : memref<8x128xi32, #tpu.memory_space<vmem>> -> memref<1x128xi32, #tpu.memory_space<vmem>>
      %dma_start3A_113 = tpu.memref_squeeze %dma_start3A_112 : memref<1x128xi32, #tpu.memory_space<vmem>> -> memref<128xi32, #tpu.memory_space<vmem>>
      %dma_start3A_114 = arith.constant 0 : i32
      %dma_start3A_115 = arith.constant 0 : i32
      %dma_start3A_116 = tpu.memref_slice %arg2[%dma_start3A_114, %dma_start3A_115] : memref<10000x128xf32, #tpu.memory_space<hbm>> -> memref<10000x128xf32, #tpu.memory_space<hbm>>
      tpu.enqueue_indirect_dma source(%dma_start3A_116 : memref<10000x128xf32, #tpu.memory_space<hbm>>) target(%arg8 : memref<128x128xf32, #tpu.memory_space<vmem>>) offsets(%dma_start3A_113 : memref<128xi32, #tpu.memory_space<vmem>>) semaphore(%arg10 : memref<!tpu.dma_semaphore, #tpu.memory_space<semaphore_mem>>)
      %dma_wait3A_117 = arith.constant 5 : i32
      %dma_wait3A_118 = arith.constant 0 : i32
      %dma_wait3A_119 = tpu.memref_slice %arg6[%dma_wait3A_117, %dma_wait3A_118] : memref<8x128xi32, #tpu.memory_space<vmem>> -> memref<1x128xi32, #tpu.memory_space<vmem>>
      %dma_wait3A_120 = tpu.memref_squeeze %dma_wait3A_119 : memref<1x128xi32, #tpu.memory_space<vmem>> -> memref<128xi32, #tpu.memory_space<vmem>>
      %dma_wait3A_121 = arith.constant 0 : i32
      %dma_wait3A_122 = arith.constant 0 : i32
      %dma_wait3A_123 = tpu.memref_slice %arg2[%dma_wait3A_121, %dma_wait3A_122] : memref<10000x128xf32, #tpu.memory_space<hbm>> -> memref<10000x128xf32, #tpu.memory_space<hbm>>
      tpu.wait_indirect_dma semaphore(%arg10 : memref<!tpu.dma_semaphore, #tpu.memory_space<semaphore_mem>>) src(%dma_wait3A_123 : memref<10000x128xf32, #tpu.memory_space<hbm>>) dst(%arg8 : memref<128x128xf32, #tpu.memory_space<vmem>>)
      %run_scoped3A_124 = arith.constant 5 : i32
      "tpu.region"() ({
        %run_scoped3A_155 = tpu.sem_alloc : memref<!tpu.dma_semaphore, #tpu.memory_space<semaphore_mem>>
        %dma_start3A_156 = arith.constant 0 : i32
        %dma_start3A_157 = tpu.memref_slice %arg7[%run_scoped3A_124, %dma_start3A_156] : memref<8x128xi32, #tpu.memory_space<vmem>> -> memref<1x128xi32, #tpu.memory_space<vmem>>
        %dma_start3A_158 = tpu.memref_squeeze %dma_start3A_157 : memref<1x128xi32, #tpu.memory_space<vmem>> -> memref<128xi32, #tpu.memory_space<vmem>>
        %dma_start3A_159 = arith.constant 0 : i32
        %dma_start3A_160 = arith.constant 0 : i32
        %dma_start3A_161 = tpu.memref_slice %arg9[%dma_start3A_159, %dma_start3A_160] : memref<10112x128xf32, #tpu.memory_space<vmem_shared>> -> memref<10112x128xf32, #tpu.memory_space<vmem_shared>>
        tpu.enqueue_indirect_dma source(%arg8 : memref<128x128xf32, #tpu.memory_space<vmem>>) target(%dma_start3A_161 : memref<10112x128xf32, #tpu.memory_space<vmem_shared>>) offsets(%dma_start3A_158 : memref<128xi32, #tpu.memory_space<vmem>>) semaphore(%run_scoped3A_155 : memref<!tpu.dma_semaphore, #tpu.memory_space<semaphore_mem>>) {add = true}
        %dma_wait3A_162 = arith.constant 0 : i32
        %dma_wait3A_163 = tpu.memref_slice %arg7[%run_scoped3A_124, %dma_wait3A_162] : memref<8x128xi32, #tpu.memory_space<vmem>> -> memref<1x128xi32, #tpu.memory_space<vmem>>
        %dma_wait3A_164 = tpu.memref_squeeze %dma_wait3A_163 : memref<1x128xi32, #tpu.memory_space<vmem>> -> memref<128xi32, #tpu.memory_space<vmem>>
        %dma_wait3A_165 = arith.constant 0 : i32
        %dma_wait3A_166 = arith.constant 0 : i32
        %dma_wait3A_167 = tpu.memref_slice %arg9[%dma_wait3A_165, %dma_wait3A_166] : memref<10112x128xf32, #tpu.memory_space<vmem_shared>> -> memref<10112x128xf32, #tpu.memory_space<vmem_shared>>
        tpu.wait_indirect_dma semaphore(%run_scoped3A_155 : memref<!tpu.dma_semaphore, #tpu.memory_space<semaphore_mem>>) src(%arg8 : memref<128x128xf32, #tpu.memory_space<vmem>>) dst(%dma_wait3A_167 : memref<10112x128xf32, #tpu.memory_space<vmem_shared>>)
        tpu.yield
      }) : () -> ()
      %dma_start3A_125 = arith.constant 6 : i32
      %dma_start3A_126 = arith.constant 0 : i32
      %dma_start3A_127 = tpu.memref_slice %arg6[%dma_start3A_125, %dma_start3A_126] : memref<8x128xi32, #tpu.memory_space<vmem>> -> memref<1x128xi32, #tpu.memory_space<vmem>>
      %dma_start3A_128 = tpu.memref_squeeze %dma_start3A_127 : memref<1x128xi32, #tpu.memory_space<vmem>> -> memref<128xi32, #tpu.memory_space<vmem>>
      %dma_start3A_129 = arith.constant 0 : i32
      %dma_start3A_130 = arith.constant 0 : i32
      %dma_start3A_131 = tpu.memref_slice %arg2[%dma_start3A_129, %dma_start3A_130] : memref<10000x128xf32, #tpu.memory_space<hbm>> -> memref<10000x128xf32, #tpu.memory_space<hbm>>
      tpu.enqueue_indirect_dma source(%dma_start3A_131 : memref<10000x128xf32, #tpu.memory_space<hbm>>) target(%arg8 : memref<128x128xf32, #tpu.memory_space<vmem>>) offsets(%dma_start3A_128 : memref<128xi32, #tpu.memory_space<vmem>>) semaphore(%arg10 : memref<!tpu.dma_semaphore, #tpu.memory_space<semaphore_mem>>)
      %dma_wait3A_132 = arith.constant 6 : i32
      %dma_wait3A_133 = arith.constant 0 : i32
      %dma_wait3A_134 = tpu.memref_slice %arg6[%dma_wait3A_132, %dma_wait3A_133] : memref<8x128xi32, #tpu.memory_space<vmem>> -> memref<1x128xi32, #tpu.memory_space<vmem>>
      %dma_wait3A_135 = tpu.memref_squeeze %dma_wait3A_134 : memref<1x128xi32, #tpu.memory_space<vmem>> -> memref<128xi32, #tpu.memory_space<vmem>>
      %dma_wait3A_136 = arith.constant 0 : i32
      %dma_wait3A_137 = arith.constant 0 : i32
      %dma_wait3A_138 = tpu.memref_slice %arg2[%dma_wait3A_136, %dma_wait3A_137] : memref<10000x128xf32, #tpu.memory_space<hbm>> -> memref<10000x128xf32, #tpu.memory_space<hbm>>
      tpu.wait_indirect_dma semaphore(%arg10 : memref<!tpu.dma_semaphore, #tpu.memory_space<semaphore_mem>>) src(%dma_wait3A_138 : memref<10000x128xf32, #tpu.memory_space<hbm>>) dst(%arg8 : memref<128x128xf32, #tpu.memory_space<vmem>>)
      %run_scoped3A_139 = arith.constant 6 : i32
      "tpu.region"() ({
        %run_scoped3A_155 = tpu.sem_alloc : memref<!tpu.dma_semaphore, #tpu.memory_space<semaphore_mem>>
        %dma_start3A_156 = arith.constant 0 : i32
        %dma_start3A_157 = tpu.memref_slice %arg7[%run_scoped3A_139, %dma_start3A_156] : memref<8x128xi32, #tpu.memory_space<vmem>> -> memref<1x128xi32, #tpu.memory_space<vmem>>
        %dma_start3A_158 = tpu.memref_squeeze %dma_start3A_157 : memref<1x128xi32, #tpu.memory_space<vmem>> -> memref<128xi32, #tpu.memory_space<vmem>>
        %dma_start3A_159 = arith.constant 0 : i32
        %dma_start3A_160 = arith.constant 0 : i32
        %dma_start3A_161 = tpu.memref_slice %arg9[%dma_start3A_159, %dma_start3A_160] : memref<10112x128xf32, #tpu.memory_space<vmem_shared>> -> memref<10112x128xf32, #tpu.memory_space<vmem_shared>>
        tpu.enqueue_indirect_dma source(%arg8 : memref<128x128xf32, #tpu.memory_space<vmem>>) target(%dma_start3A_161 : memref<10112x128xf32, #tpu.memory_space<vmem_shared>>) offsets(%dma_start3A_158 : memref<128xi32, #tpu.memory_space<vmem>>) semaphore(%run_scoped3A_155 : memref<!tpu.dma_semaphore, #tpu.memory_space<semaphore_mem>>) {add = true}
        %dma_wait3A_162 = arith.constant 0 : i32
        %dma_wait3A_163 = tpu.memref_slice %arg7[%run_scoped3A_139, %dma_wait3A_162] : memref<8x128xi32, #tpu.memory_space<vmem>> -> memref<1x128xi32, #tpu.memory_space<vmem>>
        %dma_wait3A_164 = tpu.memref_squeeze %dma_wait3A_163 : memref<1x128xi32, #tpu.memory_space<vmem>> -> memref<128xi32, #tpu.memory_space<vmem>>
        %dma_wait3A_165 = arith.constant 0 : i32
        %dma_wait3A_166 = arith.constant 0 : i32
        %dma_wait3A_167 = tpu.memref_slice %arg9[%dma_wait3A_165, %dma_wait3A_166] : memref<10112x128xf32, #tpu.memory_space<vmem_shared>> -> memref<10112x128xf32, #tpu.memory_space<vmem_shared>>
        tpu.wait_indirect_dma semaphore(%run_scoped3A_155 : memref<!tpu.dma_semaphore, #tpu.memory_space<semaphore_mem>>) src(%arg8 : memref<128x128xf32, #tpu.memory_space<vmem>>) dst(%dma_wait3A_167 : memref<10112x128xf32, #tpu.memory_space<vmem_shared>>)
        tpu.yield
      }) : () -> ()
      %dma_start3A_140 = arith.constant 7 : i32
      %dma_start3A_141 = arith.constant 0 : i32
      %dma_start3A_142 = tpu.memref_slice %arg6[%dma_start3A_140, %dma_start3A_141] : memref<8x128xi32, #tpu.memory_space<vmem>> -> memref<1x128xi32, #tpu.memory_space<vmem>>
      %dma_start3A_143 = tpu.memref_squeeze %dma_start3A_142 : memref<1x128xi32, #tpu.memory_space<vmem>> -> memref<128xi32, #tpu.memory_space<vmem>>
      %dma_start3A_144 = arith.constant 0 : i32
      %dma_start3A_145 = arith.constant 0 : i32
      %dma_start3A_146 = tpu.memref_slice %arg2[%dma_start3A_144, %dma_start3A_145] : memref<10000x128xf32, #tpu.memory_space<hbm>> -> memref<10000x128xf32, #tpu.memory_space<hbm>>
      tpu.enqueue_indirect_dma source(%dma_start3A_146 : memref<10000x128xf32, #tpu.memory_space<hbm>>) target(%arg8 : memref<128x128xf32, #tpu.memory_space<vmem>>) offsets(%dma_start3A_143 : memref<128xi32, #tpu.memory_space<vmem>>) semaphore(%arg10 : memref<!tpu.dma_semaphore, #tpu.memory_space<semaphore_mem>>)
      %dma_wait3A_147 = arith.constant 7 : i32
      %dma_wait3A_148 = arith.constant 0 : i32
      %dma_wait3A_149 = tpu.memref_slice %arg6[%dma_wait3A_147, %dma_wait3A_148] : memref<8x128xi32, #tpu.memory_space<vmem>> -> memref<1x128xi32, #tpu.memory_space<vmem>>
      %dma_wait3A_150 = tpu.memref_squeeze %dma_wait3A_149 : memref<1x128xi32, #tpu.memory_space<vmem>> -> memref<128xi32, #tpu.memory_space<vmem>>
      %dma_wait3A_151 = arith.constant 0 : i32
      %dma_wait3A_152 = arith.constant 0 : i32
      %dma_wait3A_153 = tpu.memref_slice %arg2[%dma_wait3A_151, %dma_wait3A_152] : memref<10000x128xf32, #tpu.memory_space<hbm>> -> memref<10000x128xf32, #tpu.memory_space<hbm>>
      tpu.wait_indirect_dma semaphore(%arg10 : memref<!tpu.dma_semaphore, #tpu.memory_space<semaphore_mem>>) src(%dma_wait3A_153 : memref<10000x128xf32, #tpu.memory_space<hbm>>) dst(%arg8 : memref<128x128xf32, #tpu.memory_space<vmem>>)
      %run_scoped3A_154 = arith.constant 7 : i32
      "tpu.region"() ({
        %run_scoped3A_155 = tpu.sem_alloc : memref<!tpu.dma_semaphore, #tpu.memory_space<semaphore_mem>>
        %dma_start3A_156 = arith.constant 0 : i32
        %dma_start3A_157 = tpu.memref_slice %arg7[%run_scoped3A_154, %dma_start3A_156] : memref<8x128xi32, #tpu.memory_space<vmem>> -> memref<1x128xi32, #tpu.memory_space<vmem>>
        %dma_start3A_158 = tpu.memref_squeeze %dma_start3A_157 : memref<1x128xi32, #tpu.memory_space<vmem>> -> memref<128xi32, #tpu.memory_space<vmem>>
        %dma_start3A_159 = arith.constant 0 : i32
        %dma_start3A_160 = arith.constant 0 : i32
        %dma_start3A_161 = tpu.memref_slice %arg9[%dma_start3A_159, %dma_start3A_160] : memref<10112x128xf32, #tpu.memory_space<vmem_shared>> -> memref<10112x128xf32, #tpu.memory_space<vmem_shared>>
        tpu.enqueue_indirect_dma source(%arg8 : memref<128x128xf32, #tpu.memory_space<vmem>>) target(%dma_start3A_161 : memref<10112x128xf32, #tpu.memory_space<vmem_shared>>) offsets(%dma_start3A_158 : memref<128xi32, #tpu.memory_space<vmem>>) semaphore(%run_scoped3A_155 : memref<!tpu.dma_semaphore, #tpu.memory_space<semaphore_mem>>) {add = true}
        %dma_wait3A_162 = arith.constant 0 : i32
        %dma_wait3A_163 = tpu.memref_slice %arg7[%run_scoped3A_154, %dma_wait3A_162] : memref<8x128xi32, #tpu.memory_space<vmem>> -> memref<1x128xi32, #tpu.memory_space<vmem>>
        %dma_wait3A_164 = tpu.memref_squeeze %dma_wait3A_163 : memref<1x128xi32, #tpu.memory_space<vmem>> -> memref<128xi32, #tpu.memory_space<vmem>>
        %dma_wait3A_165 = arith.constant 0 : i32
        %dma_wait3A_166 = arith.constant 0 : i32
        %dma_wait3A_167 = tpu.memref_slice %arg9[%dma_wait3A_165, %dma_wait3A_166] : memref<10112x128xf32, #tpu.memory_space<vmem_shared>> -> memref<10112x128xf32, #tpu.memory_space<vmem_shared>>
        tpu.wait_indirect_dma semaphore(%run_scoped3A_155 : memref<!tpu.dma_semaphore, #tpu.memory_space<semaphore_mem>>) src(%arg8 : memref<128x128xf32, #tpu.memory_space<vmem>>) dst(%dma_wait3A_167 : memref<10112x128xf32, #tpu.memory_space<vmem_shared>>)
        tpu.yield
      }) : () -> ()
    }
    %scan3A_21 = arith.constant 10 : i32
    %barrier3A_22 = arith.constant 0 : index
    tpu.barrier barrier_id(%barrier3A_22)
    %mul3A_23 = arith.constant 624 : i32
    %mul3A_24 = arith.muli %arg1, %mul3A_23 : i32
    %mul3A_25 = arith.constant 624 : i32
    %mul3A_26 = arith.muli %arg1, %mul3A_25 : i32
    "tpu.region"() ({
      %run_scoped3A = tpu.sem_alloc : memref<!tpu.dma_semaphore, #tpu.memory_space<semaphore_mem>>
      %dma_start3A = arith.constant 0 : i32
      %dma_start3A_29 = tpu.memref_slice %arg5[%arg0, %mul3A_26, %dma_start3A] : memref<2x10000x128xf32, #tpu.memory_space<hbm>> -> memref<1x624x128xf32, #tpu.memory_space<hbm>>
      %dma_start3A_30 = tpu.memref_squeeze %dma_start3A_29 : memref<1x624x128xf32, #tpu.memory_space<hbm>> -> memref<624x128xf32, #tpu.memory_space<hbm>>
      %dma_start3A_31 = arith.constant 0 : i32
      %dma_start3A_32 = tpu.memref_slice %arg9[%mul3A_24, %dma_start3A_31] : memref<10112x128xf32, #tpu.memory_space<vmem_shared>> -> memref<624x128xf32, #tpu.memory_space<vmem_shared>>
      tpu.enqueue_dma source(%dma_start3A_32 : memref<624x128xf32, #tpu.memory_space<vmem_shared>>) target(%dma_start3A_30 : memref<624x128xf32, #tpu.memory_space<hbm>>) target_semaphore(%run_scoped3A : memref<!tpu.dma_semaphore, #tpu.memory_space<semaphore_mem>>)
      %dma_wait3A = arith.constant 0 : i32
      %dma_wait3A_33 = tpu.memref_slice %arg5[%arg0, %mul3A_26, %dma_wait3A] : memref<2x10000x128xf32, #tpu.memory_space<hbm>> -> memref<1x624x128xf32, #tpu.memory_space<hbm>>
      %dma_wait3A_34 = tpu.memref_squeeze %dma_wait3A_33 : memref<1x624x128xf32, #tpu.memory_space<hbm>> -> memref<624x128xf32, #tpu.memory_space<hbm>>
      %dma_wait3A_35 = arith.constant 0 : i32
      %dma_wait3A_36 = tpu.memref_slice %arg9[%mul3A_24, %dma_wait3A_35] : memref<10112x128xf32, #tpu.memory_space<vmem_shared>> -> memref<624x128xf32, #tpu.memory_space<vmem_shared>>
      tpu.wait_dma2 semaphore(%run_scoped3A : memref<!tpu.dma_semaphore, #tpu.memory_space<semaphore_mem>>) src(%dma_wait3A_36 : memref<624x128xf32, #tpu.memory_space<vmem_shared>>) dst(%dma_wait3A_34 : memref<624x128xf32, #tpu.memory_space<hbm>>)
      tpu.yield
    }) : () -> ()
    %eq3A = arith.constant 0 : i32
    %eq3A_27 = arith.cmpi eq, %arg1, %eq3A : i32
    %convert_element_type3A = arith.extui %eq3A_27 : i1 to i32
    %cond3A = arith.constant 0 : i32
    %cond3A_28 = arith.cmpi ne, %convert_element_type3A, %cond3A : i32
    scf.if %cond3A_28 {
      "tpu.region"() ({
        %run_scoped3A = tpu.sem_alloc : memref<!tpu.dma_semaphore, #tpu.memory_space<semaphore_mem>>
        %dma_start3A = arith.constant 9984 : i32
        %dma_start3A_29 = arith.constant 0 : i32
        %dma_start3A_30 = tpu.memref_slice %arg5[%arg0, %dma_start3A, %dma_start3A_29] : memref<2x10000x128xf32, #tpu.memory_space<hbm>> -> memref<1x16x128xf32, #tpu.memory_space<hbm>>
        %dma_start3A_31 = tpu.memref_squeeze %dma_start3A_30 : memref<1x16x128xf32, #tpu.memory_space<hbm>> -> memref<16x128xf32, #tpu.memory_space<hbm>>
        %dma_start3A_32 = arith.constant 9984 : i32
        %dma_start3A_33 = arith.constant 0 : i32
        %dma_start3A_34 = tpu.memref_slice %arg9[%dma_start3A_32, %dma_start3A_33] : memref<10112x128xf32, #tpu.memory_space<vmem_shared>> -> memref<16x128xf32, #tpu.memory_space<vmem_shared>>
        tpu.enqueue_dma source(%dma_start3A_34 : memref<16x128xf32, #tpu.memory_space<vmem_shared>>) target(%dma_start3A_31 : memref<16x128xf32, #tpu.memory_space<hbm>>) target_semaphore(%run_scoped3A : memref<!tpu.dma_semaphore, #tpu.memory_space<semaphore_mem>>)
        %dma_wait3A = arith.constant 9984 : i32
        %dma_wait3A_35 = arith.constant 0 : i32
        %dma_wait3A_36 = tpu.memref_slice %arg5[%arg0, %dma_wait3A, %dma_wait3A_35] : memref<2x10000x128xf32, #tpu.memory_space<hbm>> -> memref<1x16x128xf32, #tpu.memory_space<hbm>>
        %dma_wait3A_37 = tpu.memref_squeeze %dma_wait3A_36 : memref<1x16x128xf32, #tpu.memory_space<hbm>> -> memref<16x128xf32, #tpu.memory_space<hbm>>
        %dma_wait3A_38 = arith.constant 9984 : i32
        %dma_wait3A_39 = arith.constant 0 : i32
        %dma_wait3A_40 = tpu.memref_slice %arg9[%dma_wait3A_38, %dma_wait3A_39] : memref<10112x128xf32, #tpu.memory_space<vmem_shared>> -> memref<16x128xf32, #tpu.memory_space<vmem_shared>>
        tpu.wait_dma2 semaphore(%run_scoped3A : memref<!tpu.dma_semaphore, #tpu.memory_space<semaphore_mem>>) src(%dma_wait3A_40 : memref<16x128xf32, #tpu.memory_space<vmem_shared>>) dst(%dma_wait3A_37 : memref<16x128xf32, #tpu.memory_space<hbm>>)
        tpu.yield
      }) : () -> ()
    } else {
    }
    return
  }
}

#map = affine_map<(d0, d1) -> (0, 0)>
#map1 = affine_map<(d0, d1) -> (0, 0, 0)>
module attributes {stable_mosaic.version = 14 : i64} {
  func.func @k(%arg0: i32, %arg1: i32, %arg2: memref<10000x128xf32, #tpu.memory_space<hbm>>, %arg3: memref<32x80x128xi32, #tpu.memory_space<hbm>>, %arg4: memref<32x80x128xi32, #tpu.memory_space<hbm>>, %arg5: memref<2x10000x128xf32, #tpu.memory_space<hbm>>, %arg6: memref<8x128xi32, #tpu.memory_space<vmem>>, %arg7: memref<8x128xi32, #tpu.memory_space<vmem>>, %arg8: memref<128x128xf32, #tpu.memory_space<vmem>>, %arg9: memref<10112x128xf32, #tpu.memory_space<vmem_shared>>, %arg10: memref<!tpu.dma_semaphore, #tpu.memory_space<semaphore_mem>>) attributes {dimension_semantics = [#tpu.dimension_semantics<core_parallel>, #tpu.dimension_semantics<subcore_parallel>], iteration_bounds = array<i64: 2, 16>, scalar_prefetch = 0 : i64, scratch_operands = 5 : i64, tpu.core_type = #tpu.core_type<sc_vector_subcore>, window_params = [{transform_indices = #map}, {transform_indices = #map1}, {transform_indices = #map1}, {transform_indices = #map1}]} {
    %mul3A = arith.constant 2 : i32
    %mul3A_0 = arith.muli %arg1, %mul3A : i32
    %add3A = arith.addi %mul3A_0, %arg0 : i32
    %scan3A = arith.constant 0 : i32
    %scan3A_1 = arith.constant 128 : i32
    %scan3A_2 = arith.addi %scan3A, %scan3A_1 : i32
    %scan3A_3 = arith.constant 1 : i32
    scf.for %scan3A_29 = %scan3A to %scan3A_2 step %scan3A_3  : i32 {
      %mul3A_30 = arith.constant 1 : i32
      %mul3A_31 = arith.muli %scan3A_29, %mul3A_30 : i32
      %add3A_32 = arith.constant 0 : i32
      %add3A_33 = arith.addi %add3A_32, %mul3A_31 : i32
      %scan3A_34 = arith.constant 0 : i32
      %scan3A_35 = arith.constant 8 : i32
      %scan3A_36 = arith.addi %scan3A_34, %scan3A_35 : i32
      %scan3A_37 = arith.constant 1 : i32
      scf.for %scan3A_39 = %scan3A_34 to %scan3A_36 step %scan3A_37  : i32 {
        %mul3A_40 = arith.constant 1 : i32
        %mul3A_41 = arith.muli %scan3A_39, %mul3A_40 : i32
        %add3A_42 = arith.constant 0 : i32
        %add3A_43 = arith.addi %add3A_42, %mul3A_41 : i32
        %broadcast_in_dim3A = arith.constant 0.000000e+00 : f32
        %broadcast_in_dim3A_44 = vector.broadcast %broadcast_in_dim3A : f32 to vector<16xf32>
        %mul3A_45 = arith.constant 16 : i32
        %mul3A_46 = arith.muli %add3A_43, %mul3A_45 : i32
        %swap3A = arith.index_cast %add3A_33 : i32 to index
        %swap3A_47 = arith.index_cast %mul3A_46 : i32 to index
        %swap3A_48 = tpu.vector_load %arg8[%swap3A, %swap3A_47] {strides = array<i32>} : memref<128x128xf32, #tpu.memory_space<vmem>>, vector<1x16xf32>,
        %swap3A_49 = vector.shape_cast %swap3A_48 : vector<1x16xf32> to vector<16xf32>
        %swap3A_50 = vector.shape_cast %broadcast_in_dim3A_44 : vector<16xf32> to vector<1x16xf32>
        tpu.vector_store %arg8[%swap3A, %swap3A_47], %swap3A_50 {strides = array<i32>} : memref<128x128xf32, #tpu.memory_space<vmem>>, vector<1x16xf32>,
      }
      %scan3A_38 = arith.constant 8 : i32
    }
    %scan3A_4 = arith.constant 128 : i32
    %mul3A_5 = arith.constant 632 : i32
    %mul3A_6 = arith.muli %arg1, %mul3A_5 : i32
    %add3A_7 = arith.constant 0 : i32
    %add3A_8 = arith.addi %mul3A_6, %add3A_7 : i32
    "tpu.region"() ({
      %run_scoped3A = tpu.sem_alloc : memref<!tpu.dma_semaphore, #tpu.memory_space<semaphore_mem>>
      %dma_start3A = arith.constant 0 : i32
      %dma_start3A_29 = tpu.memref_slice %arg9[%add3A_8, %dma_start3A] : memref<10112x128xf32, #tpu.memory_space<vmem_shared>> -> memref<128x128xf32, #tpu.memory_space<vmem_shared>>
      %dma_start3A_30 = arith.constant 0 : i32
      %dma_start3A_31 = tpu.memref_slice %arg9[%add3A_8, %dma_start3A_30] : memref<10112x128xf32, #tpu.memory_space<vmem_shared>> -> memref<128x128xf32, #tpu.memory_space<vmem_shared>>
      tpu.enqueue_dma source(%arg8 : memref<128x128xf32, #tpu.memory_space<vmem>>) target(%dma_start3A_31 : memref<128x128xf32, #tpu.memory_space<vmem_shared>>) target_semaphore(%run_scoped3A : memref<!tpu.dma_semaphore, #tpu.memory_space<semaphore_mem>>)
      %dma_wait3A = arith.constant 0 : i32
      %dma_wait3A_32 = tpu.memref_slice %arg9[%add3A_8, %dma_wait3A] : memref<10112x128xf32, #tpu.memory_space<vmem_shared>> -> memref<128x128xf32, #tpu.memory_space<vmem_shared>>
      %dma_wait3A_33 = arith.constant 0 : i32
      %dma_wait3A_34 = tpu.memref_slice %arg9[%add3A_8, %dma_wait3A_33] : memref<10112x128xf32, #tpu.memory_space<vmem_shared>> -> memref<128x128xf32, #tpu.memory_space<vmem_shared>>
      tpu.wait_dma2 semaphore(%run_scoped3A : memref<!tpu.dma_semaphore, #tpu.memory_space<semaphore_mem>>) src(%arg8 : memref<128x128xf32, #tpu.memory_space<vmem>>) dst(%dma_wait3A_34 : memref<128x128xf32, #tpu.memory_space<vmem_shared>>)
      tpu.yield
    }) : () -> ()
    %add3A_9 = arith.constant 128 : i32
    %add3A_10 = arith.addi %mul3A_6, %add3A_9 : i32
    "tpu.region"() ({
      %run_scoped3A = tpu.sem_alloc : memref<!tpu.dma_semaphore, #tpu.memory_space<semaphore_mem>>
      %dma_start3A = arith.constant 0 : i32
      %dma_start3A_29 = tpu.memref_slice %arg9[%add3A_10, %dma_start3A] : memref<10112x128xf32, #tpu.memory_space<vmem_shared>> -> memref<128x128xf32, #tpu.memory_space<vmem_shared>>
      %dma_start3A_30 = arith.constant 0 : i32
      %dma_start3A_31 = tpu.memref_slice %arg9[%add3A_10, %dma_start3A_30] : memref<10112x128xf32, #tpu.memory_space<vmem_shared>> -> memref<128x128xf32, #tpu.memory_space<vmem_shared>>
      tpu.enqueue_dma source(%arg8 : memref<128x128xf32, #tpu.memory_space<vmem>>) target(%dma_start3A_31 : memref<128x128xf32, #tpu.memory_space<vmem_shared>>) target_semaphore(%run_scoped3A : memref<!tpu.dma_semaphore, #tpu.memory_space<semaphore_mem>>)
      %dma_wait3A = arith.constant 0 : i32
      %dma_wait3A_32 = tpu.memref_slice %arg9[%add3A_10, %dma_wait3A] : memref<10112x128xf32, #tpu.memory_space<vmem_shared>> -> memref<128x128xf32, #tpu.memory_space<vmem_shared>>
      %dma_wait3A_33 = arith.constant 0 : i32
      %dma_wait3A_34 = tpu.memref_slice %arg9[%add3A_10, %dma_wait3A_33] : memref<10112x128xf32, #tpu.memory_space<vmem_shared>> -> memref<128x128xf32, #tpu.memory_space<vmem_shared>>
      tpu.wait_dma2 semaphore(%run_scoped3A : memref<!tpu.dma_semaphore, #tpu.memory_space<semaphore_mem>>) src(%arg8 : memref<128x128xf32, #tpu.memory_space<vmem>>) dst(%dma_wait3A_34 : memref<128x128xf32, #tpu.memory_space<vmem_shared>>)
      tpu.yield
    }) : () -> ()
    %add3A_11 = arith.constant 256 : i32
    %add3A_12 = arith.addi %mul3A_6, %add3A_11 : i32
    "tpu.region"() ({
      %run_scoped3A = tpu.sem_alloc : memref<!tpu.dma_semaphore, #tpu.memory_space<semaphore_mem>>
      %dma_start3A = arith.constant 0 : i32
      %dma_start3A_29 = tpu.memref_slice %arg9[%add3A_12, %dma_start3A] : memref<10112x128xf32, #tpu.memory_space<vmem_shared>> -> memref<128x128xf32, #tpu.memory_space<vmem_shared>>
      %dma_start3A_30 = arith.constant 0 : i32
      %dma_start3A_31 = tpu.memref_slice %arg9[%add3A_12, %dma_start3A_30] : memref<10112x128xf32, #tpu.memory_space<vmem_shared>> -> memref<128x128xf32, #tpu.memory_space<vmem_shared>>
      tpu.enqueue_dma source(%arg8 : memref<128x128xf32, #tpu.memory_space<vmem>>) target(%dma_start3A_31 : memref<128x128xf32, #tpu.memory_space<vmem_shared>>) target_semaphore(%run_scoped3A : memref<!tpu.dma_semaphore, #tpu.memory_space<semaphore_mem>>)
      %dma_wait3A = arith.constant 0 : i32
      %dma_wait3A_32 = tpu.memref_slice %arg9[%add3A_12, %dma_wait3A] : memref<10112x128xf32, #tpu.memory_space<vmem_shared>> -> memref<128x128xf32, #tpu.memory_space<vmem_shared>>
      %dma_wait3A_33 = arith.constant 0 : i32
      %dma_wait3A_34 = tpu.memref_slice %arg9[%add3A_12, %dma_wait3A_33] : memref<10112x128xf32, #tpu.memory_space<vmem_shared>> -> memref<128x128xf32, #tpu.memory_space<vmem_shared>>
      tpu.wait_dma2 semaphore(%run_scoped3A : memref<!tpu.dma_semaphore, #tpu.memory_space<semaphore_mem>>) src(%arg8 : memref<128x128xf32, #tpu.memory_space<vmem>>) dst(%dma_wait3A_34 : memref<128x128xf32, #tpu.memory_space<vmem_shared>>)
      tpu.yield
    }) : () -> ()
    %add3A_13 = arith.constant 384 : i32
    %add3A_14 = arith.addi %mul3A_6, %add3A_13 : i32
    "tpu.region"() ({
      %run_scoped3A = tpu.sem_alloc : memref<!tpu.dma_semaphore, #tpu.memory_space<semaphore_mem>>
      %dma_start3A = arith.constant 0 : i32
      %dma_start3A_29 = tpu.memref_slice %arg9[%add3A_14, %dma_start3A] : memref<10112x128xf32, #tpu.memory_space<vmem_shared>> -> memref<128x128xf32, #tpu.memory_space<vmem_shared>>
      %dma_start3A_30 = arith.constant 0 : i32
      %dma_start3A_31 = tpu.memref_slice %arg9[%add3A_14, %dma_start3A_30] : memref<10112x128xf32, #tpu.memory_space<vmem_shared>> -> memref<128x128xf32, #tpu.memory_space<vmem_shared>>
      tpu.enqueue_dma source(%arg8 : memref<128x128xf32, #tpu.memory_space<vmem>>) target(%dma_start3A_31 : memref<128x128xf32, #tpu.memory_space<vmem_shared>>) target_semaphore(%run_scoped3A : memref<!tpu.dma_semaphore, #tpu.memory_space<semaphore_mem>>)
      %dma_wait3A = arith.constant 0 : i32
      %dma_wait3A_32 = tpu.memref_slice %arg9[%add3A_14, %dma_wait3A] : memref<10112x128xf32, #tpu.memory_space<vmem_shared>> -> memref<128x128xf32, #tpu.memory_space<vmem_shared>>
      %dma_wait3A_33 = arith.constant 0 : i32
      %dma_wait3A_34 = tpu.memref_slice %arg9[%add3A_14, %dma_wait3A_33] : memref<10112x128xf32, #tpu.memory_space<vmem_shared>> -> memref<128x128xf32, #tpu.memory_space<vmem_shared>>
      tpu.wait_dma2 semaphore(%run_scoped3A : memref<!tpu.dma_semaphore, #tpu.memory_space<semaphore_mem>>) src(%arg8 : memref<128x128xf32, #tpu.memory_space<vmem>>) dst(%dma_wait3A_34 : memref<128x128xf32, #tpu.memory_space<vmem_shared>>)
      tpu.yield
    }) : () -> ()
    %add3A_15 = arith.constant 512 : i32
    %add3A_16 = arith.addi %mul3A_6, %add3A_15 : i32
    "tpu.region"() ({
      %run_scoped3A = tpu.sem_alloc : memref<!tpu.dma_semaphore, #tpu.memory_space<semaphore_mem>>
      %dma_start3A = arith.constant 0 : i32
      %dma_start3A_29 = arith.constant 0 : i32
      %dma_start3A_30 = tpu.memref_slice %arg8[%dma_start3A, %dma_start3A_29] : memref<128x128xf32, #tpu.memory_space<vmem>> -> memref<120x128xf32, #tpu.memory_space<vmem>>
      %dma_start3A_31 = arith.constant 0 : i32
      %dma_start3A_32 = tpu.memref_slice %arg9[%add3A_16, %dma_start3A_31] : memref<10112x128xf32, #tpu.memory_space<vmem_shared>> -> memref<120x128xf32, #tpu.memory_space<vmem_shared>>
      %dma_start3A_33 = arith.constant 0 : i32
      %dma_start3A_34 = tpu.memref_slice %arg9[%add3A_16, %dma_start3A_33] : memref<10112x128xf32, #tpu.memory_space<vmem_shared>> -> memref<120x128xf32, #tpu.memory_space<vmem_shared>>
      %dma_start3A_35 = arith.constant 0 : i32
      %dma_start3A_36 = arith.constant 0 : i32
      %dma_start3A_37 = tpu.memref_slice %arg8[%dma_start3A_35, %dma_start3A_36] : memref<128x128xf32, #tpu.memory_space<vmem>> -> memref<120x128xf32, #tpu.memory_space<vmem>>
      tpu.enqueue_dma source(%dma_start3A_37 : memref<120x128xf32, #tpu.memory_space<vmem>>) target(%dma_start3A_34 : memref<120x128xf32, #tpu.memory_space<vmem_shared>>) target_semaphore(%run_scoped3A : memref<!tpu.dma_semaphore, #tpu.memory_space<semaphore_mem>>)
      %dma_wait3A = arith.constant 0 : i32
      %dma_wait3A_38 = arith.constant 0 : i32
      %dma_wait3A_39 = tpu.memref_slice %arg8[%dma_wait3A, %dma_wait3A_38] : memref<128x128xf32, #tpu.memory_space<vmem>> -> memref<120x128xf32, #tpu.memory_space<vmem>>
      %dma_wait3A_40 = arith.constant 0 : i32
      %dma_wait3A_41 = tpu.memref_slice %arg9[%add3A_16, %dma_wait3A_40] : memref<10112x128xf32, #tpu.memory_space<vmem_shared>> -> memref<120x128xf32, #tpu.memory_space<vmem_shared>>
      %dma_wait3A_42 = arith.constant 0 : i32
      %dma_wait3A_43 = tpu.memref_slice %arg9[%add3A_16, %dma_wait3A_42] : memref<10112x128xf32, #tpu.memory_space<vmem_shared>> -> memref<120x128xf32, #tpu.memory_space<vmem_shared>>
      %dma_wait3A_44 = arith.constant 0 : i32
      %dma_wait3A_45 = arith.constant 0 : i32
      %dma_wait3A_46 = tpu.memref_slice %arg8[%dma_wait3A_44, %dma_wait3A_45] : memref<128x128xf32, #tpu.memory_space<vmem>> -> memref<120x128xf32, #tpu.memory_space<vmem>>
      tpu.wait_dma2 semaphore(%run_scoped3A : memref<!tpu.dma_semaphore, #tpu.memory_space<semaphore_mem>>) src(%dma_wait3A_46 : memref<120x128xf32, #tpu.memory_space<vmem>>) dst(%dma_wait3A_43 : memref<120x128xf32, #tpu.memory_space<vmem_shared>>)
      tpu.yield
    }) : () -> ()
    %barrier3A = arith.constant 0 : index
    tpu.barrier barrier_id(%barrier3A)
    %scan3A_17 = arith.constant 0 : i32
    %scan3A_18 = arith.constant 10 : i32
    %scan3A_19 = arith.addi %scan3A_17, %scan3A_18 : i32
    %scan3A_20 = arith.constant 1 : i32
    scf.for %scan3A_29 = %scan3A_17 to %scan3A_19 step %scan3A_20  : i32 {
      %mul3A_30 = arith.constant 1 : i32
      %mul3A_31 = arith.muli %scan3A_29, %mul3A_30 : i32
      %add3A_32 = arith.constant 0 : i32
      %add3A_33 = arith.addi %add3A_32, %mul3A_31 : i32
      %mul3A_34 = arith.constant 8 : i32
      %mul3A_35 = arith.muli %add3A_33, %mul3A_34 : i32
      "tpu.region"() ({
        %run_scoped3A_155 = tpu.sem_alloc : memref<!tpu.dma_semaphore, #tpu.memory_space<semaphore_mem>>
        %dma_start3A_156 = arith.constant 0 : i32
        %dma_start3A_157 = tpu.memref_slice %arg3[%add3A, %mul3A_35, %dma_start3A_156] : memref<32x80x128xi32, #tpu.memory_space<hbm>> -> memref<1x8x128xi32, #tpu.memory_space<hbm>>
        %dma_start3A_158 = tpu.memref_squeeze %dma_start3A_157 : memref<1x8x128xi32, #tpu.memory_space<hbm>> -> memref<8x128xi32, #tpu.memory_space<hbm>>
        %dma_start3A_159 = arith.constant 0 : i32
        %dma_start3A_160 = tpu.memref_slice %arg3[%add3A, %mul3A_35, %dma_start3A_159] : memref<32x80x128xi32, #tpu.memory_space<hbm>> -> memref<1x8x128xi32, #tpu.memory_space<hbm>>
        %dma_start3A_161 = tpu.memref_squeeze %dma_start3A_160 : memref<1x8x128xi32, #tpu.memory_space<hbm>> -> memref<8x128xi32, #tpu.memory_space<hbm>>
        tpu.enqueue_dma source(%dma_start3A_161 : memref<8x128xi32, #tpu.memory_space<hbm>>) target(%arg6 : memref<8x128xi32, #tpu.memory_space<vmem>>) target_semaphore(%run_scoped3A_155 : memref<!tpu.dma_semaphore, #tpu.memory_space<semaphore_mem>>)
        %dma_wait3A_162 = arith.constant 0 : i32
        %dma_wait3A_163 = tpu.memref_slice %arg3[%add3A, %mul3A_35, %dma_wait3A_162] : memref<32x80x128xi32, #tpu.memory_space<hbm>> -> memref<1x8x128xi32, #tpu.memory_space<hbm>>
        %dma_wait3A_164 = tpu.memref_squeeze %dma_wait3A_163 : memref<1x8x128xi32, #tpu.memory_space<hbm>> -> memref<8x128xi32, #tpu.memory_space<hbm>>
        %dma_wait3A_165 = arith.constant 0 : i32
        %dma_wait3A_166 = tpu.memref_slice %arg3[%add3A, %mul3A_35, %dma_wait3A_165] : memref<32x80x128xi32, #tpu.memory_space<hbm>> -> memref<1x8x128xi32, #tpu.memory_space<hbm>>
        %dma_wait3A_167 = tpu.memref_squeeze %dma_wait3A_166 : memref<1x8x128xi32, #tpu.memory_space<hbm>> -> memref<8x128xi32, #tpu.memory_space<hbm>>
        tpu.wait_dma2 semaphore(%run_scoped3A_155 : memref<!tpu.dma_semaphore, #tpu.memory_space<semaphore_mem>>) src(%dma_wait3A_167 : memref<8x128xi32, #tpu.memory_space<hbm>>) dst(%arg6 : memref<8x128xi32, #tpu.memory_space<vmem>>)
        tpu.yield
      }) : () -> ()
      %mul3A_36 = arith.constant 8 : i32
      %mul3A_37 = arith.muli %add3A_33, %mul3A_36 : i32
      "tpu.region"() ({
        %run_scoped3A_155 = tpu.sem_alloc : memref<!tpu.dma_semaphore, #tpu.memory_space<semaphore_mem>>
        %dma_start3A_156 = arith.constant 0 : i32
        %dma_start3A_157 = tpu.memref_slice %arg4[%add3A, %mul3A_37, %dma_start3A_156] : memref<32x80x128xi32, #tpu.memory_space<hbm>> -> memref<1x8x128xi32, #tpu.memory_space<hbm>>
        %dma_start3A_158 = tpu.memref_squeeze %dma_start3A_157 : memref<1x8x128xi32, #tpu.memory_space<hbm>> -> memref<8x128xi32, #tpu.memory_space<hbm>>
        %dma_start3A_159 = arith.constant 0 : i32
        %dma_start3A_160 = tpu.memref_slice %arg4[%add3A, %mul3A_37, %dma_start3A_159] : memref<32x80x128xi32, #tpu.memory_space<hbm>> -> memref<1x8x128xi32, #tpu.memory_space<hbm>>
        %dma_start3A_161 = tpu.memref_squeeze %dma_start3A_160 : memref<1x8x128xi32, #tpu.memory_space<hbm>> -> memref<8x128xi32, #tpu.memory_space<hbm>>
        tpu.enqueue_dma source(%dma_start3A_161 : memref<8x128xi32, #tpu.memory_space<hbm>>) target(%arg7 : memref<8x128xi32, #tpu.memory_space<vmem>>) target_semaphore(%run_scoped3A_155 : memref<!tpu.dma_semaphore, #tpu.memory_space<semaphore_mem>>)
        %dma_wait3A_162 = arith.constant 0 : i32
        %dma_wait3A_163 = tpu.memref_slice %arg4[%add3A, %mul3A_37, %dma_wait3A_162] : memref<32x80x128xi32, #tpu.memory_space<hbm>> -> memref<1x8x128xi32, #tpu.memory_space<hbm>>
        %dma_wait3A_164 = tpu.memref_squeeze %dma_wait3A_163 : memref<1x8x128xi32, #tpu.memory_space<hbm>> -> memref<8x128xi32, #tpu.memory_space<hbm>>
        %dma_wait3A_165 = arith.constant 0 : i32
        %dma_wait3A_166 = tpu.memref_slice %arg4[%add3A, %mul3A_37, %dma_wait3A_165] : memref<32x80x128xi32, #tpu.memory_space<hbm>> -> memref<1x8x128xi32, #tpu.memory_space<hbm>>
        %dma_wait3A_167 = tpu.memref_squeeze %dma_wait3A_166 : memref<1x8x128xi32, #tpu.memory_space<hbm>> -> memref<8x128xi32, #tpu.memory_space<hbm>>
        tpu.wait_dma2 semaphore(%run_scoped3A_155 : memref<!tpu.dma_semaphore, #tpu.memory_space<semaphore_mem>>) src(%dma_wait3A_167 : memref<8x128xi32, #tpu.memory_space<hbm>>) dst(%arg7 : memref<8x128xi32, #tpu.memory_space<vmem>>)
        tpu.yield
      }) : () -> ()
      %dma_start3A = arith.constant 0 : i32
      %dma_start3A_38 = arith.constant 0 : i32
      %dma_start3A_39 = tpu.memref_slice %arg6[%dma_start3A, %dma_start3A_38] : memref<8x128xi32, #tpu.memory_space<vmem>> -> memref<1x128xi32, #tpu.memory_space<vmem>>
      %dma_start3A_40 = tpu.memref_squeeze %dma_start3A_39 : memref<1x128xi32, #tpu.memory_space<vmem>> -> memref<128xi32, #tpu.memory_space<vmem>>
      %dma_start3A_41 = arith.constant 0 : i32
      %dma_start3A_42 = arith.constant 0 : i32
      %dma_start3A_43 = tpu.memref_slice %arg2[%dma_start3A_41, %dma_start3A_42] : memref<10000x128xf32, #tpu.memory_space<hbm>> -> memref<10000x128xf32, #tpu.memory_space<hbm>>
      tpu.enqueue_indirect_dma source(%dma_start3A_43 : memref<10000x128xf32, #tpu.memory_space<hbm>>) target(%arg8 : memref<128x128xf32, #tpu.memory_space<vmem>>) offsets(%dma_start3A_40 : memref<128xi32, #tpu.memory_space<vmem>>) semaphore(%arg10 : memref<!tpu.dma_semaphore, #tpu.memory_space<semaphore_mem>>)
      %dma_wait3A = arith.constant 0 : i32
      %dma_wait3A_44 = arith.constant 0 : i32
      %dma_wait3A_45 = tpu.memref_slice %arg6[%dma_wait3A, %dma_wait3A_44] : memref<8x128xi32, #tpu.memory_space<vmem>> -> memref<1x128xi32, #tpu.memory_space<vmem>>
      %dma_wait3A_46 = tpu.memref_squeeze %dma_wait3A_45 : memref<1x128xi32, #tpu.memory_space<vmem>> -> memref<128xi32, #tpu.memory_space<vmem>>
      %dma_wait3A_47 = arith.constant 0 : i32
      %dma_wait3A_48 = arith.constant 0 : i32
      %dma_wait3A_49 = tpu.memref_slice %arg2[%dma_wait3A_47, %dma_wait3A_48] : memref<10000x128xf32, #tpu.memory_space<hbm>> -> memref<10000x128xf32, #tpu.memory_space<hbm>>
      tpu.wait_indirect_dma semaphore(%arg10 : memref<!tpu.dma_semaphore, #tpu.memory_space<semaphore_mem>>) src(%dma_wait3A_49 : memref<10000x128xf32, #tpu.memory_space<hbm>>) dst(%arg8 : memref<128x128xf32, #tpu.memory_space<vmem>>)
      %run_scoped3A = arith.constant 0 : i32
      "tpu.region"() ({
        %run_scoped3A_155 = tpu.sem_alloc : memref<!tpu.dma_semaphore, #tpu.memory_space<semaphore_mem>>
        %dma_start3A_156 = arith.constant 0 : i32
        %dma_start3A_157 = tpu.memref_slice %arg7[%run_scoped3A, %dma_start3A_156] : memref<8x128xi32, #tpu.memory_space<vmem>> -> memref<1x128xi32, #tpu.memory_space<vmem>>
        %dma_start3A_158 = tpu.memref_squeeze %dma_start3A_157 : memref<1x128xi32, #tpu.memory_space<vmem>> -> memref<128xi32, #tpu.memory_space<vmem>>
        %dma_start3A_159 = arith.constant 0 : i32
        %dma_start3A_160 = arith.constant 0 : i32
        %dma_start3A_161 = tpu.memref_slice %arg9[%dma_start3A_159, %dma_start3A_160] : memref<10112x128xf32, #tpu.memory_space<vmem_shared>> -> memref<10112x128xf32, #tpu.memory_space<vmem_shared>>
        tpu.enqueue_indirect_dma source(%arg8 : memref<128x128xf32, #tpu.memory_space<vmem>>) target(%dma_start3A_161 : memref<10112x128xf32, #tpu.memory_space<vmem_shared>>) offsets(%dma_start3A_158 : memref<128xi32, #tpu.memory_space<vmem>>) semaphore(%run_scoped3A_155 : memref<!tpu.dma_semaphore, #tpu.memory_space<semaphore_mem>>) {add = true}
        %dma_wait3A_162 = arith.constant 0 : i32
        %dma_wait3A_163 = tpu.memref_slice %arg7[%run_scoped3A, %dma_wait3A_162] : memref<8x128xi32, #tpu.memory_space<vmem>> -> memref<1x128xi32, #tpu.memory_space<vmem>>
        %dma_wait3A_164 = tpu.memref_squeeze %dma_wait3A_163 : memref<1x128xi32, #tpu.memory_space<vmem>> -> memref<128xi32, #tpu.memory_space<vmem>>
        %dma_wait3A_165 = arith.constant 0 : i32
        %dma_wait3A_166 = arith.constant 0 : i32
        %dma_wait3A_167 = tpu.memref_slice %arg9[%dma_wait3A_165, %dma_wait3A_166] : memref<10112x128xf32, #tpu.memory_space<vmem_shared>> -> memref<10112x128xf32, #tpu.memory_space<vmem_shared>>
        tpu.wait_indirect_dma semaphore(%run_scoped3A_155 : memref<!tpu.dma_semaphore, #tpu.memory_space<semaphore_mem>>) src(%arg8 : memref<128x128xf32, #tpu.memory_space<vmem>>) dst(%dma_wait3A_167 : memref<10112x128xf32, #tpu.memory_space<vmem_shared>>)
        tpu.yield
      }) : () -> ()
      %dma_start3A_50 = arith.constant 1 : i32
      %dma_start3A_51 = arith.constant 0 : i32
      %dma_start3A_52 = tpu.memref_slice %arg6[%dma_start3A_50, %dma_start3A_51] : memref<8x128xi32, #tpu.memory_space<vmem>> -> memref<1x128xi32, #tpu.memory_space<vmem>>
      %dma_start3A_53 = tpu.memref_squeeze %dma_start3A_52 : memref<1x128xi32, #tpu.memory_space<vmem>> -> memref<128xi32, #tpu.memory_space<vmem>>
      %dma_start3A_54 = arith.constant 0 : i32
      %dma_start3A_55 = arith.constant 0 : i32
      %dma_start3A_56 = tpu.memref_slice %arg2[%dma_start3A_54, %dma_start3A_55] : memref<10000x128xf32, #tpu.memory_space<hbm>> -> memref<10000x128xf32, #tpu.memory_space<hbm>>
      tpu.enqueue_indirect_dma source(%dma_start3A_56 : memref<10000x128xf32, #tpu.memory_space<hbm>>) target(%arg8 : memref<128x128xf32, #tpu.memory_space<vmem>>) offsets(%dma_start3A_53 : memref<128xi32, #tpu.memory_space<vmem>>) semaphore(%arg10 : memref<!tpu.dma_semaphore, #tpu.memory_space<semaphore_mem>>)
      %dma_wait3A_57 = arith.constant 1 : i32
      %dma_wait3A_58 = arith.constant 0 : i32
      %dma_wait3A_59 = tpu.memref_slice %arg6[%dma_wait3A_57, %dma_wait3A_58] : memref<8x128xi32, #tpu.memory_space<vmem>> -> memref<1x128xi32, #tpu.memory_space<vmem>>
      %dma_wait3A_60 = tpu.memref_squeeze %dma_wait3A_59 : memref<1x128xi32, #tpu.memory_space<vmem>> -> memref<128xi32, #tpu.memory_space<vmem>>
      %dma_wait3A_61 = arith.constant 0 : i32
      %dma_wait3A_62 = arith.constant 0 : i32
      %dma_wait3A_63 = tpu.memref_slice %arg2[%dma_wait3A_61, %dma_wait3A_62] : memref<10000x128xf32, #tpu.memory_space<hbm>> -> memref<10000x128xf32, #tpu.memory_space<hbm>>
      tpu.wait_indirect_dma semaphore(%arg10 : memref<!tpu.dma_semaphore, #tpu.memory_space<semaphore_mem>>) src(%dma_wait3A_63 : memref<10000x128xf32, #tpu.memory_space<hbm>>) dst(%arg8 : memref<128x128xf32, #tpu.memory_space<vmem>>)
      %run_scoped3A_64 = arith.constant 1 : i32
      "tpu.region"() ({
        %run_scoped3A_155 = tpu.sem_alloc : memref<!tpu.dma_semaphore, #tpu.memory_space<semaphore_mem>>
        %dma_start3A_156 = arith.constant 0 : i32
        %dma_start3A_157 = tpu.memref_slice %arg7[%run_scoped3A_64, %dma_start3A_156] : memref<8x128xi32, #tpu.memory_space<vmem>> -> memref<1x128xi32, #tpu.memory_space<vmem>>
        %dma_start3A_158 = tpu.memref_squeeze %dma_start3A_157 : memref<1x128xi32, #tpu.memory_space<vmem>> -> memref<128xi32, #tpu.memory_space<vmem>>
        %dma_start3A_159 = arith.constant 0 : i32
        %dma_start3A_160 = arith.constant 0 : i32
        %dma_start3A_161 = tpu.memref_slice %arg9[%dma_start3A_159, %dma_start3A_160] : memref<10112x128xf32, #tpu.memory_space<vmem_shared>> -> memref<10112x128xf32, #tpu.memory_space<vmem_shared>>
        tpu.enqueue_indirect_dma source(%arg8 : memref<128x128xf32, #tpu.memory_space<vmem>>) target(%dma_start3A_161 : memref<10112x128xf32, #tpu.memory_space<vmem_shared>>) offsets(%dma_start3A_158 : memref<128xi32, #tpu.memory_space<vmem>>) semaphore(%run_scoped3A_155 : memref<!tpu.dma_semaphore, #tpu.memory_space<semaphore_mem>>) {add = true}
        %dma_wait3A_162 = arith.constant 0 : i32
        %dma_wait3A_163 = tpu.memref_slice %arg7[%run_scoped3A_64, %dma_wait3A_162] : memref<8x128xi32, #tpu.memory_space<vmem>> -> memref<1x128xi32, #tpu.memory_space<vmem>>
        %dma_wait3A_164 = tpu.memref_squeeze %dma_wait3A_163 : memref<1x128xi32, #tpu.memory_space<vmem>> -> memref<128xi32, #tpu.memory_space<vmem>>
        %dma_wait3A_165 = arith.constant 0 : i32
        %dma_wait3A_166 = arith.constant 0 : i32
        %dma_wait3A_167 = tpu.memref_slice %arg9[%dma_wait3A_165, %dma_wait3A_166] : memref<10112x128xf32, #tpu.memory_space<vmem_shared>> -> memref<10112x128xf32, #tpu.memory_space<vmem_shared>>
        tpu.wait_indirect_dma semaphore(%run_scoped3A_155 : memref<!tpu.dma_semaphore, #tpu.memory_space<semaphore_mem>>) src(%arg8 : memref<128x128xf32, #tpu.memory_space<vmem>>) dst(%dma_wait3A_167 : memref<10112x128xf32, #tpu.memory_space<vmem_shared>>)
        tpu.yield
      }) : () -> ()
      %dma_start3A_65 = arith.constant 2 : i32
      %dma_start3A_66 = arith.constant 0 : i32
      %dma_start3A_67 = tpu.memref_slice %arg6[%dma_start3A_65, %dma_start3A_66] : memref<8x128xi32, #tpu.memory_space<vmem>> -> memref<1x128xi32, #tpu.memory_space<vmem>>
      %dma_start3A_68 = tpu.memref_squeeze %dma_start3A_67 : memref<1x128xi32, #tpu.memory_space<vmem>> -> memref<128xi32, #tpu.memory_space<vmem>>
      %dma_start3A_69 = arith.constant 0 : i32
      %dma_start3A_70 = arith.constant 0 : i32
      %dma_start3A_71 = tpu.memref_slice %arg2[%dma_start3A_69, %dma_start3A_70] : memref<10000x128xf32, #tpu.memory_space<hbm>> -> memref<10000x128xf32, #tpu.memory_space<hbm>>
      tpu.enqueue_indirect_dma source(%dma_start3A_71 : memref<10000x128xf32, #tpu.memory_space<hbm>>) target(%arg8 : memref<128x128xf32, #tpu.memory_space<vmem>>) offsets(%dma_start3A_68 : memref<128xi32, #tpu.memory_space<vmem>>) semaphore(%arg10 : memref<!tpu.dma_semaphore, #tpu.memory_space<semaphore_mem>>)
      %dma_wait3A_72 = arith.constant 2 : i32
      %dma_wait3A_73 = arith.constant 0 : i32
      %dma_wait3A_74 = tpu.memref_slice %arg6[%dma_wait3A_72, %dma_wait3A_73] : memref<8x128xi32, #tpu.memory_space<vmem>> -> memref<1x128xi32, #tpu.memory_space<vmem>>
      %dma_wait3A_75 = tpu.memref_squeeze %dma_wait3A_74 : memref<1x128xi32, #tpu.memory_space<vmem>> -> memref<128xi32, #tpu.memory_space<vmem>>
      %dma_wait3A_76 = arith.constant 0 : i32
      %dma_wait3A_77 = arith.constant 0 : i32
      %dma_wait3A_78 = tpu.memref_slice %arg2[%dma_wait3A_76, %dma_wait3A_77] : memref<10000x128xf32, #tpu.memory_space<hbm>> -> memref<10000x128xf32, #tpu.memory_space<hbm>>
      tpu.wait_indirect_dma semaphore(%arg10 : memref<!tpu.dma_semaphore, #tpu.memory_space<semaphore_mem>>) src(%dma_wait3A_78 : memref<10000x128xf32, #tpu.memory_space<hbm>>) dst(%arg8 : memref<128x128xf32, #tpu.memory_space<vmem>>)
      %run_scoped3A_79 = arith.constant 2 : i32
      "tpu.region"() ({
        %run_scoped3A_155 = tpu.sem_alloc : memref<!tpu.dma_semaphore, #tpu.memory_space<semaphore_mem>>
        %dma_start3A_156 = arith.constant 0 : i32
        %dma_start3A_157 = tpu.memref_slice %arg7[%run_scoped3A_79, %dma_start3A_156] : memref<8x128xi32, #tpu.memory_space<vmem>> -> memref<1x128xi32, #tpu.memory_space<vmem>>
        %dma_start3A_158 = tpu.memref_squeeze %dma_start3A_157 : memref<1x128xi32, #tpu.memory_space<vmem>> -> memref<128xi32, #tpu.memory_space<vmem>>
        %dma_start3A_159 = arith.constant 0 : i32
        %dma_start3A_160 = arith.constant 0 : i32
        %dma_start3A_161 = tpu.memref_slice %arg9[%dma_start3A_159, %dma_start3A_160] : memref<10112x128xf32, #tpu.memory_space<vmem_shared>> -> memref<10112x128xf32, #tpu.memory_space<vmem_shared>>
        tpu.enqueue_indirect_dma source(%arg8 : memref<128x128xf32, #tpu.memory_space<vmem>>) target(%dma_start3A_161 : memref<10112x128xf32, #tpu.memory_space<vmem_shared>>) offsets(%dma_start3A_158 : memref<128xi32, #tpu.memory_space<vmem>>) semaphore(%run_scoped3A_155 : memref<!tpu.dma_semaphore, #tpu.memory_space<semaphore_mem>>) {add = true}
        %dma_wait3A_162 = arith.constant 0 : i32
        %dma_wait3A_163 = tpu.memref_slice %arg7[%run_scoped3A_79, %dma_wait3A_162] : memref<8x128xi32, #tpu.memory_space<vmem>> -> memref<1x128xi32, #tpu.memory_space<vmem>>
        %dma_wait3A_164 = tpu.memref_squeeze %dma_wait3A_163 : memref<1x128xi32, #tpu.memory_space<vmem>> -> memref<128xi32, #tpu.memory_space<vmem>>
        %dma_wait3A_165 = arith.constant 0 : i32
        %dma_wait3A_166 = arith.constant 0 : i32
        %dma_wait3A_167 = tpu.memref_slice %arg9[%dma_wait3A_165, %dma_wait3A_166] : memref<10112x128xf32, #tpu.memory_space<vmem_shared>> -> memref<10112x128xf32, #tpu.memory_space<vmem_shared>>
        tpu.wait_indirect_dma semaphore(%run_scoped3A_155 : memref<!tpu.dma_semaphore, #tpu.memory_space<semaphore_mem>>) src(%arg8 : memref<128x128xf32, #tpu.memory_space<vmem>>) dst(%dma_wait3A_167 : memref<10112x128xf32, #tpu.memory_space<vmem_shared>>)
        tpu.yield
      }) : () -> ()
      %dma_start3A_80 = arith.constant 3 : i32
      %dma_start3A_81 = arith.constant 0 : i32
      %dma_start3A_82 = tpu.memref_slice %arg6[%dma_start3A_80, %dma_start3A_81] : memref<8x128xi32, #tpu.memory_space<vmem>> -> memref<1x128xi32, #tpu.memory_space<vmem>>
      %dma_start3A_83 = tpu.memref_squeeze %dma_start3A_82 : memref<1x128xi32, #tpu.memory_space<vmem>> -> memref<128xi32, #tpu.memory_space<vmem>>
      %dma_start3A_84 = arith.constant 0 : i32
      %dma_start3A_85 = arith.constant 0 : i32
      %dma_start3A_86 = tpu.memref_slice %arg2[%dma_start3A_84, %dma_start3A_85] : memref<10000x128xf32, #tpu.memory_space<hbm>> -> memref<10000x128xf32, #tpu.memory_space<hbm>>
      tpu.enqueue_indirect_dma source(%dma_start3A_86 : memref<10000x128xf32, #tpu.memory_space<hbm>>) target(%arg8 : memref<128x128xf32, #tpu.memory_space<vmem>>) offsets(%dma_start3A_83 : memref<128xi32, #tpu.memory_space<vmem>>) semaphore(%arg10 : memref<!tpu.dma_semaphore, #tpu.memory_space<semaphore_mem>>)
      %dma_wait3A_87 = arith.constant 3 : i32
      %dma_wait3A_88 = arith.constant 0 : i32
      %dma_wait3A_89 = tpu.memref_slice %arg6[%dma_wait3A_87, %dma_wait3A_88] : memref<8x128xi32, #tpu.memory_space<vmem>> -> memref<1x128xi32, #tpu.memory_space<vmem>>
      %dma_wait3A_90 = tpu.memref_squeeze %dma_wait3A_89 : memref<1x128xi32, #tpu.memory_space<vmem>> -> memref<128xi32, #tpu.memory_space<vmem>>
      %dma_wait3A_91 = arith.constant 0 : i32
      %dma_wait3A_92 = arith.constant 0 : i32
      %dma_wait3A_93 = tpu.memref_slice %arg2[%dma_wait3A_91, %dma_wait3A_92] : memref<10000x128xf32, #tpu.memory_space<hbm>> -> memref<10000x128xf32, #tpu.memory_space<hbm>>
      tpu.wait_indirect_dma semaphore(%arg10 : memref<!tpu.dma_semaphore, #tpu.memory_space<semaphore_mem>>) src(%dma_wait3A_93 : memref<10000x128xf32, #tpu.memory_space<hbm>>) dst(%arg8 : memref<128x128xf32, #tpu.memory_space<vmem>>)
      %run_scoped3A_94 = arith.constant 3 : i32
      "tpu.region"() ({
        %run_scoped3A_155 = tpu.sem_alloc : memref<!tpu.dma_semaphore, #tpu.memory_space<semaphore_mem>>
        %dma_start3A_156 = arith.constant 0 : i32
        %dma_start3A_157 = tpu.memref_slice %arg7[%run_scoped3A_94, %dma_start3A_156] : memref<8x128xi32, #tpu.memory_space<vmem>> -> memref<1x128xi32, #tpu.memory_space<vmem>>
        %dma_start3A_158 = tpu.memref_squeeze %dma_start3A_157 : memref<1x128xi32, #tpu.memory_space<vmem>> -> memref<128xi32, #tpu.memory_space<vmem>>
        %dma_start3A_159 = arith.constant 0 : i32
        %dma_start3A_160 = arith.constant 0 : i32
        %dma_start3A_161 = tpu.memref_slice %arg9[%dma_start3A_159, %dma_start3A_160] : memref<10112x128xf32, #tpu.memory_space<vmem_shared>> -> memref<10112x128xf32, #tpu.memory_space<vmem_shared>>
        tpu.enqueue_indirect_dma source(%arg8 : memref<128x128xf32, #tpu.memory_space<vmem>>) target(%dma_start3A_161 : memref<10112x128xf32, #tpu.memory_space<vmem_shared>>) offsets(%dma_start3A_158 : memref<128xi32, #tpu.memory_space<vmem>>) semaphore(%run_scoped3A_155 : memref<!tpu.dma_semaphore, #tpu.memory_space<semaphore_mem>>) {add = true}
        %dma_wait3A_162 = arith.constant 0 : i32
        %dma_wait3A_163 = tpu.memref_slice %arg7[%run_scoped3A_94, %dma_wait3A_162] : memref<8x128xi32, #tpu.memory_space<vmem>> -> memref<1x128xi32, #tpu.memory_space<vmem>>
        %dma_wait3A_164 = tpu.memref_squeeze %dma_wait3A_163 : memref<1x128xi32, #tpu.memory_space<vmem>> -> memref<128xi32, #tpu.memory_space<vmem>>
        %dma_wait3A_165 = arith.constant 0 : i32
        %dma_wait3A_166 = arith.constant 0 : i32
        %dma_wait3A_167 = tpu.memref_slice %arg9[%dma_wait3A_165, %dma_wait3A_166] : memref<10112x128xf32, #tpu.memory_space<vmem_shared>> -> memref<10112x128xf32, #tpu.memory_space<vmem_shared>>
        tpu.wait_indirect_dma semaphore(%run_scoped3A_155 : memref<!tpu.dma_semaphore, #tpu.memory_space<semaphore_mem>>) src(%arg8 : memref<128x128xf32, #tpu.memory_space<vmem>>) dst(%dma_wait3A_167 : memref<10112x128xf32, #tpu.memory_space<vmem_shared>>)
        tpu.yield
      }) : () -> ()
      %dma_start3A_95 = arith.constant 4 : i32
      %dma_start3A_96 = arith.constant 0 : i32
      %dma_start3A_97 = tpu.memref_slice %arg6[%dma_start3A_95, %dma_start3A_96] : memref<8x128xi32, #tpu.memory_space<vmem>> -> memref<1x128xi32, #tpu.memory_space<vmem>>
      %dma_start3A_98 = tpu.memref_squeeze %dma_start3A_97 : memref<1x128xi32, #tpu.memory_space<vmem>> -> memref<128xi32, #tpu.memory_space<vmem>>
      %dma_start3A_99 = arith.constant 0 : i32
      %dma_start3A_100 = arith.constant 0 : i32
      %dma_start3A_101 = tpu.memref_slice %arg2[%dma_start3A_99, %dma_start3A_100] : memref<10000x128xf32, #tpu.memory_space<hbm>> -> memref<10000x128xf32, #tpu.memory_space<hbm>>
      tpu.enqueue_indirect_dma source(%dma_start3A_101 : memref<10000x128xf32, #tpu.memory_space<hbm>>) target(%arg8 : memref<128x128xf32, #tpu.memory_space<vmem>>) offsets(%dma_start3A_98 : memref<128xi32, #tpu.memory_space<vmem>>) semaphore(%arg10 : memref<!tpu.dma_semaphore, #tpu.memory_space<semaphore_mem>>)
      %dma_wait3A_102 = arith.constant 4 : i32
      %dma_wait3A_103 = arith.constant 0 : i32
      %dma_wait3A_104 = tpu.memref_slice %arg6[%dma_wait3A_102, %dma_wait3A_103] : memref<8x128xi32, #tpu.memory_space<vmem>> -> memref<1x128xi32, #tpu.memory_space<vmem>>
      %dma_wait3A_105 = tpu.memref_squeeze %dma_wait3A_104 : memref<1x128xi32, #tpu.memory_space<vmem>> -> memref<128xi32, #tpu.memory_space<vmem>>
      %dma_wait3A_106 = arith.constant 0 : i32
      %dma_wait3A_107 = arith.constant 0 : i32
      %dma_wait3A_108 = tpu.memref_slice %arg2[%dma_wait3A_106, %dma_wait3A_107] : memref<10000x128xf32, #tpu.memory_space<hbm>> -> memref<10000x128xf32, #tpu.memory_space<hbm>>
      tpu.wait_indirect_dma semaphore(%arg10 : memref<!tpu.dma_semaphore, #tpu.memory_space<semaphore_mem>>) src(%dma_wait3A_108 : memref<10000x128xf32, #tpu.memory_space<hbm>>) dst(%arg8 : memref<128x128xf32, #tpu.memory_space<vmem>>)
      %run_scoped3A_109 = arith.constant 4 : i32
      "tpu.region"() ({
        %run_scoped3A_155 = tpu.sem_alloc : memref<!tpu.dma_semaphore, #tpu.memory_space<semaphore_mem>>
        %dma_start3A_156 = arith.constant 0 : i32
        %dma_start3A_157 = tpu.memref_slice %arg7[%run_scoped3A_109, %dma_start3A_156] : memref<8x128xi32, #tpu.memory_space<vmem>> -> memref<1x128xi32, #tpu.memory_space<vmem>>
        %dma_start3A_158 = tpu.memref_squeeze %dma_start3A_157 : memref<1x128xi32, #tpu.memory_space<vmem>> -> memref<128xi32, #tpu.memory_space<vmem>>
        %dma_start3A_159 = arith.constant 0 : i32
        %dma_start3A_160 = arith.constant 0 : i32
        %dma_start3A_161 = tpu.memref_slice %arg9[%dma_start3A_159, %dma_start3A_160] : memref<10112x128xf32, #tpu.memory_space<vmem_shared>> -> memref<10112x128xf32, #tpu.memory_space<vmem_shared>>
        tpu.enqueue_indirect_dma source(%arg8 : memref<128x128xf32, #tpu.memory_space<vmem>>) target(%dma_start3A_161 : memref<10112x128xf32, #tpu.memory_space<vmem_shared>>) offsets(%dma_start3A_158 : memref<128xi32, #tpu.memory_space<vmem>>) semaphore(%run_scoped3A_155 : memref<!tpu.dma_semaphore, #tpu.memory_space<semaphore_mem>>) {add = true}
        %dma_wait3A_162 = arith.constant 0 : i32
        %dma_wait3A_163 = tpu.memref_slice %arg7[%run_scoped3A_109, %dma_wait3A_162] : memref<8x128xi32, #tpu.memory_space<vmem>> -> memref<1x128xi32, #tpu.memory_space<vmem>>
        %dma_wait3A_164 = tpu.memref_squeeze %dma_wait3A_163 : memref<1x128xi32, #tpu.memory_space<vmem>> -> memref<128xi32, #tpu.memory_space<vmem>>
        %dma_wait3A_165 = arith.constant 0 : i32
        %dma_wait3A_166 = arith.constant 0 : i32
        %dma_wait3A_167 = tpu.memref_slice %arg9[%dma_wait3A_165, %dma_wait3A_166] : memref<10112x128xf32, #tpu.memory_space<vmem_shared>> -> memref<10112x128xf32, #tpu.memory_space<vmem_shared>>
        tpu.wait_indirect_dma semaphore(%run_scoped3A_155 : memref<!tpu.dma_semaphore, #tpu.memory_space<semaphore_mem>>) src(%arg8 : memref<128x128xf32, #tpu.memory_space<vmem>>) dst(%dma_wait3A_167 : memref<10112x128xf32, #tpu.memory_space<vmem_shared>>)
        tpu.yield
      }) : () -> ()
      %dma_start3A_110 = arith.constant 5 : i32
      %dma_start3A_111 = arith.constant 0 : i32
      %dma_start3A_112 = tpu.memref_slice %arg6[%dma_start3A_110, %dma_start3A_111] : memref<8x128xi32, #tpu.memory_space<vmem>> -> memref<1x128xi32, #tpu.memory_space<vmem>>
      %dma_start3A_113 = tpu.memref_squeeze %dma_start3A_112 : memref<1x128xi32, #tpu.memory_space<vmem>> -> memref<128xi32, #tpu.memory_space<vmem>>
      %dma_start3A_114 = arith.constant 0 : i32
      %dma_start3A_115 = arith.constant 0 : i32
      %dma_start3A_116 = tpu.memref_slice %arg2[%dma_start3A_114, %dma_start3A_115] : memref<10000x128xf32, #tpu.memory_space<hbm>> -> memref<10000x128xf32, #tpu.memory_space<hbm>>
      tpu.enqueue_indirect_dma source(%dma_start3A_116 : memref<10000x128xf32, #tpu.memory_space<hbm>>) target(%arg8 : memref<128x128xf32, #tpu.memory_space<vmem>>) offsets(%dma_start3A_113 : memref<128xi32, #tpu.memory_space<vmem>>) semaphore(%arg10 : memref<!tpu.dma_semaphore, #tpu.memory_space<semaphore_mem>>)
      %dma_wait3A_117 = arith.constant 5 : i32
      %dma_wait3A_118 = arith.constant 0 : i32
      %dma_wait3A_119 = tpu.memref_slice %arg6[%dma_wait3A_117, %dma_wait3A_118] : memref<8x128xi32, #tpu.memory_space<vmem>> -> memref<1x128xi32, #tpu.memory_space<vmem>>
      %dma_wait3A_120 = tpu.memref_squeeze %dma_wait3A_119 : memref<1x128xi32, #tpu.memory_space<vmem>> -> memref<128xi32, #tpu.memory_space<vmem>>
      %dma_wait3A_121 = arith.constant 0 : i32
      %dma_wait3A_122 = arith.constant 0 : i32
      %dma_wait3A_123 = tpu.memref_slice %arg2[%dma_wait3A_121, %dma_wait3A_122] : memref<10000x128xf32, #tpu.memory_space<hbm>> -> memref<10000x128xf32, #tpu.memory_space<hbm>>
      tpu.wait_indirect_dma semaphore(%arg10 : memref<!tpu.dma_semaphore, #tpu.memory_space<semaphore_mem>>) src(%dma_wait3A_123 : memref<10000x128xf32, #tpu.memory_space<hbm>>) dst(%arg8 : memref<128x128xf32, #tpu.memory_space<vmem>>)
      %run_scoped3A_124 = arith.constant 5 : i32
      "tpu.region"() ({
        %run_scoped3A_155 = tpu.sem_alloc : memref<!tpu.dma_semaphore, #tpu.memory_space<semaphore_mem>>
        %dma_start3A_156 = arith.constant 0 : i32
        %dma_start3A_157 = tpu.memref_slice %arg7[%run_scoped3A_124, %dma_start3A_156] : memref<8x128xi32, #tpu.memory_space<vmem>> -> memref<1x128xi32, #tpu.memory_space<vmem>>
        %dma_start3A_158 = tpu.memref_squeeze %dma_start3A_157 : memref<1x128xi32, #tpu.memory_space<vmem>> -> memref<128xi32, #tpu.memory_space<vmem>>
        %dma_start3A_159 = arith.constant 0 : i32
        %dma_start3A_160 = arith.constant 0 : i32
        %dma_start3A_161 = tpu.memref_slice %arg9[%dma_start3A_159, %dma_start3A_160] : memref<10112x128xf32, #tpu.memory_space<vmem_shared>> -> memref<10112x128xf32, #tpu.memory_space<vmem_shared>>
        tpu.enqueue_indirect_dma source(%arg8 : memref<128x128xf32, #tpu.memory_space<vmem>>) target(%dma_start3A_161 : memref<10112x128xf32, #tpu.memory_space<vmem_shared>>) offsets(%dma_start3A_158 : memref<128xi32, #tpu.memory_space<vmem>>) semaphore(%run_scoped3A_155 : memref<!tpu.dma_semaphore, #tpu.memory_space<semaphore_mem>>) {add = true}
        %dma_wait3A_162 = arith.constant 0 : i32
        %dma_wait3A_163 = tpu.memref_slice %arg7[%run_scoped3A_124, %dma_wait3A_162] : memref<8x128xi32, #tpu.memory_space<vmem>> -> memref<1x128xi32, #tpu.memory_space<vmem>>
        %dma_wait3A_164 = tpu.memref_squeeze %dma_wait3A_163 : memref<1x128xi32, #tpu.memory_space<vmem>> -> memref<128xi32, #tpu.memory_space<vmem>>
        %dma_wait3A_165 = arith.constant 0 : i32
        %dma_wait3A_166 = arith.constant 0 : i32
        %dma_wait3A_167 = tpu.memref_slice %arg9[%dma_wait3A_165, %dma_wait3A_166] : memref<10112x128xf32, #tpu.memory_space<vmem_shared>> -> memref<10112x128xf32, #tpu.memory_space<vmem_shared>>
        tpu.wait_indirect_dma semaphore(%run_scoped3A_155 : memref<!tpu.dma_semaphore, #tpu.memory_space<semaphore_mem>>) src(%arg8 : memref<128x128xf32, #tpu.memory_space<vmem>>) dst(%dma_wait3A_167 : memref<10112x128xf32, #tpu.memory_space<vmem_shared>>)
        tpu.yield
      }) : () -> ()
      %dma_start3A_125 = arith.constant 6 : i32
      %dma_start3A_126 = arith.constant 0 : i32
      %dma_start3A_127 = tpu.memref_slice %arg6[%dma_start3A_125, %dma_start3A_126] : memref<8x128xi32, #tpu.memory_space<vmem>> -> memref<1x128xi32, #tpu.memory_space<vmem>>
      %dma_start3A_128 = tpu.memref_squeeze %dma_start3A_127 : memref<1x128xi32, #tpu.memory_space<vmem>> -> memref<128xi32, #tpu.memory_space<vmem>>
      %dma_start3A_129 = arith.constant 0 : i32
      %dma_start3A_130 = arith.constant 0 : i32
      %dma_start3A_131 = tpu.memref_slice %arg2[%dma_start3A_129, %dma_start3A_130] : memref<10000x128xf32, #tpu.memory_space<hbm>> -> memref<10000x128xf32, #tpu.memory_space<hbm>>
      tpu.enqueue_indirect_dma source(%dma_start3A_131 : memref<10000x128xf32, #tpu.memory_space<hbm>>) target(%arg8 : memref<128x128xf32, #tpu.memory_space<vmem>>) offsets(%dma_start3A_128 : memref<128xi32, #tpu.memory_space<vmem>>) semaphore(%arg10 : memref<!tpu.dma_semaphore, #tpu.memory_space<semaphore_mem>>)
      %dma_wait3A_132 = arith.constant 6 : i32
      %dma_wait3A_133 = arith.constant 0 : i32
      %dma_wait3A_134 = tpu.memref_slice %arg6[%dma_wait3A_132, %dma_wait3A_133] : memref<8x128xi32, #tpu.memory_space<vmem>> -> memref<1x128xi32, #tpu.memory_space<vmem>>
      %dma_wait3A_135 = tpu.memref_squeeze %dma_wait3A_134 : memref<1x128xi32, #tpu.memory_space<vmem>> -> memref<128xi32, #tpu.memory_space<vmem>>
      %dma_wait3A_136 = arith.constant 0 : i32
      %dma_wait3A_137 = arith.constant 0 : i32
      %dma_wait3A_138 = tpu.memref_slice %arg2[%dma_wait3A_136, %dma_wait3A_137] : memref<10000x128xf32, #tpu.memory_space<hbm>> -> memref<10000x128xf32, #tpu.memory_space<hbm>>
      tpu.wait_indirect_dma semaphore(%arg10 : memref<!tpu.dma_semaphore, #tpu.memory_space<semaphore_mem>>) src(%dma_wait3A_138 : memref<10000x128xf32, #tpu.memory_space<hbm>>) dst(%arg8 : memref<128x128xf32, #tpu.memory_space<vmem>>)
      %run_scoped3A_139 = arith.constant 6 : i32
      "tpu.region"() ({
        %run_scoped3A_155 = tpu.sem_alloc : memref<!tpu.dma_semaphore, #tpu.memory_space<semaphore_mem>>
        %dma_start3A_156 = arith.constant 0 : i32
        %dma_start3A_157 = tpu.memref_slice %arg7[%run_scoped3A_139, %dma_start3A_156] : memref<8x128xi32, #tpu.memory_space<vmem>> -> memref<1x128xi32, #tpu.memory_space<vmem>>
        %dma_start3A_158 = tpu.memref_squeeze %dma_start3A_157 : memref<1x128xi32, #tpu.memory_space<vmem>> -> memref<128xi32, #tpu.memory_space<vmem>>
        %dma_start3A_159 = arith.constant 0 : i32
        %dma_start3A_160 = arith.constant 0 : i32
        %dma_start3A_161 = tpu.memref_slice %arg9[%dma_start3A_159, %dma_start3A_160] : memref<10112x128xf32, #tpu.memory_space<vmem_shared>> -> memref<10112x128xf32, #tpu.memory_space<vmem_shared>>
        tpu.enqueue_indirect_dma source(%arg8 : memref<128x128xf32, #tpu.memory_space<vmem>>) target(%dma_start3A_161 : memref<10112x128xf32, #tpu.memory_space<vmem_shared>>) offsets(%dma_start3A_158 : memref<128xi32, #tpu.memory_space<vmem>>) semaphore(%run_scoped3A_155 : memref<!tpu.dma_semaphore, #tpu.memory_space<semaphore_mem>>) {add = true}
        %dma_wait3A_162 = arith.constant 0 : i32
        %dma_wait3A_163 = tpu.memref_slice %arg7[%run_scoped3A_139, %dma_wait3A_162] : memref<8x128xi32, #tpu.memory_space<vmem>> -> memref<1x128xi32, #tpu.memory_space<vmem>>
        %dma_wait3A_164 = tpu.memref_squeeze %dma_wait3A_163 : memref<1x128xi32, #tpu.memory_space<vmem>> -> memref<128xi32, #tpu.memory_space<vmem>>
        %dma_wait3A_165 = arith.constant 0 : i32
        %dma_wait3A_166 = arith.constant 0 : i32
        %dma_wait3A_167 = tpu.memref_slice %arg9[%dma_wait3A_165, %dma_wait3A_166] : memref<10112x128xf32, #tpu.memory_space<vmem_shared>> -> memref<10112x128xf32, #tpu.memory_space<vmem_shared>>
        tpu.wait_indirect_dma semaphore(%run_scoped3A_155 : memref<!tpu.dma_semaphore, #tpu.memory_space<semaphore_mem>>) src(%arg8 : memref<128x128xf32, #tpu.memory_space<vmem>>) dst(%dma_wait3A_167 : memref<10112x128xf32, #tpu.memory_space<vmem_shared>>)
        tpu.yield
      }) : () -> ()
      %dma_start3A_140 = arith.constant 7 : i32
      %dma_start3A_141 = arith.constant 0 : i32
      %dma_start3A_142 = tpu.memref_slice %arg6[%dma_start3A_140, %dma_start3A_141] : memref<8x128xi32, #tpu.memory_space<vmem>> -> memref<1x128xi32, #tpu.memory_space<vmem>>
      %dma_start3A_143 = tpu.memref_squeeze %dma_start3A_142 : memref<1x128xi32, #tpu.memory_space<vmem>> -> memref<128xi32, #tpu.memory_space<vmem>>
      %dma_start3A_144 = arith.constant 0 : i32
      %dma_start3A_145 = arith.constant 0 : i32
      %dma_start3A_146 = tpu.memref_slice %arg2[%dma_start3A_144, %dma_start3A_145] : memref<10000x128xf32, #tpu.memory_space<hbm>> -> memref<10000x128xf32, #tpu.memory_space<hbm>>
      tpu.enqueue_indirect_dma source(%dma_start3A_146 : memref<10000x128xf32, #tpu.memory_space<hbm>>) target(%arg8 : memref<128x128xf32, #tpu.memory_space<vmem>>) offsets(%dma_start3A_143 : memref<128xi32, #tpu.memory_space<vmem>>) semaphore(%arg10 : memref<!tpu.dma_semaphore, #tpu.memory_space<semaphore_mem>>)
      %dma_wait3A_147 = arith.constant 7 : i32
      %dma_wait3A_148 = arith.constant 0 : i32
      %dma_wait3A_149 = tpu.memref_slice %arg6[%dma_wait3A_147, %dma_wait3A_148] : memref<8x128xi32, #tpu.memory_space<vmem>> -> memref<1x128xi32, #tpu.memory_space<vmem>>
      %dma_wait3A_150 = tpu.memref_squeeze %dma_wait3A_149 : memref<1x128xi32, #tpu.memory_space<vmem>> -> memref<128xi32, #tpu.memory_space<vmem>>
      %dma_wait3A_151 = arith.constant 0 : i32
      %dma_wait3A_152 = arith.constant 0 : i32
      %dma_wait3A_153 = tpu.memref_slice %arg2[%dma_wait3A_151, %dma_wait3A_152] : memref<10000x128xf32, #tpu.memory_space<hbm>> -> memref<10000x128xf32, #tpu.memory_space<hbm>>
      tpu.wait_indirect_dma semaphore(%arg10 : memref<!tpu.dma_semaphore, #tpu.memory_space<semaphore_mem>>) src(%dma_wait3A_153 : memref<10000x128xf32, #tpu.memory_space<hbm>>) dst(%arg8 : memref<128x128xf32, #tpu.memory_space<vmem>>)
      %run_scoped3A_154 = arith.constant 7 : i32
      "tpu.region"() ({
        %run_scoped3A_155 = tpu.sem_alloc : memref<!tpu.dma_semaphore, #tpu.memory_space<semaphore_mem>>
        %dma_start3A_156 = arith.constant 0 : i32
        %dma_start3A_157 = tpu.memref_slice %arg7[%run_scoped3A_154, %dma_start3A_156] : memref<8x128xi32, #tpu.memory_space<vmem>> -> memref<1x128xi32, #tpu.memory_space<vmem>>
        %dma_start3A_158 = tpu.memref_squeeze %dma_start3A_157 : memref<1x128xi32, #tpu.memory_space<vmem>> -> memref<128xi32, #tpu.memory_space<vmem>>
        %dma_start3A_159 = arith.constant 0 : i32
        %dma_start3A_160 = arith.constant 0 : i32
        %dma_start3A_161 = tpu.memref_slice %arg9[%dma_start3A_159, %dma_start3A_160] : memref<10112x128xf32, #tpu.memory_space<vmem_shared>> -> memref<10112x128xf32, #tpu.memory_space<vmem_shared>>
        tpu.enqueue_indirect_dma source(%arg8 : memref<128x128xf32, #tpu.memory_space<vmem>>) target(%dma_start3A_161 : memref<10112x128xf32, #tpu.memory_space<vmem_shared>>) offsets(%dma_start3A_158 : memref<128xi32, #tpu.memory_space<vmem>>) semaphore(%run_scoped3A_155 : memref<!tpu.dma_semaphore, #tpu.memory_space<semaphore_mem>>) {add = true}
        %dma_wait3A_162 = arith.constant 0 : i32
        %dma_wait3A_163 = tpu.memref_slice %arg7[%run_scoped3A_154, %dma_wait3A_162] : memref<8x128xi32, #tpu.memory_space<vmem>> -> memref<1x128xi32, #tpu.memory_space<vmem>>
        %dma_wait3A_164 = tpu.memref_squeeze %dma_wait3A_163 : memref<1x128xi32, #tpu.memory_space<vmem>> -> memref<128xi32, #tpu.memory_space<vmem>>
        %dma_wait3A_165 = arith.constant 0 : i32
        %dma_wait3A_166 = arith.constant 0 : i32
        %dma_wait3A_167 = tpu.memref_slice %arg9[%dma_wait3A_165, %dma_wait3A_166] : memref<10112x128xf32, #tpu.memory_space<vmem_shared>> -> memref<10112x128xf32, #tpu.memory_space<vmem_shared>>
        tpu.wait_indirect_dma semaphore(%run_scoped3A_155 : memref<!tpu.dma_semaphore, #tpu.memory_space<semaphore_mem>>) src(%arg8 : memref<128x128xf32, #tpu.memory_space<vmem>>) dst(%dma_wait3A_167 : memref<10112x128xf32, #tpu.memory_space<vmem_shared>>)
        tpu.yield
      }) : () -> ()
    }
    %scan3A_21 = arith.constant 10 : i32
    %barrier3A_22 = arith.constant 0 : index
    tpu.barrier barrier_id(%barrier3A_22)
    %mul3A_23 = arith.constant 624 : i32
    %mul3A_24 = arith.muli %arg1, %mul3A_23 : i32
    %mul3A_25 = arith.constant 624 : i32
    %mul3A_26 = arith.muli %arg1, %mul3A_25 : i32
    "tpu.region"() ({
      %run_scoped3A = tpu.sem_alloc : memref<!tpu.dma_semaphore, #tpu.memory_space<semaphore_mem>>
      %dma_start3A = arith.constant 0 : i32
      %dma_start3A_29 = tpu.memref_slice %arg5[%arg0, %mul3A_26, %dma_start3A] : memref<2x10000x128xf32, #tpu.memory_space<hbm>> -> memref<1x624x128xf32, #tpu.memory_space<hbm>>
      %dma_start3A_30 = tpu.memref_squeeze %dma_start3A_29 : memref<1x624x128xf32, #tpu.memory_space<hbm>> -> memref<624x128xf32, #tpu.memory_space<hbm>>
      %dma_start3A_31 = arith.constant 0 : i32
      %dma_start3A_32 = tpu.memref_slice %arg9[%mul3A_24, %dma_start3A_31] : memref<10112x128xf32, #tpu.memory_space<vmem_shared>> -> memref<624x128xf32, #tpu.memory_space<vmem_shared>>
      tpu.enqueue_dma source(%dma_start3A_32 : memref<624x128xf32, #tpu.memory_space<vmem_shared>>) target(%dma_start3A_30 : memref<624x128xf32, #tpu.memory_space<hbm>>) target_semaphore(%run_scoped3A : memref<!tpu.dma_semaphore, #tpu.memory_space<semaphore_mem>>)
      %dma_wait3A = arith.constant 0 : i32
      %dma_wait3A_33 = tpu.memref_slice %arg5[%arg0, %mul3A_26, %dma_wait3A] : memref<2x10000x128xf32, #tpu.memory_space<hbm>> -> memref<1x624x128xf32, #tpu.memory_space<hbm>>
      %dma_wait3A_34 = tpu.memref_squeeze %dma_wait3A_33 : memref<1x624x128xf32, #tpu.memory_space<hbm>> -> memref<624x128xf32, #tpu.memory_space<hbm>>
      %dma_wait3A_35 = arith.constant 0 : i32
      %dma_wait3A_36 = tpu.memref_slice %arg9[%mul3A_24, %dma_wait3A_35] : memref<10112x128xf32, #tpu.memory_space<vmem_shared>> -> memref<624x128xf32, #tpu.memory_space<vmem_shared>>
      tpu.wait_dma2 semaphore(%run_scoped3A : memref<!tpu.dma_semaphore, #tpu.memory_space<semaphore_mem>>) src(%dma_wait3A_36 : memref<624x128xf32, #tpu.memory_space<vmem_shared>>) dst(%dma_wait3A_34 : memref<624x128xf32, #tpu.memory_space<hbm>>)
      tpu.yield
    }) : () -> ()
    %eq3A = arith.constant 0 : i32
    %eq3A_27 = arith.cmpi eq, %arg1, %eq3A : i32
    %convert_element_type3A = arith.extui %eq3A_27 : i1 to i32
    %cond3A = arith.constant 0 : i32
    %cond3A_28 = arith.cmpi ne, %convert_element_type3A, %cond3A : i32
    scf.if %cond3A_28 {
      "tpu.region"() ({
        %run_scoped3A = tpu.sem_alloc : memref<!tpu.dma_semaphore, #tpu.memory_space<semaphore_mem>>
        %dma_start3A = arith.constant 9984 : i32
        %dma_start3A_29 = arith.constant 0 : i32
        %dma_start3A_30 = tpu.memref_slice %arg5[%arg0, %dma_start3A, %dma_start3A_29] : memref<2x10000x128xf32, #tpu.memory_space<hbm>> -> memref<1x16x128xf32, #tpu.memory_space<hbm>>
        %dma_start3A_31 = tpu.memref_squeeze %dma_start3A_30 : memref<1x16x128xf32, #tpu.memory_space<hbm>> -> memref<16x128xf32, #tpu.memory_space<hbm>>
        %dma_start3A_32 = arith.constant 9984 : i32
        %dma_start3A_33 = arith.constant 0 : i32
        %dma_start3A_34 = tpu.memref_slice %arg9[%dma_start3A_32, %dma_start3A_33] : memref<10112x128xf32, #tpu.memory_space<vmem_shared>> -> memref<16x128xf32, #tpu.memory_space<vmem_shared>>
        tpu.enqueue_dma source(%dma_start3A_34 : memref<16x128xf32, #tpu.memory_space<vmem_shared>>) target(%dma_start3A_31 : memref<16x128xf32, #tpu.memory_space<hbm>>) target_semaphore(%run_scoped3A : memref<!tpu.dma_semaphore, #tpu.memory_space<semaphore_mem>>)
        %dma_wait3A = arith.constant 9984 : i32
        %dma_wait3A_35 = arith.constant 0 : i32
        %dma_wait3A_36 = tpu.memref_slice %arg5[%arg0, %dma_wait3A, %dma_wait3A_35] : memref<2x10000x128xf32, #tpu.memory_space<hbm>> -> memref<1x16x128xf32, #tpu.memory_space<hbm>>
        %dma_wait3A_37 = tpu.memref_squeeze %dma_wait3A_36 : memref<1x16x128xf32, #tpu.memory_space<hbm>> -> memref<16x128xf32, #tpu.memory_space<hbm>>
        %dma_wait3A_38 = arith.constant 9984 : i32
        %dma_wait3A_39 = arith.constant 0 : i32
        %dma_wait3A_40 = tpu.memref_slice %arg9[%dma_wait3A_38, %dma_wait3A_39] : memref<10112x128xf32, #tpu.memory_space<vmem_shared>> -> memref<16x128xf32, #tpu.memory_space<vmem_shared>>
        tpu.wait_dma2 semaphore(%run_scoped3A : memref<!tpu.dma_semaphore, #tpu.memory_space<semaphore_mem>>) src(%dma_wait3A_40 : memref<16x128xf32, #tpu.memory_space<vmem_shared>>) dst(%dma_wait3A_37 : memref<16x128xf32, #tpu.memory_space<hbm>>)
        tpu.yield
      }) : () -> ()
    } else {
    }
    return
  }
}

module attributes {stable_mosaic.version = 14 : i64} {
  func.func @_l1_body(%arg0: memref<2x10000x128xf32, #tpu.memory_space<vmem>>, %arg1: memref<10000x128xf32, #tpu.memory_space<vmem>>, %arg2: memref<128x64xf32, #tpu.memory_space<vmem>>, %arg3: memref<10000x1xf32, #tpu.memory_space<vmem>>, %arg4: memref<10000x128xf32, #tpu.memory_space<vmem>>) attributes {dimension_semantics = [], scalar_prefetch = 0 : i64, scratch_operands = 0 : i64, tpu.core_type = #tpu.core_type<tc>} {
    %get3A = arith.constant 0 : index
    %get3A_0 = arith.constant 0 : index
    %get3A_1 = arith.constant 0 : index
    %get3A_2 = vector.load %arg0[%get3A, %get3A_0, %get3A_1] : memref<2x10000x128xf32, #tpu.memory_space<vmem>>, vector<1x10000x1xf32>
    %get3A_3 = vector.shape_cast %get3A_2 : vector<1x10000x1xf32> to vector<10000x1xf32>
    %get3A_4 = arith.constant 1 : index
    %get3A_5 = arith.constant 0 : index
    %get3A_6 = arith.constant 0 : index
    %get3A_7 = vector.load %arg0[%get3A_4, %get3A_5, %get3A_6] : memref<2x10000x128xf32, #tpu.memory_space<vmem>>, vector<1x10000x1xf32>
    %get3A_8 = vector.shape_cast %get3A_7 : vector<1x10000x1xf32> to vector<10000x1xf32>
    %add3A = arith.addf %get3A_3, %get3A_8 : vector<10000x1xf32>
    %add3A_9 = arith.constant 1.000000e+00 : f32
    %add3A_10 = vector.broadcast %add3A_9 : f32 to vector<10000x1xf32>
    %add3A_11 = arith.addf %add3A, %add3A_10 : vector<10000x1xf32>
    %rsqrt3A = math.rsqrt %add3A_11 : vector<10000x1xf32>
    %swap3A = arith.constant 0 : index
    %swap3A_12 = arith.constant 0 : index
    %swap3A_13 = vector.load %arg3[%swap3A, %swap3A_12] : memref<10000x1xf32, #tpu.memory_space<vmem>>, vector<10000x1xf32>
    tpu.vector_store %arg3[%swap3A, %swap3A_12], %rsqrt3A {strides = array<i32>} : memref<10000x1xf32, #tpu.memory_space<vmem>>, vector<10000x1xf32>,
    %get3A_14 = arith.constant 0 : index
    %get3A_15 = arith.constant 0 : index
    %get3A_16 = vector.load %arg1[%get3A_14, %get3A_15] : memref<10000x128xf32, #tpu.memory_space<vmem>>, vector<10000x128xf32>
    %get3A_17 = arith.constant 0 : index
    %get3A_18 = arith.constant 0 : index
    %get3A_19 = vector.load %arg2[%get3A_17, %get3A_18] : memref<128x64xf32, #tpu.memory_space<vmem>>, vector<128x64xf32>
    %dot_general3A = arith.constant dense<0.000000e+00> : vector<10000x64xf32>
    %dot_general3A_20 = tpu.matmul %get3A_16, %get3A_19, %dot_general3A {dimension_numbers = #tpu.dot_dimension_numbers<[1], [0], [0], [1], [0, 0, 1, 1], [], []>, transpose_lhs_hint = false} : vector<10000x128xf32>, vector<128x64xf32>, vector<10000x64xf32> -> vector<10000x64xf32>
    %mul3A = vector.broadcast %rsqrt3A : vector<10000x1xf32> to vector<10000x64xf32>
    %mul3A_21 = arith.mulf %mul3A, %dot_general3A_20 : vector<10000x64xf32>
    %jit3A = arith.constant 0 : i32
    %convert_element_type3A = arith.sitofp %jit3A : i32 to f32
    %pad3A = vector.broadcast %convert_element_type3A : f32 to vector<10000x64xf32>
    %pad3A_22 = tpu.concatenate %mul3A_21, %pad3A in 1 : vector<10000x64xf32>, vector<10000x64xf32> -> vector<10000x128xf32>
    %swap3A_23 = arith.constant 0 : index
    %swap3A_24 = arith.constant 0 : index
    %swap3A_25 = vector.load %arg4[%swap3A_23, %swap3A_24] : memref<10000x128xf32, #tpu.memory_space<vmem>>, vector<10000x128xf32>
    tpu.vector_store %arg4[%swap3A_23, %swap3A_24], %pad3A_22 {strides = array<i32>} : memref<10000x128xf32, #tpu.memory_space<vmem>>, vector<10000x128xf32>,
    return
  }
}

module attributes {stable_mosaic.version = 14 : i64} {
  func.func @_l2_body(%arg0: memref<2x10000x128xf32, #tpu.memory_space<vmem>>, %arg1: memref<10000x128xf32, #tpu.memory_space<vmem>>, %arg2: memref<10000x1xf32, #tpu.memory_space<vmem>>, %arg3: memref<64xf32, #tpu.memory_space<vmem>>, %arg4: memref<64x32xf32, #tpu.memory_space<vmem>>, %arg5: memref<10000x128xf32, #tpu.memory_space<vmem>>) attributes {dimension_semantics = [], scalar_prefetch = 0 : i64, scratch_operands = 0 : i64, tpu.core_type = #tpu.core_type<tc>} {
    %get3A = arith.constant 0 : index
    %get3A_0 = arith.constant 0 : index
    %get3A_1 = vector.load %arg2[%get3A, %get3A_0] : memref<10000x1xf32, #tpu.memory_space<vmem>>, vector<10000x1xf32>
    %get3A_2 = arith.constant 0 : index
    %get3A_3 = arith.constant 0 : index
    %get3A_4 = arith.constant 0 : index
    %get3A_5 = vector.load %arg0[%get3A_2, %get3A_3, %get3A_4] : memref<2x10000x128xf32, #tpu.memory_space<vmem>>, vector<1x10000x64xf32>
    %get3A_6 = vector.shape_cast %get3A_5 : vector<1x10000x64xf32> to vector<10000x64xf32>
    %get3A_7 = arith.constant 1 : index
    %get3A_8 = arith.constant 0 : index
    %get3A_9 = arith.constant 0 : index
    %get3A_10 = vector.load %arg0[%get3A_7, %get3A_8, %get3A_9] : memref<2x10000x128xf32, #tpu.memory_space<vmem>>, vector<1x10000x64xf32>
    %get3A_11 = vector.shape_cast %get3A_10 : vector<1x10000x64xf32> to vector<10000x64xf32>
    %add3A = arith.addf %get3A_6, %get3A_11 : vector<10000x64xf32>
    %get3A_12 = arith.constant 0 : index
    %get3A_13 = arith.constant 0 : index
    %get3A_14 = vector.load %arg1[%get3A_12, %get3A_13] : memref<10000x128xf32, #tpu.memory_space<vmem>>, vector<10000x64xf32>
    %add3A_15 = arith.addf %add3A, %get3A_14 : vector<10000x64xf32>
    %mul3A = vector.broadcast %get3A_1 : vector<10000x1xf32> to vector<10000x64xf32>
    %mul3A_16 = arith.mulf %mul3A, %add3A_15 : vector<10000x64xf32>
    %get3A_17 = arith.constant 0 : index
    %get3A_18 = vector.load %arg3[%get3A_17] : memref<64xf32, #tpu.memory_space<vmem>>, vector<64xf32>
    %broadcast_in_dim3A = vector.shape_cast %get3A_18 : vector<64xf32> to vector<1x64xf32>
    %add3A_19 = vector.broadcast %broadcast_in_dim3A : vector<1x64xf32> to vector<10000x64xf32>
    %add3A_20 = arith.addf %mul3A_16, %add3A_19 : vector<10000x64xf32>
    %max3A = arith.constant 0.000000e+00 : f32
    %max3A_21 = vector.broadcast %max3A : f32 to vector<10000x64xf32>
    %max3A_22 = arith.maximumf %add3A_20, %max3A_21 : vector<10000x64xf32>
    %get3A_23 = arith.constant 0 : index
    %get3A_24 = arith.constant 0 : index
    %get3A_25 = vector.load %arg4[%get3A_23, %get3A_24] : memref<64x32xf32, #tpu.memory_space<vmem>>, vector<64x32xf32>
    %dot_general3A = arith.constant dense<0.000000e+00> : vector<10000x32xf32>
    %dot_general3A_26 = tpu.matmul %max3A_22, %get3A_25, %dot_general3A {dimension_numbers = #tpu.dot_dimension_numbers<[1], [0], [0], [1], [0, 0, 1, 1], [], []>, transpose_lhs_hint = false} : vector<10000x64xf32>, vector<64x32xf32>, vector<10000x32xf32> -> vector<10000x32xf32>
    %mul3A_27 = vector.broadcast %get3A_1 : vector<10000x1xf32> to vector<10000x32xf32>
    %mul3A_28 = arith.mulf %mul3A_27, %dot_general3A_26 : vector<10000x32xf32>
    %jit3A = arith.constant 0 : i32
    %convert_element_type3A = arith.sitofp %jit3A : i32 to f32
    %pad3A = vector.broadcast %convert_element_type3A : f32 to vector<10000x96xf32>
    %pad3A_29 = tpu.concatenate %mul3A_28, %pad3A in 1 : vector<10000x32xf32>, vector<10000x96xf32> -> vector<10000x128xf32>
    %swap3A = arith.constant 0 : index
    %swap3A_30 = arith.constant 0 : index
    %swap3A_31 = vector.load %arg5[%swap3A, %swap3A_30] : memref<10000x128xf32, #tpu.memory_space<vmem>>, vector<10000x128xf32>
    tpu.vector_store %arg5[%swap3A, %swap3A_30], %pad3A_29 {strides = array<i32>} : memref<10000x128xf32, #tpu.memory_space<vmem>>, vector<10000x128xf32>,
    return
  }
}

module attributes {stable_mosaic.version = 14 : i64} {
  func.func @_l3_body(%arg0: memref<2x10000x128xf32, #tpu.memory_space<vmem>>, %arg1: memref<10000x128xf32, #tpu.memory_space<vmem>>, %arg2: memref<10000x1xf32, #tpu.memory_space<vmem>>, %arg3: memref<32xf32, #tpu.memory_space<vmem>>, %arg4: memref<32x2xf32, #tpu.memory_space<vmem>>, %arg5: memref<10000x128xf32, #tpu.memory_space<vmem>>) attributes {dimension_semantics = [], scalar_prefetch = 0 : i64, scratch_operands = 0 : i64, tpu.core_type = #tpu.core_type<tc>} {
    %get3A = arith.constant 0 : index
    %get3A_0 = arith.constant 0 : index
    %get3A_1 = vector.load %arg2[%get3A, %get3A_0] : memref<10000x1xf32, #tpu.memory_space<vmem>>, vector<10000x1xf32>
    %get3A_2 = arith.constant 0 : index
    %get3A_3 = arith.constant 0 : index
    %get3A_4 = arith.constant 0 : index
    %get3A_5 = vector.load %arg0[%get3A_2, %get3A_3, %get3A_4] : memref<2x10000x128xf32, #tpu.memory_space<vmem>>, vector<1x10000x32xf32>
    %get3A_6 = vector.shape_cast %get3A_5 : vector<1x10000x32xf32> to vector<10000x32xf32>
    %get3A_7 = arith.constant 1 : index
    %get3A_8 = arith.constant 0 : index
    %get3A_9 = arith.constant 0 : index
    %get3A_10 = vector.load %arg0[%get3A_7, %get3A_8, %get3A_9] : memref<2x10000x128xf32, #tpu.memory_space<vmem>>, vector<1x10000x32xf32>
    %get3A_11 = vector.shape_cast %get3A_10 : vector<1x10000x32xf32> to vector<10000x32xf32>
    %add3A = arith.addf %get3A_6, %get3A_11 : vector<10000x32xf32>
    %get3A_12 = arith.constant 0 : index
    %get3A_13 = arith.constant 0 : index
    %get3A_14 = vector.load %arg1[%get3A_12, %get3A_13] : memref<10000x128xf32, #tpu.memory_space<vmem>>, vector<10000x32xf32>
    %add3A_15 = arith.addf %add3A, %get3A_14 : vector<10000x32xf32>
    %mul3A = vector.broadcast %get3A_1 : vector<10000x1xf32> to vector<10000x32xf32>
    %mul3A_16 = arith.mulf %mul3A, %add3A_15 : vector<10000x32xf32>
    %get3A_17 = arith.constant 0 : index
    %get3A_18 = vector.load %arg3[%get3A_17] : memref<32xf32, #tpu.memory_space<vmem>>, vector<32xf32>
    %broadcast_in_dim3A = vector.shape_cast %get3A_18 : vector<32xf32> to vector<1x32xf32>
    %add3A_19 = vector.broadcast %broadcast_in_dim3A : vector<1x32xf32> to vector<10000x32xf32>
    %add3A_20 = arith.addf %mul3A_16, %add3A_19 : vector<10000x32xf32>
    %max3A = arith.constant 0.000000e+00 : f32
    %max3A_21 = vector.broadcast %max3A : f32 to vector<10000x32xf32>
    %max3A_22 = arith.maximumf %add3A_20, %max3A_21 : vector<10000x32xf32>
    %get3A_23 = arith.constant 0 : index
    %get3A_24 = arith.constant 0 : index
    %get3A_25 = vector.load %arg4[%get3A_23, %get3A_24] : memref<32x2xf32, #tpu.memory_space<vmem>>, vector<32x2xf32>
    %dot_general3A = arith.constant dense<0.000000e+00> : vector<10000x2xf32>
    %dot_general3A_26 = tpu.matmul %max3A_22, %get3A_25, %dot_general3A {dimension_numbers = #tpu.dot_dimension_numbers<[1], [0], [0], [1], [0, 0, 1, 1], [], []>, transpose_lhs_hint = false} : vector<10000x32xf32>, vector<32x2xf32>, vector<10000x2xf32> -> vector<10000x2xf32>
    %mul3A_27 = vector.broadcast %get3A_1 : vector<10000x1xf32> to vector<10000x2xf32>
    %mul3A_28 = arith.mulf %mul3A_27, %dot_general3A_26 : vector<10000x2xf32>
    %jit3A = arith.constant 0 : i32
    %convert_element_type3A = arith.sitofp %jit3A : i32 to f32
    %pad3A = vector.broadcast %convert_element_type3A : f32 to vector<10000x126xf32>
    %pad3A_29 = tpu.concatenate %mul3A_28, %pad3A in 1 : vector<10000x2xf32>, vector<10000x126xf32> -> vector<10000x128xf32>
    %swap3A = arith.constant 0 : index
    %swap3A_30 = arith.constant 0 : index
    %swap3A_31 = vector.load %arg5[%swap3A, %swap3A_30] : memref<10000x128xf32, #tpu.memory_space<vmem>>, vector<10000x128xf32>
    tpu.vector_store %arg5[%swap3A, %swap3A_30], %pad3A_29 {strides = array<i32>} : memref<10000x128xf32, #tpu.memory_space<vmem>>, vector<10000x128xf32>,
    return
  }
}

module attributes {stable_mosaic.version = 14 : i64} {
  func.func @_fin_body(%arg0: memref<2x10000x128xf32, #tpu.memory_space<vmem>>, %arg1: memref<10000x128xf32, #tpu.memory_space<vmem>>, %arg2: memref<10000x1xf32, #tpu.memory_space<vmem>>, %arg3: memref<2xf32, #tpu.memory_space<vmem>>, %arg4: memref<10000x128xf32, #tpu.memory_space<vmem>>) attributes {dimension_semantics = [], scalar_prefetch = 0 : i64, scratch_operands = 0 : i64, tpu.core_type = #tpu.core_type<tc>} {
    %get3A = arith.constant 0 : index
    %get3A_0 = arith.constant 0 : index
    %get3A_1 = vector.load %arg2[%get3A, %get3A_0] : memref<10000x1xf32, #tpu.memory_space<vmem>>, vector<10000x1xf32>
    %get3A_2 = arith.constant 0 : index
    %get3A_3 = arith.constant 0 : index
    %get3A_4 = arith.constant 0 : index
    %get3A_5 = vector.load %arg0[%get3A_2, %get3A_3, %get3A_4] : memref<2x10000x128xf32, #tpu.memory_space<vmem>>, vector<1x10000x2xf32>
    %get3A_6 = vector.shape_cast %get3A_5 : vector<1x10000x2xf32> to vector<10000x2xf32>
    %get3A_7 = arith.constant 1 : index
    %get3A_8 = arith.constant 0 : index
    %get3A_9 = arith.constant 0 : index
    %get3A_10 = vector.load %arg0[%get3A_7, %get3A_8, %get3A_9] : memref<2x10000x128xf32, #tpu.memory_space<vmem>>, vector<1x10000x2xf32>
    %get3A_11 = vector.shape_cast %get3A_10 : vector<1x10000x2xf32> to vector<10000x2xf32>
    %add3A = arith.addf %get3A_6, %get3A_11 : vector<10000x2xf32>
    %get3A_12 = arith.constant 0 : index
    %get3A_13 = arith.constant 0 : index
    %get3A_14 = vector.load %arg1[%get3A_12, %get3A_13] : memref<10000x128xf32, #tpu.memory_space<vmem>>, vector<10000x2xf32>
    %add3A_15 = arith.addf %add3A, %get3A_14 : vector<10000x2xf32>
    %mul3A = vector.broadcast %get3A_1 : vector<10000x1xf32> to vector<10000x2xf32>
    %mul3A_16 = arith.mulf %mul3A, %add3A_15 : vector<10000x2xf32>
    %get3A_17 = arith.constant 0 : index
    %get3A_18 = vector.load %arg3[%get3A_17] : memref<2xf32, #tpu.memory_space<vmem>>, vector<2xf32>
    %broadcast_in_dim3A = vector.shape_cast %get3A_18 : vector<2xf32> to vector<1x2xf32>
    %add3A_19 = vector.broadcast %broadcast_in_dim3A : vector<1x2xf32> to vector<10000x2xf32>
    %add3A_20 = arith.addf %mul3A_16, %add3A_19 : vector<10000x2xf32>
    %jit3A = arith.constant 0 : i32
    %convert_element_type3A = arith.sitofp %jit3A : i32 to f32
    %pad3A = vector.broadcast %convert_element_type3A : f32 to vector<10000x126xf32>
    %pad3A_21 = tpu.concatenate %add3A_20, %pad3A in 1 : vector<10000x2xf32>, vector<10000x126xf32> -> vector<10000x128xf32>
    %swap3A = arith.constant 0 : index
    %swap3A_22 = arith.constant 0 : index
    %swap3A_23 = vector.load %arg4[%swap3A, %swap3A_22] : memref<10000x128xf32, #tpu.memory_space<vmem>>, vector<10000x128xf32>
    tpu.vector_store %arg4[%swap3A, %swap3A_22], %pad3A_21 {strides = array<i32>} : memref<10000x128xf32, #tpu.memory_space<vmem>>, vector<10000x128xf32>,
    return
  }
}

</mosaic_0001>

<sc_bundles>
// kernel: kernel.10.cloned.1.call-start
scs
__scs_entry_jumppad:
0x0: {  	(pc) =	sbr.rel $0x88, $3  }
0x1: {  	(tag) =	ssettag $0x0;
	lr =	simm.s32 $0x1  }
0x2: {  	[smem:$0x3F99] =	sst lr;
	_ =	strace $0xD0000000  }
0x3: {  	_ = 	snop  }
0x4: {  	_ = 	snop  }
0x5: {  	_ = 	snop  }
0x6: {  	_ = 	snop  }
0x7: {  	_ = 	snop  }
__scs_overlays_trampoline_lowered:
0x8: {  	[smem:$0x3FA8] =	sst s0  }
0x9: {  	[smem:$0x3FA9] =	sst s1  }
0xa: {  	[smem:$0x3FAA] =	sst s2  }
0xb: {  	[smem:$0x3FAB] =	sst s3  }
0xc: {  	[smem:$0x3FAC] =	sst s4  }
0xd: {  	[smem:$0x3FAD] =	sst s5  }
0xe: {  	[smem:$0x3FAE] =	sst s6  }
0xf: {  	[smem:$0x3FAF] =	sst s7  }
0x10: {  	[smem:$0x3FB0] =	sst s8  }
0x11: {  	[smem:$0x3FB1] =	sst s9;
	s0 =	simm.s32 @!p0 $0x0  }
0x12: {  	s1 =	sld [smem:$0x3F97];
	s0 =	simm.s32 @p0 $0x1  }
0x13: {  	[smem:$0x3FB2] =	sst s0;
	s0 =	simm.s32 @!p1 $0x0  }
0x14: {  	s2 =	sld [smem:$0x3F96];
	s0 =	simm.s32 @p1 $0x1  }
0x15: {  	[smem:$0x3FB3] =	sst s0;
	s0 =	simm.s32 @!p2 $0x0  }
0x16: {  	s3 =	sld [smem:$0x3FDB];
	s0 =	simm.s32 @p2 $0x1  }
0x17: {  	s4 =	simm.s32 $0x1BF5;
	[smem:$0x3FB5] =	sst s0  }
0x18: {  	s0 =	sld [smem:$0x3F98];
	_ =	swait.ge [sflag:s4], $0x0  }
0x19: {  	s7 =	sld [smem:$0x3F99]  }
0x1a: {  	s8 =	sadd.s32 $0xFFFFE003, lr  }
0x1b: {  	s9 =	sadd.s32 $0xFFFFFEF7, lr;
	s5 =	simm.s32 $0xFFFFFFFF;
	p2 =	slt.u32 s8, $0xFFFFF086  }
0x1c: {  	p1 =	slt.u32 s9, $0xF7A;
	s5 =	simm.s32 @!p2 $0x0  }
0x1d: {  	s5 =	simm.s32 @p1 $0x1;
	p0 =	seq.s32 s7, s2  }
0x1e: {  	s7 =	smul.u32 @!p0 $0xF7A, s2;
	p2 =	seq.s32 @!p0 s5, $0x0  }
0x1f: {  	s9 =	smul.u32 $0xF7A, s1;
	s8 =	simm.s32 @!p0 $0x1BF5;
	p2 =	por !p2, p0  }
0x20: {  	[sflag:s8] =	ssyncset.s32 @!p0 $0xFFFFF086;
	s6 =	sadd.s32 @!p0 s3, s7;
	s7 =	simm.s32 @!p0 $0x108  }
0x21: {  	s3 =	sadd.s32 s3, s9;
	s6 =	sadd.s32 @!p0 $0x88, s6;
	s7 =	simm.s32 @p2 $0x1082  }
0x22: {  	[simem:s7], [sflag:s8] =	dma.local @!p0 [hbm:s6], $0xF7A  }
0x23: {  	s9 =	sor.u32 $0xD0000000, s2;
	s6 =	simm.s32 $0x108;
	_ =	swait.ge @!p0 [sflag:s8], $0x0  }
0x24: {  	s3 =	sadd.s32 $0x88, s3;
	s6 =	simm.s32 @!p1 $0x1082;
	[sflag:s4] =	ssyncset.s32 $0xFFFFF086  }
0x25: {  	[simem:s6], [sflag:s4] =	dma.local [hbm:s3], $0xF7A  }
0x26: {  	[smem:$0x3F99] =	sst s1;
	(tag) =	ssettag s2;
	_ =	strace s9  }
0x27: {  	s1 =	sld [smem:$0x3FA9]  }
0x28: {  	s2 =	sld [smem:$0x3FAA]  }
0x29: {  	s4 =	sld [smem:$0x3FAC]  }
0x2a: {  	p0 =	seq.s32 s5, $0x0;
	s5 =	sld [smem:$0x3FAD]  }
0x2b: {  	s6 =	sld [smem:$0x3FAE]  }
0x2c: {  	s7 =	sld [smem:$0x3FAF]  }
0x2d: {  	s3 =	simm.s32 $0x108;
	s8 =	sld [smem:$0x3FB0]  }
0x2e: {  	s3 =	simm.s32 @!p0 $0x1082;
	s9 =	sld [smem:$0x3FB1]  }
0x2f: {  	lr =	sadd.s32 s0, s3;
	s0 =	sld [smem:$0x3FA8]  }
0x30: {  	s3 =	sld [smem:$0x3FAB]  }
0x31: {  	[smem:$0x3FB4] =	sst s10  }
0x32: {  	s10 =	sld [smem:$0x3FB2];
	_ =	sdelay $0x3  }
0x33: {  	p0 =	seq.s32 s10, $0x1;
	s10 =	sld [smem:$0x3FB4];
	_ =	sdelay $0x3  }
0x34: {  	[smem:$0x3FB4] =	sst s10  }
0x35: {  	s10 =	sld [smem:$0x3FB3];
	_ =	sdelay $0x3  }
0x36: {  	p1 =	seq.s32 s10, $0x1;
	s10 =	sld [smem:$0x3FB4];
	_ =	sdelay $0x3  }
0x37: {  	[smem:$0x3FB4] =	sst s10  }
0x38: {  	s10 =	sld [smem:$0x3FB5]  }
0x39: {  	_ = 	snop;
	(pc) =	sbr.ind lr, $3  }
0x3a: {  	_ = 	snop  }
0x3b: {  	_ = 	snop  }
0x3c: {  	p2 =	seq.s32 s10, $0x1;
	s10 =	sld [smem:$0x3FB4]  }
0x3d: {  	_ =	shalt  }
0x3e: {  	_ =	shalt  }
0x3f: {  	_ =	shalt  }
0x40: {  	_ =	shalt  }
0x41: {  	_ =	shalt  }
0x42: {  	_ =	shalt  }
0x43: {  	_ =	shalt  }
0x44: {  	_ =	shalt  }
0x45: {  	_ =	shalt  }
0x46: {  	_ =	shalt  }
0x47: {  	_ =	shalt  }
0x48: {  	_ =	shalt  }
0x49: {  	_ =	shalt  }
0x4a: {  	_ =	shalt  }
0x4b: {  	_ =	shalt  }
0x4c: {  	_ =	shalt  }
0x4d: {  	_ =	shalt  }
0x4e: {  	_ =	shalt  }
0x4f: {  	_ =	shalt  }
0x50: {  	_ =	shalt  }
0x51: {  	_ =	shalt  }
0x52: {  	_ =	shalt  }
0x53: {  	_ =	shalt  }
0x54: {  	_ =	shalt  }
0x55: {  	_ =	shalt  }
0x56: {  	_ =	shalt  }
0x57: {  	_ =	shalt  }
0x58: {  	_ =	shalt  }
0x59: {  	_ =	shalt  }
0x5a: {  	_ =	shalt  }
0x5b: {  	_ =	shalt  }
0x5c: {  	_ =	shalt  }
0x5d: {  	_ =	shalt  }
0x5e: {  	_ =	shalt  }
0x5f: {  	_ =	shalt  }
0x60: {  	_ =	shalt  }
0x61: {  	_ =	shalt  }
0x62: {  	_ =	shalt  }
0x63: {  	_ =	shalt  }
0x64: {  	_ =	shalt  }
0x65: {  	_ =	shalt  }
0x66: {  	_ =	shalt  }
0x67: {  	_ =	shalt  }
0x68: {  	_ =	shalt  }
0x69: {  	_ =	shalt  }
0x6a: {  	_ =	shalt  }
0x6b: {  	_ =	shalt  }
0x6c: {  	_ =	shalt  }
0x6d: {  	_ =	shalt  }
0x6e: {  	_ =	shalt  }
0x6f: {  	_ =	shalt  }
0x70: {  	_ =	shalt  }
0x71: {  	_ =	shalt  }
0x72: {  	_ =	shalt  }
0x73: {  	_ =	shalt  }
0x74: {  	_ =	shalt  }
0x75: {  	_ =	shalt  }
0x76: {  	_ =	shalt  }
0x77: {  	_ =	shalt  }
0x78: {  	_ =	shalt  }
0x79: {  	_ =	shalt  }
0x7a: {  	_ =	shalt  }
0x7b: {  	_ =	shalt  }
0x7c: {  	_ =	shalt  }
0x7d: {  	_ =	shalt  }
0x7e: {  	_ =	shalt  }
0x7f: {  	_ =	shalt  }
0x80: {  	_ =	shalt  }
0x81: {  	_ =	shalt  }
0x82: {  	_ =	shalt  }
0x83: {  	_ =	shalt  }
0x84: {  	_ =	shalt  }
0x85: {  	_ =	shalt  }
0x86: {  	_ =	shalt  }
0x87: {  	_ =	shalt  }
.Lfunc_end0:
.L_simem_size_0:
called_computation_lowered:
.L_overlay_start_0:
0x88: {  	s2 =	sld [smem:$0x3FD9]  }
0x89: {  	s3 =	sld [smem:$0x3FFE];
	_ =	sdelay $0x1  }
0x8a: {  	s1 =	srdreg.scid  }
0x8b: {  	s0 =	sand.u32 $0x1, s1  }
0x8c: {  	s16 =	sshll.u32 s0, $0xA;
	s2 =	sadd.s32 s3, s2  }
0x8d: {  	s2 =	sadd.s32 s2, s16  }
0x8e: {  	[smem:$0x3FC0] =	sst s2  }
0x8f: {  	_ = 	snop  }
0x90: {  	(tm) =	ssettm $0x1  }
0x91: {  	s17 =	sld [smem:$0x3FFB];
	_ =	sdelay $0x3  }
0x92: {  	_ =	strace s17  }
0x93: {  	s2 =	sld [smem:$0x3FFC];
	_ =	sdelay $0x3  }
0x94: {  	_ =	strace s2  }
0x95: {  	s2 =	sld [smem:$0x3FFD];
	_ =	sdelay $0x3  }
0x96: {  	_ =	strace s2  }
0x97: {  	_ =	strace $0x8FFFFFFF  }
0x98: {  	s18 =	sld [smem:$0x3FDB];
	_ =	sdelay $0x1  }
0x99: {  	s19 =	simm.s32 $_scs_section_size  }
0x9a: {  	s4 =	simm.s32 $_size__tile_overlayer_lowered;
	s5 =	simm.s32 $_tile_overlayer_lowered  }
0x9b: {  	s22 =	simm.s32 $0x1BFF;
	s21 =	sshll.u32 s5, $0x1;
	s2 =	sadd.s32 s19, s18  }
0x9c: {  	s6 =	simm.s32 $0x0;
	s20 =	sshll.u32 s4, $0x1;
	s4 =	sadd.s32 s21, s2  }
0x9d: {  	[timem:s6], [sflag:s22] =	dma.local [hbm:s4], s20  }
0x9e: {  	_ =	swait.ge [sflag:s22], s20  }
0x9f: {  	s3 =	ssub.s32 $0x0, s20;
	[sflag:s22] =	ssyncset.done $0x0  }
0xa0: {  	[sflag:s22] =	ssyncadd.s32 s3;
	_ =	sdelay $0x1  }
0xa1: {  	s23 =	simm.s32 $0x1B8B  }
0xa2: {  	_ =	swait.ge [sflag:s23], $0x1  }
0xa3: {  	[sflag:s23] =	ssyncset.done $0x0  }
0xa4: {  	s25 =	simm.s32 $0x1B8E;
	s24 =	sld [smem:$0x3FFE];
	[sflag:s23] =	ssyncadd.s32 $0xFFFFFFFF  }
0xa5: {  	s26 =	simm.s32 $execute0_lowered;
	[smem:$0x3FD2] =	sst s25  }
0xa6: {  	s4 =	sshll.u32 s26, $0x1;
	_ =	strace $0x80000046;
	[dreg:$0x1] =	wrdreg $0xFFFFFFFF  }
0xa7: {  	s28 =	simm.s32 $_size_execute0_lowered;
	s2 =	sadd.s32 s2, s4;
	[dreg:$0x0] =	wrdreg $0x0  }
0xa8: {  	s4 =	sshll.u32 s28, $0x1;
	[dreg:$0x2] =	wrdreg s2  }
0xa9: {  	[dreg:$0x3] =	wrdreg s4  }
0xaa: {  	[dreg:$0x4] =	wrdreg $0xC0  }
0xab: {  	_ =	task [dreg:s6], $0x5FFFF  }
0xac: {  	[dreg:$0x1] =	wrdreg $0xFFFFFFFF  }
0xad: {  	[dreg:$0x0] =	wrdreg $0x60  }
0xae: {  	[dreg:$0x2] =	wrdreg s24  }
0xaf: {  	[dreg:$0x3] =	wrdreg $0x68000  }
0xb0: {  	[dreg:$0x4] =	wrdreg $0x9  }
0xb1: {  	_ =	task.clear_ibuf [dreg:s6], $0x5FFFF;
	_ =	strace $0x90000046  }
0xb2: {  	s29 =	simm.s32 $0x9;
	_ =	strace $0x80000048  }
0xb3: {  	_ =	swait.ge [sflag:s29], $0x1  }
0xb4: {  	[sflag:s29] =	ssyncadd.s32 $0xFFFFFFFF  }
0xb5: {  	_ =	strace $0x90000048  }
0xb6: {  	_ =	sfence  }
0xb7: {  	s30 =	sld [smem:$0x0];
	_ =	sdelay $0x2  }
0xb8: {  	s31 =	sshll.u32 s1, $0xD;
	s1 =	sshrl.u32 s1, $0x2  }
0xb9: {  	s3 =	sand.u32 $0x4000, s31;
	s1 =	sadd.s32 s1, s30  }
0xba: {  	s0 =	sor.u32 s3, s0;
	s1 =	sshll.u32 s1, $0x11  }
0xbb: {  	s0 =	sor.u32 s1, s0  }
0xbc: {  	s0 =	sadd.s32 $0x8F2B, s0  }
0xbd: {  	[sflag:s0] =	ssyncadd.remote.s32 $0x1  }
0xbe: {  	_ =	sfence.sel $0xFFFF  }
0xbf: {  	[dreg:$0x0] =	wrdreg $0xFFFFFFFF;
	(pc) =	sbr.abs _section_cstart, $3  }
0xc0: {  	[dreg:$0x1] =	wrdreg $0xFFFFFFFF  }
0xc1: {  	_ =	task.clear_ibuf [dreg:s6], $0x2FFFF;
	_ =	strace $0x9FFFFFFF  }
0xc2: {  	(tm) =	ssettm $0x7FFFFFFF  }
0xc3: {  	_ =	shalt  }
tec
execute0_lowered:
.L_overlay_start_1:
0x0: {  	(tag) =	ssettag $0x1  }
0x1: {  	s4 =	rddreg [dreg:$0x0];
	s0 =	srdreg.scid  }
0x2: {  	s1 =	stileid.u32;
	s2 =	rddreg [dreg:$0x1];
	s3 =	simm.s32 $0x0  }
0x3: {  	s16 =	simm.s32 $0x1;
	s17 =	simm.s32 $0x2;
	s20 =	simm.s32 $0x0  }
0x4: {  	s5 =	sand.u32 $0x1, s0;
	s0 =	rddreg [dreg:$0x2];
	s8 =	smul.u32 $0x4F000, s1  }
0x5: {  	s6 =	sshll.u32 s1, $0x1;
	[smem:$0x7FF] =	sst s3;
	s13 =	smul.u32 $0x13800, s1  }
0x6: {  	s11 =	sadd.s32 $0x17200, s4;
	s14 =	smul.u32 $0x4E000, s1;
	s19 =	sadd.s32 $0x138000, s2  }
0x7: {  	p0 =	sne.s32 s1, $0x0;
	s6 =	sor.u32 s5, s6;
	_ =	strace $0x80000047  }
0x8: {  	s7 =	ssub.s32 $0x2, s5;
	s10 =	smul.u32 $0x138800, s5;
	s19 =	sshrl.u32 @!p0 s19, $0x3  }
0x9: {  	s6 =	smul.u32 $0x500, s6;
	s30 =	sshrl.u32 s7, $0x1;
	s31 =	sshrl.u32 s8, $0x2  }
0xa: {  	s14 =	sshrl.u32 s14, $0x2;
	s12 =	ssub.s32 s7, s30;
	s5 =	sadd.s32 s31, s2  }
0xb: {  	s13 =	sadd.s32 s13, s10;
	s15 =	sshrl.u32 s10, $0x3;
	s18 =	sadd.s32 s14, s2  }
0xc: {  	s14 =	simm.s32 $0x2800;
	s6 =	sadd.s32 s6, s4;
	s7 =	sadd.s32 $0x8000, s5  }
0xd: {  	s8 =	sadd.s32 $0xC000, s5;
	s9 =	sadd.s32 $0x10000, s5;
	s13 =	sshrl.u32 s13, $0x3  }
0xe: {  	s12 =	smax.u32 s12, $0x1;
	s18 =	sshrl.u32 s18, $0x3;
	s4 =	sadd.s32 $0x3200, s6  }
0xf: {  	s6 =	sadd.s32 $0x4000, s5;
	s10 =	sadd.s32 s11, s13;
	s11 =	sadd.s32 s11, s15  }
0x10: {  	v0 =	vimm.f32 $0.0e+00;
	v1 =	vimm.f32 $1.000000000e+00;
	s13 =	simm.s32 $0x3;
	s15 =	simm.s32 $0x80;
	s11 =	sadd.s32 $0x27000, s11  }
.LBB2_1:
0x11: {  	[tilespmem:s3], [sflag:$0x3] =	stream.linear.gather [hbm4b:s4+s3], $0x2800, $0x38;
	[tilespmem:$0x1A400] =	vst v63  }
0x12: {  	_ =	swait.ge [sflag:s13], $0x2800  }
0x13: {  	[sflag:s13] =	ssyncset.done $0x0  }
0x14: {  	s21 =	simm.s32 $0x0;
	s22 =	simm.s32 $0x200;
	[sflag:s13] =	ssyncadd.s32 $0xFFFFD800  }
.LBB2_2:
0x15: {  	p1 =	sne.s32 s22, $0xFE00;
	[tilespmem:s21+$0x2870] =	vst v0  }
0x16: {  	[tilespmem:s21+$0x2800] =	vst v0  }
0x17: {  	[tilespmem:s21+$0x2810] =	vst v0  }
.Ltmp0:
0x18: {  	[tilespmem:s21+$0x2820] =	vst v0;
	(pc) =	sbr.rel @p1 .LBB2_2-.Ltmp0, $4  }
0x19: {  	[tilespmem:s21+$0x2830] =	vst v0  }
0x1a: {  	[tilespmem:s21+$0x2840] =	vst v0  }
0x1b: {  	[tilespmem:s21+$0x2850] =	vst v0  }
0x1c: {  	[tilespmem:s21+$0x2860] =	vst v0;
	s21 =	sshra.s32 s22, $0x2;
	s22 =	sadd.s32 $0x200, s22  }
0x1d: {  	[tilespmem:s21+$0x2870] =	vst v0  }
0x1e: {  	[tilespmem:s21+$0x2800] =	vst v0  }
0x1f: {  	[tilespmem:s21+$0x2810] =	vst v0  }
0x20: {  	[tilespmem:s21+$0x2820] =	vst v0  }
0x21: {  	[tilespmem:s21+$0x2830] =	vst v0  }
0x22: {  	[tilespmem:s21+$0x2840] =	vst v0  }
0x23: {  	[tilespmem:s21+$0x2850] =	vst v0  }
0x24: {  	[tilespmem:s21+$0x2860] =	vst v0  }
0x25: {  	[spmem:s5] =	stream.linear.scatter [tilespmem:s14], [sflag:$0x3], $0x4000, $0x38;
	[tilespmem:$0x1A400] =	vst v63  }
0x26: {  	_ =	swait.ge [sflag:s13], $0x4000  }
0x27: {  	[sflag:s13] =	ssyncset.done $0x0  }
0x28: {  	[sflag:s13] =	ssyncadd.s32 $0xFFFFC000  }
0x29: {  	[spmem:s6] =	stream.linear.scatter [tilespmem:s14], [sflag:$0x3], $0x4000, $0x38;
	[tilespmem:$0x1A400] =	vst v63  }
0x2a: {  	_ =	swait.ge [sflag:s13], $0x4000  }
0x2b: {  	[sflag:s13] =	ssyncset.done $0x0  }
0x2c: {  	[sflag:s13] =	ssyncadd.s32 $0xFFFFC000  }
0x2d: {  	[spmem:s7] =	stream.linear.scatter [tilespmem:s14], [sflag:$0x3], $0x4000, $0x38;
	[tilespmem:$0x1A400] =	vst v63  }
0x2e: {  	_ =	swait.ge [sflag:s13], $0x4000  }
0x2f: {  	[sflag:s13] =	ssyncset.done $0x0  }
0x30: {  	[sflag:s13] =	ssyncadd.s32 $0xFFFFC000  }
0x31: {  	[spmem:s8] =	stream.linear.scatter [tilespmem:s14], [sflag:$0x3], $0x4000, $0x38;
	[tilespmem:$0x1A400] =	vst v63  }
0x32: {  	_ =	swait.ge [sflag:s13], $0x4000  }
0x33: {  	[sflag:s13] =	ssyncset.done $0x0  }
0x34: {  	[sflag:s13] =	ssyncadd.s32 $0xFFFFC000  }
0x35: {  	[spmem:s9] =	stream.linear.scatter [tilespmem:s14], [sflag:$0x3], $0x3C00, $0x38;
	[tilespmem:$0x1A400] =	vst v63  }
0x36: {  	_ =	swait.ge [sflag:s13], $0x3C00  }
0x37: {  	[sflag:s13] =	ssyncset.done $0x0  }
0x38: {  	s21 =	simm.s32 $0x0;
	s22 =	simm.s32 $0x200;
	[sflag:s13] =	ssyncadd.s32 $0xFFFFC400  }
.LBB2_4:
0x39: {  	p1 =	sne.s32 s22, $0xFE00;
	[tilespmem:s21+$0x2870] =	vst v1  }
0x3a: {  	[tilespmem:s21+$0x2800] =	vst v1  }
0x3b: {  	[tilespmem:s21+$0x2810] =	vst v1  }
.Ltmp1:
0x3c: {  	[tilespmem:s21+$0x2820] =	vst v1;
	(pc) =	sbr.rel @p1 .LBB2_4-.Ltmp1, $4  }
0x3d: {  	[tilespmem:s21+$0x2830] =	vst v1  }
0x3e: {  	[tilespmem:s21+$0x2840] =	vst v1  }
0x3f: {  	[tilespmem:s21+$0x2850] =	vst v1  }
0x40: {  	[tilespmem:s21+$0x2860] =	vst v1;
	s21 =	sshra.s32 s22, $0x2;
	s22 =	sadd.s32 $0x200, s22  }
0x41: {  	[tilespmem:s21+$0x2870] =	vst v1  }
0x42: {  	[tilespmem:s21+$0x2800] =	vst v1  }
0x43: {  	[tilespmem:s21+$0x2810] =	vst v1  }
0x44: {  	[tilespmem:s21+$0x2820] =	vst v1  }
0x45: {  	[tilespmem:s21+$0x2830] =	vst v1  }
0x46: {  	[tilespmem:s21+$0x2840] =	vst v1  }
0x47: {  	[tilespmem:s21+$0x2850] =	vst v1  }
0x48: {  	[tilespmem:s21+$0x2860] =	vst v1  }
0x49: {  	s30 =	simm.s32 $0x0;
	[bflag:$0x0] =	sbarrier.arrive $0xFFFF  }
0x4a: {  	[spmem:s2] =	stream.indirect.scatter.add.f32 [tilespmem:s14], [sflag:$0x1], $0x80, s30, s15, $0xb8;
	[tilespmem:$0x1A400] =	vst v63  }
0x4b: {  	s31 =	simm.s32 $0x80  }
0x4c: {  	[spmem:s2] =	stream.indirect.scatter.add.f32 [tilespmem:s14], [sflag:$0x2], $0x80, s31, s15, $0xb8;
	[tilespmem:$0x1A400] =	vst v63  }
0x4d: {  	_ =	swait.ge [sflag:s16], $0x4000  }
0x4e: {  	[sflag:s16] =	ssyncset.done $0x0  }
0x4f: {  	[sflag:s16] =	ssyncadd.s32 $0xFFFFC000  }
0x50: {  	_ =	swait.ge [sflag:s17], $0x4000  }
0x51: {  	s21 =	simm.s32 $0x400;
	s22 =	simm.s32 $0x800;
	[sflag:s17] =	ssyncset.done $0x0  }
.LBB2_6:
0x52: {  	s23 =	sshra.s32 s21, $0x2  }
0x53: {  	[sflag:s17] =	ssyncadd.s32 $0xFFFFC000;
	s21 =	smov.u32 s22;
	s24 =	sadd.s32 $0x400, s22  }
0x54: {  	[spmem:s2] =	stream.indirect.scatter.add.f32 [tilespmem:s14], [sflag:$0x1], $0x80, s23, s15, $0xb8;
	[tilespmem:$0x1A400] =	vst v63  }
0x55: {  	p1 =	sne.s32 s22, $0x9C00;
	s22 =	sadd.s32 $0x80, s23  }
0x56: {  	[spmem:s2] =	stream.indirect.scatter.add.f32 [tilespmem:s14], [sflag:$0x2], $0x80, s22, s15, $0xb8;
	[tilespmem:$0x1A400] =	vst v63  }
.Ltmp2:
0x57: {  	_ =	swait.ge [sflag:s16], $0x4000;
	(pc) =	sbr.rel @p1 .LBB2_6-.Ltmp2, $4  }
0x58: {  	[sflag:s16] =	ssyncset.done $0x0  }
0x59: {  	[sflag:s16] =	ssyncadd.s32 $0xFFFFC000  }
0x5a: {  	_ =	swait.ge [sflag:s17], $0x4000  }
0x5b: {  	s22 =	smov.u32 s24;
	[sflag:s17] =	ssyncset.done $0x0  }
0x5c: {  	s21 =	sshra.s32 s21, $0x2;
	[sflag:s17] =	ssyncadd.s32 $0xFFFFC000  }
0x5d: {  	[spmem:s2] =	stream.indirect.scatter.add.f32 [tilespmem:s14], [sflag:$0x1], $0x80, s21, s15, $0xb8;
	[tilespmem:$0x1A400] =	vst v63  }
0x5e: {  	s21 =	sadd.s32 $0x80, s21  }
0x5f: {  	[spmem:s2] =	stream.indirect.scatter.add.f32 [tilespmem:s14], [sflag:$0x2], $0x80, s21, s15, $0xb8;
	[tilespmem:$0x1A400] =	vst v63  }
0x60: {  	_ =	swait.ge [sflag:s16], $0x4000  }
0x61: {  	[sflag:s16] =	ssyncset.done $0x0  }
0x62: {  	[sflag:s16] =	ssyncadd.s32 $0xFFFFC000  }
0x63: {  	_ =	swait.ge [sflag:s17], $0x4000  }
0x64: {  	[sflag:s17] =	ssyncset.done $0x0  }
0x65: {  	s31 =	sshll.u32 s1, $0x6;
	[sflag:s17] =	ssyncadd.s32 $0xFFFFC000  }
0x66: {  	s21 =	sor.u32 $0x1C03, s31;
	[bflag:$0x0] =	sbarrier.arrive $0xFFFF  }
0x67: {  	[hbm:s10], [sflag:s21] =	dma.local [spmem:s18], $0x2700  }
0x68: {  	_ =	swait.ge [sflag:s13], $0x2700  }
0x69: {  	s20 =	sadd.s32 $0x1, s20;
	[sflag:s13] =	ssyncset.done $0x0  }
0x6a: {  	p1 =	sne.s32 s20, s12;
	[sflag:s13] =	ssyncadd.s32 $0xFFFFD900  }
0x6b: {  	[hbm:s11], [sflag:s21] =	dma.local @!p0 [spmem:s19], $0x100  }
.Ltmp3:
0x6c: {  	_ = 	snop;
	(pc) =	sbr.rel @p1 .LBB2_1-.Ltmp3, $4  }
0x6d: {  	s21 =	simm.s32 @!p0 $0x3  }
0x6e: {  	_ =	swait.ge @!p0 [sflag:s21], $0x100  }
0x6f: {  	[sflag:s21] =	ssyncset.done @!p0 $0x0  }
0x70: {  	[sflag:s21] =	ssyncadd.s32 @!p0 $0xFFFFFF00  }
0x71: {  	_ =	sfence.sel $0x180000  }
0x72: {  	[bflag:$0x0] =	sbarrier.arrive $0xFFFF  }
0x73: {  	_ =	strace $0x90000047  }
0x74: {  	s0 =	sadd.s32 @!p0 $0x100000, s0;
	[bflag:$0x2] =	sbarrier.arrive $0xFFFF  }
0x75: {  	[sflag:s0] =	ssyncadd.tile.s32 @!p0 $0x1;
	_ =	shalt  }
.Lfunc_end2:
_tile_overlayer_lowered:
.L_overlay_start_2:
0x76: {  	(tag) =	ssettag $0x2  }
0x77: {  	s0 =	rddreg [dreg:$0x0];
	s2 =	stileid.u32  }
0x78: {  	s1 =	rddreg [dreg:$0x1];
	p0 =	sne.s32 s2, $0x0  }
0x79: {  	s3 =	rddreg [dreg:$0x2];
	[bflag:$0x3] =	sbarrier.arrive $0xFFFF;
	s2 =	simm.s32 @!p0 $0x1C03  }
0x7a: {  	[timem:s3], [sflag:s2] =	dma.local @!p0 [hbm:s0], s1  }
0x7b: {  	s0 =	simm.s32 @!p0 $0x3  }
0x7c: {  	_ =	swait.ge @!p0 [sflag:s0], s1  }
0x7d: {  	s1 =	ssub.s32 @!p0 $0x0, s1;
	[sflag:s0] =	ssyncset.done @!p0 $0x0  }
0x7e: {  	[sflag:s0] =	ssyncadd.s32 @!p0 s1  }
0x7f: {  	[bflag:$0x3] =	sbarrier.arrive $0xFFFF  }
0x80: {  	_ =	shalt  }

// kernel: kernel.13.cloned.1.call-start
scs
__scs_entry_jumppad:
0x0: {  	(pc) =	sbr.rel $0x88, $3  }
0x1: {  	(tag) =	ssettag $0x0;
	lr =	simm.s32 $0x1  }
0x2: {  	[smem:$0x3F99] =	sst lr;
	_ =	strace $0xD0000000  }
0x3: {  	_ = 	snop  }
0x4: {  	_ = 	snop  }
0x5: {  	_ = 	snop  }
0x6: {  	_ = 	snop  }
0x7: {  	_ = 	snop  }
__scs_overlays_trampoline_lowered:
0x8: {  	[smem:$0x3FA8] =	sst s0  }
0x9: {  	[smem:$0x3FA9] =	sst s1  }
0xa: {  	[smem:$0x3FAA] =	sst s2  }
0xb: {  	[smem:$0x3FAB] =	sst s3  }
0xc: {  	[smem:$0x3FAC] =	sst s4  }
0xd: {  	[smem:$0x3FAD] =	sst s5  }
0xe: {  	[smem:$0x3FAE] =	sst s6  }
0xf: {  	[smem:$0x3FAF] =	sst s7  }
0x10: {  	[smem:$0x3FB0] =	sst s8  }
0x11: {  	[smem:$0x3FB1] =	sst s9;
	s0 =	simm.s32 @!p0 $0x0  }
0x12: {  	s1 =	sld [smem:$0x3F97];
	s0 =	simm.s32 @p0 $0x1  }
0x13: {  	[smem:$0x3FB2] =	sst s0;
	s0 =	simm.s32 @!p1 $0x0  }
0x14: {  	s2 =	sld [smem:$0x3F96];
	s0 =	simm.s32 @p1 $0x1  }
0x15: {  	[smem:$0x3FB3] =	sst s0;
	s0 =	simm.s32 @!p2 $0x0  }
0x16: {  	s3 =	sld [smem:$0x3FDB];
	s0 =	simm.s32 @p2 $0x1  }
0x17: {  	s4 =	simm.s32 $0x1BF5;
	[smem:$0x3FB5] =	sst s0  }
0x18: {  	s0 =	sld [smem:$0x3F98];
	_ =	swait.ge [sflag:s4], $0x0  }
0x19: {  	s7 =	sld [smem:$0x3F99]  }
0x1a: {  	s8 =	sadd.s32 $0xFFFFE003, lr  }
0x1b: {  	s9 =	sadd.s32 $0xFFFFFEF7, lr;
	s5 =	simm.s32 $0xFFFFFFFF;
	p2 =	slt.u32 s8, $0xFFFFF086  }
0x1c: {  	p1 =	slt.u32 s9, $0xF7A;
	s5 =	simm.s32 @!p2 $0x0  }
0x1d: {  	s5 =	simm.s32 @p1 $0x1;
	p0 =	seq.s32 s7, s2  }
0x1e: {  	s7 =	smul.u32 @!p0 $0xF7A, s2;
	p2 =	seq.s32 @!p0 s5, $0x0  }
0x1f: {  	s9 =	smul.u32 $0xF7A, s1;
	s8 =	simm.s32 @!p0 $0x1BF5;
	p2 =	por !p2, p0  }
0x20: {  	[sflag:s8] =	ssyncset.s32 @!p0 $0xFFFFF086;
	s6 =	sadd.s32 @!p0 s3, s7;
	s7 =	simm.s32 @!p0 $0x108  }
0x21: {  	s3 =	sadd.s32 s3, s9;
	s6 =	sadd.s32 @!p0 $0x88, s6;
	s7 =	simm.s32 @p2 $0x1082  }
0x22: {  	[simem:s7], [sflag:s8] =	dma.local @!p0 [hbm:s6], $0xF7A  }
0x23: {  	s9 =	sor.u32 $0xD0000000, s2;
	s6 =	simm.s32 $0x108;
	_ =	swait.ge @!p0 [sflag:s8], $0x0  }
0x24: {  	s3 =	sadd.s32 $0x88, s3;
	s6 =	simm.s32 @!p1 $0x1082;
	[sflag:s4] =	ssyncset.s32 $0xFFFFF086  }
0x25: {  	[simem:s6], [sflag:s4] =	dma.local [hbm:s3], $0xF7A  }
0x26: {  	[smem:$0x3F99] =	sst s1;
	(tag) =	ssettag s2;
	_ =	strace s9  }
0x27: {  	s1 =	sld [smem:$0x3FA9]  }
0x28: {  	s2 =	sld [smem:$0x3FAA]  }
0x29: {  	s4 =	sld [smem:$0x3FAC]  }
0x2a: {  	p0 =	seq.s32 s5, $0x0;
	s5 =	sld [smem:$0x3FAD]  }
0x2b: {  	s6 =	sld [smem:$0x3FAE]  }
0x2c: {  	s7 =	sld [smem:$0x3FAF]  }
0x2d: {  	s3 =	simm.s32 $0x108;
	s8 =	sld [smem:$0x3FB0]  }
0x2e: {  	s3 =	simm.s32 @!p0 $0x1082;
	s9 =	sld [smem:$0x3FB1]  }
0x2f: {  	lr =	sadd.s32 s0, s3;
	s0 =	sld [smem:$0x3FA8]  }
0x30: {  	s3 =	sld [smem:$0x3FAB]  }
0x31: {  	[smem:$0x3FB4] =	sst s10  }
0x32: {  	s10 =	sld [smem:$0x3FB2];
	_ =	sdelay $0x3  }
0x33: {  	p0 =	seq.s32 s10, $0x1;
	s10 =	sld [smem:$0x3FB4];
	_ =	sdelay $0x3  }
0x34: {  	[smem:$0x3FB4] =	sst s10  }
0x35: {  	s10 =	sld [smem:$0x3FB3];
	_ =	sdelay $0x3  }
0x36: {  	p1 =	seq.s32 s10, $0x1;
	s10 =	sld [smem:$0x3FB4];
	_ =	sdelay $0x3  }
0x37: {  	[smem:$0x3FB4] =	sst s10  }
0x38: {  	s10 =	sld [smem:$0x3FB5]  }
0x39: {  	_ = 	snop;
	(pc) =	sbr.ind lr, $3  }
0x3a: {  	_ = 	snop  }
0x3b: {  	_ = 	snop  }
0x3c: {  	p2 =	seq.s32 s10, $0x1;
	s10 =	sld [smem:$0x3FB4]  }
0x3d: {  	_ =	shalt  }
0x3e: {  	_ =	shalt  }
0x3f: {  	_ =	shalt  }
0x40: {  	_ =	shalt  }
0x41: {  	_ =	shalt  }
0x42: {  	_ =	shalt  }
0x43: {  	_ =	shalt  }
0x44: {  	_ =	shalt  }
0x45: {  	_ =	shalt  }
0x46: {  	_ =	shalt  }
0x47: {  	_ =	shalt  }
0x48: {  	_ =	shalt  }
0x49: {  	_ =	shalt  }
0x4a: {  	_ =	shalt  }
0x4b: {  	_ =	shalt  }
0x4c: {  	_ =	shalt  }
0x4d: {  	_ =	shalt  }
0x4e: {  	_ =	shalt  }
0x4f: {  	_ =	shalt  }
0x50: {  	_ =	shalt  }
0x51: {  	_ =	shalt  }
0x52: {  	_ =	shalt  }
0x53: {  	_ =	shalt  }
0x54: {  	_ =	shalt  }
0x55: {  	_ =	shalt  }
0x56: {  	_ =	shalt  }
0x57: {  	_ =	shalt  }
0x58: {  	_ =	shalt  }
0x59: {  	_ =	shalt  }
0x5a: {  	_ =	shalt  }
0x5b: {  	_ =	shalt  }
0x5c: {  	_ =	shalt  }
0x5d: {  	_ =	shalt  }
0x5e: {  	_ =	shalt  }
0x5f: {  	_ =	shalt  }
0x60: {  	_ =	shalt  }
0x61: {  	_ =	shalt  }
0x62: {  	_ =	shalt  }
0x63: {  	_ =	shalt  }
0x64: {  	_ =	shalt  }
0x65: {  	_ =	shalt  }
0x66: {  	_ =	shalt  }
0x67: {  	_ =	shalt  }
0x68: {  	_ =	shalt  }
0x69: {  	_ =	shalt  }
0x6a: {  	_ =	shalt  }
0x6b: {  	_ =	shalt  }
0x6c: {  	_ =	shalt  }
0x6d: {  	_ =	shalt  }
0x6e: {  	_ =	shalt  }
0x6f: {  	_ =	shalt  }
0x70: {  	_ =	shalt  }
0x71: {  	_ =	shalt  }
0x72: {  	_ =	shalt  }
0x73: {  	_ =	shalt  }
0x74: {  	_ =	shalt  }
0x75: {  	_ =	shalt  }
0x76: {  	_ =	shalt  }
0x77: {  	_ =	shalt  }
0x78: {  	_ =	shalt  }
0x79: {  	_ =	shalt  }
0x7a: {  	_ =	shalt  }
0x7b: {  	_ =	shalt  }
0x7c: {  	_ =	shalt  }
0x7d: {  	_ =	shalt  }
0x7e: {  	_ =	shalt  }
0x7f: {  	_ =	shalt  }
0x80: {  	_ =	shalt  }
0x81: {  	_ =	shalt  }
0x82: {  	_ =	shalt  }
0x83: {  	_ =	shalt  }
0x84: {  	_ =	shalt  }
0x85: {  	_ =	shalt  }
0x86: {  	_ =	shalt  }
0x87: {  	_ =	shalt  }
.Lfunc_end0:
.L_simem_size_0:
called_computation.1_lowered:
.L_overlay_start_0:
0x88: {  	s2 =	sld [smem:$0x3FD9]  }
0x89: {  	s3 =	sld [smem:$0x3FFE];
	_ =	sdelay $0x1  }
0x8a: {  	s1 =	srdreg.scid  }
0x8b: {  	s0 =	sand.u32 $0x1, s1  }
0x8c: {  	s16 =	sshll.u32 s0, $0xA;
	s2 =	sadd.s32 s3, s2  }
0x8d: {  	s2 =	sadd.s32 s2, s16  }
0x8e: {  	[smem:$0x3FC0] =	sst s2  }
0x8f: {  	_ = 	snop  }
0x90: {  	(tm) =	ssettm $0x1  }
0x91: {  	s17 =	sld [smem:$0x3FFB];
	_ =	sdelay $0x3  }
0x92: {  	_ =	strace s17  }
0x93: {  	s2 =	sld [smem:$0x3FFC];
	_ =	sdelay $0x3  }
0x94: {  	_ =	strace s2  }
0x95: {  	s2 =	sld [smem:$0x3FFD];
	_ =	sdelay $0x3  }
0x96: {  	_ =	strace s2  }
0x97: {  	_ =	strace $0x8FFFFFFF  }
0x98: {  	s18 =	sld [smem:$0x3FDB];
	_ =	sdelay $0x1  }
0x99: {  	s19 =	simm.s32 $_scs_section_size  }
0x9a: {  	s4 =	simm.s32 $_size__tile_overlayer_lowered;
	s5 =	simm.s32 $_tile_overlayer_lowered  }
0x9b: {  	s22 =	simm.s32 $0x1BFF;
	s21 =	sshll.u32 s5, $0x1;
	s2 =	sadd.s32 s19, s18  }
0x9c: {  	s6 =	simm.s32 $0x0;
	s20 =	sshll.u32 s4, $0x1;
	s4 =	sadd.s32 s21, s2  }
0x9d: {  	[timem:s6], [sflag:s22] =	dma.local [hbm:s4], s20  }
0x9e: {  	_ =	swait.ge [sflag:s22], s20  }
0x9f: {  	s3 =	ssub.s32 $0x0, s20;
	[sflag:s22] =	ssyncset.done $0x0  }
0xa0: {  	[sflag:s22] =	ssyncadd.s32 s3;
	_ =	sdelay $0x1  }
0xa1: {  	s23 =	simm.s32 $0x1B8B  }
0xa2: {  	_ =	swait.ge [sflag:s23], $0x1  }
0xa3: {  	[sflag:s23] =	ssyncset.done $0x0  }
0xa4: {  	s25 =	simm.s32 $0x1B8E;
	s24 =	sld [smem:$0x3FFE];
	[sflag:s23] =	ssyncadd.s32 $0xFFFFFFFF  }
0xa5: {  	s26 =	simm.s32 $execute0_lowered;
	[smem:$0x3FD2] =	sst s25  }
0xa6: {  	s4 =	sshll.u32 s26, $0x1;
	_ =	strace $0x80000049;
	[dreg:$0x1] =	wrdreg $0xFFFFFFFF  }
0xa7: {  	s28 =	simm.s32 $_size_execute0_lowered;
	s2 =	sadd.s32 s2, s4;
	[dreg:$0x0] =	wrdreg $0x0  }
0xa8: {  	s4 =	sshll.u32 s28, $0x1;
	[dreg:$0x2] =	wrdreg s2  }
0xa9: {  	[dreg:$0x3] =	wrdreg s4  }
0xaa: {  	[dreg:$0x4] =	wrdreg $0xC0  }
0xab: {  	_ =	task [dreg:s6], $0x5FFFF  }
0xac: {  	[dreg:$0x1] =	wrdreg $0xFFFFFFFF  }
0xad: {  	[dreg:$0x0] =	wrdreg $0x60  }
0xae: {  	[dreg:$0x2] =	wrdreg s24  }
0xaf: {  	[dreg:$0x3] =	wrdreg $0x48000  }
0xb0: {  	[dreg:$0x4] =	wrdreg $0x9  }
0xb1: {  	_ =	task.clear_ibuf [dreg:s6], $0x5FFFF;
	_ =	strace $0x90000049  }
0xb2: {  	s29 =	simm.s32 $0x9;
	_ =	strace $0x8000004B  }
0xb3: {  	_ =	swait.ge [sflag:s29], $0x1  }
0xb4: {  	[sflag:s29] =	ssyncadd.s32 $0xFFFFFFFF  }
0xb5: {  	_ =	strace $0x9000004B  }
0xb6: {  	_ =	sfence  }
0xb7: {  	s30 =	sld [smem:$0x0];
	_ =	sdelay $0x2  }
0xb8: {  	s31 =	sshll.u32 s1, $0xD;
	s1 =	sshrl.u32 s1, $0x2  }
0xb9: {  	s3 =	sand.u32 $0x4000, s31;
	s1 =	sadd.s32 s1, s30  }
0xba: {  	s0 =	sor.u32 s3, s0;
	s1 =	sshll.u32 s1, $0x11  }
0xbb: {  	s0 =	sor.u32 s1, s0  }
0xbc: {  	s0 =	sadd.s32 $0x8F2B, s0  }
0xbd: {  	[sflag:s0] =	ssyncadd.remote.s32 $0x1  }
0xbe: {  	_ =	sfence.sel $0xFFFF  }
0xbf: {  	[dreg:$0x0] =	wrdreg $0xFFFFFFFF;
	(pc) =	sbr.abs _section_cstart, $3  }
0xc0: {  	[dreg:$0x1] =	wrdreg $0xFFFFFFFF  }
0xc1: {  	_ =	task.clear_ibuf [dreg:s6], $0x2FFFF;
	_ =	strace $0x9FFFFFFF  }
0xc2: {  	(tm) =	ssettm $0x7FFFFFFF  }
0xc3: {  	_ =	shalt  }
tec
execute0_lowered:
.L_overlay_start_1:
0x0: {  	(tag) =	ssettag $0x1  }
0x1: {  	s0 =	rddreg [dreg:$0x0];
	s1 =	srdreg.scid  }
0x2: {  	s10 =	stileid.u32;
	s2 =	rddreg [dreg:$0x1]  }
0x3: {  	s3 =	simm.s32 $0x0;
	s15 =	simm.s32 $0x800;
	s16 =	simm.s32 $0x2  }
0x4: {  	s17 =	simm.s32 $0x400;
	s18 =	simm.s32 $0x80;
	s4 =	smul.u32 $0x5000, s10  }
0x5: {  	s28 =	simm.s32 $0x200;
	s29 =	simm.s32 $0x600;
	s6 =	smul.u32 $0x4F000, s10  }
0x6: {  	s30 =	simm.s32 $0x280;
	s31 =	simm.s32 $0x680;
	s20 =	smul.u32 $0x13800, s10  }
0x7: {  	s1 =	sand.u32 $0x1, s1;
	[smem:$0x7FF] =	sst s3;
	s22 =	smul.u32 $0x4E000, s10  }
0x8: {  	p0 =	sne.s32 s10, $0x0;
	s5 =	smul.u32 $0x2800, s1;
	s19 =	ssub.s32 $0x2, s1  }
0x9: {  	_ =	strace $0x8000004A;
	s1 =	smul.u32 $0x138800, s1;
	s8 =	sshrl.u32 s19, $0x1  }
0xa: {  	s6 =	sshrl.u32 s6, $0x2;
	s5 =	sadd.s32 s5, s4;
	s4 =	sadd.s32 $0x17200, s0  }
0xb: {  	s8 =	ssub.s32 s19, s8;
	s19 =	simm.s32 $0x1;
	s5 =	sshrl.u32 s5, $0x3  }
0xc: {  	s25 =	smax.u32 s8, $0x1;
	s8 =	simm.s32 $0x0;
	s7 =	sadd.s32 s5, s0  }
0xd: {  	s0 =	sadd.s32 $0x3E400, s0;
	s5 =	sadd.s32 s6, s2;
	s6 =	sadd.s32 s20, s1  }
0xe: {  	s1 =	sshrl.u32 s1, $0x3;
	[dreg:$0x9] =	wrdreg s25;
	s9 =	sadd.s32 $0x4000, s5  }
0xf: {  	s20 =	simm.s32 $0x480;
	s21 =	sadd.s32 $0x8000, s5;
	[dreg:$0x3] =	wrdreg s9  }
0x10: {  	s11 =	sadd.s32 $0xC000, s5;
	s23 =	sadd.s32 $0x10000, s5;
	[dreg:$0x4] =	wrdreg s21  }
0x11: {  	s6 =	sshrl.u32 s6, $0x3;
	s13 =	sadd.s32 $0x3200, s7;
	[dreg:$0x5] =	wrdreg s11  }
0x12: {  	s14 =	sadd.s32 $0xD200, s7;
	s7 =	simm.s32 $0x780;
	[dreg:$0x6] =	wrdreg s23  }
0x13: {  	s9 =	sshrl.u32 s22, $0x2;
	s6 =	sadd.s32 s0, s6;
	s0 =	sadd.s32 s0, s1  }
0x14: {  	s21 =	simm.s32 $0x100;
	s22 =	simm.s32 $0x500;
	s23 =	simm.s32 $0x180  }
0x15: {  	[dreg:$0x7] =	wrdreg s6;
	s24 =	sadd.s32 s9, s2;
	s0 =	sadd.s32 $0x27000, s0  }
0x16: {  	s1 =	simm.s32 $0x700;
	[dreg:$0x8] =	wrdreg s0;
	s26 =	sshrl.u32 s24, $0x3  }
0x17: {  	s6 =	simm.s32 $0x380;
	s0 =	sadd.s32 $0x138000, s2;
	[dreg:$0xa] =	wrdreg s26  }
0x18: {  	v0 =	vimm.f32 $0.0e+00;
	s25 =	sshrl.u32 @!p0 s0, $0x3;
	s26 =	simm.s32 $0x580;
	s0 =	simm.s32 $0x300  }
.LBB2_1:
0x19: {  	s9 =	simm.s32 $0x0;
	s10 =	simm.s32 $0x200  }
.LBB2_2:
0x1a: {  	p1 =	sne.s32 s10, $0xFE00;
	[tilespmem:s9+$0x870] =	vst v0  }
0x1b: {  	[tilespmem:s9+$0x800] =	vst v0  }
0x1c: {  	[tilespmem:s9+$0x810] =	vst v0  }
.Ltmp0:
0x1d: {  	[tilespmem:s9+$0x820] =	vst v0;
	(pc) =	sbr.rel @p1 .LBB2_2-.Ltmp0, $4  }
0x1e: {  	[tilespmem:s9+$0x830] =	vst v0  }
0x1f: {  	[tilespmem:s9+$0x840] =	vst v0  }
0x20: {  	[tilespmem:s9+$0x850] =	vst v0  }
0x21: {  	[tilespmem:s9+$0x860] =	vst v0;
	s9 =	sshra.s32 s10, $0x2;
	s10 =	sadd.s32 $0x200, s10  }
0x22: {  	[tilespmem:s9+$0x870] =	vst v0  }
0x23: {  	[tilespmem:s9+$0x800] =	vst v0  }
0x24: {  	[tilespmem:s9+$0x810] =	vst v0  }
0x25: {  	[tilespmem:s9+$0x820] =	vst v0  }
0x26: {  	[tilespmem:s9+$0x830] =	vst v0  }
0x27: {  	[tilespmem:s9+$0x840] =	vst v0  }
0x28: {  	[tilespmem:s9+$0x850] =	vst v0  }
0x29: {  	[tilespmem:s9+$0x860] =	vst v0  }
0x2a: {  	[spmem:s5] =	stream.linear.scatter [tilespmem:s15], [sflag:$0x2], $0x4000, $0x38;
	[tilespmem:$0x18400] =	vst v63  }
0x2b: {  	_ =	swait.ge [sflag:s16], $0x4000  }
0x2c: {  	[sflag:s16] =	ssyncset.done $0x0  }
0x2d: {  	s12 =	rddreg [dreg:$0x3];
	[sflag:s16] =	ssyncadd.s32 $0xFFFFC000  }
0x2e: {  	[spmem:s12] =	stream.linear.scatter [tilespmem:s15], [sflag:$0x2], $0x4000, $0x38;
	[tilespmem:$0x18400] =	vst v63  }
0x2f: {  	_ =	swait.ge [sflag:s16], $0x4000  }
0x30: {  	[sflag:s16] =	ssyncset.done $0x0  }
0x31: {  	s24 =	rddreg [dreg:$0x4];
	[sflag:s16] =	ssyncadd.s32 $0xFFFFC000  }
0x32: {  	[spmem:s24] =	stream.linear.scatter [tilespmem:s15], [sflag:$0x2], $0x4000, $0x38;
	[tilespmem:$0x18400] =	vst v63  }
0x33: {  	_ =	swait.ge [sflag:s16], $0x4000  }
0x34: {  	[sflag:s16] =	ssyncset.done $0x0  }
0x35: {  	s10 =	rddreg [dreg:$0x5];
	[sflag:s16] =	ssyncadd.s32 $0xFFFFC000  }
0x36: {  	[spmem:s10] =	stream.linear.scatter [tilespmem:s15], [sflag:$0x2], $0x4000, $0x38;
	[tilespmem:$0x18400] =	vst v63  }
0x37: {  	_ =	swait.ge [sflag:s16], $0x4000  }
0x38: {  	[sflag:s16] =	ssyncset.done $0x0  }
0x39: {  	s11 =	rddreg [dreg:$0x6];
	[sflag:s16] =	ssyncadd.s32 $0xFFFFC000  }
0x3a: {  	[spmem:s11] =	stream.linear.scatter [tilespmem:s15], [sflag:$0x2], $0x3C00, $0x38;
	[tilespmem:$0x18400] =	vst v63  }
0x3b: {  	_ =	swait.ge [sflag:s16], $0x3C00  }
0x3c: {  	[sflag:s16] =	ssyncset.done $0x0  }
0x3d: {  	[sflag:s16] =	ssyncadd.s32 $0xFFFFC400  }
0x3e: {  	s12 =	sadd.s32 $0x0, s14;
	[bflag:$0x0] =	sbarrier.arrive $0xFFFF  }
0x3f: {  	[tilespmem:s3], [sflag:$0x2] =	stream.linear.gather [hbm4b:s12+s3], $0x400, $0x38;
	[tilespmem:$0x18400] =	vst v63  }
0x40: {  	_ =	swait.ge [sflag:s16], $0x400  }
0x41: {  	[sflag:s16] =	ssyncset.done $0x0  }
0x42: {  	s24 =	sadd.s32 $0x0, s13;
	[sflag:s16] =	ssyncadd.s32 $0xFFFFFC00  }
0x43: {  	[tilespmem:s17], [sflag:$0x2] =	stream.linear.gather [hbm4b:s24+s3], $0x400, $0x38;
	[tilespmem:$0x18400] =	vst v63  }
0x44: {  	_ =	swait.ge [sflag:s16], $0x400  }
0x45: {  	[sflag:s16] =	ssyncset.done $0x0  }
0x46: {  	[sflag:s16] =	ssyncadd.s32 $0xFFFFFC00  }
0x47: {  	[tilespmem:s15], [sflag:$0x1] =	stream.indirect.gather [hbm4b:s4+s18], $0x80, s3, s18, $0xb8;
	[tilespmem:$0x18400] =	vst v63  }
0x48: {  	_ =	swait.ge [sflag:s19], $0x4000  }
0x49: {  	[sflag:s19] =	ssyncset.done $0x0  }
0x4a: {  	[sflag:s19] =	ssyncadd.s32 $0xFFFFC000  }
0x4b: {  	[spmem:s2] =	stream.indirect.scatter.add.f32 [tilespmem:s15], [sflag:$0x2], $0x80, s17, s18, $0xb8;
	[tilespmem:$0x18400] =	vst v63  }
0x4c: {  	_ =	swait.ge [sflag:s16], $0x4000  }
0x4d: {  	[sflag:s16] =	ssyncset.done $0x0  }
0x4e: {  	[sflag:s16] =	ssyncadd.s32 $0xFFFFC000  }
0x4f: {  	[tilespmem:s15], [sflag:$0x1] =	stream.indirect.gather [hbm4b:s4+s18], $0x80, s18, s18, $0xb8;
	[tilespmem:$0x18400] =	vst v63  }
0x50: {  	_ =	swait.ge [sflag:s19], $0x4000  }
0x51: {  	[sflag:s19] =	ssyncset.done $0x0  }
0x52: {  	[sflag:s19] =	ssyncadd.s32 $0xFFFFC000  }
0x53: {  	[spmem:s2] =	stream.indirect.scatter.add.f32 [tilespmem:s15], [sflag:$0x2], $0x80, s20, s18, $0xb8;
	[tilespmem:$0x18400] =	vst v63  }
0x54: {  	_ =	swait.ge [sflag:s16], $0x4000  }
0x55: {  	[sflag:s16] =	ssyncset.done $0x0  }
0x56: {  	[sflag:s16] =	ssyncadd.s32 $0xFFFFC000  }
0x57: {  	[tilespmem:s15], [sflag:$0x1] =	stream.indirect.gather [hbm4b:s4+s18], $0x80, s21, s18, $0xb8;
	[tilespmem:$0x18400] =	vst v63  }
0x58: {  	_ =	swait.ge [sflag:s19], $0x4000  }
0x59: {  	[sflag:s19] =	ssyncset.done $0x0  }
0x5a: {  	[sflag:s19] =	ssyncadd.s32 $0xFFFFC000  }
0x5b: {  	[spmem:s2] =	stream.indirect.scatter.add.f32 [tilespmem:s15], [sflag:$0x2], $0x80, s22, s18, $0xb8;
	[tilespmem:$0x18400] =	vst v63  }
0x5c: {  	_ =	swait.ge [sflag:s16], $0x4000  }
0x5d: {  	[sflag:s16] =	ssyncset.done $0x0  }
0x5e: {  	[sflag:s16] =	ssyncadd.s32 $0xFFFFC000  }
0x5f: {  	[tilespmem:s15], [sflag:$0x1] =	stream.indirect.gather [hbm4b:s4+s18], $0x80, s23, s18, $0xb8;
	[tilespmem:$0x18400] =	vst v63  }
0x60: {  	_ =	swait.ge [sflag:s19], $0x4000  }
0x61: {  	[sflag:s19] =	ssyncset.done $0x0  }
0x62: {  	[sflag:s19] =	ssyncadd.s32 $0xFFFFC000  }
0x63: {  	[spmem:s2] =	stream.indirect.scatter.add.f32 [tilespmem:s15], [sflag:$0x2], $0x80, s26, s18, $0xb8;
	[tilespmem:$0x18400] =	vst v63  }
0x64: {  	_ =	swait.ge [sflag:s16], $0x4000  }
0x65: {  	[sflag:s16] =	ssyncset.done $0x0  }
0x66: {  	[sflag:s16] =	ssyncadd.s32 $0xFFFFC000  }
0x67: {  	[tilespmem:s15], [sflag:$0x1] =	stream.indirect.gather [hbm4b:s4+s18], $0x80, s28, s18, $0xb8;
	[tilespmem:$0x18400] =	vst v63  }
0x68: {  	_ =	swait.ge [sflag:s19], $0x4000  }
0x69: {  	[sflag:s19] =	ssyncset.done $0x0  }
0x6a: {  	[sflag:s19] =	ssyncadd.s32 $0xFFFFC000  }
0x6b: {  	[spmem:s2] =	stream.indirect.scatter.add.f32 [tilespmem:s15], [sflag:$0x2], $0x80, s29, s18, $0xb8;
	[tilespmem:$0x18400] =	vst v63  }
0x6c: {  	_ =	swait.ge [sflag:s16], $0x4000  }
0x6d: {  	[sflag:s16] =	ssyncset.done $0x0  }
0x6e: {  	[sflag:s16] =	ssyncadd.s32 $0xFFFFC000  }
0x6f: {  	[tilespmem:s15], [sflag:$0x1] =	stream.indirect.gather [hbm4b:s4+s18], $0x80, s30, s18, $0xb8;
	[tilespmem:$0x18400] =	vst v63  }
0x70: {  	_ =	swait.ge [sflag:s19], $0x4000  }
0x71: {  	[sflag:s19] =	ssyncset.done $0x0  }
0x72: {  	[sflag:s19] =	ssyncadd.s32 $0xFFFFC000  }
0x73: {  	[spmem:s2] =	stream.indirect.scatter.add.f32 [tilespmem:s15], [sflag:$0x2], $0x80, s31, s18, $0xb8;
	[tilespmem:$0x18400] =	vst v63  }
0x74: {  	_ =	swait.ge [sflag:s16], $0x4000  }
0x75: {  	[sflag:s16] =	ssyncset.done $0x0  }
0x76: {  	[sflag:s16] =	ssyncadd.s32 $0xFFFFC000  }
0x77: {  	[tilespmem:s15], [sflag:$0x1] =	stream.indirect.gather [hbm4b:s4+s18], $0x80, s0, s18, $0xb8;
	[tilespmem:$0x18400] =	vst v63  }
0x78: {  	_ =	swait.ge [sflag:s19], $0x4000  }
0x79: {  	[sflag:s19] =	ssyncset.done $0x0  }
0x7a: {  	[sflag:s19] =	ssyncadd.s32 $0xFFFFC000  }
0x7b: {  	[spmem:s2] =	stream.indirect.scatter.add.f32 [tilespmem:s15], [sflag:$0x2], $0x80, s1, s18, $0xb8;
	[tilespmem:$0x18400] =	vst v63  }
0x7c: {  	_ =	swait.ge [sflag:s16], $0x4000  }
0x7d: {  	[sflag:s16] =	ssyncset.done $0x0  }
0x7e: {  	[sflag:s16] =	ssyncadd.s32 $0xFFFFC000  }
0x7f: {  	[tilespmem:s15], [sflag:$0x1] =	stream.indirect.gather [hbm4b:s4+s18], $0x80, s6, s18, $0xb8;
	[tilespmem:$0x18400] =	vst v63  }
0x80: {  	_ =	swait.ge [sflag:s19], $0x4000  }
0x81: {  	[sflag:s19] =	ssyncset.done $0x0  }
0x82: {  	[sflag:s19] =	ssyncadd.s32 $0xFFFFC000  }
0x83: {  	[spmem:s2] =	stream.indirect.scatter.add.f32 [tilespmem:s15], [sflag:$0x2], $0x80, s7, s18, $0xb8;
	[tilespmem:$0x18400] =	vst v63  }
0x84: {  	_ =	swait.ge [sflag:s16], $0x4000  }
0x85: {  	s9 =	simm.s32 $0x80;
	s10 =	simm.s32 $0x100;
	[sflag:s16] =	ssyncset.done $0x0  }
.LBB2_4:
0x86: {  	s12 =	sadd.s32 s9, s14  }
0x87: {  	[sflag:s16] =	ssyncadd.s32 $0xFFFFC000;
	s24 =	smov.u32 s10;
	s11 =	sadd.s32 $0x80, s10  }
0x88: {  	[tilespmem:s3], [sflag:$0x2] =	stream.linear.gather [hbm4b:s12+s3], $0x400, $0x38;
	[tilespmem:$0x18400] =	vst v63  }
0x89: {  	p1 =	sne.s32 s10, $0x480;
	_ =	swait.ge [sflag:s16], $0x400  }
0x8a: {  	[sflag:s16] =	ssyncset.done $0x0  }
0x8b: {  	s10 =	sadd.s32 s9, s13;
	s9 =	smov.u32 s24;
	[sflag:s16] =	ssyncadd.s32 $0xFFFFFC00  }
0x8c: {  	[tilespmem:s17], [sflag:$0x2] =	stream.linear.gather [hbm4b:s10+s3], $0x400, $0x38;
	[tilespmem:$0x18400] =	vst v63  }
0x8d: {  	_ =	swait.ge [sflag:s16], $0x400  }
0x8e: {  	[sflag:s16] =	ssyncset.done $0x0  }
0x8f: {  	[sflag:s16] =	ssyncadd.s32 $0xFFFFFC00  }
0x90: {  	[tilespmem:s15], [sflag:$0x1] =	stream.indirect.gather [hbm4b:s4+s18], $0x80, s3, s18, $0xb8;
	[tilespmem:$0x18400] =	vst v63  }
0x91: {  	_ =	swait.ge [sflag:s19], $0x4000  }
0x92: {  	[sflag:s19] =	ssyncset.done $0x0  }
0x93: {  	[sflag:s19] =	ssyncadd.s32 $0xFFFFC000  }
0x94: {  	[spmem:s2] =	stream.indirect.scatter.add.f32 [tilespmem:s15], [sflag:$0x2], $0x80, s17, s18, $0xb8;
	[tilespmem:$0x18400] =	vst v63  }
0x95: {  	_ =	swait.ge [sflag:s16], $0x4000  }
0x96: {  	[sflag:s16] =	ssyncset.done $0x0  }
0x97: {  	[sflag:s16] =	ssyncadd.s32 $0xFFFFC000  }
0x98: {  	[tilespmem:s15], [sflag:$0x1] =	stream.indirect.gather [hbm4b:s4+s18], $0x80, s18, s18, $0xb8;
	[tilespmem:$0x18400] =	vst v63  }
0x99: {  	_ =	swait.ge [sflag:s19], $0x4000  }
0x9a: {  	[sflag:s19] =	ssyncset.done $0x0  }
0x9b: {  	[sflag:s19] =	ssyncadd.s32 $0xFFFFC000  }
0x9c: {  	[spmem:s2] =	stream.indirect.scatter.add.f32 [tilespmem:s15], [sflag:$0x2], $0x80, s20, s18, $0xb8;
	[tilespmem:$0x18400] =	vst v63  }
0x9d: {  	_ =	swait.ge [sflag:s16], $0x4000  }
0x9e: {  	[sflag:s16] =	ssyncset.done $0x0  }
0x9f: {  	[sflag:s16] =	ssyncadd.s32 $0xFFFFC000  }
0xa0: {  	[tilespmem:s15], [sflag:$0x1] =	stream.indirect.gather [hbm4b:s4+s18], $0x80, s21, s18, $0xb8;
	[tilespmem:$0x18400] =	vst v63  }
0xa1: {  	_ =	swait.ge [sflag:s19], $0x4000  }
0xa2: {  	[sflag:s19] =	ssyncset.done $0x0  }
0xa3: {  	[sflag:s19] =	ssyncadd.s32 $0xFFFFC000  }
0xa4: {  	[spmem:s2] =	stream.indirect.scatter.add.f32 [tilespmem:s15], [sflag:$0x2], $0x80, s22, s18, $0xb8;
	[tilespmem:$0x18400] =	vst v63  }
0xa5: {  	_ =	swait.ge [sflag:s16], $0x4000  }
0xa6: {  	[sflag:s16] =	ssyncset.done $0x0  }
0xa7: {  	[sflag:s16] =	ssyncadd.s32 $0xFFFFC000  }
0xa8: {  	[tilespmem:s15], [sflag:$0x1] =	stream.indirect.gather [hbm4b:s4+s18], $0x80, s23, s18, $0xb8;
	[tilespmem:$0x18400] =	vst v63  }
0xa9: {  	_ =	swait.ge [sflag:s19], $0x4000  }
0xaa: {  	[sflag:s19] =	ssyncset.done $0x0  }
0xab: {  	[sflag:s19] =	ssyncadd.s32 $0xFFFFC000  }
0xac: {  	[spmem:s2] =	stream.indirect.scatter.add.f32 [tilespmem:s15], [sflag:$0x2], $0x80, s26, s18, $0xb8;
	[tilespmem:$0x18400] =	vst v63  }
0xad: {  	_ =	swait.ge [sflag:s16], $0x4000  }
0xae: {  	[sflag:s16] =	ssyncset.done $0x0  }
0xaf: {  	[sflag:s16] =	ssyncadd.s32 $0xFFFFC000  }
0xb0: {  	[tilespmem:s15], [sflag:$0x1] =	stream.indirect.gather [hbm4b:s4+s18], $0x80, s28, s18, $0xb8;
	[tilespmem:$0x18400] =	vst v63  }
0xb1: {  	_ =	swait.ge [sflag:s19], $0x4000  }
0xb2: {  	[sflag:s19] =	ssyncset.done $0x0  }
0xb3: {  	[sflag:s19] =	ssyncadd.s32 $0xFFFFC000  }
0xb4: {  	[spmem:s2] =	stream.indirect.scatter.add.f32 [tilespmem:s15], [sflag:$0x2], $0x80, s29, s18, $0xb8;
	[tilespmem:$0x18400] =	vst v63  }
0xb5: {  	_ =	swait.ge [sflag:s16], $0x4000  }
0xb6: {  	[sflag:s16] =	ssyncset.done $0x0  }
0xb7: {  	[sflag:s16] =	ssyncadd.s32 $0xFFFFC000  }
0xb8: {  	[tilespmem:s15], [sflag:$0x1] =	stream.indirect.gather [hbm4b:s4+s18], $0x80, s30, s18, $0xb8;
	[tilespmem:$0x18400] =	vst v63  }
0xb9: {  	_ =	swait.ge [sflag:s19], $0x4000  }
0xba: {  	[sflag:s19] =	ssyncset.done $0x0  }
0xbb: {  	[sflag:s19] =	ssyncadd.s32 $0xFFFFC000  }
0xbc: {  	[spmem:s2] =	stream.indirect.scatter.add.f32 [tilespmem:s15], [sflag:$0x2], $0x80, s31, s18, $0xb8;
	[tilespmem:$0x18400] =	vst v63  }
0xbd: {  	_ =	swait.ge [sflag:s16], $0x4000  }
0xbe: {  	[sflag:s16] =	ssyncset.done $0x0  }
0xbf: {  	[sflag:s16] =	ssyncadd.s32 $0xFFFFC000  }
0xc0: {  	[tilespmem:s15], [sflag:$0x1] =	stream.indirect.gather [hbm4b:s4+s18], $0x80, s0, s18, $0xb8;
	[tilespmem:$0x18400] =	vst v63  }
0xc1: {  	_ =	swait.ge [sflag:s19], $0x4000  }
0xc2: {  	[sflag:s19] =	ssyncset.done $0x0  }
0xc3: {  	[sflag:s19] =	ssyncadd.s32 $0xFFFFC000  }
0xc4: {  	[spmem:s2] =	stream.indirect.scatter.add.f32 [tilespmem:s15], [sflag:$0x2], $0x80, s1, s18, $0xb8;
	[tilespmem:$0x18400] =	vst v63  }
0xc5: {  	_ =	swait.ge [sflag:s16], $0x4000  }
0xc6: {  	[sflag:s16] =	ssyncset.done $0x0  }
0xc7: {  	[sflag:s16] =	ssyncadd.s32 $0xFFFFC000  }
0xc8: {  	[tilespmem:s15], [sflag:$0x1] =	stream.indirect.gather [hbm4b:s4+s18], $0x80, s6, s18, $0xb8;
	[tilespmem:$0x18400] =	vst v63  }
0xc9: {  	_ =	swait.ge [sflag:s19], $0x4000  }
.Ltmp1:
0xca: {  	[sflag:s19] =	ssyncset.done $0x0;
	(pc) =	sbr.rel @p1 .LBB2_4-.Ltmp1, $4  }
0xcb: {  	[sflag:s19] =	ssyncadd.s32 $0xFFFFC000  }
0xcc: {  	[spmem:s2] =	stream.indirect.scatter.add.f32 [tilespmem:s15], [sflag:$0x2], $0x80, s7, s18, $0xb8;
	[tilespmem:$0x18400] =	vst v63  }
0xcd: {  	_ =	swait.ge [sflag:s16], $0x4000  }
0xce: {  	s10 =	smov.u32 s11;
	[sflag:s16] =	ssyncset.done $0x0  }
0xcf: {  	s10 =	sadd.s32 s9, s14;
	[sflag:s16] =	ssyncadd.s32 $0xFFFFC000  }
0xd0: {  	[tilespmem:s3], [sflag:$0x2] =	stream.linear.gather [hbm4b:s10+s3], $0x400, $0x38;
	[tilespmem:$0x18400] =	vst v63  }
0xd1: {  	_ =	swait.ge [sflag:s16], $0x400  }
0xd2: {  	[sflag:s16] =	ssyncset.done $0x0  }
0xd3: {  	s10 =	sadd.s32 s9, s13;
	[sflag:s16] =	ssyncadd.s32 $0xFFFFFC00  }
0xd4: {  	[tilespmem:s17], [sflag:$0x2] =	stream.linear.gather [hbm4b:s10+s3], $0x400, $0x38;
	[tilespmem:$0x18400] =	vst v63  }
0xd5: {  	_ =	swait.ge [sflag:s16], $0x400  }
0xd6: {  	[sflag:s16] =	ssyncset.done $0x0  }
0xd7: {  	[sflag:s16] =	ssyncadd.s32 $0xFFFFFC00  }
0xd8: {  	[tilespmem:s15], [sflag:$0x1] =	stream.indirect.gather [hbm4b:s4+s18], $0x80, s3, s18, $0xb8;
	[tilespmem:$0x18400] =	vst v63  }
0xd9: {  	_ =	swait.ge [sflag:s19], $0x4000  }
0xda: {  	[sflag:s19] =	ssyncset.done $0x0  }
0xdb: {  	[sflag:s19] =	ssyncadd.s32 $0xFFFFC000  }
0xdc: {  	[spmem:s2] =	stream.indirect.scatter.add.f32 [tilespmem:s15], [sflag:$0x2], $0x80, s17, s18, $0xb8;
	[tilespmem:$0x18400] =	vst v63  }
0xdd: {  	_ =	swait.ge [sflag:s16], $0x4000  }
0xde: {  	[sflag:s16] =	ssyncset.done $0x0  }
0xdf: {  	[sflag:s16] =	ssyncadd.s32 $0xFFFFC000  }
0xe0: {  	[tilespmem:s15], [sflag:$0x1] =	stream.indirect.gather [hbm4b:s4+s18], $0x80, s18, s18, $0xb8;
	[tilespmem:$0x18400] =	vst v63  }
0xe1: {  	_ =	swait.ge [sflag:s19], $0x4000  }
0xe2: {  	[sflag:s19] =	ssyncset.done $0x0  }
0xe3: {  	[sflag:s19] =	ssyncadd.s32 $0xFFFFC000  }
0xe4: {  	[spmem:s2] =	stream.indirect.scatter.add.f32 [tilespmem:s15], [sflag:$0x2], $0x80, s20, s18, $0xb8;
	[tilespmem:$0x18400] =	vst v63  }
0xe5: {  	_ =	swait.ge [sflag:s16], $0x4000  }
0xe6: {  	[sflag:s16] =	ssyncset.done $0x0  }
0xe7: {  	[sflag:s16] =	ssyncadd.s32 $0xFFFFC000  }
0xe8: {  	[tilespmem:s15], [sflag:$0x1] =	stream.indirect.gather [hbm4b:s4+s18], $0x80, s21, s18, $0xb8;
	[tilespmem:$0x18400] =	vst v63  }
0xe9: {  	_ =	swait.ge [sflag:s19], $0x4000  }
0xea: {  	[sflag:s19] =	ssyncset.done $0x0  }
0xeb: {  	[sflag:s19] =	ssyncadd.s32 $0xFFFFC000  }
0xec: {  	[spmem:s2] =	stream.indirect.scatter.add.f32 [tilespmem:s15], [sflag:$0x2], $0x80, s22, s18, $0xb8;
	[tilespmem:$0x18400] =	vst v63  }
0xed: {  	_ =	swait.ge [sflag:s16], $0x4000  }
0xee: {  	[sflag:s16] =	ssyncset.done $0x0  }
0xef: {  	[sflag:s16] =	ssyncadd.s32 $0xFFFFC000  }
0xf0: {  	[tilespmem:s15], [sflag:$0x1] =	stream.indirect.gather [hbm4b:s4+s18], $0x80, s23, s18, $0xb8;
	[tilespmem:$0x18400] =	vst v63  }
0xf1: {  	_ =	swait.ge [sflag:s19], $0x4000  }
0xf2: {  	[sflag:s19] =	ssyncset.done $0x0  }
0xf3: {  	[sflag:s19] =	ssyncadd.s32 $0xFFFFC000  }
0xf4: {  	[spmem:s2] =	stream.indirect.scatter.add.f32 [tilespmem:s15], [sflag:$0x2], $0x80, s26, s18, $0xb8;
	[tilespmem:$0x18400] =	vst v63  }
0xf5: {  	_ =	swait.ge [sflag:s16], $0x4000  }
0xf6: {  	[sflag:s16] =	ssyncset.done $0x0  }
0xf7: {  	[sflag:s16] =	ssyncadd.s32 $0xFFFFC000  }
0xf8: {  	[tilespmem:s15], [sflag:$0x1] =	stream.indirect.gather [hbm4b:s4+s18], $0x80, s28, s18, $0xb8;
	[tilespmem:$0x18400] =	vst v63  }
0xf9: {  	_ =	swait.ge [sflag:s19], $0x4000  }
0xfa: {  	[sflag:s19] =	ssyncset.done $0x0  }
0xfb: {  	[sflag:s19] =	ssyncadd.s32 $0xFFFFC000  }
0xfc: {  	[spmem:s2] =	stream.indirect.scatter.add.f32 [tilespmem:s15], [sflag:$0x2], $0x80, s29, s18, $0xb8;
	[tilespmem:$0x18400] =	vst v63  }
0xfd: {  	_ =	swait.ge [sflag:s16], $0x4000  }
0xfe: {  	[sflag:s16] =	ssyncset.done $0x0  }
0xff: {  	[sflag:s16] =	ssyncadd.s32 $0xFFFFC000  }
0x100: {  	[tilespmem:s15], [sflag:$0x1] =	stream.indirect.gather [hbm4b:s4+s18], $0x80, s30, s18, $0xb8;
	[tilespmem:$0x18400] =	vst v63  }
0x101: {  	_ =	swait.ge [sflag:s19], $0x4000  }
0x102: {  	[sflag:s19] =	ssyncset.done $0x0  }
0x103: {  	[sflag:s19] =	ssyncadd.s32 $0xFFFFC000  }
0x104: {  	[spmem:s2] =	stream.indirect.scatter.add.f32 [tilespmem:s15], [sflag:$0x2], $0x80, s31, s18, $0xb8;
	[tilespmem:$0x18400] =	vst v63  }
0x105: {  	_ =	swait.ge [sflag:s16], $0x4000  }
0x106: {  	[sflag:s16] =	ssyncset.done $0x0  }
0x107: {  	[sflag:s16] =	ssyncadd.s32 $0xFFFFC000  }
0x108: {  	[tilespmem:s15], [sflag:$0x1] =	stream.indirect.gather [hbm4b:s4+s18], $0x80, s0, s18, $0xb8;
	[tilespmem:$0x18400] =	vst v63  }
0x109: {  	_ =	swait.ge [sflag:s19], $0x4000  }
0x10a: {  	[sflag:s19] =	ssyncset.done $0x0  }
0x10b: {  	[sflag:s19] =	ssyncadd.s32 $0xFFFFC000  }
0x10c: {  	[spmem:s2] =	stream.indirect.scatter.add.f32 [tilespmem:s15], [sflag:$0x2], $0x80, s1, s18, $0xb8;
	[tilespmem:$0x18400] =	vst v63  }
0x10d: {  	_ =	swait.ge [sflag:s16], $0x4000  }
0x10e: {  	[sflag:s16] =	ssyncset.done $0x0  }
0x10f: {  	[sflag:s16] =	ssyncadd.s32 $0xFFFFC000  }
0x110: {  	[tilespmem:s15], [sflag:$0x1] =	stream.indirect.gather [hbm4b:s4+s18], $0x80, s6, s18, $0xb8;
	[tilespmem:$0x18400] =	vst v63  }
0x111: {  	_ =	swait.ge [sflag:s19], $0x4000  }
0x112: {  	[sflag:s19] =	ssyncset.done $0x0  }
0x113: {  	[sflag:s19] =	ssyncadd.s32 $0xFFFFC000  }
0x114: {  	[spmem:s2] =	stream.indirect.scatter.add.f32 [tilespmem:s15], [sflag:$0x2], $0x80, s7, s18, $0xb8;
	[tilespmem:$0x18400] =	vst v63  }
0x115: {  	_ =	swait.ge [sflag:s16], $0x4000  }
0x116: {  	[sflag:s16] =	ssyncset.done $0x0  }
0x117: {  	[sflag:s16] =	ssyncadd.s32 $0xFFFFC000  }
0x118: {  	s11 =	stileid.u32;
	[bflag:$0x0] =	sbarrier.arrive $0xFFFF  }
0x119: {  	s9 =	sshll.u32 s11, $0x6;
	s12 =	rddreg [dreg:$0x7]  }
0x11a: {  	s9 =	sor.u32 $0x1C02, s9;
	s11 =	rddreg [dreg:$0xa]  }
0x11b: {  	[hbm:s12], [sflag:s9] =	dma.local [spmem:s11], $0x2700  }
0x11c: {  	_ =	swait.ge [sflag:s16], $0x2700  }
0x11d: {  	[sflag:s16] =	ssyncset.done $0x0  }
0x11e: {  	s10 =	rddreg [dreg:$0x8];
	[sflag:s16] =	ssyncadd.s32 $0xFFFFD900  }
0x11f: {  	[hbm:s10], [sflag:s9] =	dma.local @!p0 [spmem:s25], $0x100  }
0x120: {  	s9 =	simm.s32 @!p0 $0x2  }
0x121: {  	_ =	swait.ge @!p0 [sflag:s9], $0x100  }
0x122: {  	s8 =	sadd.s32 $0x1, s8;
	s24 =	rddreg [dreg:$0x9]  }
0x123: {  	p1 =	sne.s32 s8, s24  }
.Ltmp2:
0x124: {  	_ = 	snop;
	(pc) =	sbr.rel @p1 .LBB2_1-.Ltmp2, $3  }
0x125: {  	_ =	sdelay $0x1  }
0x126: {  	[sflag:s9] =	ssyncset.done @!p0 $0x0  }
0x127: {  	[sflag:s9] =	ssyncadd.s32 @!p0 $0xFFFFFF00  }
0x128: {  	_ =	sfence.sel $0x180000  }
0x129: {  	[bflag:$0x0] =	sbarrier.arrive $0xFFFF  }
0x12a: {  	_ =	strace $0x9000004A  }
0x12b: {  	[bflag:$0x2] =	sbarrier.arrive $0xFFFF  }
0x12c: {  	s0 =	rddreg [dreg:$0x2]  }
0x12d: {  	s0 =	sadd.s32 @!p0 $0x100000, s0  }
0x12e: {  	[sflag:s0] =	ssyncadd.tile.s32 @!p0 $0x1;
	_ =	shalt  }
.Lfunc_end2:
_tile_overlayer_lowered:
.L_overlay_start_2:
0x12f: {  	(tag) =	ssettag $0x2  }
0x130: {  	s0 =	rddreg [dreg:$0x0];
	s2 =	stileid.u32  }
0x131: {  	s1 =	rddreg [dreg:$0x1];
	p0 =	sne.s32 s2, $0x0  }
0x132: {  	s3 =	rddreg [dreg:$0x2];
	[bflag:$0x3] =	sbarrier.arrive $0xFFFF;
	s2 =	simm.s32 @!p0 $0x1C02  }
0x133: {  	[timem:s3], [sflag:s2] =	dma.local @!p0 [hbm:s0], s1  }
0x134: {  	s0 =	simm.s32 @!p0 $0x2  }
0x135: {  	_ =	swait.ge @!p0 [sflag:s0], s1  }
0x136: {  	s1 =	ssub.s32 @!p0 $0x0, s1;
	[sflag:s0] =	ssyncset.done @!p0 $0x0  }
0x137: {  	[sflag:s0] =	ssyncadd.s32 @!p0 s1  }
0x138: {  	[bflag:$0x3] =	sbarrier.arrive $0xFFFF  }
0x139: {  	_ =	shalt  }

// kernel: kernel.16.cloned.1.call-start
scs
__scs_entry_jumppad:
0x0: {  	(pc) =	sbr.rel $0x88, $3  }
0x1: {  	(tag) =	ssettag $0x0;
	lr =	simm.s32 $0x1  }
0x2: {  	[smem:$0x3F99] =	sst lr;
	_ =	strace $0xD0000000  }
0x3: {  	_ = 	snop  }
0x4: {  	_ = 	snop  }
0x5: {  	_ = 	snop  }
0x6: {  	_ = 	snop  }
0x7: {  	_ = 	snop  }
__scs_overlays_trampoline_lowered:
0x8: {  	[smem:$0x3FA8] =	sst s0  }
0x9: {  	[smem:$0x3FA9] =	sst s1  }
0xa: {  	[smem:$0x3FAA] =	sst s2  }
0xb: {  	[smem:$0x3FAB] =	sst s3  }
0xc: {  	[smem:$0x3FAC] =	sst s4  }
0xd: {  	[smem:$0x3FAD] =	sst s5  }
0xe: {  	[smem:$0x3FAE] =	sst s6  }
0xf: {  	[smem:$0x3FAF] =	sst s7  }
0x10: {  	[smem:$0x3FB0] =	sst s8  }
0x11: {  	[smem:$0x3FB1] =	sst s9;
	s0 =	simm.s32 @!p0 $0x0  }
0x12: {  	s1 =	sld [smem:$0x3F97];
	s0 =	simm.s32 @p0 $0x1  }
0x13: {  	[smem:$0x3FB2] =	sst s0;
	s0 =	simm.s32 @!p1 $0x0  }
0x14: {  	s2 =	sld [smem:$0x3F96];
	s0 =	simm.s32 @p1 $0x1  }
0x15: {  	[smem:$0x3FB3] =	sst s0;
	s0 =	simm.s32 @!p2 $0x0  }
0x16: {  	s3 =	sld [smem:$0x3FDB];
	s0 =	simm.s32 @p2 $0x1  }
0x17: {  	s4 =	simm.s32 $0x1BF5;
	[smem:$0x3FB5] =	sst s0  }
0x18: {  	s0 =	sld [smem:$0x3F98];
	_ =	swait.ge [sflag:s4], $0x0  }
0x19: {  	s7 =	sld [smem:$0x3F99]  }
0x1a: {  	s8 =	sadd.s32 $0xFFFFE003, lr  }
0x1b: {  	s9 =	sadd.s32 $0xFFFFFEF7, lr;
	s5 =	simm.s32 $0xFFFFFFFF;
	p2 =	slt.u32 s8, $0xFFFFF086  }
0x1c: {  	p1 =	slt.u32 s9, $0xF7A;
	s5 =	simm.s32 @!p2 $0x0  }
0x1d: {  	s5 =	simm.s32 @p1 $0x1;
	p0 =	seq.s32 s7, s2  }
0x1e: {  	s7 =	smul.u32 @!p0 $0xF7A, s2;
	p2 =	seq.s32 @!p0 s5, $0x0  }
0x1f: {  	s9 =	smul.u32 $0xF7A, s1;
	s8 =	simm.s32 @!p0 $0x1BF5;
	p2 =	por !p2, p0  }
0x20: {  	[sflag:s8] =	ssyncset.s32 @!p0 $0xFFFFF086;
	s6 =	sadd.s32 @!p0 s3, s7;
	s7 =	simm.s32 @!p0 $0x108  }
0x21: {  	s3 =	sadd.s32 s3, s9;
	s6 =	sadd.s32 @!p0 $0x88, s6;
	s7 =	simm.s32 @p2 $0x1082  }
0x22: {  	[simem:s7], [sflag:s8] =	dma.local @!p0 [hbm:s6], $0xF7A  }
0x23: {  	s9 =	sor.u32 $0xD0000000, s2;
	s6 =	simm.s32 $0x108;
	_ =	swait.ge @!p0 [sflag:s8], $0x0  }
0x24: {  	s3 =	sadd.s32 $0x88, s3;
	s6 =	simm.s32 @!p1 $0x1082;
	[sflag:s4] =	ssyncset.s32 $0xFFFFF086  }
0x25: {  	[simem:s6], [sflag:s4] =	dma.local [hbm:s3], $0xF7A  }
0x26: {  	[smem:$0x3F99] =	sst s1;
	(tag) =	ssettag s2;
	_ =	strace s9  }
0x27: {  	s1 =	sld [smem:$0x3FA9]  }
0x28: {  	s2 =	sld [smem:$0x3FAA]  }
0x29: {  	s4 =	sld [smem:$0x3FAC]  }
0x2a: {  	p0 =	seq.s32 s5, $0x0;
	s5 =	sld [smem:$0x3FAD]  }
0x2b: {  	s6 =	sld [smem:$0x3FAE]  }
0x2c: {  	s7 =	sld [smem:$0x3FAF]  }
0x2d: {  	s3 =	simm.s32 $0x108;
	s8 =	sld [smem:$0x3FB0]  }
0x2e: {  	s3 =	simm.s32 @!p0 $0x1082;
	s9 =	sld [smem:$0x3FB1]  }
0x2f: {  	lr =	sadd.s32 s0, s3;
	s0 =	sld [smem:$0x3FA8]  }
0x30: {  	s3 =	sld [smem:$0x3FAB]  }
0x31: {  	[smem:$0x3FB4] =	sst s10  }
0x32: {  	s10 =	sld [smem:$0x3FB2];
	_ =	sdelay $0x3  }
0x33: {  	p0 =	seq.s32 s10, $0x1;
	s10 =	sld [smem:$0x3FB4];
	_ =	sdelay $0x3  }
0x34: {  	[smem:$0x3FB4] =	sst s10  }
0x35: {  	s10 =	sld [smem:$0x3FB3];
	_ =	sdelay $0x3  }
0x36: {  	p1 =	seq.s32 s10, $0x1;
	s10 =	sld [smem:$0x3FB4];
	_ =	sdelay $0x3  }
0x37: {  	[smem:$0x3FB4] =	sst s10  }
0x38: {  	s10 =	sld [smem:$0x3FB5]  }
0x39: {  	_ = 	snop;
	(pc) =	sbr.ind lr, $3  }
0x3a: {  	_ = 	snop  }
0x3b: {  	_ = 	snop  }
0x3c: {  	p2 =	seq.s32 s10, $0x1;
	s10 =	sld [smem:$0x3FB4]  }
0x3d: {  	_ =	shalt  }
0x3e: {  	_ =	shalt  }
0x3f: {  	_ =	shalt  }
0x40: {  	_ =	shalt  }
0x41: {  	_ =	shalt  }
0x42: {  	_ =	shalt  }
0x43: {  	_ =	shalt  }
0x44: {  	_ =	shalt  }
0x45: {  	_ =	shalt  }
0x46: {  	_ =	shalt  }
0x47: {  	_ =	shalt  }
0x48: {  	_ =	shalt  }
0x49: {  	_ =	shalt  }
0x4a: {  	_ =	shalt  }
0x4b: {  	_ =	shalt  }
0x4c: {  	_ =	shalt  }
0x4d: {  	_ =	shalt  }
0x4e: {  	_ =	shalt  }
0x4f: {  	_ =	shalt  }
0x50: {  	_ =	shalt  }
0x51: {  	_ =	shalt  }
0x52: {  	_ =	shalt  }
0x53: {  	_ =	shalt  }
0x54: {  	_ =	shalt  }
0x55: {  	_ =	shalt  }
0x56: {  	_ =	shalt  }
0x57: {  	_ =	shalt  }
0x58: {  	_ =	shalt  }
0x59: {  	_ =	shalt  }
0x5a: {  	_ =	shalt  }
0x5b: {  	_ =	shalt  }
0x5c: {  	_ =	shalt  }
0x5d: {  	_ =	shalt  }
0x5e: {  	_ =	shalt  }
0x5f: {  	_ =	shalt  }
0x60: {  	_ =	shalt  }
0x61: {  	_ =	shalt  }
0x62: {  	_ =	shalt  }
0x63: {  	_ =	shalt  }
0x64: {  	_ =	shalt  }
0x65: {  	_ =	shalt  }
0x66: {  	_ =	shalt  }
0x67: {  	_ =	shalt  }
0x68: {  	_ =	shalt  }
0x69: {  	_ =	shalt  }
0x6a: {  	_ =	shalt  }
0x6b: {  	_ =	shalt  }
0x6c: {  	_ =	shalt  }
0x6d: {  	_ =	shalt  }
0x6e: {  	_ =	shalt  }
0x6f: {  	_ =	shalt  }
0x70: {  	_ =	shalt  }
0x71: {  	_ =	shalt  }
0x72: {  	_ =	shalt  }
0x73: {  	_ =	shalt  }
0x74: {  	_ =	shalt  }
0x75: {  	_ =	shalt  }
0x76: {  	_ =	shalt  }
0x77: {  	_ =	shalt  }
0x78: {  	_ =	shalt  }
0x79: {  	_ =	shalt  }
0x7a: {  	_ =	shalt  }
0x7b: {  	_ =	shalt  }
0x7c: {  	_ =	shalt  }
0x7d: {  	_ =	shalt  }
0x7e: {  	_ =	shalt  }
0x7f: {  	_ =	shalt  }
0x80: {  	_ =	shalt  }
0x81: {  	_ =	shalt  }
0x82: {  	_ =	shalt  }
0x83: {  	_ =	shalt  }
0x84: {  	_ =	shalt  }
0x85: {  	_ =	shalt  }
0x86: {  	_ =	shalt  }
0x87: {  	_ =	shalt  }
.Lfunc_end0:
.L_simem_size_0:
called_computation.2_lowered:
.L_overlay_start_0:
0x88: {  	s2 =	sld [smem:$0x3FD9]  }
0x89: {  	s3 =	sld [smem:$0x3FFE];
	_ =	sdelay $0x1  }
0x8a: {  	s1 =	srdreg.scid  }
0x8b: {  	s0 =	sand.u32 $0x1, s1  }
0x8c: {  	s16 =	sshll.u32 s0, $0xA;
	s2 =	sadd.s32 s3, s2  }
0x8d: {  	s2 =	sadd.s32 s2, s16  }
0x8e: {  	[smem:$0x3FC0] =	sst s2  }
0x8f: {  	_ = 	snop  }
0x90: {  	(tm) =	ssettm $0x1  }
0x91: {  	s17 =	sld [smem:$0x3FFB];
	_ =	sdelay $0x3  }
0x92: {  	_ =	strace s17  }
0x93: {  	s2 =	sld [smem:$0x3FFC];
	_ =	sdelay $0x3  }
0x94: {  	_ =	strace s2  }
0x95: {  	s2 =	sld [smem:$0x3FFD];
	_ =	sdelay $0x3  }
0x96: {  	_ =	strace s2  }
0x97: {  	_ =	strace $0x8FFFFFFF  }
0x98: {  	s18 =	sld [smem:$0x3FDB];
	_ =	sdelay $0x1  }
0x99: {  	s19 =	simm.s32 $_scs_section_size  }
0x9a: {  	s4 =	simm.s32 $_size__tile_overlayer_lowered;
	s5 =	simm.s32 $_tile_overlayer_lowered  }
0x9b: {  	s22 =	simm.s32 $0x1BFF;
	s21 =	sshll.u32 s5, $0x1;
	s2 =	sadd.s32 s19, s18  }
0x9c: {  	s6 =	simm.s32 $0x0;
	s20 =	sshll.u32 s4, $0x1;
	s4 =	sadd.s32 s21, s2  }
0x9d: {  	[timem:s6], [sflag:s22] =	dma.local [hbm:s4], s20  }
0x9e: {  	_ =	swait.ge [sflag:s22], s20  }
0x9f: {  	s3 =	ssub.s32 $0x0, s20;
	[sflag:s22] =	ssyncset.done $0x0  }
0xa0: {  	[sflag:s22] =	ssyncadd.s32 s3;
	_ =	sdelay $0x1  }
0xa1: {  	s23 =	simm.s32 $0x1B8B  }
0xa2: {  	_ =	swait.ge [sflag:s23], $0x1  }
0xa3: {  	[sflag:s23] =	ssyncset.done $0x0  }
0xa4: {  	s25 =	simm.s32 $0x1B8E;
	s24 =	sld [smem:$0x3FFE];
	[sflag:s23] =	ssyncadd.s32 $0xFFFFFFFF  }
0xa5: {  	s26 =	simm.s32 $execute0_lowered;
	[smem:$0x3FD2] =	sst s25  }
0xa6: {  	s4 =	sshll.u32 s26, $0x1;
	_ =	strace $0x8000004C;
	[dreg:$0x1] =	wrdreg $0xFFFFFFFF  }
0xa7: {  	s28 =	simm.s32 $_size_execute0_lowered;
	s2 =	sadd.s32 s2, s4;
	[dreg:$0x0] =	wrdreg $0x0  }
0xa8: {  	s4 =	sshll.u32 s28, $0x1;
	[dreg:$0x2] =	wrdreg s2  }
0xa9: {  	[dreg:$0x3] =	wrdreg s4  }
0xaa: {  	[dreg:$0x4] =	wrdreg $0xC0  }
0xab: {  	_ =	task [dreg:s6], $0x5FFFF  }
0xac: {  	[dreg:$0x1] =	wrdreg $0xFFFFFFFF  }
0xad: {  	[dreg:$0x0] =	wrdreg $0x60  }
0xae: {  	[dreg:$0x2] =	wrdreg s24  }
0xaf: {  	[dreg:$0x3] =	wrdreg $0x48000  }
0xb0: {  	[dreg:$0x4] =	wrdreg $0x9  }
0xb1: {  	_ =	task.clear_ibuf [dreg:s6], $0x5FFFF;
	_ =	strace $0x9000004C  }
0xb2: {  	s29 =	simm.s32 $0x9;
	_ =	strace $0x8000004E  }
0xb3: {  	_ =	swait.ge [sflag:s29], $0x1  }
0xb4: {  	[sflag:s29] =	ssyncadd.s32 $0xFFFFFFFF  }
0xb5: {  	_ =	strace $0x9000004E  }
0xb6: {  	_ =	sfence  }
0xb7: {  	s30 =	sld [smem:$0x0];
	_ =	sdelay $0x2  }
0xb8: {  	s31 =	sshll.u32 s1, $0xD;
	s1 =	sshrl.u32 s1, $0x2  }
0xb9: {  	s3 =	sand.u32 $0x4000, s31;
	s1 =	sadd.s32 s1, s30  }
0xba: {  	s0 =	sor.u32 s3, s0;
	s1 =	sshll.u32 s1, $0x11  }
0xbb: {  	s0 =	sor.u32 s1, s0  }
0xbc: {  	s0 =	sadd.s32 $0x8F2B, s0  }
0xbd: {  	[sflag:s0] =	ssyncadd.remote.s32 $0x1  }
0xbe: {  	_ =	sfence.sel $0xFFFF  }
0xbf: {  	[dreg:$0x0] =	wrdreg $0xFFFFFFFF;
	(pc) =	sbr.abs _section_cstart, $3  }
0xc0: {  	[dreg:$0x1] =	wrdreg $0xFFFFFFFF  }
0xc1: {  	_ =	task.clear_ibuf [dreg:s6], $0x2FFFF;
	_ =	strace $0x9FFFFFFF  }
0xc2: {  	(tm) =	ssettm $0x7FFFFFFF  }
0xc3: {  	_ =	shalt  }
tec
execute0_lowered:
.L_overlay_start_1:
0x0: {  	(tag) =	ssettag $0x1  }
0x1: {  	s0 =	rddreg [dreg:$0x0];
	s1 =	srdreg.scid  }
0x2: {  	s10 =	stileid.u32;
	s2 =	rddreg [dreg:$0x1]  }
0x3: {  	s3 =	simm.s32 $0x0;
	s15 =	simm.s32 $0x800;
	s16 =	simm.s32 $0x2  }
0x4: {  	s17 =	simm.s32 $0x400;
	s18 =	simm.s32 $0x80;
	s4 =	smul.u32 $0x5000, s10  }
0x5: {  	s28 =	simm.s32 $0x200;
	s29 =	simm.s32 $0x600;
	s6 =	smul.u32 $0x4F000, s10  }
0x6: {  	s30 =	simm.s32 $0x280;
	s31 =	simm.s32 $0x680;
	s20 =	smul.u32 $0x13800, s10  }
0x7: {  	s1 =	sand.u32 $0x1, s1;
	[smem:$0x7FF] =	sst s3;
	s22 =	smul.u32 $0x4E000, s10  }
0x8: {  	p0 =	sne.s32 s10, $0x0;
	s5 =	smul.u32 $0x2800, s1;
	s19 =	ssub.s32 $0x2, s1  }
0x9: {  	_ =	strace $0x8000004D;
	s1 =	smul.u32 $0x138800, s1;
	s8 =	sshrl.u32 s19, $0x1  }
0xa: {  	s6 =	sshrl.u32 s6, $0x2;
	s5 =	sadd.s32 s5, s4;
	s4 =	sadd.s32 $0x17200, s0  }
0xb: {  	s8 =	ssub.s32 s19, s8;
	s19 =	simm.s32 $0x1;
	s5 =	sshrl.u32 s5, $0x3  }
0xc: {  	s25 =	smax.u32 s8, $0x1;
	s8 =	simm.s32 $0x0;
	s7 =	sadd.s32 s5, s0  }
0xd: {  	s0 =	sadd.s32 $0x3E400, s0;
	s5 =	sadd.s32 s6, s2;
	s6 =	sadd.s32 s20, s1  }
0xe: {  	s1 =	sshrl.u32 s1, $0x3;
	[dreg:$0x9] =	wrdreg s25;
	s9 =	sadd.s32 $0x4000, s5  }
0xf: {  	s20 =	simm.s32 $0x480;
	s21 =	sadd.s32 $0x8000, s5;
	[dreg:$0x3] =	wrdreg s9  }
0x10: {  	s11 =	sadd.s32 $0xC000, s5;
	s23 =	sadd.s32 $0x10000, s5;
	[dreg:$0x4] =	wrdreg s21  }
0x11: {  	s6 =	sshrl.u32 s6, $0x3;
	s13 =	sadd.s32 $0x3200, s7;
	[dreg:$0x5] =	wrdreg s11  }
0x12: {  	s14 =	sadd.s32 $0xD200, s7;
	s7 =	simm.s32 $0x780;
	[dreg:$0x6] =	wrdreg s23  }
0x13: {  	s9 =	sshrl.u32 s22, $0x2;
	s6 =	sadd.s32 s0, s6;
	s0 =	sadd.s32 s0, s1  }
0x14: {  	s21 =	simm.s32 $0x100;
	s22 =	simm.s32 $0x500;
	s23 =	simm.s32 $0x180  }
0x15: {  	[dreg:$0x7] =	wrdreg s6;
	s24 =	sadd.s32 s9, s2;
	s0 =	sadd.s32 $0x27000, s0  }
0x16: {  	s1 =	simm.s32 $0x700;
	[dreg:$0x8] =	wrdreg s0;
	s26 =	sshrl.u32 s24, $0x3  }
0x17: {  	s6 =	simm.s32 $0x380;
	s0 =	sadd.s32 $0x138000, s2;
	[dreg:$0xa] =	wrdreg s26  }
0x18: {  	v0 =	vimm.f32 $0.0e+00;
	s25 =	sshrl.u32 @!p0 s0, $0x3;
	s26 =	simm.s32 $0x580;
	s0 =	simm.s32 $0x300  }
.LBB2_1:
0x19: {  	s9 =	simm.s32 $0x0;
	s10 =	simm.s32 $0x200  }
.LBB2_2:
0x1a: {  	p1 =	sne.s32 s10, $0xFE00;
	[tilespmem:s9+$0x870] =	vst v0  }
0x1b: {  	[tilespmem:s9+$0x800] =	vst v0  }
0x1c: {  	[tilespmem:s9+$0x810] =	vst v0  }
.Ltmp0:
0x1d: {  	[tilespmem:s9+$0x820] =	vst v0;
	(pc) =	sbr.rel @p1 .LBB2_2-.Ltmp0, $4  }
0x1e: {  	[tilespmem:s9+$0x830] =	vst v0  }
0x1f: {  	[tilespmem:s9+$0x840] =	vst v0  }
0x20: {  	[tilespmem:s9+$0x850] =	vst v0  }
0x21: {  	[tilespmem:s9+$0x860] =	vst v0;
	s9 =	sshra.s32 s10, $0x2;
	s10 =	sadd.s32 $0x200, s10  }
0x22: {  	[tilespmem:s9+$0x870] =	vst v0  }
0x23: {  	[tilespmem:s9+$0x800] =	vst v0  }
0x24: {  	[tilespmem:s9+$0x810] =	vst v0  }
0x25: {  	[tilespmem:s9+$0x820] =	vst v0  }
0x26: {  	[tilespmem:s9+$0x830] =	vst v0  }
0x27: {  	[tilespmem:s9+$0x840] =	vst v0  }
0x28: {  	[tilespmem:s9+$0x850] =	vst v0  }
0x29: {  	[tilespmem:s9+$0x860] =	vst v0  }
0x2a: {  	[spmem:s5] =	stream.linear.scatter [tilespmem:s15], [sflag:$0x2], $0x4000, $0x38;
	[tilespmem:$0x18400] =	vst v63  }
0x2b: {  	_ =	swait.ge [sflag:s16], $0x4000  }
0x2c: {  	[sflag:s16] =	ssyncset.done $0x0  }
0x2d: {  	s12 =	rddreg [dreg:$0x3];
	[sflag:s16] =	ssyncadd.s32 $0xFFFFC000  }
0x2e: {  	[spmem:s12] =	stream.linear.scatter [tilespmem:s15], [sflag:$0x2], $0x4000, $0x38;
	[tilespmem:$0x18400] =	vst v63  }
0x2f: {  	_ =	swait.ge [sflag:s16], $0x4000  }
0x30: {  	[sflag:s16] =	ssyncset.done $0x0  }
0x31: {  	s24 =	rddreg [dreg:$0x4];
	[sflag:s16] =	ssyncadd.s32 $0xFFFFC000  }
0x32: {  	[spmem:s24] =	stream.linear.scatter [tilespmem:s15], [sflag:$0x2], $0x4000, $0x38;
	[tilespmem:$0x18400] =	vst v63  }
0x33: {  	_ =	swait.ge [sflag:s16], $0x4000  }
0x34: {  	[sflag:s16] =	ssyncset.done $0x0  }
0x35: {  	s10 =	rddreg [dreg:$0x5];
	[sflag:s16] =	ssyncadd.s32 $0xFFFFC000  }
0x36: {  	[spmem:s10] =	stream.linear.scatter [tilespmem:s15], [sflag:$0x2], $0x4000, $0x38;
	[tilespmem:$0x18400] =	vst v63  }
0x37: {  	_ =	swait.ge [sflag:s16], $0x4000  }
0x38: {  	[sflag:s16] =	ssyncset.done $0x0  }
0x39: {  	s11 =	rddreg [dreg:$0x6];
	[sflag:s16] =	ssyncadd.s32 $0xFFFFC000  }
0x3a: {  	[spmem:s11] =	stream.linear.scatter [tilespmem:s15], [sflag:$0x2], $0x3C00, $0x38;
	[tilespmem:$0x18400] =	vst v63  }
0x3b: {  	_ =	swait.ge [sflag:s16], $0x3C00  }
0x3c: {  	[sflag:s16] =	ssyncset.done $0x0  }
0x3d: {  	[sflag:s16] =	ssyncadd.s32 $0xFFFFC400  }
0x3e: {  	s12 =	sadd.s32 $0x0, s14;
	[bflag:$0x0] =	sbarrier.arrive $0xFFFF  }
0x3f: {  	[tilespmem:s3], [sflag:$0x2] =	stream.linear.gather [hbm4b:s12+s3], $0x400, $0x38;
	[tilespmem:$0x18400] =	vst v63  }
0x40: {  	_ =	swait.ge [sflag:s16], $0x400  }
0x41: {  	[sflag:s16] =	ssyncset.done $0x0  }
0x42: {  	s24 =	sadd.s32 $0x0, s13;
	[sflag:s16] =	ssyncadd.s32 $0xFFFFFC00  }
0x43: {  	[tilespmem:s17], [sflag:$0x2] =	stream.linear.gather [hbm4b:s24+s3], $0x400, $0x38;
	[tilespmem:$0x18400] =	vst v63  }
0x44: {  	_ =	swait.ge [sflag:s16], $0x400  }
0x45: {  	[sflag:s16] =	ssyncset.done $0x0  }
0x46: {  	[sflag:s16] =	ssyncadd.s32 $0xFFFFFC00  }
0x47: {  	[tilespmem:s15], [sflag:$0x1] =	stream.indirect.gather [hbm4b:s4+s18], $0x80, s3, s18, $0xb8;
	[tilespmem:$0x18400] =	vst v63  }
0x48: {  	_ =	swait.ge [sflag:s19], $0x4000  }
0x49: {  	[sflag:s19] =	ssyncset.done $0x0  }
0x4a: {  	[sflag:s19] =	ssyncadd.s32 $0xFFFFC000  }
0x4b: {  	[spmem:s2] =	stream.indirect.scatter.add.f32 [tilespmem:s15], [sflag:$0x2], $0x80, s17, s18, $0xb8;
	[tilespmem:$0x18400] =	vst v63  }
0x4c: {  	_ =	swait.ge [sflag:s16], $0x4000  }
0x4d: {  	[sflag:s16] =	ssyncset.done $0x0  }
0x4e: {  	[sflag:s16] =	ssyncadd.s32 $0xFFFFC000  }
0x4f: {  	[tilespmem:s15], [sflag:$0x1] =	stream.indirect.gather [hbm4b:s4+s18], $0x80, s18, s18, $0xb8;
	[tilespmem:$0x18400] =	vst v63  }
0x50: {  	_ =	swait.ge [sflag:s19], $0x4000  }
0x51: {  	[sflag:s19] =	ssyncset.done $0x0  }
0x52: {  	[sflag:s19] =	ssyncadd.s32 $0xFFFFC000  }
0x53: {  	[spmem:s2] =	stream.indirect.scatter.add.f32 [tilespmem:s15], [sflag:$0x2], $0x80, s20, s18, $0xb8;
	[tilespmem:$0x18400] =	vst v63  }
0x54: {  	_ =	swait.ge [sflag:s16], $0x4000  }
0x55: {  	[sflag:s16] =	ssyncset.done $0x0  }
0x56: {  	[sflag:s16] =	ssyncadd.s32 $0xFFFFC000  }
0x57: {  	[tilespmem:s15], [sflag:$0x1] =	stream.indirect.gather [hbm4b:s4+s18], $0x80, s21, s18, $0xb8;
	[tilespmem:$0x18400] =	vst v63  }
0x58: {  	_ =	swait.ge [sflag:s19], $0x4000  }
0x59: {  	[sflag:s19] =	ssyncset.done $0x0  }
0x5a: {  	[sflag:s19] =	ssyncadd.s32 $0xFFFFC000  }
0x5b: {  	[spmem:s2] =	stream.indirect.scatter.add.f32 [tilespmem:s15], [sflag:$0x2], $0x80, s22, s18, $0xb8;
	[tilespmem:$0x18400] =	vst v63  }
0x5c: {  	_ =	swait.ge [sflag:s16], $0x4000  }
0x5d: {  	[sflag:s16] =	ssyncset.done $0x0  }
0x5e: {  	[sflag:s16] =	ssyncadd.s32 $0xFFFFC000  }
0x5f: {  	[tilespmem:s15], [sflag:$0x1] =	stream.indirect.gather [hbm4b:s4+s18], $0x80, s23, s18, $0xb8;
	[tilespmem:$0x18400] =	vst v63  }
0x60: {  	_ =	swait.ge [sflag:s19], $0x4000  }
0x61: {  	[sflag:s19] =	ssyncset.done $0x0  }
0x62: {  	[sflag:s19] =	ssyncadd.s32 $0xFFFFC000  }
0x63: {  	[spmem:s2] =	stream.indirect.scatter.add.f32 [tilespmem:s15], [sflag:$0x2], $0x80, s26, s18, $0xb8;
	[tilespmem:$0x18400] =	vst v63  }
0x64: {  	_ =	swait.ge [sflag:s16], $0x4000  }
0x65: {  	[sflag:s16] =	ssyncset.done $0x0  }
0x66: {  	[sflag:s16] =	ssyncadd.s32 $0xFFFFC000  }
0x67: {  	[tilespmem:s15], [sflag:$0x1] =	stream.indirect.gather [hbm4b:s4+s18], $0x80, s28, s18, $0xb8;
	[tilespmem:$0x18400] =	vst v63  }
0x68: {  	_ =	swait.ge [sflag:s19], $0x4000  }
0x69: {  	[sflag:s19] =	ssyncset.done $0x0  }
0x6a: {  	[sflag:s19] =	ssyncadd.s32 $0xFFFFC000  }
0x6b: {  	[spmem:s2] =	stream.indirect.scatter.add.f32 [tilespmem:s15], [sflag:$0x2], $0x80, s29, s18, $0xb8;
	[tilespmem:$0x18400] =	vst v63  }
0x6c: {  	_ =	swait.ge [sflag:s16], $0x4000  }
0x6d: {  	[sflag:s16] =	ssyncset.done $0x0  }
0x6e: {  	[sflag:s16] =	ssyncadd.s32 $0xFFFFC000  }
0x6f: {  	[tilespmem:s15], [sflag:$0x1] =	stream.indirect.gather [hbm4b:s4+s18], $0x80, s30, s18, $0xb8;
	[tilespmem:$0x18400] =	vst v63  }
0x70: {  	_ =	swait.ge [sflag:s19], $0x4000  }
0x71: {  	[sflag:s19] =	ssyncset.done $0x0  }
0x72: {  	[sflag:s19] =	ssyncadd.s32 $0xFFFFC000  }
0x73: {  	[spmem:s2] =	stream.indirect.scatter.add.f32 [tilespmem:s15], [sflag:$0x2], $0x80, s31, s18, $0xb8;
	[tilespmem:$0x18400] =	vst v63  }
0x74: {  	_ =	swait.ge [sflag:s16], $0x4000  }
0x75: {  	[sflag:s16] =	ssyncset.done $0x0  }
0x76: {  	[sflag:s16] =	ssyncadd.s32 $0xFFFFC000  }
0x77: {  	[tilespmem:s15], [sflag:$0x1] =	stream.indirect.gather [hbm4b:s4+s18], $0x80, s0, s18, $0xb8;
	[tilespmem:$0x18400] =	vst v63  }
0x78: {  	_ =	swait.ge [sflag:s19], $0x4000  }
0x79: {  	[sflag:s19] =	ssyncset.done $0x0  }
0x7a: {  	[sflag:s19] =	ssyncadd.s32 $0xFFFFC000  }
0x7b: {  	[spmem:s2] =	stream.indirect.scatter.add.f32 [tilespmem:s15], [sflag:$0x2], $0x80, s1, s18, $0xb8;
	[tilespmem:$0x18400] =	vst v63  }
0x7c: {  	_ =	swait.ge [sflag:s16], $0x4000  }
0x7d: {  	[sflag:s16] =	ssyncset.done $0x0  }
0x7e: {  	[sflag:s16] =	ssyncadd.s32 $0xFFFFC000  }
0x7f: {  	[tilespmem:s15], [sflag:$0x1] =	stream.indirect.gather [hbm4b:s4+s18], $0x80, s6, s18, $0xb8;
	[tilespmem:$0x18400] =	vst v63  }
0x80: {  	_ =	swait.ge [sflag:s19], $0x4000  }
0x81: {  	[sflag:s19] =	ssyncset.done $0x0  }
0x82: {  	[sflag:s19] =	ssyncadd.s32 $0xFFFFC000  }
0x83: {  	[spmem:s2] =	stream.indirect.scatter.add.f32 [tilespmem:s15], [sflag:$0x2], $0x80, s7, s18, $0xb8;
	[tilespmem:$0x18400] =	vst v63  }
0x84: {  	_ =	swait.ge [sflag:s16], $0x4000  }
0x85: {  	s9 =	simm.s32 $0x80;
	s10 =	simm.s32 $0x100;
	[sflag:s16] =	ssyncset.done $0x0  }
.LBB2_4:
0x86: {  	s12 =	sadd.s32 s9, s14  }
0x87: {  	[sflag:s16] =	ssyncadd.s32 $0xFFFFC000;
	s24 =	smov.u32 s10;
	s11 =	sadd.s32 $0x80, s10  }
0x88: {  	[tilespmem:s3], [sflag:$0x2] =	stream.linear.gather [hbm4b:s12+s3], $0x400, $0x38;
	[tilespmem:$0x18400] =	vst v63  }
0x89: {  	p1 =	sne.s32 s10, $0x480;
	_ =	swait.ge [sflag:s16], $0x400  }
0x8a: {  	[sflag:s16] =	ssyncset.done $0x0  }
0x8b: {  	s10 =	sadd.s32 s9, s13;
	s9 =	smov.u32 s24;
	[sflag:s16] =	ssyncadd.s32 $0xFFFFFC00  }
0x8c: {  	[tilespmem:s17], [sflag:$0x2] =	stream.linear.gather [hbm4b:s10+s3], $0x400, $0x38;
	[tilespmem:$0x18400] =	vst v63  }
0x8d: {  	_ =	swait.ge [sflag:s16], $0x400  }
0x8e: {  	[sflag:s16] =	ssyncset.done $0x0  }
0x8f: {  	[sflag:s16] =	ssyncadd.s32 $0xFFFFFC00  }
0x90: {  	[tilespmem:s15], [sflag:$0x1] =	stream.indirect.gather [hbm4b:s4+s18], $0x80, s3, s18, $0xb8;
	[tilespmem:$0x18400] =	vst v63  }
0x91: {  	_ =	swait.ge [sflag:s19], $0x4000  }
0x92: {  	[sflag:s19] =	ssyncset.done $0x0  }
0x93: {  	[sflag:s19] =	ssyncadd.s32 $0xFFFFC000  }
0x94: {  	[spmem:s2] =	stream.indirect.scatter.add.f32 [tilespmem:s15], [sflag:$0x2], $0x80, s17, s18, $0xb8;
	[tilespmem:$0x18400] =	vst v63  }
0x95: {  	_ =	swait.ge [sflag:s16], $0x4000  }
0x96: {  	[sflag:s16] =	ssyncset.done $0x0  }
0x97: {  	[sflag:s16] =	ssyncadd.s32 $0xFFFFC000  }
0x98: {  	[tilespmem:s15], [sflag:$0x1] =	stream.indirect.gather [hbm4b:s4+s18], $0x80, s18, s18, $0xb8;
	[tilespmem:$0x18400] =	vst v63  }
0x99: {  	_ =	swait.ge [sflag:s19], $0x4000  }
0x9a: {  	[sflag:s19] =	ssyncset.done $0x0  }
0x9b: {  	[sflag:s19] =	ssyncadd.s32 $0xFFFFC000  }
0x9c: {  	[spmem:s2] =	stream.indirect.scatter.add.f32 [tilespmem:s15], [sflag:$0x2], $0x80, s20, s18, $0xb8;
	[tilespmem:$0x18400] =	vst v63  }
0x9d: {  	_ =	swait.ge [sflag:s16], $0x4000  }
0x9e: {  	[sflag:s16] =	ssyncset.done $0x0  }
0x9f: {  	[sflag:s16] =	ssyncadd.s32 $0xFFFFC000  }
0xa0: {  	[tilespmem:s15], [sflag:$0x1] =	stream.indirect.gather [hbm4b:s4+s18], $0x80, s21, s18, $0xb8;
	[tilespmem:$0x18400] =	vst v63  }
0xa1: {  	_ =	swait.ge [sflag:s19], $0x4000  }
0xa2: {  	[sflag:s19] =	ssyncset.done $0x0  }
0xa3: {  	[sflag:s19] =	ssyncadd.s32 $0xFFFFC000  }
0xa4: {  	[spmem:s2] =	stream.indirect.scatter.add.f32 [tilespmem:s15], [sflag:$0x2], $0x80, s22, s18, $0xb8;
	[tilespmem:$0x18400] =	vst v63  }
0xa5: {  	_ =	swait.ge [sflag:s16], $0x4000  }
0xa6: {  	[sflag:s16] =	ssyncset.done $0x0  }
0xa7: {  	[sflag:s16] =	ssyncadd.s32 $0xFFFFC000  }
0xa8: {  	[tilespmem:s15], [sflag:$0x1] =	stream.indirect.gather [hbm4b:s4+s18], $0x80, s23, s18, $0xb8;
	[tilespmem:$0x18400] =	vst v63  }
0xa9: {  	_ =	swait.ge [sflag:s19], $0x4000  }
0xaa: {  	[sflag:s19] =	ssyncset.done $0x0  }
0xab: {  	[sflag:s19] =	ssyncadd.s32 $0xFFFFC000  }
0xac: {  	[spmem:s2] =	stream.indirect.scatter.add.f32 [tilespmem:s15], [sflag:$0x2], $0x80, s26, s18, $0xb8;
	[tilespmem:$0x18400] =	vst v63  }
0xad: {  	_ =	swait.ge [sflag:s16], $0x4000  }
0xae: {  	[sflag:s16] =	ssyncset.done $0x0  }
0xaf: {  	[sflag:s16] =	ssyncadd.s32 $0xFFFFC000  }
0xb0: {  	[tilespmem:s15], [sflag:$0x1] =	stream.indirect.gather [hbm4b:s4+s18], $0x80, s28, s18, $0xb8;
	[tilespmem:$0x18400] =	vst v63  }
0xb1: {  	_ =	swait.ge [sflag:s19], $0x4000  }
0xb2: {  	[sflag:s19] =	ssyncset.done $0x0  }
0xb3: {  	[sflag:s19] =	ssyncadd.s32 $0xFFFFC000  }
0xb4: {  	[spmem:s2] =	stream.indirect.scatter.add.f32 [tilespmem:s15], [sflag:$0x2], $0x80, s29, s18, $0xb8;
	[tilespmem:$0x18400] =	vst v63  }
0xb5: {  	_ =	swait.ge [sflag:s16], $0x4000  }
0xb6: {  	[sflag:s16] =	ssyncset.done $0x0  }
0xb7: {  	[sflag:s16] =	ssyncadd.s32 $0xFFFFC000  }
0xb8: {  	[tilespmem:s15], [sflag:$0x1] =	stream.indirect.gather [hbm4b:s4+s18], $0x80, s30, s18, $0xb8;
	[tilespmem:$0x18400] =	vst v63  }
0xb9: {  	_ =	swait.ge [sflag:s19], $0x4000  }
0xba: {  	[sflag:s19] =	ssyncset.done $0x0  }
0xbb: {  	[sflag:s19] =	ssyncadd.s32 $0xFFFFC000  }
0xbc: {  	[spmem:s2] =	stream.indirect.scatter.add.f32 [tilespmem:s15], [sflag:$0x2], $0x80, s31, s18, $0xb8;
	[tilespmem:$0x18400] =	vst v63  }
0xbd: {  	_ =	swait.ge [sflag:s16], $0x4000  }
0xbe: {  	[sflag:s16] =	ssyncset.done $0x0  }
0xbf: {  	[sflag:s16] =	ssyncadd.s32 $0xFFFFC000  }
0xc0: {  	[tilespmem:s15], [sflag:$0x1] =	stream.indirect.gather [hbm4b:s4+s18], $0x80, s0, s18, $0xb8;
	[tilespmem:$0x18400] =	vst v63  }
0xc1: {  	_ =	swait.ge [sflag:s19], $0x4000  }
0xc2: {  	[sflag:s19] =	ssyncset.done $0x0  }
0xc3: {  	[sflag:s19] =	ssyncadd.s32 $0xFFFFC000  }
0xc4: {  	[spmem:s2] =	stream.indirect.scatter.add.f32 [tilespmem:s15], [sflag:$0x2], $0x80, s1, s18, $0xb8;
	[tilespmem:$0x18400] =	vst v63  }
0xc5: {  	_ =	swait.ge [sflag:s16], $0x4000  }
0xc6: {  	[sflag:s16] =	ssyncset.done $0x0  }
0xc7: {  	[sflag:s16] =	ssyncadd.s32 $0xFFFFC000  }
0xc8: {  	[tilespmem:s15], [sflag:$0x1] =	stream.indirect.gather [hbm4b:s4+s18], $0x80, s6, s18, $0xb8;
	[tilespmem:$0x18400] =	vst v63  }
0xc9: {  	_ =	swait.ge [sflag:s19], $0x4000  }
.Ltmp1:
0xca: {  	[sflag:s19] =	ssyncset.done $0x0;
	(pc) =	sbr.rel @p1 .LBB2_4-.Ltmp1, $4  }
0xcb: {  	[sflag:s19] =	ssyncadd.s32 $0xFFFFC000  }
0xcc: {  	[spmem:s2] =	stream.indirect.scatter.add.f32 [tilespmem:s15], [sflag:$0x2], $0x80, s7, s18, $0xb8;
	[tilespmem:$0x18400] =	vst v63  }
0xcd: {  	_ =	swait.ge [sflag:s16], $0x4000  }
0xce: {  	s10 =	smov.u32 s11;
	[sflag:s16] =	ssyncset.done $0x0  }
0xcf: {  	s10 =	sadd.s32 s9, s14;
	[sflag:s16] =	ssyncadd.s32 $0xFFFFC000  }
0xd0: {  	[tilespmem:s3], [sflag:$0x2] =	stream.linear.gather [hbm4b:s10+s3], $0x400, $0x38;
	[tilespmem:$0x18400] =	vst v63  }
0xd1: {  	_ =	swait.ge [sflag:s16], $0x400  }
0xd2: {  	[sflag:s16] =	ssyncset.done $0x0  }
0xd3: {  	s10 =	sadd.s32 s9, s13;
	[sflag:s16] =	ssyncadd.s32 $0xFFFFFC00  }
0xd4: {  	[tilespmem:s17], [sflag:$0x2] =	stream.linear.gather [hbm4b:s10+s3], $0x400, $0x38;
	[tilespmem:$0x18400] =	vst v63  }
0xd5: {  	_ =	swait.ge [sflag:s16], $0x400  }
0xd6: {  	[sflag:s16] =	ssyncset.done $0x0  }
0xd7: {  	[sflag:s16] =	ssyncadd.s32 $0xFFFFFC00  }
0xd8: {  	[tilespmem:s15], [sflag:$0x1] =	stream.indirect.gather [hbm4b:s4+s18], $0x80, s3, s18, $0xb8;
	[tilespmem:$0x18400] =	vst v63  }
0xd9: {  	_ =	swait.ge [sflag:s19], $0x4000  }
0xda: {  	[sflag:s19] =	ssyncset.done $0x0  }
0xdb: {  	[sflag:s19] =	ssyncadd.s32 $0xFFFFC000  }
0xdc: {  	[spmem:s2] =	stream.indirect.scatter.add.f32 [tilespmem:s15], [sflag:$0x2], $0x80, s17, s18, $0xb8;
	[tilespmem:$0x18400] =	vst v63  }
0xdd: {  	_ =	swait.ge [sflag:s16], $0x4000  }
0xde: {  	[sflag:s16] =	ssyncset.done $0x0  }
0xdf: {  	[sflag:s16] =	ssyncadd.s32 $0xFFFFC000  }
0xe0: {  	[tilespmem:s15], [sflag:$0x1] =	stream.indirect.gather [hbm4b:s4+s18], $0x80, s18, s18, $0xb8;
	[tilespmem:$0x18400] =	vst v63  }
0xe1: {  	_ =	swait.ge [sflag:s19], $0x4000  }
0xe2: {  	[sflag:s19] =	ssyncset.done $0x0  }
0xe3: {  	[sflag:s19] =	ssyncadd.s32 $0xFFFFC000  }
0xe4: {  	[spmem:s2] =	stream.indirect.scatter.add.f32 [tilespmem:s15], [sflag:$0x2], $0x80, s20, s18, $0xb8;
	[tilespmem:$0x18400] =	vst v63  }
0xe5: {  	_ =	swait.ge [sflag:s16], $0x4000  }
0xe6: {  	[sflag:s16] =	ssyncset.done $0x0  }
0xe7: {  	[sflag:s16] =	ssyncadd.s32 $0xFFFFC000  }
0xe8: {  	[tilespmem:s15], [sflag:$0x1] =	stream.indirect.gather [hbm4b:s4+s18], $0x80, s21, s18, $0xb8;
	[tilespmem:$0x18400] =	vst v63  }
0xe9: {  	_ =	swait.ge [sflag:s19], $0x4000  }
0xea: {  	[sflag:s19] =	ssyncset.done $0x0  }
0xeb: {  	[sflag:s19] =	ssyncadd.s32 $0xFFFFC000  }
0xec: {  	[spmem:s2] =	stream.indirect.scatter.add.f32 [tilespmem:s15], [sflag:$0x2], $0x80, s22, s18, $0xb8;
	[tilespmem:$0x18400] =	vst v63  }
0xed: {  	_ =	swait.ge [sflag:s16], $0x4000  }
0xee: {  	[sflag:s16] =	ssyncset.done $0x0  }
0xef: {  	[sflag:s16] =	ssyncadd.s32 $0xFFFFC000  }
0xf0: {  	[tilespmem:s15], [sflag:$0x1] =	stream.indirect.gather [hbm4b:s4+s18], $0x80, s23, s18, $0xb8;
	[tilespmem:$0x18400] =	vst v63  }
0xf1: {  	_ =	swait.ge [sflag:s19], $0x4000  }
0xf2: {  	[sflag:s19] =	ssyncset.done $0x0  }
0xf3: {  	[sflag:s19] =	ssyncadd.s32 $0xFFFFC000  }
0xf4: {  	[spmem:s2] =	stream.indirect.scatter.add.f32 [tilespmem:s15], [sflag:$0x2], $0x80, s26, s18, $0xb8;
	[tilespmem:$0x18400] =	vst v63  }
0xf5: {  	_ =	swait.ge [sflag:s16], $0x4000  }
0xf6: {  	[sflag:s16] =	ssyncset.done $0x0  }
0xf7: {  	[sflag:s16] =	ssyncadd.s32 $0xFFFFC000  }
0xf8: {  	[tilespmem:s15], [sflag:$0x1] =	stream.indirect.gather [hbm4b:s4+s18], $0x80, s28, s18, $0xb8;
	[tilespmem:$0x18400] =	vst v63  }
0xf9: {  	_ =	swait.ge [sflag:s19], $0x4000  }
0xfa: {  	[sflag:s19] =	ssyncset.done $0x0  }
0xfb: {  	[sflag:s19] =	ssyncadd.s32 $0xFFFFC000  }
0xfc: {  	[spmem:s2] =	stream.indirect.scatter.add.f32 [tilespmem:s15], [sflag:$0x2], $0x80, s29, s18, $0xb8;
	[tilespmem:$0x18400] =	vst v63  }
0xfd: {  	_ =	swait.ge [sflag:s16], $0x4000  }
0xfe: {  	[sflag:s16] =	ssyncset.done $0x0  }
0xff: {  	[sflag:s16] =	ssyncadd.s32 $0xFFFFC000  }
0x100: {  	[tilespmem:s15], [sflag:$0x1] =	stream.indirect.gather [hbm4b:s4+s18], $0x80, s30, s18, $0xb8;
	[tilespmem:$0x18400] =	vst v63  }
0x101: {  	_ =	swait.ge [sflag:s19], $0x4000  }
0x102: {  	[sflag:s19] =	ssyncset.done $0x0  }
0x103: {  	[sflag:s19] =	ssyncadd.s32 $0xFFFFC000  }
0x104: {  	[spmem:s2] =	stream.indirect.scatter.add.f32 [tilespmem:s15], [sflag:$0x2], $0x80, s31, s18, $0xb8;
	[tilespmem:$0x18400] =	vst v63  }
0x105: {  	_ =	swait.ge [sflag:s16], $0x4000  }
0x106: {  	[sflag:s16] =	ssyncset.done $0x0  }
0x107: {  	[sflag:s16] =	ssyncadd.s32 $0xFFFFC000  }
0x108: {  	[tilespmem:s15], [sflag:$0x1] =	stream.indirect.gather [hbm4b:s4+s18], $0x80, s0, s18, $0xb8;
	[tilespmem:$0x18400] =	vst v63  }
0x109: {  	_ =	swait.ge [sflag:s19], $0x4000  }
0x10a: {  	[sflag:s19] =	ssyncset.done $0x0  }
0x10b: {  	[sflag:s19] =	ssyncadd.s32 $0xFFFFC000  }
0x10c: {  	[spmem:s2] =	stream.indirect.scatter.add.f32 [tilespmem:s15], [sflag:$0x2], $0x80, s1, s18, $0xb8;
	[tilespmem:$0x18400] =	vst v63  }
0x10d: {  	_ =	swait.ge [sflag:s16], $0x4000  }
0x10e: {  	[sflag:s16] =	ssyncset.done $0x0  }
0x10f: {  	[sflag:s16] =	ssyncadd.s32 $0xFFFFC000  }
0x110: {  	[tilespmem:s15], [sflag:$0x1] =	stream.indirect.gather [hbm4b:s4+s18], $0x80, s6, s18, $0xb8;
	[tilespmem:$0x18400] =	vst v63  }
0x111: {  	_ =	swait.ge [sflag:s19], $0x4000  }
0x112: {  	[sflag:s19] =	ssyncset.done $0x0  }
0x113: {  	[sflag:s19] =	ssyncadd.s32 $0xFFFFC000  }
0x114: {  	[spmem:s2] =	stream.indirect.scatter.add.f32 [tilespmem:s15], [sflag:$0x2], $0x80, s7, s18, $0xb8;
	[tilespmem:$0x18400] =	vst v63  }
0x115: {  	_ =	swait.ge [sflag:s16], $0x4000  }
0x116: {  	[sflag:s16] =	ssyncset.done $0x0  }
0x117: {  	[sflag:s16] =	ssyncadd.s32 $0xFFFFC000  }
0x118: {  	s11 =	stileid.u32;
	[bflag:$0x0] =	sbarrier.arrive $0xFFFF  }
0x119: {  	s9 =	sshll.u32 s11, $0x6;
	s12 =	rddreg [dreg:$0x7]  }
0x11a: {  	s9 =	sor.u32 $0x1C02, s9;
	s11 =	rddreg [dreg:$0xa]  }
0x11b: {  	[hbm:s12], [sflag:s9] =	dma.local [spmem:s11], $0x2700  }
0x11c: {  	_ =	swait.ge [sflag:s16], $0x2700  }
0x11d: {  	[sflag:s16] =	ssyncset.done $0x0  }
0x11e: {  	s10 =	rddreg [dreg:$0x8];
	[sflag:s16] =	ssyncadd.s32 $0xFFFFD900  }
0x11f: {  	[hbm:s10], [sflag:s9] =	dma.local @!p0 [spmem:s25], $0x100  }
0x120: {  	s9 =	simm.s32 @!p0 $0x2  }
0x121: {  	_ =	swait.ge @!p0 [sflag:s9], $0x100  }
0x122: {  	s8 =	sadd.s32 $0x1, s8;
	s24 =	rddreg [dreg:$0x9]  }
0x123: {  	p1 =	sne.s32 s8, s24  }
.Ltmp2:
0x124: {  	_ = 	snop;
	(pc) =	sbr.rel @p1 .LBB2_1-.Ltmp2, $3  }
0x125: {  	_ =	sdelay $0x1  }
0x126: {  	[sflag:s9] =	ssyncset.done @!p0 $0x0  }
0x127: {  	[sflag:s9] =	ssyncadd.s32 @!p0 $0xFFFFFF00  }
0x128: {  	_ =	sfence.sel $0x180000  }
0x129: {  	[bflag:$0x0] =	sbarrier.arrive $0xFFFF  }
0x12a: {  	_ =	strace $0x9000004D  }
0x12b: {  	[bflag:$0x2] =	sbarrier.arrive $0xFFFF  }
0x12c: {  	s0 =	rddreg [dreg:$0x2]  }
0x12d: {  	s0 =	sadd.s32 @!p0 $0x100000, s0  }
0x12e: {  	[sflag:s0] =	ssyncadd.tile.s32 @!p0 $0x1;
	_ =	shalt  }
.Lfunc_end2:
_tile_overlayer_lowered:
.L_overlay_start_2:
0x12f: {  	(tag) =	ssettag $0x2  }
0x130: {  	s0 =	rddreg [dreg:$0x0];
	s2 =	stileid.u32  }
0x131: {  	s1 =	rddreg [dreg:$0x1];
	p0 =	sne.s32 s2, $0x0  }
0x132: {  	s3 =	rddreg [dreg:$0x2];
	[bflag:$0x3] =	sbarrier.arrive $0xFFFF;
	s2 =	simm.s32 @!p0 $0x1C02  }
0x133: {  	[timem:s3], [sflag:s2] =	dma.local @!p0 [hbm:s0], s1  }
0x134: {  	s0 =	simm.s32 @!p0 $0x2  }
0x135: {  	_ =	swait.ge @!p0 [sflag:s0], s1  }
0x136: {  	s1 =	ssub.s32 @!p0 $0x0, s1;
	[sflag:s0] =	ssyncset.done @!p0 $0x0  }
0x137: {  	[sflag:s0] =	ssyncadd.s32 @!p0 s1  }
0x138: {  	[bflag:$0x3] =	sbarrier.arrive $0xFFFF  }
0x139: {  	_ =	shalt  }

// kernel: kernel.19.cloned.1.call-start
scs
__scs_entry_jumppad:
0x0: {  	(pc) =	sbr.rel $0x88, $3  }
0x1: {  	(tag) =	ssettag $0x0;
	lr =	simm.s32 $0x1  }
0x2: {  	[smem:$0x3F99] =	sst lr;
	_ =	strace $0xD0000000  }
0x3: {  	_ = 	snop  }
0x4: {  	_ = 	snop  }
0x5: {  	_ = 	snop  }
0x6: {  	_ = 	snop  }
0x7: {  	_ = 	snop  }
__scs_overlays_trampoline_lowered:
0x8: {  	[smem:$0x3FA8] =	sst s0  }
0x9: {  	[smem:$0x3FA9] =	sst s1  }
0xa: {  	[smem:$0x3FAA] =	sst s2  }
0xb: {  	[smem:$0x3FAB] =	sst s3  }
0xc: {  	[smem:$0x3FAC] =	sst s4  }
0xd: {  	[smem:$0x3FAD] =	sst s5  }
0xe: {  	[smem:$0x3FAE] =	sst s6  }
0xf: {  	[smem:$0x3FAF] =	sst s7  }
0x10: {  	[smem:$0x3FB0] =	sst s8  }
0x11: {  	[smem:$0x3FB1] =	sst s9;
	s0 =	simm.s32 @!p0 $0x0  }
0x12: {  	s1 =	sld [smem:$0x3F97];
	s0 =	simm.s32 @p0 $0x1  }
0x13: {  	[smem:$0x3FB2] =	sst s0;
	s0 =	simm.s32 @!p1 $0x0  }
0x14: {  	s2 =	sld [smem:$0x3F96];
	s0 =	simm.s32 @p1 $0x1  }
0x15: {  	[smem:$0x3FB3] =	sst s0;
	s0 =	simm.s32 @!p2 $0x0  }
0x16: {  	s3 =	sld [smem:$0x3FDB];
	s0 =	simm.s32 @p2 $0x1  }
0x17: {  	s4 =	simm.s32 $0x1BF5;
	[smem:$0x3FB5] =	sst s0  }
0x18: {  	s0 =	sld [smem:$0x3F98];
	_ =	swait.ge [sflag:s4], $0x0  }
0x19: {  	s7 =	sld [smem:$0x3F99]  }
0x1a: {  	s8 =	sadd.s32 $0xFFFFE003, lr  }
0x1b: {  	s9 =	sadd.s32 $0xFFFFFEF7, lr;
	s5 =	simm.s32 $0xFFFFFFFF;
	p2 =	slt.u32 s8, $0xFFFFF086  }
0x1c: {  	p1 =	slt.u32 s9, $0xF7A;
	s5 =	simm.s32 @!p2 $0x0  }
0x1d: {  	s5 =	simm.s32 @p1 $0x1;
	p0 =	seq.s32 s7, s2  }
0x1e: {  	s7 =	smul.u32 @!p0 $0xF7A, s2;
	p2 =	seq.s32 @!p0 s5, $0x0  }
0x1f: {  	s9 =	smul.u32 $0xF7A, s1;
	s8 =	simm.s32 @!p0 $0x1BF5;
	p2 =	por !p2, p0  }
0x20: {  	[sflag:s8] =	ssyncset.s32 @!p0 $0xFFFFF086;
	s6 =	sadd.s32 @!p0 s3, s7;
	s7 =	simm.s32 @!p0 $0x108  }
0x21: {  	s3 =	sadd.s32 s3, s9;
	s6 =	sadd.s32 @!p0 $0x88, s6;
	s7 =	simm.s32 @p2 $0x1082  }
0x22: {  	[simem:s7], [sflag:s8] =	dma.local @!p0 [hbm:s6], $0xF7A  }
0x23: {  	s9 =	sor.u32 $0xD0000000, s2;
	s6 =	simm.s32 $0x108;
	_ =	swait.ge @!p0 [sflag:s8], $0x0  }
0x24: {  	s3 =	sadd.s32 $0x88, s3;
	s6 =	simm.s32 @!p1 $0x1082;
	[sflag:s4] =	ssyncset.s32 $0xFFFFF086  }
0x25: {  	[simem:s6], [sflag:s4] =	dma.local [hbm:s3], $0xF7A  }
0x26: {  	[smem:$0x3F99] =	sst s1;
	(tag) =	ssettag s2;
	_ =	strace s9  }
0x27: {  	s1 =	sld [smem:$0x3FA9]  }
0x28: {  	s2 =	sld [smem:$0x3FAA]  }
0x29: {  	s4 =	sld [smem:$0x3FAC]  }
0x2a: {  	p0 =	seq.s32 s5, $0x0;
	s5 =	sld [smem:$0x3FAD]  }
0x2b: {  	s6 =	sld [smem:$0x3FAE]  }
0x2c: {  	s7 =	sld [smem:$0x3FAF]  }
0x2d: {  	s3 =	simm.s32 $0x108;
	s8 =	sld [smem:$0x3FB0]  }
0x2e: {  	s3 =	simm.s32 @!p0 $0x1082;
	s9 =	sld [smem:$0x3FB1]  }
0x2f: {  	lr =	sadd.s32 s0, s3;
	s0 =	sld [smem:$0x3FA8]  }
0x30: {  	s3 =	sld [smem:$0x3FAB]  }
0x31: {  	[smem:$0x3FB4] =	sst s10  }
0x32: {  	s10 =	sld [smem:$0x3FB2];
	_ =	sdelay $0x3  }
0x33: {  	p0 =	seq.s32 s10, $0x1;
	s10 =	sld [smem:$0x3FB4];
	_ =	sdelay $0x3  }
0x34: {  	[smem:$0x3FB4] =	sst s10  }
0x35: {  	s10 =	sld [smem:$0x3FB3];
	_ =	sdelay $0x3  }
0x36: {  	p1 =	seq.s32 s10, $0x1;
	s10 =	sld [smem:$0x3FB4];
	_ =	sdelay $0x3  }
0x37: {  	[smem:$0x3FB4] =	sst s10  }
0x38: {  	s10 =	sld [smem:$0x3FB5]  }
0x39: {  	_ = 	snop;
	(pc) =	sbr.ind lr, $3  }
0x3a: {  	_ = 	snop  }
0x3b: {  	_ = 	snop  }
0x3c: {  	p2 =	seq.s32 s10, $0x1;
	s10 =	sld [smem:$0x3FB4]  }
0x3d: {  	_ =	shalt  }
0x3e: {  	_ =	shalt  }
0x3f: {  	_ =	shalt  }
0x40: {  	_ =	shalt  }
0x41: {  	_ =	shalt  }
0x42: {  	_ =	shalt  }
0x43: {  	_ =	shalt  }
0x44: {  	_ =	shalt  }
0x45: {  	_ =	shalt  }
0x46: {  	_ =	shalt  }
0x47: {  	_ =	shalt  }
0x48: {  	_ =	shalt  }
0x49: {  	_ =	shalt  }
0x4a: {  	_ =	shalt  }
0x4b: {  	_ =	shalt  }
0x4c: {  	_ =	shalt  }
0x4d: {  	_ =	shalt  }
0x4e: {  	_ =	shalt  }
0x4f: {  	_ =	shalt  }
0x50: {  	_ =	shalt  }
0x51: {  	_ =	shalt  }
0x52: {  	_ =	shalt  }
0x53: {  	_ =	shalt  }
0x54: {  	_ =	shalt  }
0x55: {  	_ =	shalt  }
0x56: {  	_ =	shalt  }
0x57: {  	_ =	shalt  }
0x58: {  	_ =	shalt  }
0x59: {  	_ =	shalt  }
0x5a: {  	_ =	shalt  }
0x5b: {  	_ =	shalt  }
0x5c: {  	_ =	shalt  }
0x5d: {  	_ =	shalt  }
0x5e: {  	_ =	shalt  }
0x5f: {  	_ =	shalt  }
0x60: {  	_ =	shalt  }
0x61: {  	_ =	shalt  }
0x62: {  	_ =	shalt  }
0x63: {  	_ =	shalt  }
0x64: {  	_ =	shalt  }
0x65: {  	_ =	shalt  }
0x66: {  	_ =	shalt  }
0x67: {  	_ =	shalt  }
0x68: {  	_ =	shalt  }
0x69: {  	_ =	shalt  }
0x6a: {  	_ =	shalt  }
0x6b: {  	_ =	shalt  }
0x6c: {  	_ =	shalt  }
0x6d: {  	_ =	shalt  }
0x6e: {  	_ =	shalt  }
0x6f: {  	_ =	shalt  }
0x70: {  	_ =	shalt  }
0x71: {  	_ =	shalt  }
0x72: {  	_ =	shalt  }
0x73: {  	_ =	shalt  }
0x74: {  	_ =	shalt  }
0x75: {  	_ =	shalt  }
0x76: {  	_ =	shalt  }
0x77: {  	_ =	shalt  }
0x78: {  	_ =	shalt  }
0x79: {  	_ =	shalt  }
0x7a: {  	_ =	shalt  }
0x7b: {  	_ =	shalt  }
0x7c: {  	_ =	shalt  }
0x7d: {  	_ =	shalt  }
0x7e: {  	_ =	shalt  }
0x7f: {  	_ =	shalt  }
0x80: {  	_ =	shalt  }
0x81: {  	_ =	shalt  }
0x82: {  	_ =	shalt  }
0x83: {  	_ =	shalt  }
0x84: {  	_ =	shalt  }
0x85: {  	_ =	shalt  }
0x86: {  	_ =	shalt  }
0x87: {  	_ =	shalt  }
.Lfunc_end0:
.L_simem_size_0:
called_computation.3_lowered:
.L_overlay_start_0:
0x88: {  	s2 =	sld [smem:$0x3FD9]  }
0x89: {  	s3 =	sld [smem:$0x3FFE];
	_ =	sdelay $0x1  }
0x8a: {  	s1 =	srdreg.scid  }
0x8b: {  	s0 =	sand.u32 $0x1, s1  }
0x8c: {  	s16 =	sshll.u32 s0, $0xA;
	s2 =	sadd.s32 s3, s2  }
0x8d: {  	s2 =	sadd.s32 s2, s16  }
0x8e: {  	[smem:$0x3FC0] =	sst s2  }
0x8f: {  	_ = 	snop  }
0x90: {  	(tm) =	ssettm $0x1  }
0x91: {  	s17 =	sld [smem:$0x3FFB];
	_ =	sdelay $0x3  }
0x92: {  	_ =	strace s17  }
0x93: {  	s2 =	sld [smem:$0x3FFC];
	_ =	sdelay $0x3  }
0x94: {  	_ =	strace s2  }
0x95: {  	s2 =	sld [smem:$0x3FFD];
	_ =	sdelay $0x3  }
0x96: {  	_ =	strace s2  }
0x97: {  	_ =	strace $0x8FFFFFFF  }
0x98: {  	s18 =	sld [smem:$0x3FDB];
	_ =	sdelay $0x1  }
0x99: {  	s19 =	simm.s32 $_scs_section_size  }
0x9a: {  	s4 =	simm.s32 $_size__tile_overlayer_lowered;
	s5 =	simm.s32 $_tile_overlayer_lowered  }
0x9b: {  	s22 =	simm.s32 $0x1BFF;
	s21 =	sshll.u32 s5, $0x1;
	s2 =	sadd.s32 s19, s18  }
0x9c: {  	s6 =	simm.s32 $0x0;
	s20 =	sshll.u32 s4, $0x1;
	s4 =	sadd.s32 s21, s2  }
0x9d: {  	[timem:s6], [sflag:s22] =	dma.local [hbm:s4], s20  }
0x9e: {  	_ =	swait.ge [sflag:s22], s20  }
0x9f: {  	s3 =	ssub.s32 $0x0, s20;
	[sflag:s22] =	ssyncset.done $0x0  }
0xa0: {  	[sflag:s22] =	ssyncadd.s32 s3;
	_ =	sdelay $0x1  }
0xa1: {  	s23 =	simm.s32 $0x1B8B  }
0xa2: {  	_ =	swait.ge [sflag:s23], $0x1  }
0xa3: {  	[sflag:s23] =	ssyncset.done $0x0  }
0xa4: {  	s25 =	simm.s32 $0x1B8E;
	s24 =	sld [smem:$0x3FFE];
	[sflag:s23] =	ssyncadd.s32 $0xFFFFFFFF  }
0xa5: {  	s26 =	simm.s32 $execute0_lowered;
	[smem:$0x3FD2] =	sst s25  }
0xa6: {  	s4 =	sshll.u32 s26, $0x1;
	_ =	strace $0x8000004F;
	[dreg:$0x1] =	wrdreg $0xFFFFFFFF  }
0xa7: {  	s28 =	simm.s32 $_size_execute0_lowered;
	s2 =	sadd.s32 s2, s4;
	[dreg:$0x0] =	wrdreg $0x0  }
0xa8: {  	s4 =	sshll.u32 s28, $0x1;
	[dreg:$0x2] =	wrdreg s2  }
0xa9: {  	[dreg:$0x3] =	wrdreg s4  }
0xaa: {  	[dreg:$0x4] =	wrdreg $0xC0  }
0xab: {  	_ =	task [dreg:s6], $0x5FFFF  }
0xac: {  	[dreg:$0x1] =	wrdreg $0xFFFFFFFF  }
0xad: {  	[dreg:$0x0] =	wrdreg $0x60  }
0xae: {  	[dreg:$0x2] =	wrdreg s24  }
0xaf: {  	[dreg:$0x3] =	wrdreg $0x48000  }
0xb0: {  	[dreg:$0x4] =	wrdreg $0x9  }
0xb1: {  	_ =	task.clear_ibuf [dreg:s6], $0x5FFFF;
	_ =	strace $0x9000004F  }
0xb2: {  	s29 =	simm.s32 $0x9;
	_ =	strace $0x80000051  }
0xb3: {  	_ =	swait.ge [sflag:s29], $0x1  }
0xb4: {  	[sflag:s29] =	ssyncadd.s32 $0xFFFFFFFF  }
0xb5: {  	_ =	strace $0x90000051  }
0xb6: {  	_ =	sfence  }
0xb7: {  	s30 =	sld [smem:$0x0];
	_ =	sdelay $0x2  }
0xb8: {  	s31 =	sshll.u32 s1, $0xD;
	s1 =	sshrl.u32 s1, $0x2  }
0xb9: {  	s3 =	sand.u32 $0x4000, s31;
	s1 =	sadd.s32 s1, s30  }
0xba: {  	s0 =	sor.u32 s3, s0;
	s1 =	sshll.u32 s1, $0x11  }
0xbb: {  	s0 =	sor.u32 s1, s0  }
0xbc: {  	s0 =	sadd.s32 $0x8F2B, s0  }
0xbd: {  	[sflag:s0] =	ssyncadd.remote.s32 $0x1  }
0xbe: {  	_ =	sfence.sel $0xFFFF  }
0xbf: {  	[dreg:$0x0] =	wrdreg $0xFFFFFFFF;
	(pc) =	sbr.abs _section_cstart, $3  }
0xc0: {  	[dreg:$0x1] =	wrdreg $0xFFFFFFFF  }
0xc1: {  	_ =	task.clear_ibuf [dreg:s6], $0x2FFFF;
	_ =	strace $0x9FFFFFFF  }
0xc2: {  	(tm) =	ssettm $0x7FFFFFFF  }
0xc3: {  	_ =	shalt  }
tec
execute0_lowered:
.L_overlay_start_1:
0x0: {  	(tag) =	ssettag $0x1  }
0x1: {  	s0 =	rddreg [dreg:$0x0];
	s1 =	srdreg.scid  }
0x2: {  	s10 =	stileid.u32;
	s2 =	rddreg [dreg:$0x1]  }
0x3: {  	s3 =	simm.s32 $0x0;
	s15 =	simm.s32 $0x800;
	s16 =	simm.s32 $0x2  }
0x4: {  	s17 =	simm.s32 $0x400;
	s18 =	simm.s32 $0x80;
	s4 =	smul.u32 $0x5000, s10  }
0x5: {  	s28 =	simm.s32 $0x200;
	s29 =	simm.s32 $0x600;
	s6 =	smul.u32 $0x4F000, s10  }
0x6: {  	s30 =	simm.s32 $0x280;
	s31 =	simm.s32 $0x680;
	s20 =	smul.u32 $0x13800, s10  }
0x7: {  	s1 =	sand.u32 $0x1, s1;
	[smem:$0x7FF] =	sst s3;
	s22 =	smul.u32 $0x4E000, s10  }
0x8: {  	p0 =	sne.s32 s10, $0x0;
	s5 =	smul.u32 $0x2800, s1;
	s19 =	ssub.s32 $0x2, s1  }
0x9: {  	_ =	strace $0x80000050;
	s1 =	smul.u32 $0x138800, s1;
	s8 =	sshrl.u32 s19, $0x1  }
0xa: {  	s6 =	sshrl.u32 s6, $0x2;
	s5 =	sadd.s32 s5, s4;
	s4 =	sadd.s32 $0x17200, s0  }
0xb: {  	s8 =	ssub.s32 s19, s8;
	s19 =	simm.s32 $0x1;
	s5 =	sshrl.u32 s5, $0x3  }
0xc: {  	s25 =	smax.u32 s8, $0x1;
	s8 =	simm.s32 $0x0;
	s7 =	sadd.s32 s5, s0  }
0xd: {  	s0 =	sadd.s32 $0x3E400, s0;
	s5 =	sadd.s32 s6, s2;
	s6 =	sadd.s32 s20, s1  }
0xe: {  	s1 =	sshrl.u32 s1, $0x3;
	[dreg:$0x9] =	wrdreg s25;
	s9 =	sadd.s32 $0x4000, s5  }
0xf: {  	s20 =	simm.s32 $0x480;
	s21 =	sadd.s32 $0x8000, s5;
	[dreg:$0x3] =	wrdreg s9  }
0x10: {  	s11 =	sadd.s32 $0xC000, s5;
	s23 =	sadd.s32 $0x10000, s5;
	[dreg:$0x4] =	wrdreg s21  }
0x11: {  	s6 =	sshrl.u32 s6, $0x3;
	s13 =	sadd.s32 $0x3200, s7;
	[dreg:$0x5] =	wrdreg s11  }
0x12: {  	s14 =	sadd.s32 $0xD200, s7;
	s7 =	simm.s32 $0x780;
	[dreg:$0x6] =	wrdreg s23  }
0x13: {  	s9 =	sshrl.u32 s22, $0x2;
	s6 =	sadd.s32 s0, s6;
	s0 =	sadd.s32 s0, s1  }
0x14: {  	s21 =	simm.s32 $0x100;
	s22 =	simm.s32 $0x500;
	s23 =	simm.s32 $0x180  }
0x15: {  	[dreg:$0x7] =	wrdreg s6;
	s24 =	sadd.s32 s9, s2;
	s0 =	sadd.s32 $0x27000, s0  }
0x16: {  	s1 =	simm.s32 $0x700;
	[dreg:$0x8] =	wrdreg s0;
	s26 =	sshrl.u32 s24, $0x3  }
0x17: {  	s6 =	simm.s32 $0x380;
	s0 =	sadd.s32 $0x138000, s2;
	[dreg:$0xa] =	wrdreg s26  }
0x18: {  	v0 =	vimm.f32 $0.0e+00;
	s25 =	sshrl.u32 @!p0 s0, $0x3;
	s26 =	simm.s32 $0x580;
	s0 =	simm.s32 $0x300  }
.LBB2_1:
0x19: {  	s9 =	simm.s32 $0x0;
	s10 =	simm.s32 $0x200  }
.LBB2_2:
0x1a: {  	p1 =	sne.s32 s10, $0xFE00;
	[tilespmem:s9+$0x870] =	vst v0  }
0x1b: {  	[tilespmem:s9+$0x800] =	vst v0  }
0x1c: {  	[tilespmem:s9+$0x810] =	vst v0  }
.Ltmp0:
0x1d: {  	[tilespmem:s9+$0x820] =	vst v0;
	(pc) =	sbr.rel @p1 .LBB2_2-.Ltmp0, $4  }
0x1e: {  	[tilespmem:s9+$0x830] =	vst v0  }
0x1f: {  	[tilespmem:s9+$0x840] =	vst v0  }
0x20: {  	[tilespmem:s9+$0x850] =	vst v0  }
0x21: {  	[tilespmem:s9+$0x860] =	vst v0;
	s9 =	sshra.s32 s10, $0x2;
	s10 =	sadd.s32 $0x200, s10  }
0x22: {  	[tilespmem:s9+$0x870] =	vst v0  }
0x23: {  	[tilespmem:s9+$0x800] =	vst v0  }
0x24: {  	[tilespmem:s9+$0x810] =	vst v0  }
0x25: {  	[tilespmem:s9+$0x820] =	vst v0  }
0x26: {  	[tilespmem:s9+$0x830] =	vst v0  }
0x27: {  	[tilespmem:s9+$0x840] =	vst v0  }
0x28: {  	[tilespmem:s9+$0x850] =	vst v0  }
0x29: {  	[tilespmem:s9+$0x860] =	vst v0  }
0x2a: {  	[spmem:s5] =	stream.linear.scatter [tilespmem:s15], [sflag:$0x2], $0x4000, $0x38;
	[tilespmem:$0x18400] =	vst v63  }
0x2b: {  	_ =	swait.ge [sflag:s16], $0x4000  }
0x2c: {  	[sflag:s16] =	ssyncset.done $0x0  }
0x2d: {  	s12 =	rddreg [dreg:$0x3];
	[sflag:s16] =	ssyncadd.s32 $0xFFFFC000  }
0x2e: {  	[spmem:s12] =	stream.linear.scatter [tilespmem:s15], [sflag:$0x2], $0x4000, $0x38;
	[tilespmem:$0x18400] =	vst v63  }
0x2f: {  	_ =	swait.ge [sflag:s16], $0x4000  }
0x30: {  	[sflag:s16] =	ssyncset.done $0x0  }
0x31: {  	s24 =	rddreg [dreg:$0x4];
	[sflag:s16] =	ssyncadd.s32 $0xFFFFC000  }
0x32: {  	[spmem:s24] =	stream.linear.scatter [tilespmem:s15], [sflag:$0x2], $0x4000, $0x38;
	[tilespmem:$0x18400] =	vst v63  }
0x33: {  	_ =	swait.ge [sflag:s16], $0x4000  }
0x34: {  	[sflag:s16] =	ssyncset.done $0x0  }
0x35: {  	s10 =	rddreg [dreg:$0x5];
	[sflag:s16] =	ssyncadd.s32 $0xFFFFC000  }
0x36: {  	[spmem:s10] =	stream.linear.scatter [tilespmem:s15], [sflag:$0x2], $0x4000, $0x38;
	[tilespmem:$0x18400] =	vst v63  }
0x37: {  	_ =	swait.ge [sflag:s16], $0x4000  }
0x38: {  	[sflag:s16] =	ssyncset.done $0x0  }
0x39: {  	s11 =	rddreg [dreg:$0x6];
	[sflag:s16] =	ssyncadd.s32 $0xFFFFC000  }
0x3a: {  	[spmem:s11] =	stream.linear.scatter [tilespmem:s15], [sflag:$0x2], $0x3C00, $0x38;
	[tilespmem:$0x18400] =	vst v63  }
0x3b: {  	_ =	swait.ge [sflag:s16], $0x3C00  }
0x3c: {  	[sflag:s16] =	ssyncset.done $0x0  }
0x3d: {  	[sflag:s16] =	ssyncadd.s32 $0xFFFFC400  }
0x3e: {  	s12 =	sadd.s32 $0x0, s14;
	[bflag:$0x0] =	sbarrier.arrive $0xFFFF  }
0x3f: {  	[tilespmem:s3], [sflag:$0x2] =	stream.linear.gather [hbm4b:s12+s3], $0x400, $0x38;
	[tilespmem:$0x18400] =	vst v63  }
0x40: {  	_ =	swait.ge [sflag:s16], $0x400  }
0x41: {  	[sflag:s16] =	ssyncset.done $0x0  }
0x42: {  	s24 =	sadd.s32 $0x0, s13;
	[sflag:s16] =	ssyncadd.s32 $0xFFFFFC00  }
0x43: {  	[tilespmem:s17], [sflag:$0x2] =	stream.linear.gather [hbm4b:s24+s3], $0x400, $0x38;
	[tilespmem:$0x18400] =	vst v63  }
0x44: {  	_ =	swait.ge [sflag:s16], $0x400  }
0x45: {  	[sflag:s16] =	ssyncset.done $0x0  }
0x46: {  	[sflag:s16] =	ssyncadd.s32 $0xFFFFFC00  }
0x47: {  	[tilespmem:s15], [sflag:$0x1] =	stream.indirect.gather [hbm4b:s4+s18], $0x80, s3, s18, $0xb8;
	[tilespmem:$0x18400] =	vst v63  }
0x48: {  	_ =	swait.ge [sflag:s19], $0x4000  }
0x49: {  	[sflag:s19] =	ssyncset.done $0x0  }
0x4a: {  	[sflag:s19] =	ssyncadd.s32 $0xFFFFC000  }
0x4b: {  	[spmem:s2] =	stream.indirect.scatter.add.f32 [tilespmem:s15], [sflag:$0x2], $0x80, s17, s18, $0xb8;
	[tilespmem:$0x18400] =	vst v63  }
0x4c: {  	_ =	swait.ge [sflag:s16], $0x4000  }
0x4d: {  	[sflag:s16] =	ssyncset.done $0x0  }
0x4e: {  	[sflag:s16] =	ssyncadd.s32 $0xFFFFC000  }
0x4f: {  	[tilespmem:s15], [sflag:$0x1] =	stream.indirect.gather [hbm4b:s4+s18], $0x80, s18, s18, $0xb8;
	[tilespmem:$0x18400] =	vst v63  }
0x50: {  	_ =	swait.ge [sflag:s19], $0x4000  }
0x51: {  	[sflag:s19] =	ssyncset.done $0x0  }
0x52: {  	[sflag:s19] =	ssyncadd.s32 $0xFFFFC000  }
0x53: {  	[spmem:s2] =	stream.indirect.scatter.add.f32 [tilespmem:s15], [sflag:$0x2], $0x80, s20, s18, $0xb8;
	[tilespmem:$0x18400] =	vst v63  }
0x54: {  	_ =	swait.ge [sflag:s16], $0x4000  }
0x55: {  	[sflag:s16] =	ssyncset.done $0x0  }
0x56: {  	[sflag:s16] =	ssyncadd.s32 $0xFFFFC000  }
0x57: {  	[tilespmem:s15], [sflag:$0x1] =	stream.indirect.gather [hbm4b:s4+s18], $0x80, s21, s18, $0xb8;
	[tilespmem:$0x18400] =	vst v63  }
0x58: {  	_ =	swait.ge [sflag:s19], $0x4000  }
0x59: {  	[sflag:s19] =	ssyncset.done $0x0  }
0x5a: {  	[sflag:s19] =	ssyncadd.s32 $0xFFFFC000  }
0x5b: {  	[spmem:s2] =	stream.indirect.scatter.add.f32 [tilespmem:s15], [sflag:$0x2], $0x80, s22, s18, $0xb8;
	[tilespmem:$0x18400] =	vst v63  }
0x5c: {  	_ =	swait.ge [sflag:s16], $0x4000  }
0x5d: {  	[sflag:s16] =	ssyncset.done $0x0  }
0x5e: {  	[sflag:s16] =	ssyncadd.s32 $0xFFFFC000  }
0x5f: {  	[tilespmem:s15], [sflag:$0x1] =	stream.indirect.gather [hbm4b:s4+s18], $0x80, s23, s18, $0xb8;
	[tilespmem:$0x18400] =	vst v63  }
0x60: {  	_ =	swait.ge [sflag:s19], $0x4000  }
0x61: {  	[sflag:s19] =	ssyncset.done $0x0  }
0x62: {  	[sflag:s19] =	ssyncadd.s32 $0xFFFFC000  }
0x63: {  	[spmem:s2] =	stream.indirect.scatter.add.f32 [tilespmem:s15], [sflag:$0x2], $0x80, s26, s18, $0xb8;
	[tilespmem:$0x18400] =	vst v63  }
0x64: {  	_ =	swait.ge [sflag:s16], $0x4000  }
0x65: {  	[sflag:s16] =	ssyncset.done $0x0  }
0x66: {  	[sflag:s16] =	ssyncadd.s32 $0xFFFFC000  }
0x67: {  	[tilespmem:s15], [sflag:$0x1] =	stream.indirect.gather [hbm4b:s4+s18], $0x80, s28, s18, $0xb8;
	[tilespmem:$0x18400] =	vst v63  }
0x68: {  	_ =	swait.ge [sflag:s19], $0x4000  }
0x69: {  	[sflag:s19] =	ssyncset.done $0x0  }
0x6a: {  	[sflag:s19] =	ssyncadd.s32 $0xFFFFC000  }
0x6b: {  	[spmem:s2] =	stream.indirect.scatter.add.f32 [tilespmem:s15], [sflag:$0x2], $0x80, s29, s18, $0xb8;
	[tilespmem:$0x18400] =	vst v63  }
0x6c: {  	_ =	swait.ge [sflag:s16], $0x4000  }
0x6d: {  	[sflag:s16] =	ssyncset.done $0x0  }
0x6e: {  	[sflag:s16] =	ssyncadd.s32 $0xFFFFC000  }
0x6f: {  	[tilespmem:s15], [sflag:$0x1] =	stream.indirect.gather [hbm4b:s4+s18], $0x80, s30, s18, $0xb8;
	[tilespmem:$0x18400] =	vst v63  }
0x70: {  	_ =	swait.ge [sflag:s19], $0x4000  }
0x71: {  	[sflag:s19] =	ssyncset.done $0x0  }
0x72: {  	[sflag:s19] =	ssyncadd.s32 $0xFFFFC000  }
0x73: {  	[spmem:s2] =	stream.indirect.scatter.add.f32 [tilespmem:s15], [sflag:$0x2], $0x80, s31, s18, $0xb8;
	[tilespmem:$0x18400] =	vst v63  }
0x74: {  	_ =	swait.ge [sflag:s16], $0x4000  }
0x75: {  	[sflag:s16] =	ssyncset.done $0x0  }
0x76: {  	[sflag:s16] =	ssyncadd.s32 $0xFFFFC000  }
0x77: {  	[tilespmem:s15], [sflag:$0x1] =	stream.indirect.gather [hbm4b:s4+s18], $0x80, s0, s18, $0xb8;
	[tilespmem:$0x18400] =	vst v63  }
0x78: {  	_ =	swait.ge [sflag:s19], $0x4000  }
0x79: {  	[sflag:s19] =	ssyncset.done $0x0  }
0x7a: {  	[sflag:s19] =	ssyncadd.s32 $0xFFFFC000  }
0x7b: {  	[spmem:s2] =	stream.indirect.scatter.add.f32 [tilespmem:s15], [sflag:$0x2], $0x80, s1, s18, $0xb8;
	[tilespmem:$0x18400] =	vst v63  }
0x7c: {  	_ =	swait.ge [sflag:s16], $0x4000  }
0x7d: {  	[sflag:s16] =	ssyncset.done $0x0  }
0x7e: {  	[sflag:s16] =	ssyncadd.s32 $0xFFFFC000  }
0x7f: {  	[tilespmem:s15], [sflag:$0x1] =	stream.indirect.gather [hbm4b:s4+s18], $0x80, s6, s18, $0xb8;
	[tilespmem:$0x18400] =	vst v63  }
0x80: {  	_ =	swait.ge [sflag:s19], $0x4000  }
0x81: {  	[sflag:s19] =	ssyncset.done $0x0  }
0x82: {  	[sflag:s19] =	ssyncadd.s32 $0xFFFFC000  }
0x83: {  	[spmem:s2] =	stream.indirect.scatter.add.f32 [tilespmem:s15], [sflag:$0x2], $0x80, s7, s18, $0xb8;
	[tilespmem:$0x18400] =	vst v63  }
0x84: {  	_ =	swait.ge [sflag:s16], $0x4000  }
0x85: {  	s9 =	simm.s32 $0x80;
	s10 =	simm.s32 $0x100;
	[sflag:s16] =	ssyncset.done $0x0  }
.LBB2_4:
0x86: {  	s12 =	sadd.s32 s9, s14  }
0x87: {  	[sflag:s16] =	ssyncadd.s32 $0xFFFFC000;
	s24 =	smov.u32 s10;
	s11 =	sadd.s32 $0x80, s10  }
0x88: {  	[tilespmem:s3], [sflag:$0x2] =	stream.linear.gather [hbm4b:s12+s3], $0x400, $0x38;
	[tilespmem:$0x18400] =	vst v63  }
0x89: {  	p1 =	sne.s32 s10, $0x480;
	_ =	swait.ge [sflag:s16], $0x400  }
0x8a: {  	[sflag:s16] =	ssyncset.done $0x0  }
0x8b: {  	s10 =	sadd.s32 s9, s13;
	s9 =	smov.u32 s24;
	[sflag:s16] =	ssyncadd.s32 $0xFFFFFC00  }
0x8c: {  	[tilespmem:s17], [sflag:$0x2] =	stream.linear.gather [hbm4b:s10+s3], $0x400, $0x38;
	[tilespmem:$0x18400] =	vst v63  }
0x8d: {  	_ =	swait.ge [sflag:s16], $0x400  }
0x8e: {  	[sflag:s16] =	ssyncset.done $0x0  }
0x8f: {  	[sflag:s16] =	ssyncadd.s32 $0xFFFFFC00  }
0x90: {  	[tilespmem:s15], [sflag:$0x1] =	stream.indirect.gather [hbm4b:s4+s18], $0x80, s3, s18, $0xb8;
	[tilespmem:$0x18400] =	vst v63  }
0x91: {  	_ =	swait.ge [sflag:s19], $0x4000  }
0x92: {  	[sflag:s19] =	ssyncset.done $0x0  }
0x93: {  	[sflag:s19] =	ssyncadd.s32 $0xFFFFC000  }
0x94: {  	[spmem:s2] =	stream.indirect.scatter.add.f32 [tilespmem:s15], [sflag:$0x2], $0x80, s17, s18, $0xb8;
	[tilespmem:$0x18400] =	vst v63  }
0x95: {  	_ =	swait.ge [sflag:s16], $0x4000  }
0x96: {  	[sflag:s16] =	ssyncset.done $0x0  }
0x97: {  	[sflag:s16] =	ssyncadd.s32 $0xFFFFC000  }
0x98: {  	[tilespmem:s15], [sflag:$0x1] =	stream.indirect.gather [hbm4b:s4+s18], $0x80, s18, s18, $0xb8;
	[tilespmem:$0x18400] =	vst v63  }
0x99: {  	_ =	swait.ge [sflag:s19], $0x4000  }
0x9a: {  	[sflag:s19] =	ssyncset.done $0x0  }
0x9b: {  	[sflag:s19] =	ssyncadd.s32 $0xFFFFC000  }
0x9c: {  	[spmem:s2] =	stream.indirect.scatter.add.f32 [tilespmem:s15], [sflag:$0x2], $0x80, s20, s18, $0xb8;
	[tilespmem:$0x18400] =	vst v63  }
0x9d: {  	_ =	swait.ge [sflag:s16], $0x4000  }
0x9e: {  	[sflag:s16] =	ssyncset.done $0x0  }
0x9f: {  	[sflag:s16] =	ssyncadd.s32 $0xFFFFC000  }
0xa0: {  	[tilespmem:s15], [sflag:$0x1] =	stream.indirect.gather [hbm4b:s4+s18], $0x80, s21, s18, $0xb8;
	[tilespmem:$0x18400] =	vst v63  }
0xa1: {  	_ =	swait.ge [sflag:s19], $0x4000  }
0xa2: {  	[sflag:s19] =	ssyncset.done $0x0  }
0xa3: {  	[sflag:s19] =	ssyncadd.s32 $0xFFFFC000  }
0xa4: {  	[spmem:s2] =	stream.indirect.scatter.add.f32 [tilespmem:s15], [sflag:$0x2], $0x80, s22, s18, $0xb8;
	[tilespmem:$0x18400] =	vst v63  }
0xa5: {  	_ =	swait.ge [sflag:s16], $0x4000  }
0xa6: {  	[sflag:s16] =	ssyncset.done $0x0  }
0xa7: {  	[sflag:s16] =	ssyncadd.s32 $0xFFFFC000  }
0xa8: {  	[tilespmem:s15], [sflag:$0x1] =	stream.indirect.gather [hbm4b:s4+s18], $0x80, s23, s18, $0xb8;
	[tilespmem:$0x18400] =	vst v63  }
0xa9: {  	_ =	swait.ge [sflag:s19], $0x4000  }
0xaa: {  	[sflag:s19] =	ssyncset.done $0x0  }
0xab: {  	[sflag:s19] =	ssyncadd.s32 $0xFFFFC000  }
0xac: {  	[spmem:s2] =	stream.indirect.scatter.add.f32 [tilespmem:s15], [sflag:$0x2], $0x80, s26, s18, $0xb8;
	[tilespmem:$0x18400] =	vst v63  }
0xad: {  	_ =	swait.ge [sflag:s16], $0x4000  }
0xae: {  	[sflag:s16] =	ssyncset.done $0x0  }
0xaf: {  	[sflag:s16] =	ssyncadd.s32 $0xFFFFC000  }
0xb0: {  	[tilespmem:s15], [sflag:$0x1] =	stream.indirect.gather [hbm4b:s4+s18], $0x80, s28, s18, $0xb8;
	[tilespmem:$0x18400] =	vst v63  }
0xb1: {  	_ =	swait.ge [sflag:s19], $0x4000  }
0xb2: {  	[sflag:s19] =	ssyncset.done $0x0  }
0xb3: {  	[sflag:s19] =	ssyncadd.s32 $0xFFFFC000  }
0xb4: {  	[spmem:s2] =	stream.indirect.scatter.add.f32 [tilespmem:s15], [sflag:$0x2], $0x80, s29, s18, $0xb8;
	[tilespmem:$0x18400] =	vst v63  }
0xb5: {  	_ =	swait.ge [sflag:s16], $0x4000  }
0xb6: {  	[sflag:s16] =	ssyncset.done $0x0  }
0xb7: {  	[sflag:s16] =	ssyncadd.s32 $0xFFFFC000  }
0xb8: {  	[tilespmem:s15], [sflag:$0x1] =	stream.indirect.gather [hbm4b:s4+s18], $0x80, s30, s18, $0xb8;
	[tilespmem:$0x18400] =	vst v63  }
0xb9: {  	_ =	swait.ge [sflag:s19], $0x4000  }
0xba: {  	[sflag:s19] =	ssyncset.done $0x0  }
0xbb: {  	[sflag:s19] =	ssyncadd.s32 $0xFFFFC000  }
0xbc: {  	[spmem:s2] =	stream.indirect.scatter.add.f32 [tilespmem:s15], [sflag:$0x2], $0x80, s31, s18, $0xb8;
	[tilespmem:$0x18400] =	vst v63  }
0xbd: {  	_ =	swait.ge [sflag:s16], $0x4000  }
0xbe: {  	[sflag:s16] =	ssyncset.done $0x0  }
0xbf: {  	[sflag:s16] =	ssyncadd.s32 $0xFFFFC000  }
0xc0: {  	[tilespmem:s15], [sflag:$0x1] =	stream.indirect.gather [hbm4b:s4+s18], $0x80, s0, s18, $0xb8;
	[tilespmem:$0x18400] =	vst v63  }
0xc1: {  	_ =	swait.ge [sflag:s19], $0x4000  }
0xc2: {  	[sflag:s19] =	ssyncset.done $0x0  }
0xc3: {  	[sflag:s19] =	ssyncadd.s32 $0xFFFFC000  }
0xc4: {  	[spmem:s2] =	stream.indirect.scatter.add.f32 [tilespmem:s15], [sflag:$0x2], $0x80, s1, s18, $0xb8;
	[tilespmem:$0x18400] =	vst v63  }
0xc5: {  	_ =	swait.ge [sflag:s16], $0x4000  }
0xc6: {  	[sflag:s16] =	ssyncset.done $0x0  }
0xc7: {  	[sflag:s16] =	ssyncadd.s32 $0xFFFFC000  }
0xc8: {  	[tilespmem:s15], [sflag:$0x1] =	stream.indirect.gather [hbm4b:s4+s18], $0x80, s6, s18, $0xb8;
	[tilespmem:$0x18400] =	vst v63  }
0xc9: {  	_ =	swait.ge [sflag:s19], $0x4000  }
.Ltmp1:
0xca: {  	[sflag:s19] =	ssyncset.done $0x0;
	(pc) =	sbr.rel @p1 .LBB2_4-.Ltmp1, $4  }
0xcb: {  	[sflag:s19] =	ssyncadd.s32 $0xFFFFC000  }
0xcc: {  	[spmem:s2] =	stream.indirect.scatter.add.f32 [tilespmem:s15], [sflag:$0x2], $0x80, s7, s18, $0xb8;
	[tilespmem:$0x18400] =	vst v63  }
0xcd: {  	_ =	swait.ge [sflag:s16], $0x4000  }
0xce: {  	s10 =	smov.u32 s11;
	[sflag:s16] =	ssyncset.done $0x0  }
0xcf: {  	s10 =	sadd.s32 s9, s14;
	[sflag:s16] =	ssyncadd.s32 $0xFFFFC000  }
0xd0: {  	[tilespmem:s3], [sflag:$0x2] =	stream.linear.gather [hbm4b:s10+s3], $0x400, $0x38;
	[tilespmem:$0x18400] =	vst v63  }
0xd1: {  	_ =	swait.ge [sflag:s16], $0x400  }
0xd2: {  	[sflag:s16] =	ssyncset.done $0x0  }
0xd3: {  	s10 =	sadd.s32 s9, s13;
	[sflag:s16] =	ssyncadd.s32 $0xFFFFFC00  }
0xd4: {  	[tilespmem:s17], [sflag:$0x2] =	stream.linear.gather [hbm4b:s10+s3], $0x400, $0x38;
	[tilespmem:$0x18400] =	vst v63  }
0xd5: {  	_ =	swait.ge [sflag:s16], $0x400  }
0xd6: {  	[sflag:s16] =	ssyncset.done $0x0  }
0xd7: {  	[sflag:s16] =	ssyncadd.s32 $0xFFFFFC00  }
0xd8: {  	[tilespmem:s15], [sflag:$0x1] =	stream.indirect.gather [hbm4b:s4+s18], $0x80, s3, s18, $0xb8;
	[tilespmem:$0x18400] =	vst v63  }
0xd9: {  	_ =	swait.ge [sflag:s19], $0x4000  }
0xda: {  	[sflag:s19] =	ssyncset.done $0x0  }
0xdb: {  	[sflag:s19] =	ssyncadd.s32 $0xFFFFC000  }
0xdc: {  	[spmem:s2] =	stream.indirect.scatter.add.f32 [tilespmem:s15], [sflag:$0x2], $0x80, s17, s18, $0xb8;
	[tilespmem:$0x18400] =	vst v63  }
0xdd: {  	_ =	swait.ge [sflag:s16], $0x4000  }
0xde: {  	[sflag:s16] =	ssyncset.done $0x0  }
0xdf: {  	[sflag:s16] =	ssyncadd.s32 $0xFFFFC000  }
0xe0: {  	[tilespmem:s15], [sflag:$0x1] =	stream.indirect.gather [hbm4b:s4+s18], $0x80, s18, s18, $0xb8;
	[tilespmem:$0x18400] =	vst v63  }
0xe1: {  	_ =	swait.ge [sflag:s19], $0x4000  }
0xe2: {  	[sflag:s19] =	ssyncset.done $0x0  }
0xe3: {  	[sflag:s19] =	ssyncadd.s32 $0xFFFFC000  }
0xe4: {  	[spmem:s2] =	stream.indirect.scatter.add.f32 [tilespmem:s15], [sflag:$0x2], $0x80, s20, s18, $0xb8;
	[tilespmem:$0x18400] =	vst v63  }
0xe5: {  	_ =	swait.ge [sflag:s16], $0x4000  }
0xe6: {  	[sflag:s16] =	ssyncset.done $0x0  }
0xe7: {  	[sflag:s16] =	ssyncadd.s32 $0xFFFFC000  }
0xe8: {  	[tilespmem:s15], [sflag:$0x1] =	stream.indirect.gather [hbm4b:s4+s18], $0x80, s21, s18, $0xb8;
	[tilespmem:$0x18400] =	vst v63  }
0xe9: {  	_ =	swait.ge [sflag:s19], $0x4000  }
0xea: {  	[sflag:s19] =	ssyncset.done $0x0  }
0xeb: {  	[sflag:s19] =	ssyncadd.s32 $0xFFFFC000  }
0xec: {  	[spmem:s2] =	stream.indirect.scatter.add.f32 [tilespmem:s15], [sflag:$0x2], $0x80, s22, s18, $0xb8;
	[tilespmem:$0x18400] =	vst v63  }
0xed: {  	_ =	swait.ge [sflag:s16], $0x4000  }
0xee: {  	[sflag:s16] =	ssyncset.done $0x0  }
0xef: {  	[sflag:s16] =	ssyncadd.s32 $0xFFFFC000  }
0xf0: {  	[tilespmem:s15], [sflag:$0x1] =	stream.indirect.gather [hbm4b:s4+s18], $0x80, s23, s18, $0xb8;
	[tilespmem:$0x18400] =	vst v63  }
0xf1: {  	_ =	swait.ge [sflag:s19], $0x4000  }
0xf2: {  	[sflag:s19] =	ssyncset.done $0x0  }
0xf3: {  	[sflag:s19] =	ssyncadd.s32 $0xFFFFC000  }
0xf4: {  	[spmem:s2] =	stream.indirect.scatter.add.f32 [tilespmem:s15], [sflag:$0x2], $0x80, s26, s18, $0xb8;
	[tilespmem:$0x18400] =	vst v63  }
0xf5: {  	_ =	swait.ge [sflag:s16], $0x4000  }
0xf6: {  	[sflag:s16] =	ssyncset.done $0x0  }
0xf7: {  	[sflag:s16] =	ssyncadd.s32 $0xFFFFC000  }
0xf8: {  	[tilespmem:s15], [sflag:$0x1] =	stream.indirect.gather [hbm4b:s4+s18], $0x80, s28, s18, $0xb8;
	[tilespmem:$0x18400] =	vst v63  }
0xf9: {  	_ =	swait.ge [sflag:s19], $0x4000  }
0xfa: {  	[sflag:s19] =	ssyncset.done $0x0  }
0xfb: {  	[sflag:s19] =	ssyncadd.s32 $0xFFFFC000  }
0xfc: {  	[spmem:s2] =	stream.indirect.scatter.add.f32 [tilespmem:s15], [sflag:$0x2], $0x80, s29, s18, $0xb8;
	[tilespmem:$0x18400] =	vst v63  }
0xfd: {  	_ =	swait.ge [sflag:s16], $0x4000  }
0xfe: {  	[sflag:s16] =	ssyncset.done $0x0  }
0xff: {  	[sflag:s16] =	ssyncadd.s32 $0xFFFFC000  }
0x100: {  	[tilespmem:s15], [sflag:$0x1] =	stream.indirect.gather [hbm4b:s4+s18], $0x80, s30, s18, $0xb8;
	[tilespmem:$0x18400] =	vst v63  }
0x101: {  	_ =	swait.ge [sflag:s19], $0x4000  }
0x102: {  	[sflag:s19] =	ssyncset.done $0x0  }
0x103: {  	[sflag:s19] =	ssyncadd.s32 $0xFFFFC000  }
0x104: {  	[spmem:s2] =	stream.indirect.scatter.add.f32 [tilespmem:s15], [sflag:$0x2], $0x80, s31, s18, $0xb8;
	[tilespmem:$0x18400] =	vst v63  }
0x105: {  	_ =	swait.ge [sflag:s16], $0x4000  }
0x106: {  	[sflag:s16] =	ssyncset.done $0x0  }
0x107: {  	[sflag:s16] =	ssyncadd.s32 $0xFFFFC000  }
0x108: {  	[tilespmem:s15], [sflag:$0x1] =	stream.indirect.gather [hbm4b:s4+s18], $0x80, s0, s18, $0xb8;
	[tilespmem:$0x18400] =	vst v63  }
0x109: {  	_ =	swait.ge [sflag:s19], $0x4000  }
0x10a: {  	[sflag:s19] =	ssyncset.done $0x0  }
0x10b: {  	[sflag:s19] =	ssyncadd.s32 $0xFFFFC000  }
0x10c: {  	[spmem:s2] =	stream.indirect.scatter.add.f32 [tilespmem:s15], [sflag:$0x2], $0x80, s1, s18, $0xb8;
	[tilespmem:$0x18400] =	vst v63  }
0x10d: {  	_ =	swait.ge [sflag:s16], $0x4000  }
0x10e: {  	[sflag:s16] =	ssyncset.done $0x0  }
0x10f: {  	[sflag:s16] =	ssyncadd.s32 $0xFFFFC000  }
0x110: {  	[tilespmem:s15], [sflag:$0x1] =	stream.indirect.gather [hbm4b:s4+s18], $0x80, s6, s18, $0xb8;
	[tilespmem:$0x18400] =	vst v63  }
0x111: {  	_ =	swait.ge [sflag:s19], $0x4000  }
0x112: {  	[sflag:s19] =	ssyncset.done $0x0  }
0x113: {  	[sflag:s19] =	ssyncadd.s32 $0xFFFFC000  }
0x114: {  	[spmem:s2] =	stream.indirect.scatter.add.f32 [tilespmem:s15], [sflag:$0x2], $0x80, s7, s18, $0xb8;
	[tilespmem:$0x18400] =	vst v63  }
0x115: {  	_ =	swait.ge [sflag:s16], $0x4000  }
0x116: {  	[sflag:s16] =	ssyncset.done $0x0  }
0x117: {  	[sflag:s16] =	ssyncadd.s32 $0xFFFFC000  }
0x118: {  	s11 =	stileid.u32;
	[bflag:$0x0] =	sbarrier.arrive $0xFFFF  }
0x119: {  	s9 =	sshll.u32 s11, $0x6;
	s12 =	rddreg [dreg:$0x7]  }
0x11a: {  	s9 =	sor.u32 $0x1C02, s9;
	s11 =	rddreg [dreg:$0xa]  }
0x11b: {  	[hbm:s12], [sflag:s9] =	dma.local [spmem:s11], $0x2700  }
0x11c: {  	_ =	swait.ge [sflag:s16], $0x2700  }
0x11d: {  	[sflag:s16] =	ssyncset.done $0x0  }
0x11e: {  	s10 =	rddreg [dreg:$0x8];
	[sflag:s16] =	ssyncadd.s32 $0xFFFFD900  }
0x11f: {  	[hbm:s10], [sflag:s9] =	dma.local @!p0 [spmem:s25], $0x100  }
0x120: {  	s9 =	simm.s32 @!p0 $0x2  }
0x121: {  	_ =	swait.ge @!p0 [sflag:s9], $0x100  }
0x122: {  	s8 =	sadd.s32 $0x1, s8;
	s24 =	rddreg [dreg:$0x9]  }
0x123: {  	p1 =	sne.s32 s8, s24  }
.Ltmp2:
0x124: {  	_ = 	snop;
	(pc) =	sbr.rel @p1 .LBB2_1-.Ltmp2, $3  }
0x125: {  	_ =	sdelay $0x1  }
0x126: {  	[sflag:s9] =	ssyncset.done @!p0 $0x0  }
0x127: {  	[sflag:s9] =	ssyncadd.s32 @!p0 $0xFFFFFF00  }
0x128: {  	_ =	sfence.sel $0x180000  }
0x129: {  	[bflag:$0x0] =	sbarrier.arrive $0xFFFF  }
0x12a: {  	_ =	strace $0x90000050  }
0x12b: {  	[bflag:$0x2] =	sbarrier.arrive $0xFFFF  }
0x12c: {  	s0 =	rddreg [dreg:$0x2]  }
0x12d: {  	s0 =	sadd.s32 @!p0 $0x100000, s0  }
0x12e: {  	[sflag:s0] =	ssyncadd.tile.s32 @!p0 $0x1;
	_ =	shalt  }
.Lfunc_end2:
_tile_overlayer_lowered:
.L_overlay_start_2:
0x12f: {  	(tag) =	ssettag $0x2  }
0x130: {  	s0 =	rddreg [dreg:$0x0];
	s2 =	stileid.u32  }
0x131: {  	s1 =	rddreg [dreg:$0x1];
	p0 =	sne.s32 s2, $0x0  }
0x132: {  	s3 =	rddreg [dreg:$0x2];
	[bflag:$0x3] =	sbarrier.arrive $0xFFFF;
	s2 =	simm.s32 @!p0 $0x1C02  }
0x133: {  	[timem:s3], [sflag:s2] =	dma.local @!p0 [hbm:s0], s1  }
0x134: {  	s0 =	simm.s32 @!p0 $0x2  }
0x135: {  	_ =	swait.ge @!p0 [sflag:s0], s1  }
0x136: {  	s1 =	ssub.s32 @!p0 $0x0, s1;
	[sflag:s0] =	ssyncset.done @!p0 $0x0  }
0x137: {  	[sflag:s0] =	ssyncadd.s32 @!p0 s1  }
0x138: {  	[bflag:$0x3] =	sbarrier.arrive $0xFFFF  }
0x139: {  	_ =	shalt  }

</sc_bundles>
